<compile_context>
chip_gen: v7x
topology: tpu7x:2x2x1
jax: 0.10.2.dev20260603
libtpu: 0.0.44.dev20260713+nightly
codegen_flags: <defaults>
</compile_context>

<pallas_src>
import functools

import jax
import jax.numpy as jnp
from jax import lax
from jax.experimental import pallas as pl
from jax.experimental.pallas import tpu as pltpu
from jax.experimental.pallas import tpu_sc as plsc

_RC2 = 36.0
_EPS = 1e-12
_L = 16


def _tc_body(d_pl_ref, pos_ref, vrow_ref, vcol_ref,
             vec_ref, mask_ref, *, SCH):
    p = pos_ref[0]
    vrowb = vrow_ref[0] > 0.0
    vcolb = vcol_ref[0] > 0.0
    for k in range(SCH):
        dp = d_pl_ref[0, k]
        vx = dp[0:1, :] - p[:, 0:1]
        vy = dp[1:2, :] - p[:, 1:2]
        vz = dp[2:3, :] - p[:, 2:3]
        sod = vx * vx + vy * vy + vz * vz
        m = (sod < _RC2) & (sod > _EPS) & vrowb & vcolb
        mask_ref[0, k] = m
        vec_ref[0, k, 0] = jnp.where(m, vx, 0.0)
        vec_ref[0, k, 1] = jnp.where(m, vy, 0.0)
        vec_ref[0, k, 2] = jnp.where(m, vz, 0.0)


def _tc_sod_body(d_pl_ref, pos_ref, vrow_ref, vcol_ref, sod_in_ref, sod_ref):
    dp = d_pl_ref[0, 0]
    p = pos_ref[0]
    vx = dp[0:1, :] - p[:, 0:1]
    vy = dp[1:2, :] - p[:, 1:2]
    vz = dp[2:3, :] - p[:, 2:3]
    sod = vx * vx + vy * vy + vz * vz
    m = ((sod < _RC2) & (sod > _EPS)
         & (vrow_ref[0] > 0.0) & (vcol_ref[0] > 0.0))
    sod_ref[0, 0] = jnp.where(m, sod, 0.0)


def _make_sc_sod(B, S, N, f32, T0):
    info = plsc.get_sparse_core_info()
    NC, NS = info.num_cores, info.num_subcores
    NW = NC * NS
    ROWS = N // NW
    NCH = N // _L

    @functools.partial(
        pl.kernel,
        mesh=plsc.VectorSubcoreMesh(core_axis_name="c", subcore_axis_name="s"),
        out_type=jax.ShapeDtypeStruct((B, S, N, N), f32),
        scratch_types=[
            pltpu.VMEM((2, 3, N), f32),
            pltpu.VMEM((B, ROWS, 3, _L), f32),
            pltpu.VMEM((2, ROWS, N), f32),
            pltpu.SemaphoreType.DMA,
            pltpu.SemaphoreType.DMA,
        ],
    )
    def sc_sod(d_hbm, pos_hbm, sod_hbm,
               d_v, pos_v, out_v, sem_out, sem_in):
        wid = lax.axis_index("s") * NC + lax.axis_index("c")
        r0 = wid * ROWS
        pltpu.sync_copy(pos_hbm.at[:, pl.ds(r0, ROWS)], pos_v)
        pltpu.make_async_copy(d_hbm.at[0, 0], d_v.at[0], sem_in).start()

        def plane(t, carry):
            b = t // S
            s = t % S
            buf = t % 2

            pltpu.make_async_copy(
                d_hbm.at[0, 0], d_v.at[buf], sem_in).wait()

            @pl.when(t + 1 < T0)
            def _prefetch():
                bn = (t + 1) // S
                sn = (t + 1) % S
                pltpu.make_async_copy(
                    d_hbm.at[bn, sn], d_v.at[(t + 1) % 2], sem_in).start()

            @pl.when(t >= 2)
            def _wait_ring():
                pltpu.make_async_copy(
                    sod_hbm.at[0, 0, pl.ds(0, ROWS), :], out_v.at[buf],
                    sem_out).wait()

            JAM = 4

            def rowq(q, carry2):
                r = q * JAM
                px = [pos_v[b, r + k, 0] for k in range(JAM)]
                py = [pos_v[b, r + k, 1] for k in range(JAM)]
                pz = [pos_v[b, r + k, 2] for k in range(JAM)]
                for c in range(NCH):
                    dx = d_v[buf, 0, pl.ds(c * _L, _L)]
                    dy = d_v[buf, 1, pl.ds(c * _L, _L)]
                    dz = d_v[buf, 2, pl.ds(c * _L, _L)]
                    for k in range(JAM):
                        vx = dx - px[k]
                        vy = dy - py[k]
                        vz = dz - pz[k]
                        sod = vx * vx + vy * vy + vz * vz
                        m = (sod < _RC2) & (sod > _EPS)
                        out_v[buf, r + k, pl.ds(c * _L, _L)] = (
                            jnp.where(m, sod, 0.0))
                return carry2

            lax.fori_loop(0, ROWS // JAM, rowq, 0)
            pltpu.make_async_copy(
                out_v.at[buf], sod_hbm.at[b, s, pl.ds(r0, ROWS), :],
                sem_out).start()
            return carry

        lax.fori_loop(0, T0, plane, 0)
        for _ in range(2):
            pltpu.make_async_copy(
                sod_hbm.at[0, 0, pl.ds(0, ROWS), :], out_v.at[0],
                sem_out).wait()

    return sc_sod


@jax.jit
def kernel(pos, cel, sft_cel, ent):
    B, N, _ = pos.shape
    S = sft_cel.shape[0]
    f32 = pos.dtype

    sft_xyz = jnp.einsum('sk,bkl->bsl', sft_cel.astype(f32), cel)
    d = pos[:, None, :, :] + sft_xyz[:, :, None, :]
    d_pl = d.transpose(0, 1, 3, 2)
    validf = (ent > 0).astype(f32)
    vrow = validf.reshape(B, 1, N)
    vcol = validf.reshape(B, N, 1)

    pos_enc = jnp.where(validf[..., None] > 0.0, pos, 1e6)
    d_enc = (pos_enc[:, None, :, :] + sft_xyz[:, :, None, :]).transpose(0, 1, 3, 2)
    pos_rep = jnp.broadcast_to(pos_enc[..., None], (B, N, 3, _L))

    T0 = 18
    sod_sc = _make_sc_sod(B, S, N, f32, T0)(d_enc, pos_rep)

    SREM = B * S - T0
    sod_out = pl.pallas_call(
        _tc_sod_body,
        grid=(SREM,),
        in_specs=[
            pl.BlockSpec((1, 1, 3, N),
                         lambda t: ((t + T0) // S, (t + T0) % S, 0, 0)),
            pl.BlockSpec((1, N, 3), lambda t: ((t + T0) // S, 0, 0)),
            pl.BlockSpec((1, 1, N), lambda t: ((t + T0) // S, 0, 0)),
            pl.BlockSpec((1, N, 1), lambda t: ((t + T0) // S, 0, 0)),
            pl.BlockSpec(memory_space=pl.ANY),
        ],
        out_specs=pl.BlockSpec((1, 1, N, N),
                               lambda t: ((t + T0) // S, (t + T0) % S, 0, 0)),
        out_shape=jax.ShapeDtypeStruct((B, S, N, N), f32),
        input_output_aliases={4: 0},
    )(d_pl, pos, vrow, vcol, sod_sc)

    SCH = 3
    grid = (B, S // SCH)
    vec_out, mask_out = pl.pallas_call(
        functools.partial(_tc_body, SCH=SCH),
        grid=grid,
        in_specs=[
            pl.BlockSpec((1, SCH, 3, N), lambda b, s: (b, s, 0, 0)),
            pl.BlockSpec((1, N, 3), lambda b, s: (b, 0, 0)),
            pl.BlockSpec((1, 1, N), lambda b, s: (b, 0, 0)),
            pl.BlockSpec((1, N, 1), lambda b, s: (b, 0, 0)),
        ],
        out_specs=[
            pl.BlockSpec((1, SCH, 3, N, N), lambda b, s: (b, s, 0, 0, 0)),
            pl.BlockSpec((1, SCH, N, N), lambda b, s: (b, s, 0, 0)),
        ],
        out_shape=[
            jax.ShapeDtypeStruct((B, S, 3, N, N), f32),
            jax.ShapeDtypeStruct((B, S, N, N), jnp.bool_),
        ],
    )(d_pl, pos, vrow, vcol)

    return vec_out.transpose(0, 1, 3, 4, 2), sod_out, mask_out

# --- scband reference (transcript-rebuilt; emitter-appended) ---
"""Pipeline reference for scband-coo2-ful-simple-231928234116 (READ-ONLY COPY).

The authoritative reference and input builder live on the scoring server;
editing this copy changes nothing except your own understanding.
"""

import jax, jax.numpy as jnp
import numpy as np

RC = 6.0
B, N, S = 2, 512, 27
L = 17.0


def setup_inputs(seed: int = 0) -> dict:
    key = jax.random.key(seed)
    pos = jax.random.uniform(jax.random.fold_in(key, 0), (B, N, 3), dtype=jnp.float32) * L
    cel = jnp.tile((jnp.eye(3, dtype=jnp.float32) * L)[None, :, :], (B, 1, 1))
    r = jnp.arange(-1, 2)
    sft_cel = jnp.stack(jnp.meshgrid(r, r, r, indexing='ij'), axis=-1).reshape(-1, 3).astype(jnp.int32)
    # entity codes: >0 means real atom, 0 means padding (vacant) slot
    ent = jax.random.randint(jax.random.fold_in(key, 1), (B, N), 0, 10, dtype=jnp.int32)
    return {"pos": pos, "cel": cel, "sft_cel": sft_cel, "ent": ent}


def reference(pos, cel, sft_cel, ent):
    # coo2_ful_simple: brute-force full pairwise neighbor search under PBC shifts
    # sft_xyz[b,s,:] = sft_cel[s] @ cel[b]  (fractional shift -> cartesian)
    sft_xyz = jnp.einsum('sk,bkl->bsl', sft_cel.astype(pos.dtype), cel)  # [B,S,3]
    # vec_sod_adj: vec[b,s,i,j] = pos[b,j] + shift[b,s] - pos[b,i]
    vec = pos[:, None, None, :, :] + sft_xyz[:, :, None, None, :] - pos[:, None, :, None, :]  # [B,S,N,N,3]
    sod = jnp.sum(vec * vec, axis=-1)  # squared distances [B,S,N,N]
    valid = ent > 0
    pair_valid = valid[:, None, :, None] & valid[:, None, None, :]
    # within cutoff, exclude self-pair (zero shift, i==j -> sod==0), exclude padding
    mask = (sod < RC * RC) & (sod > 1e-12) & pair_valid
    vec_m = jnp.where(mask[..., None], vec, 0.0)
    sod_m = jnp.where(mask, sod, 0.0)
    return vec_m, sod_m, mask

if __name__ == "__main__":
    import jax
    _d = setup_inputs()
    print(jax.jit(kernel)(*tuple(_d.values())))

</pallas_src>

<mosaic_0001>
#map = affine_map<(d0, d1) -> (0, 0, 0, 0)>
module attributes {stable_mosaic.version = 14 : i64} {
  func.func @sc_sod(%arg0: i32, %arg1: i32, %arg2: memref<2x27x3x512xf32, #tpu.memory_space<hbm>>, %arg3: memref<2x512x3x16xf32, #tpu.memory_space<hbm>>, %arg4: memref<2x27x512x512xf32, #tpu.memory_space<hbm>>, %arg5: memref<2x3x512xf32, #tpu.memory_space<vmem>>, %arg6: memref<2x16x3x16xf32, #tpu.memory_space<vmem>>, %arg7: memref<2x16x512xf32, #tpu.memory_space<vmem>>, %arg8: memref<!tpu.dma_semaphore, #tpu.memory_space<semaphore_mem>>, %arg9: memref<!tpu.dma_semaphore, #tpu.memory_space<semaphore_mem>>) attributes {dimension_semantics = [#tpu.dimension_semantics<core_parallel>, #tpu.dimension_semantics<subcore_parallel>], iteration_bounds = array<i64: 2, 16>, scalar_prefetch = 0 : i64, scratch_operands = 5 : i64, tpu.core_type = #tpu.core_type<sc_vector_subcore>, window_params = [{transform_indices = #map}, {transform_indices = #map}, {transform_indices = #map}]} {
    %mul3A = arith.constant 2 : i32
    %mul3A_0 = arith.muli %arg1, %mul3A : i32
    %add3A = arith.addi %mul3A_0, %arg0 : i32
    %mul3A_1 = arith.constant 16 : i32
    %mul3A_2 = arith.muli %add3A, %mul3A_1 : i32
    "tpu.region"() ({
      %run_scoped3A = tpu.sem_alloc : memref<!tpu.dma_semaphore, #tpu.memory_space<semaphore_mem>>
      %dma_start3A_63 = arith.constant 0 : i32
      %dma_start3A_64 = arith.constant 0 : i32
      %dma_start3A_65 = arith.constant 0 : i32
      %dma_start3A_66 = tpu.memref_slice %arg3[%dma_start3A_63, %mul3A_2, %dma_start3A_64, %dma_start3A_65] : memref<2x512x3x16xf32, #tpu.memory_space<hbm>> -> memref<2x16x3x16xf32, #tpu.memory_space<hbm>>
      %dma_start3A_67 = arith.constant 0 : i32
      %dma_start3A_68 = arith.constant 0 : i32
      %dma_start3A_69 = arith.constant 0 : i32
      %dma_start3A_70 = tpu.memref_slice %arg3[%dma_start3A_67, %mul3A_2, %dma_start3A_68, %dma_start3A_69] : memref<2x512x3x16xf32, #tpu.memory_space<hbm>> -> memref<2x16x3x16xf32, #tpu.memory_space<hbm>>
      tpu.enqueue_dma source(%dma_start3A_70 : memref<2x16x3x16xf32, #tpu.memory_space<hbm>>) target(%arg6 : memref<2x16x3x16xf32, #tpu.memory_space<vmem>>) target_semaphore(%run_scoped3A : memref<!tpu.dma_semaphore, #tpu.memory_space<semaphore_mem>>)
      %dma_wait3A_71 = arith.constant 0 : i32
      %dma_wait3A_72 = arith.constant 0 : i32
      %dma_wait3A_73 = arith.constant 0 : i32
      %dma_wait3A_74 = tpu.memref_slice %arg3[%dma_wait3A_71, %mul3A_2, %dma_wait3A_72, %dma_wait3A_73] : memref<2x512x3x16xf32, #tpu.memory_space<hbm>> -> memref<2x16x3x16xf32, #tpu.memory_space<hbm>>
      %dma_wait3A_75 = arith.constant 0 : i32
      %dma_wait3A_76 = arith.constant 0 : i32
      %dma_wait3A_77 = arith.constant 0 : i32
      %dma_wait3A_78 = tpu.memref_slice %arg3[%dma_wait3A_75, %mul3A_2, %dma_wait3A_76, %dma_wait3A_77] : memref<2x512x3x16xf32, #tpu.memory_space<hbm>> -> memref<2x16x3x16xf32, #tpu.memory_space<hbm>>
      tpu.wait_dma2 semaphore(%run_scoped3A : memref<!tpu.dma_semaphore, #tpu.memory_space<semaphore_mem>>) src(%dma_wait3A_78 : memref<2x16x3x16xf32, #tpu.memory_space<hbm>>) dst(%arg6 : memref<2x16x3x16xf32, #tpu.memory_space<vmem>>)
      tpu.yield
    }) : () -> ()
    %dma_start3A = arith.constant 0 : i32
    %dma_start3A_3 = arith.constant 0 : i32
    %dma_start3A_4 = arith.constant 0 : i32
    %dma_start3A_5 = arith.constant 0 : i32
    %dma_start3A_6 = arith.constant 0 : i32
    %dma_start3A_7 = tpu.memref_slice %arg5[%dma_start3A_4, %dma_start3A_5, %dma_start3A_6] : memref<2x3x512xf32, #tpu.memory_space<vmem>> -> memref<1x3x512xf32, #tpu.memory_space<vmem>>
    %dma_start3A_8 = tpu.memref_squeeze %dma_start3A_7 : memref<1x3x512xf32, #tpu.memory_space<vmem>> -> memref<3x512xf32, #tpu.memory_space<vmem>>
    %dma_start3A_9 = arith.constant 0 : i32
    %dma_start3A_10 = arith.constant 0 : i32
    %dma_start3A_11 = tpu.memref_slice %arg2[%dma_start3A, %dma_start3A_3, %dma_start3A_9, %dma_start3A_10] : memref<2x27x3x512xf32, #tpu.memory_space<hbm>> -> memref<1x1x3x512xf32, #tpu.memory_space<hbm>>
    %dma_start3A_12 = tpu.memref_squeeze %dma_start3A_11 : memref<1x1x3x512xf32, #tpu.memory_space<hbm>> -> memref<3x512xf32, #tpu.memory_space<hbm>>
    %dma_start3A_13 = arith.constant 0 : i32
    %dma_start3A_14 = arith.constant 0 : i32
    %dma_start3A_15 = tpu.memref_slice %arg5[%dma_start3A_4, %dma_start3A_13, %dma_start3A_14] : memref<2x3x512xf32, #tpu.memory_space<vmem>> -> memref<1x3x512xf32, #tpu.memory_space<vmem>>
    %dma_start3A_16 = tpu.memref_squeeze %dma_start3A_15 : memref<1x3x512xf32, #tpu.memory_space<vmem>> -> memref<3x512xf32, #tpu.memory_space<vmem>>
    %dma_start3A_17 = arith.constant 0 : i32
    %dma_start3A_18 = arith.constant 0 : i32
    %dma_start3A_19 = tpu.memref_slice %arg2[%dma_start3A, %dma_start3A_3, %dma_start3A_17, %dma_start3A_18] : memref<2x27x3x512xf32, #tpu.memory_space<hbm>> -> memref<1x1x3x512xf32, #tpu.memory_space<hbm>>
    %dma_start3A_20 = tpu.memref_squeeze %dma_start3A_19 : memref<1x1x3x512xf32, #tpu.memory_space<hbm>> -> memref<3x512xf32, #tpu.memory_space<hbm>>
    tpu.enqueue_dma source(%dma_start3A_20 : memref<3x512xf32, #tpu.memory_space<hbm>>) target(%dma_start3A_16 : memref<3x512xf32, #tpu.memory_space<vmem>>) target_semaphore(%arg9 : memref<!tpu.dma_semaphore, #tpu.memory_space<semaphore_mem>>)
    %scan3A = arith.constant 0 : i32
    %scan3A_21 = arith.constant 0 : i32
    %scan3A_22 = arith.constant 18 : i32
    %scan3A_23 = arith.addi %scan3A_21, %scan3A_22 : i32
    %scan3A_24 = arith.constant 1 : i32
    scf.for %scan3A_63 = %scan3A_21 to %scan3A_23 step %scan3A_24  : i32 {
      %jit3A = arith.constant 27 : i32
      %div3A = arith.divsi %scan3A_63, %jit3A : i32
      %sign3A = arith.constant 0 : i32
      %sign3A_64 = arith.cmpi sgt, %scan3A_63, %sign3A : i32
      %sign3A_65 = arith.extui %sign3A_64 : i1 to i32
      %sign3A_66 = arith.constant 0 : i32
      %sign3A_67 = arith.cmpi slt, %scan3A_63, %sign3A_66 : i32
      %sign3A_68 = arith.extui %sign3A_67 : i1 to i32
      %sign3A_69 = arith.subi %sign3A_65, %sign3A_68 : i32
      %sign3A_70 = arith.constant 0 : i32
      %sign3A_71 = arith.cmpi sgt, %jit3A, %sign3A_70 : i32
      %sign3A_72 = arith.extui %sign3A_71 : i1 to i32
      %sign3A_73 = arith.constant 0 : i32
      %sign3A_74 = arith.cmpi slt, %jit3A, %sign3A_73 : i32
      %sign3A_75 = arith.extui %sign3A_74 : i1 to i32
      %sign3A_76 = arith.subi %sign3A_72, %sign3A_75 : i32
      %ne3A = arith.cmpi ne, %sign3A_69, %sign3A_76 : i32
      %rem3A = arith.remsi %scan3A_63, %jit3A : i32
      %ne3A_77 = arith.constant 0 : i32
      %ne3A_78 = arith.cmpi ne, %rem3A, %ne3A_77 : i32
      %and3A = arith.andi %ne3A, %ne3A_78 : i1
      %sub3A = arith.constant 1 : i32
      %sub3A_79 = arith.subi %div3A, %sub3A : i32
      %select_n3A = arith.select %and3A, %sub3A_79, %div3A : i32
      %jit3A_80 = arith.constant 27 : i32
      %eq3A = arith.constant 0 : i32
      %eq3A_81 = arith.cmpi eq, %jit3A_80, %eq3A : i32
      %jit3A_82 = arith.constant 1 : i32
      %select_n3A_83 = arith.select %eq3A_81, %jit3A_82, %jit3A_80 : i32
      %rem3A_84 = arith.remsi %scan3A_63, %select_n3A_83 : i32
      %ne3A_85 = arith.constant 0 : i32
      %ne3A_86 = arith.cmpi ne, %rem3A_84, %ne3A_85 : i32
      %lt3A = arith.constant 0 : i32
      %lt3A_87 = arith.cmpi slt, %rem3A_84, %lt3A : i32
      %lt3A_88 = arith.constant 0 : i32
      %lt3A_89 = arith.cmpi slt, %select_n3A_83, %lt3A_88 : i32
      %ne3A_90 = arith.xori %lt3A_87, %lt3A_89 : i1
      %and3A_91 = arith.andi %ne3A_90, %ne3A_86 : i1
      %add3A_92 = arith.addi %rem3A_84, %select_n3A_83 : i32
      %select_n3A_93 = arith.select %and3A_91, %add3A_92, %rem3A_84 : i32
      %jit3A_94 = arith.constant 2 : i32
      %eq3A_95 = arith.constant 0 : i32
      %eq3A_96 = arith.cmpi eq, %jit3A_94, %eq3A_95 : i32
      %jit3A_97 = arith.constant 1 : i32
      %select_n3A_98 = arith.select %eq3A_96, %jit3A_97, %jit3A_94 : i32
      %rem3A_99 = arith.remsi %scan3A_63, %select_n3A_98 : i32
      %ne3A_100 = arith.constant 0 : i32
      %ne3A_101 = arith.cmpi ne, %rem3A_99, %ne3A_100 : i32
      %lt3A_102 = arith.constant 0 : i32
      %lt3A_103 = arith.cmpi slt, %rem3A_99, %lt3A_102 : i32
      %lt3A_104 = arith.constant 0 : i32
      %lt3A_105 = arith.cmpi slt, %select_n3A_98, %lt3A_104 : i32
      %ne3A_106 = arith.xori %lt3A_103, %lt3A_105 : i1
      %and3A_107 = arith.andi %ne3A_106, %ne3A_101 : i1
      %add3A_108 = arith.addi %rem3A_99, %select_n3A_98 : i32
      %select_n3A_109 = arith.select %and3A_107, %add3A_108, %rem3A_99 : i32
      %dma_wait3A_110 = arith.constant 0 : i32
      %dma_wait3A_111 = arith.constant 0 : i32
      %dma_wait3A_112 = arith.constant 0 : i32
      %dma_wait3A_113 = arith.constant 0 : i32
      %dma_wait3A_114 = tpu.memref_slice %arg5[%select_n3A_109, %dma_wait3A_112, %dma_wait3A_113] : memref<2x3x512xf32, #tpu.memory_space<vmem>> -> memref<1x3x512xf32, #tpu.memory_space<vmem>>
      %dma_wait3A_115 = tpu.memref_squeeze %dma_wait3A_114 : memref<1x3x512xf32, #tpu.memory_space<vmem>> -> memref<3x512xf32, #tpu.memory_space<vmem>>
      %dma_wait3A_116 = arith.constant 0 : i32
      %dma_wait3A_117 = arith.constant 0 : i32
      %dma_wait3A_118 = tpu.memref_slice %arg2[%dma_wait3A_110, %dma_wait3A_111, %dma_wait3A_116, %dma_wait3A_117] : memref<2x27x3x512xf32, #tpu.memory_space<hbm>> -> memref<1x1x3x512xf32, #tpu.memory_space<hbm>>
      %dma_wait3A_119 = tpu.memref_squeeze %dma_wait3A_118 : memref<1x1x3x512xf32, #tpu.memory_space<hbm>> -> memref<3x512xf32, #tpu.memory_space<hbm>>
      %dma_wait3A_120 = arith.constant 0 : i32
      %dma_wait3A_121 = arith.constant 0 : i32
      %dma_wait3A_122 = tpu.memref_slice %arg5[%select_n3A_109, %dma_wait3A_120, %dma_wait3A_121] : memref<2x3x512xf32, #tpu.memory_space<vmem>> -> memref<1x3x512xf32, #tpu.memory_space<vmem>>
      %dma_wait3A_123 = tpu.memref_squeeze %dma_wait3A_122 : memref<1x3x512xf32, #tpu.memory_space<vmem>> -> memref<3x512xf32, #tpu.memory_space<vmem>>
      %dma_wait3A_124 = arith.constant 0 : i32
      %dma_wait3A_125 = arith.constant 0 : i32
      %dma_wait3A_126 = tpu.memref_slice %arg2[%dma_wait3A_110, %dma_wait3A_111, %dma_wait3A_124, %dma_wait3A_125] : memref<2x27x3x512xf32, #tpu.memory_space<hbm>> -> memref<1x1x3x512xf32, #tpu.memory_space<hbm>>
      %dma_wait3A_127 = tpu.memref_squeeze %dma_wait3A_126 : memref<1x1x3x512xf32, #tpu.memory_space<hbm>> -> memref<3x512xf32, #tpu.memory_space<hbm>>
      tpu.wait_dma2 semaphore(%arg9 : memref<!tpu.dma_semaphore, #tpu.memory_space<semaphore_mem>>) src(%dma_wait3A_127 : memref<3x512xf32, #tpu.memory_space<hbm>>) dst(%dma_wait3A_123 : memref<3x512xf32, #tpu.memory_space<vmem>>)
      %add3A_128 = arith.constant 1 : i32
      %add3A_129 = arith.addi %scan3A_63, %add3A_128 : i32
      %lt3A_130 = arith.constant 18 : i32
      %lt3A_131 = arith.cmpi slt, %add3A_129, %lt3A_130 : i32
      %convert_element_type3A = arith.extui %lt3A_131 : i1 to i32
      %cond3A = arith.constant 0 : i32
      %cond3A_132 = arith.cmpi ne, %convert_element_type3A, %cond3A : i32
      scf.if %cond3A_132 {
        %add3A_157 = arith.constant 1 : i32
        %add3A_158 = arith.addi %scan3A_63, %add3A_157 : i32
        %jit3A_159 = arith.constant 27 : i32
        %div3A_160 = arith.divsi %add3A_158, %jit3A_159 : i32
        %sign3A_161 = arith.constant 0 : i32
        %sign3A_162 = arith.cmpi sgt, %add3A_158, %sign3A_161 : i32
        %sign3A_163 = arith.extui %sign3A_162 : i1 to i32
        %sign3A_164 = arith.constant 0 : i32
        %sign3A_165 = arith.cmpi slt, %add3A_158, %sign3A_164 : i32
        %sign3A_166 = arith.extui %sign3A_165 : i1 to i32
        %sign3A_167 = arith.subi %sign3A_163, %sign3A_166 : i32
        %sign3A_168 = arith.constant 0 : i32
        %sign3A_169 = arith.cmpi sgt, %jit3A_159, %sign3A_168 : i32
        %sign3A_170 = arith.extui %sign3A_169 : i1 to i32
        %sign3A_171 = arith.constant 0 : i32
        %sign3A_172 = arith.cmpi slt, %jit3A_159, %sign3A_171 : i32
        %sign3A_173 = arith.extui %sign3A_172 : i1 to i32
        %sign3A_174 = arith.subi %sign3A_170, %sign3A_173 : i32
        %ne3A_175 = arith.cmpi ne, %sign3A_167, %sign3A_174 : i32
        %rem3A_176 = arith.remsi %add3A_158, %jit3A_159 : i32
        %ne3A_177 = arith.constant 0 : i32
        %ne3A_178 = arith.cmpi ne, %rem3A_176, %ne3A_177 : i32
        %and3A_179 = arith.andi %ne3A_175, %ne3A_178 : i1
        %sub3A_180 = arith.constant 1 : i32
        %sub3A_181 = arith.subi %div3A_160, %sub3A_180 : i32
        %select_n3A_182 = arith.select %and3A_179, %sub3A_181, %div3A_160 : i32
        %add3A_183 = arith.constant 1 : i32
        %add3A_184 = arith.addi %scan3A_63, %add3A_183 : i32
        %jit3A_185 = arith.constant 27 : i32
        %eq3A_186 = arith.constant 0 : i32
        %eq3A_187 = arith.cmpi eq, %jit3A_185, %eq3A_186 : i32
        %jit3A_188 = arith.constant 1 : i32
        %select_n3A_189 = arith.select %eq3A_187, %jit3A_188, %jit3A_185 : i32
        %rem3A_190 = arith.remsi %add3A_184, %select_n3A_189 : i32
        %ne3A_191 = arith.constant 0 : i32
        %ne3A_192 = arith.cmpi ne, %rem3A_190, %ne3A_191 : i32
        %lt3A_193 = arith.constant 0 : i32
        %lt3A_194 = arith.cmpi slt, %rem3A_190, %lt3A_193 : i32
        %lt3A_195 = arith.constant 0 : i32
        %lt3A_196 = arith.cmpi slt, %select_n3A_189, %lt3A_195 : i32
        %ne3A_197 = arith.xori %lt3A_194, %lt3A_196 : i1
        %and3A_198 = arith.andi %ne3A_197, %ne3A_192 : i1
        %add3A_199 = arith.addi %rem3A_190, %select_n3A_189 : i32
        %select_n3A_200 = arith.select %and3A_198, %add3A_199, %rem3A_190 : i32
        %add3A_201 = arith.constant 1 : i32
        %add3A_202 = arith.addi %scan3A_63, %add3A_201 : i32
        %jit3A_203 = arith.constant 2 : i32
        %eq3A_204 = arith.constant 0 : i32
        %eq3A_205 = arith.cmpi eq, %jit3A_203, %eq3A_204 : i32
        %jit3A_206 = arith.constant 1 : i32
        %select_n3A_207 = arith.select %eq3A_205, %jit3A_206, %jit3A_203 : i32
        %rem3A_208 = arith.remsi %add3A_202, %select_n3A_207 : i32
        %ne3A_209 = arith.constant 0 : i32
        %ne3A_210 = arith.cmpi ne, %rem3A_208, %ne3A_209 : i32
        %lt3A_211 = arith.constant 0 : i32
        %lt3A_212 = arith.cmpi slt, %rem3A_208, %lt3A_211 : i32
        %lt3A_213 = arith.constant 0 : i32
        %lt3A_214 = arith.cmpi slt, %select_n3A_207, %lt3A_213 : i32
        %ne3A_215 = arith.xori %lt3A_212, %lt3A_214 : i1
        %and3A_216 = arith.andi %ne3A_215, %ne3A_210 : i1
        %add3A_217 = arith.addi %rem3A_208, %select_n3A_207 : i32
        %select_n3A_218 = arith.select %and3A_216, %add3A_217, %rem3A_208 : i32
        %dma_start3A_219 = arith.constant 0 : i32
        %dma_start3A_220 = arith.constant 0 : i32
        %dma_start3A_221 = tpu.memref_slice %arg5[%select_n3A_218, %dma_start3A_219, %dma_start3A_220] : memref<2x3x512xf32, #tpu.memory_space<vmem>> -> memref<1x3x512xf32, #tpu.memory_space<vmem>>
        %dma_start3A_222 = tpu.memref_squeeze %dma_start3A_221 : memref<1x3x512xf32, #tpu.memory_space<vmem>> -> memref<3x512xf32, #tpu.memory_space<vmem>>
        %dma_start3A_223 = arith.constant 0 : i32
        %dma_start3A_224 = arith.constant 0 : i32
        %dma_start3A_225 = tpu.memref_slice %arg2[%select_n3A_182, %select_n3A_200, %dma_start3A_223, %dma_start3A_224] : memref<2x27x3x512xf32, #tpu.memory_space<hbm>> -> memref<1x1x3x512xf32, #tpu.memory_space<hbm>>
        %dma_start3A_226 = tpu.memref_squeeze %dma_start3A_225 : memref<1x1x3x512xf32, #tpu.memory_space<hbm>> -> memref<3x512xf32, #tpu.memory_space<hbm>>
        %dma_start3A_227 = arith.constant 0 : i32
        %dma_start3A_228 = arith.constant 0 : i32
        %dma_start3A_229 = tpu.memref_slice %arg5[%select_n3A_218, %dma_start3A_227, %dma_start3A_228] : memref<2x3x512xf32, #tpu.memory_space<vmem>> -> memref<1x3x512xf32, #tpu.memory_space<vmem>>
        %dma_start3A_230 = tpu.memref_squeeze %dma_start3A_229 : memref<1x3x512xf32, #tpu.memory_space<vmem>> -> memref<3x512xf32, #tpu.memory_space<vmem>>
        %dma_start3A_231 = arith.constant 0 : i32
        %dma_start3A_232 = arith.constant 0 : i32
        %dma_start3A_233 = tpu.memref_slice %arg2[%select_n3A_182, %select_n3A_200, %dma_start3A_231, %dma_start3A_232] : memref<2x27x3x512xf32, #tpu.memory_space<hbm>> -> memref<1x1x3x512xf32, #tpu.memory_space<hbm>>
        %dma_start3A_234 = tpu.memref_squeeze %dma_start3A_233 : memref<1x1x3x512xf32, #tpu.memory_space<hbm>> -> memref<3x512xf32, #tpu.memory_space<hbm>>
        tpu.enqueue_dma source(%dma_start3A_234 : memref<3x512xf32, #tpu.memory_space<hbm>>) target(%dma_start3A_230 : memref<3x512xf32, #tpu.memory_space<vmem>>) target_semaphore(%arg9 : memref<!tpu.dma_semaphore, #tpu.memory_space<semaphore_mem>>)
      } else {
      }
      %ge3A = arith.constant 2 : i32
      %ge3A_133 = arith.cmpi sge, %scan3A_63, %ge3A : i32
      %convert_element_type3A_134 = arith.extui %ge3A_133 : i1 to i32
      %cond3A_135 = arith.constant 0 : i32
      %cond3A_136 = arith.cmpi ne, %convert_element_type3A_134, %cond3A_135 : i32
      scf.if %cond3A_136 {
        %dma_wait3A_157 = arith.constant 0 : i32
        %dma_wait3A_158 = arith.constant 0 : i32
        %dma_wait3A_159 = arith.constant 0 : i32
        %dma_wait3A_160 = arith.constant 0 : i32
        %dma_wait3A_161 = tpu.memref_slice %arg7[%select_n3A_109, %dma_wait3A_159, %dma_wait3A_160] : memref<2x16x512xf32, #tpu.memory_space<vmem>> -> memref<1x16x512xf32, #tpu.memory_space<vmem>>
        %dma_wait3A_162 = tpu.memref_squeeze %dma_wait3A_161 : memref<1x16x512xf32, #tpu.memory_space<vmem>> -> memref<16x512xf32, #tpu.memory_space<vmem>>
        %dma_wait3A_163 = arith.constant 0 : i32
        %dma_wait3A_164 = arith.constant 0 : i32
        %dma_wait3A_165 = tpu.memref_slice %arg4[%dma_wait3A_157, %dma_wait3A_158, %dma_wait3A_163, %dma_wait3A_164] : memref<2x27x512x512xf32, #tpu.memory_space<hbm>> -> memref<1x1x16x512xf32, #tpu.memory_space<hbm>>
        %dma_wait3A_166 = tpu.memref_squeeze %dma_wait3A_165 : memref<1x1x16x512xf32, #tpu.memory_space<hbm>> -> memref<16x512xf32, #tpu.memory_space<hbm>>
        %dma_wait3A_167 = arith.constant 0 : i32
        %dma_wait3A_168 = arith.constant 0 : i32
        %dma_wait3A_169 = tpu.memref_slice %arg7[%select_n3A_109, %dma_wait3A_167, %dma_wait3A_168] : memref<2x16x512xf32, #tpu.memory_space<vmem>> -> memref<1x16x512xf32, #tpu.memory_space<vmem>>
        %dma_wait3A_170 = tpu.memref_squeeze %dma_wait3A_169 : memref<1x16x512xf32, #tpu.memory_space<vmem>> -> memref<16x512xf32, #tpu.memory_space<vmem>>
        %dma_wait3A_171 = arith.constant 0 : i32
        %dma_wait3A_172 = arith.constant 0 : i32
        %dma_wait3A_173 = tpu.memref_slice %arg4[%dma_wait3A_157, %dma_wait3A_158, %dma_wait3A_171, %dma_wait3A_172] : memref<2x27x512x512xf32, #tpu.memory_space<hbm>> -> memref<1x1x16x512xf32, #tpu.memory_space<hbm>>
        %dma_wait3A_174 = tpu.memref_squeeze %dma_wait3A_173 : memref<1x1x16x512xf32, #tpu.memory_space<hbm>> -> memref<16x512xf32, #tpu.memory_space<hbm>>
        tpu.wait_dma2 semaphore(%arg8 : memref<!tpu.dma_semaphore, #tpu.memory_space<semaphore_mem>>) src(%dma_wait3A_174 : memref<16x512xf32, #tpu.memory_space<hbm>>) dst(%dma_wait3A_170 : memref<16x512xf32, #tpu.memory_space<vmem>>)
      } else {
      }
      %scan3A_137 = arith.constant 0 : i32
      %scan3A_138 = arith.constant 0 : i32
      %scan3A_139 = arith.constant 4 : i32
      %scan3A_140 = arith.addi %scan3A_138, %scan3A_139 : i32
      %scan3A_141 = arith.constant 1 : i32
      scf.for %scan3A_157 = %scan3A_138 to %scan3A_140 step %scan3A_141  : i32 {
        %mul3A_158 = arith.constant 4 : i32
        %mul3A_159 = arith.muli %scan3A_157, %mul3A_158 : i32
        %add3A_160 = arith.constant 0 : i32
        %add3A_161 = arith.addi %mul3A_159, %add3A_160 : i32
        %get3A = arith.constant 0 : i32
        %get3A_162 = arith.index_cast %select_n3A : i32 to index
        %get3A_163 = arith.index_cast %add3A_161 : i32 to index
        %get3A_164 = arith.index_cast %get3A : i32 to index
        %get3A_165 = arith.constant 0 : index
        %get3A_166 = tpu.vector_load %arg6[%get3A_162, %get3A_163, %get3A_164, %get3A_165] {strides = array<i32>} : memref<2x16x3x16xf32, #tpu.memory_space<vmem>>, vector<1x1x1x16xf32>,
        %get3A_167 = vector.shape_cast %get3A_166 : vector<1x1x1x16xf32> to vector<16xf32>
        %add3A_168 = arith.constant 1 : i32
        %add3A_169 = arith.addi %mul3A_159, %add3A_168 : i32
        %get3A_170 = arith.constant 0 : i32
        %get3A_171 = arith.index_cast %select_n3A : i32 to index
        %get3A_172 = arith.index_cast %add3A_169 : i32 to index
        %get3A_173 = arith.index_cast %get3A_170 : i32 to index
        %get3A_174 = arith.constant 0 : index
        %get3A_175 = tpu.vector_load %arg6[%get3A_171, %get3A_172, %get3A_173, %get3A_174] {strides = array<i32>} : memref<2x16x3x16xf32, #tpu.memory_space<vmem>>, vector<1x1x1x16xf32>,
        %get3A_176 = vector.shape_cast %get3A_175 : vector<1x1x1x16xf32> to vector<16xf32>
        %add3A_177 = arith.constant 2 : i32
        %add3A_178 = arith.addi %mul3A_159, %add3A_177 : i32
        %get3A_179 = arith.constant 0 : i32
        %get3A_180 = arith.index_cast %select_n3A : i32 to index
        %get3A_181 = arith.index_cast %add3A_178 : i32 to index
        %get3A_182 = arith.index_cast %get3A_179 : i32 to index
        %get3A_183 = arith.constant 0 : index
        %get3A_184 = tpu.vector_load %arg6[%get3A_180, %get3A_181, %get3A_182, %get3A_183] {strides = array<i32>} : memref<2x16x3x16xf32, #tpu.memory_space<vmem>>, vector<1x1x1x16xf32>,
        %get3A_185 = vector.shape_cast %get3A_184 : vector<1x1x1x16xf32> to vector<16xf32>
        %add3A_186 = arith.constant 3 : i32
        %add3A_187 = arith.addi %mul3A_159, %add3A_186 : i32
        %get3A_188 = arith.constant 0 : i32
        %get3A_189 = arith.index_cast %select_n3A : i32 to index
        %get3A_190 = arith.index_cast %add3A_187 : i32 to index
        %get3A_191 = arith.index_cast %get3A_188 : i32 to index
        %get3A_192 = arith.constant 0 : index
        %get3A_193 = tpu.vector_load %arg6[%get3A_189, %get3A_190, %get3A_191, %get3A_192] {strides = array<i32>} : memref<2x16x3x16xf32, #tpu.memory_space<vmem>>, vector<1x1x1x16xf32>,
        %get3A_194 = vector.shape_cast %get3A_193 : vector<1x1x1x16xf32> to vector<16xf32>
        %add3A_195 = arith.constant 0 : i32
        %add3A_196 = arith.addi %mul3A_159, %add3A_195 : i32
        %get3A_197 = arith.constant 1 : i32
        %get3A_198 = arith.index_cast %select_n3A : i32 to index
        %get3A_199 = arith.index_cast %add3A_196 : i32 to index
        %get3A_200 = arith.index_cast %get3A_197 : i32 to index
        %get3A_201 = arith.constant 0 : index
        %get3A_202 = tpu.vector_load %arg6[%get3A_198, %get3A_199, %get3A_200, %get3A_201] {strides = array<i32>} : memref<2x16x3x16xf32, #tpu.memory_space<vmem>>, vector<1x1x1x16xf32>,
        %get3A_203 = vector.shape_cast %get3A_202 : vector<1x1x1x16xf32> to vector<16xf32>
        %add3A_204 = arith.constant 1 : i32
        %add3A_205 = arith.addi %mul3A_159, %add3A_204 : i32
        %get3A_206 = arith.constant 1 : i32
        %get3A_207 = arith.index_cast %select_n3A : i32 to index
        %get3A_208 = arith.index_cast %add3A_205 : i32 to index
        %get3A_209 = arith.index_cast %get3A_206 : i32 to index
        %get3A_210 = arith.constant 0 : index
        %get3A_211 = tpu.vector_load %arg6[%get3A_207, %get3A_208, %get3A_209, %get3A_210] {strides = array<i32>} : memref<2x16x3x16xf32, #tpu.memory_space<vmem>>, vector<1x1x1x16xf32>,
        %get3A_212 = vector.shape_cast %get3A_211 : vector<1x1x1x16xf32> to vector<16xf32>
        %add3A_213 = arith.constant 2 : i32
        %add3A_214 = arith.addi %mul3A_159, %add3A_213 : i32
        %get3A_215 = arith.constant 1 : i32
        %get3A_216 = arith.index_cast %select_n3A : i32 to index
        %get3A_217 = arith.index_cast %add3A_214 : i32 to index
        %get3A_218 = arith.index_cast %get3A_215 : i32 to index
        %get3A_219 = arith.constant 0 : index
        %get3A_220 = tpu.vector_load %arg6[%get3A_216, %get3A_217, %get3A_218, %get3A_219] {strides = array<i32>} : memref<2x16x3x16xf32, #tpu.memory_space<vmem>>, vector<1x1x1x16xf32>,
        %get3A_221 = vector.shape_cast %get3A_220 : vector<1x1x1x16xf32> to vector<16xf32>
        %add3A_222 = arith.constant 3 : i32
        %add3A_223 = arith.addi %mul3A_159, %add3A_222 : i32
        %get3A_224 = arith.constant 1 : i32
        %get3A_225 = arith.index_cast %select_n3A : i32 to index
        %get3A_226 = arith.index_cast %add3A_223 : i32 to index
        %get3A_227 = arith.index_cast %get3A_224 : i32 to index
        %get3A_228 = arith.constant 0 : index
        %get3A_229 = tpu.vector_load %arg6[%get3A_225, %get3A_226, %get3A_227, %get3A_228] {strides = array<i32>} : memref<2x16x3x16xf32, #tpu.memory_space<vmem>>, vector<1x1x1x16xf32>,
        %get3A_230 = vector.shape_cast %get3A_229 : vector<1x1x1x16xf32> to vector<16xf32>
        %add3A_231 = arith.constant 0 : i32
        %add3A_232 = arith.addi %mul3A_159, %add3A_231 : i32
        %get3A_233 = arith.constant 2 : i32
        %get3A_234 = arith.index_cast %select_n3A : i32 to index
        %get3A_235 = arith.index_cast %add3A_232 : i32 to index
        %get3A_236 = arith.index_cast %get3A_233 : i32 to index
        %get3A_237 = arith.constant 0 : index
        %get3A_238 = tpu.vector_load %arg6[%get3A_234, %get3A_235, %get3A_236, %get3A_237] {strides = array<i32>} : memref<2x16x3x16xf32, #tpu.memory_space<vmem>>, vector<1x1x1x16xf32>,
        %get3A_239 = vector.shape_cast %get3A_238 : vector<1x1x1x16xf32> to vector<16xf32>
        %add3A_240 = arith.constant 1 : i32
        %add3A_241 = arith.addi %mul3A_159, %add3A_240 : i32
        %get3A_242 = arith.constant 2 : i32
        %get3A_243 = arith.index_cast %select_n3A : i32 to index
        %get3A_244 = arith.index_cast %add3A_241 : i32 to index
        %get3A_245 = arith.index_cast %get3A_242 : i32 to index
        %get3A_246 = arith.constant 0 : index
        %get3A_247 = tpu.vector_load %arg6[%get3A_243, %get3A_244, %get3A_245, %get3A_246] {strides = array<i32>} : memref<2x16x3x16xf32, #tpu.memory_space<vmem>>, vector<1x1x1x16xf32>,
        %get3A_248 = vector.shape_cast %get3A_247 : vector<1x1x1x16xf32> to vector<16xf32>
        %add3A_249 = arith.constant 2 : i32
        %add3A_250 = arith.addi %mul3A_159, %add3A_249 : i32
        %get3A_251 = arith.constant 2 : i32
        %get3A_252 = arith.index_cast %select_n3A : i32 to index
        %get3A_253 = arith.index_cast %add3A_250 : i32 to index
        %get3A_254 = arith.index_cast %get3A_251 : i32 to index
        %get3A_255 = arith.constant 0 : index
        %get3A_256 = tpu.vector_load %arg6[%get3A_252, %get3A_253, %get3A_254, %get3A_255] {strides = array<i32>} : memref<2x16x3x16xf32, #tpu.memory_space<vmem>>, vector<1x1x1x16xf32>,
        %get3A_257 = vector.shape_cast %get3A_256 : vector<1x1x1x16xf32> to vector<16xf32>
        %add3A_258 = arith.constant 3 : i32
        %add3A_259 = arith.addi %mul3A_159, %add3A_258 : i32
        %get3A_260 = arith.constant 2 : i32
        %get3A_261 = arith.index_cast %select_n3A : i32 to index
        %get3A_262 = arith.index_cast %add3A_259 : i32 to index
        %get3A_263 = arith.index_cast %get3A_260 : i32 to index
        %get3A_264 = arith.constant 0 : index
        %get3A_265 = tpu.vector_load %arg6[%get3A_261, %get3A_262, %get3A_263, %get3A_264] {strides = array<i32>} : memref<2x16x3x16xf32, #tpu.memory_space<vmem>>, vector<1x1x1x16xf32>,
        %get3A_266 = vector.shape_cast %get3A_265 : vector<1x1x1x16xf32> to vector<16xf32>
        %get3A_267 = arith.constant 0 : i32
        %get3A_268 = arith.index_cast %select_n3A_109 : i32 to index
        %get3A_269 = arith.index_cast %get3A_267 : i32 to index
        %get3A_270 = arith.constant 0 : index
        %get3A_271 = tpu.vector_load %arg5[%get3A_268, %get3A_269, %get3A_270] {strides = array<i32>} : memref<2x3x512xf32, #tpu.memory_space<vmem>>, vector<1x1x16xf32>,
        %get3A_272 = vector.shape_cast %get3A_271 : vector<1x1x16xf32> to vector<16xf32>
        %get3A_273 = arith.constant 1 : i32
        %get3A_274 = arith.index_cast %select_n3A_109 : i32 to index
        %get3A_275 = arith.index_cast %get3A_273 : i32 to index
        %get3A_276 = arith.constant 0 : index
        %get3A_277 = tpu.vector_load %arg5[%get3A_274, %get3A_275, %get3A_276] {strides = array<i32>} : memref<2x3x512xf32, #tpu.memory_space<vmem>>, vector<1x1x16xf32>,
        %get3A_278 = vector.shape_cast %get3A_277 : vector<1x1x16xf32> to vector<16xf32>
        %get3A_279 = arith.constant 2 : i32
        %get3A_280 = arith.index_cast %select_n3A_109 : i32 to index
        %get3A_281 = arith.index_cast %get3A_279 : i32 to index
        %get3A_282 = arith.constant 0 : index
        %get3A_283 = tpu.vector_load %arg5[%get3A_280, %get3A_281, %get3A_282] {strides = array<i32>} : memref<2x3x512xf32, #tpu.memory_space<vmem>>, vector<1x1x16xf32>,
        %get3A_284 = vector.shape_cast %get3A_283 : vector<1x1x16xf32> to vector<16xf32>
        %sub3A_285 = arith.subf %get3A_272, %get3A_167 : vector<16xf32>
        %sub3A_286 = arith.subf %get3A_278, %get3A_203 : vector<16xf32>
        %sub3A_287 = arith.subf %get3A_284, %get3A_239 : vector<16xf32>
        %mul3A_288 = arith.mulf %sub3A_285, %sub3A_285 : vector<16xf32>
        %mul3A_289 = arith.mulf %sub3A_286, %sub3A_286 : vector<16xf32>
        %add3A_290 = arith.addf %mul3A_288, %mul3A_289 : vector<16xf32>
        %mul3A_291 = arith.mulf %sub3A_287, %sub3A_287 : vector<16xf32>
        %add3A_292 = arith.addf %add3A_290, %mul3A_291 : vector<16xf32>
        %lt3A_293 = arith.constant 3.600000e+01 : f32
        %lt3A_294 = vector.broadcast %lt3A_293 : f32 to vector<16xf32>
        %lt3A_295 = arith.cmpf olt, %add3A_292, %lt3A_294 : vector<16xf32>
        %gt3A = arith.constant 9.99999996E-13 : f32
        %gt3A_296 = vector.broadcast %gt3A : f32 to vector<16xf32>
        %gt3A_297 = arith.cmpf ogt, %add3A_292, %gt3A_296 : vector<16xf32>
        %and3A_298 = arith.andi %lt3A_295, %gt3A_297 : vector<16xi1>
        %jit3A_299 = arith.constant 0.000000e+00 : f32
        %broadcast_in_dim3A = vector.broadcast %jit3A_299 : f32 to vector<16xf32>
        %select_n3A_300 = arith.select %and3A_298, %add3A_292, %broadcast_in_dim3A : vector<16xi1>, vector<16xf32>
        %add3A_301 = arith.constant 0 : i32
        %add3A_302 = arith.addi %mul3A_159, %add3A_301 : i32
        %swap3A = arith.index_cast %select_n3A_109 : i32 to index
        %swap3A_303 = arith.index_cast %add3A_302 : i32 to index
        %swap3A_304 = arith.constant 0 : index
        %swap3A_305 = tpu.vector_load %arg7[%swap3A, %swap3A_303, %swap3A_304] {strides = array<i32>} : memref<2x16x512xf32, #tpu.memory_space<vmem>>, vector<1x1x16xf32>,
        %swap3A_306 = vector.shape_cast %swap3A_305 : vector<1x1x16xf32> to vector<16xf32>
        %swap3A_307 = vector.shape_cast %select_n3A_300 : vector<16xf32> to vector<1x1x16xf32>
        tpu.vector_store %arg7[%swap3A, %swap3A_303, %swap3A_304], %swap3A_307 {strides = array<i32>} : memref<2x16x512xf32, #tpu.memory_space<vmem>>, vector<1x1x16xf32>,
        %sub3A_308 = arith.subf %get3A_272, %get3A_176 : vector<16xf32>
        %sub3A_309 = arith.subf %get3A_278, %get3A_212 : vector<16xf32>
        %sub3A_310 = arith.subf %get3A_284, %get3A_248 : vector<16xf32>
        %mul3A_311 = arith.mulf %sub3A_308, %sub3A_308 : vector<16xf32>
        %mul3A_312 = arith.mulf %sub3A_309, %sub3A_309 : vector<16xf32>
        %add3A_313 = arith.addf %mul3A_311, %mul3A_312 : vector<16xf32>
        %mul3A_314 = arith.mulf %sub3A_310, %sub3A_310 : vector<16xf32>
        %add3A_315 = arith.addf %add3A_313, %mul3A_314 : vector<16xf32>
        %lt3A_316 = arith.constant 3.600000e+01 : f32
        %lt3A_317 = vector.broadcast %lt3A_316 : f32 to vector<16xf32>
        %lt3A_318 = arith.cmpf olt, %add3A_315, %lt3A_317 : vector<16xf32>
        %gt3A_319 = arith.constant 9.99999996E-13 : f32
        %gt3A_320 = vector.broadcast %gt3A_319 : f32 to vector<16xf32>
        %gt3A_321 = arith.cmpf ogt, %add3A_315, %gt3A_320 : vector<16xf32>
        %and3A_322 = arith.andi %lt3A_318, %gt3A_321 : vector<16xi1>
        %jit3A_323 = arith.constant 0.000000e+00 : f32
        %broadcast_in_dim3A_324 = vector.broadcast %jit3A_323 : f32 to vector<16xf32>
        %select_n3A_325 = arith.select %and3A_322, %add3A_315, %broadcast_in_dim3A_324 : vector<16xi1>, vector<16xf32>
        %add3A_326 = arith.constant 1 : i32
        %add3A_327 = arith.addi %mul3A_159, %add3A_326 : i32
        %swap3A_328 = arith.index_cast %select_n3A_109 : i32 to index
        %swap3A_329 = arith.index_cast %add3A_327 : i32 to index
        %swap3A_330 = arith.constant 0 : index
        %swap3A_331 = tpu.vector_load %arg7[%swap3A_328, %swap3A_329, %swap3A_330] {strides = array<i32>} : memref<2x16x512xf32, #tpu.memory_space<vmem>>, vector<1x1x16xf32>,
        %swap3A_332 = vector.shape_cast %swap3A_331 : vector<1x1x16xf32> to vector<16xf32>
        %swap3A_333 = vector.shape_cast %select_n3A_325 : vector<16xf32> to vector<1x1x16xf32>
        tpu.vector_store %arg7[%swap3A_328, %swap3A_329, %swap3A_330], %swap3A_333 {strides = array<i32>} : memref<2x16x512xf32, #tpu.memory_space<vmem>>, vector<1x1x16xf32>,
        %sub3A_334 = arith.subf %get3A_272, %get3A_185 : vector<16xf32>
        %sub3A_335 = arith.subf %get3A_278, %get3A_221 : vector<16xf32>
        %sub3A_336 = arith.subf %get3A_284, %get3A_257 : vector<16xf32>
        %mul3A_337 = arith.mulf %sub3A_334, %sub3A_334 : vector<16xf32>
        %mul3A_338 = arith.mulf %sub3A_335, %sub3A_335 : vector<16xf32>
        %add3A_339 = arith.addf %mul3A_337, %mul3A_338 : vector<16xf32>
        %mul3A_340 = arith.mulf %sub3A_336, %sub3A_336 : vector<16xf32>
        %add3A_341 = arith.addf %add3A_339, %mul3A_340 : vector<16xf32>
        %lt3A_342 = arith.constant 3.600000e+01 : f32
        %lt3A_343 = vector.broadcast %lt3A_342 : f32 to vector<16xf32>
        %lt3A_344 = arith.cmpf olt, %add3A_341, %lt3A_343 : vector<16xf32>
        %gt3A_345 = arith.constant 9.99999996E-13 : f32
        %gt3A_346 = vector.broadcast %gt3A_345 : f32 to vector<16xf32>
        %gt3A_347 = arith.cmpf ogt, %add3A_341, %gt3A_346 : vector<16xf32>
        %and3A_348 = arith.andi %lt3A_344, %gt3A_347 : vector<16xi1>
        %jit3A_349 = arith.constant 0.000000e+00 : f32
        %broadcast_in_dim3A_350 = vector.broadcast %jit3A_349 : f32 to vector<16xf32>
        %select_n3A_351 = arith.select %and3A_348, %add3A_341, %broadcast_in_dim3A_350 : vector<16xi1>, vector<16xf32>
        %add3A_352 = arith.constant 2 : i32
        %add3A_353 = arith.addi %mul3A_159, %add3A_352 : i32
        %swap3A_354 = arith.index_cast %select_n3A_109 : i32 to index
        %swap3A_355 = arith.index_cast %add3A_353 : i32 to index
        %swap3A_356 = arith.constant 0 : index
        %swap3A_357 = tpu.vector_load %arg7[%swap3A_354, %swap3A_355, %swap3A_356] {strides = array<i32>} : memref<2x16x512xf32, #tpu.memory_space<vmem>>, vector<1x1x16xf32>,
        %swap3A_358 = vector.shape_cast %swap3A_357 : vector<1x1x16xf32> to vector<16xf32>
        %swap3A_359 = vector.shape_cast %select_n3A_351 : vector<16xf32> to vector<1x1x16xf32>
        tpu.vector_store %arg7[%swap3A_354, %swap3A_355, %swap3A_356], %swap3A_359 {strides = array<i32>} : memref<2x16x512xf32, #tpu.memory_space<vmem>>, vector<1x1x16xf32>,
        %sub3A_360 = arith.subf %get3A_272, %get3A_194 : vector<16xf32>
        %sub3A_361 = arith.subf %get3A_278, %get3A_230 : vector<16xf32>
        %sub3A_362 = arith.subf %get3A_284, %get3A_266 : vector<16xf32>
        %mul3A_363 = arith.mulf %sub3A_360, %sub3A_360 : vector<16xf32>
        %mul3A_364 = arith.mulf %sub3A_361, %sub3A_361 : vector<16xf32>
        %add3A_365 = arith.addf %mul3A_363, %mul3A_364 : vector<16xf32>
        %mul3A_366 = arith.mulf %sub3A_362, %sub3A_362 : vector<16xf32>
        %add3A_367 = arith.addf %add3A_365, %mul3A_366 : vector<16xf32>
        %lt3A_368 = arith.constant 3.600000e+01 : f32
        %lt3A_369 = vector.broadcast %lt3A_368 : f32 to vector<16xf32>
        %lt3A_370 = arith.cmpf olt, %add3A_367, %lt3A_369 : vector<16xf32>
        %gt3A_371 = arith.constant 9.99999996E-13 : f32
        %gt3A_372 = vector.broadcast %gt3A_371 : f32 to vector<16xf32>
        %gt3A_373 = arith.cmpf ogt, %add3A_367, %gt3A_372 : vector<16xf32>
        %and3A_374 = arith.andi %lt3A_370, %gt3A_373 : vector<16xi1>
        %jit3A_375 = arith.constant 0.000000e+00 : f32
        %broadcast_in_dim3A_376 = vector.broadcast %jit3A_375 : f32 to vector<16xf32>
        %select_n3A_377 = arith.select %and3A_374, %add3A_367, %broadcast_in_dim3A_376 : vector<16xi1>, vector<16xf32>
        %add3A_378 = arith.constant 3 : i32
        %add3A_379 = arith.addi %mul3A_159, %add3A_378 : i32
        %swap3A_380 = arith.index_cast %select_n3A_109 : i32 to index
        %swap3A_381 = arith.index_cast %add3A_379 : i32 to index
        %swap3A_382 = arith.constant 0 : index
        %swap3A_383 = tpu.vector_load %arg7[%swap3A_380, %swap3A_381, %swap3A_382] {strides = array<i32>} : memref<2x16x512xf32, #tpu.memory_space<vmem>>, vector<1x1x16xf32>,
        %swap3A_384 = vector.shape_cast %swap3A_383 : vector<1x1x16xf32> to vector<16xf32>
        %swap3A_385 = vector.shape_cast %select_n3A_377 : vector<16xf32> to vector<1x1x16xf32>
        tpu.vector_store %arg7[%swap3A_380, %swap3A_381, %swap3A_382], %swap3A_385 {strides = array<i32>} : memref<2x16x512xf32, #tpu.memory_space<vmem>>, vector<1x1x16xf32>,
        %get3A_386 = arith.constant 0 : i32
        %get3A_387 = arith.index_cast %select_n3A_109 : i32 to index
        %get3A_388 = arith.index_cast %get3A_386 : i32 to index
        %get3A_389 = arith.constant 16 : index
        %get3A_390 = tpu.vector_load %arg5[%get3A_387, %get3A_388, %get3A_389] {strides = array<i32>} : memref<2x3x512xf32, #tpu.memory_space<vmem>>, vector<1x1x16xf32>,
        %get3A_391 = vector.shape_cast %get3A_390 : vector<1x1x16xf32> to vector<16xf32>
        %get3A_392 = arith.constant 1 : i32
        %get3A_393 = arith.index_cast %select_n3A_109 : i32 to index
        %get3A_394 = arith.index_cast %get3A_392 : i32 to index
        %get3A_395 = arith.constant 16 : index
        %get3A_396 = tpu.vector_load %arg5[%get3A_393, %get3A_394, %get3A_395] {strides = array<i32>} : memref<2x3x512xf32, #tpu.memory_space<vmem>>, vector<1x1x16xf32>,
        %get3A_397 = vector.shape_cast %get3A_396 : vector<1x1x16xf32> to vector<16xf32>
        %get3A_398 = arith.constant 2 : i32
        %get3A_399 = arith.index_cast %select_n3A_109 : i32 to index
        %get3A_400 = arith.index_cast %get3A_398 : i32 to index
        %get3A_401 = arith.constant 16 : index
        %get3A_402 = tpu.vector_load %arg5[%get3A_399, %get3A_400, %get3A_401] {strides = array<i32>} : memref<2x3x512xf32, #tpu.memory_space<vmem>>, vector<1x1x16xf32>,
        %get3A_403 = vector.shape_cast %get3A_402 : vector<1x1x16xf32> to vector<16xf32>
        %sub3A_404 = arith.subf %get3A_391, %get3A_167 : vector<16xf32>
        %sub3A_405 = arith.subf %get3A_397, %get3A_203 : vector<16xf32>
        %sub3A_406 = arith.subf %get3A_403, %get3A_239 : vector<16xf32>
        %mul3A_407 = arith.mulf %sub3A_404, %sub3A_404 : vector<16xf32>
        %mul3A_408 = arith.mulf %sub3A_405, %sub3A_405 : vector<16xf32>
        %add3A_409 = arith.addf %mul3A_407, %mul3A_408 : vector<16xf32>
        %mul3A_410 = arith.mulf %sub3A_406, %sub3A_406 : vector<16xf32>
        %add3A_411 = arith.addf %add3A_409, %mul3A_410 : vector<16xf32>
        %lt3A_412 = arith.constant 3.600000e+01 : f32
        %lt3A_413 = vector.broadcast %lt3A_412 : f32 to vector<16xf32>
        %lt3A_414 = arith.cmpf olt, %add3A_411, %lt3A_413 : vector<16xf32>
        %gt3A_415 = arith.constant 9.99999996E-13 : f32
        %gt3A_416 = vector.broadcast %gt3A_415 : f32 to vector<16xf32>
        %gt3A_417 = arith.cmpf ogt, %add3A_411, %gt3A_416 : vector<16xf32>
        %and3A_418 = arith.andi %lt3A_414, %gt3A_417 : vector<16xi1>
        %jit3A_419 = arith.constant 0.000000e+00 : f32
        %broadcast_in_dim3A_420 = vector.broadcast %jit3A_419 : f32 to vector<16xf32>
        %select_n3A_421 = arith.select %and3A_418, %add3A_411, %broadcast_in_dim3A_420 : vector<16xi1>, vector<16xf32>
        %add3A_422 = arith.constant 0 : i32
        %add3A_423 = arith.addi %mul3A_159, %add3A_422 : i32
        %swap3A_424 = arith.index_cast %select_n3A_109 : i32 to index
        %swap3A_425 = arith.index_cast %add3A_423 : i32 to index
        %swap3A_426 = arith.constant 16 : index
        %swap3A_427 = tpu.vector_load %arg7[%swap3A_424, %swap3A_425, %swap3A_426] {strides = array<i32>} : memref<2x16x512xf32, #tpu.memory_space<vmem>>, vector<1x1x16xf32>,
        %swap3A_428 = vector.shape_cast %swap3A_427 : vector<1x1x16xf32> to vector<16xf32>
        %swap3A_429 = vector.shape_cast %select_n3A_421 : vector<16xf32> to vector<1x1x16xf32>
        tpu.vector_store %arg7[%swap3A_424, %swap3A_425, %swap3A_426], %swap3A_429 {strides = array<i32>} : memref<2x16x512xf32, #tpu.memory_space<vmem>>, vector<1x1x16xf32>,
        %sub3A_430 = arith.subf %get3A_391, %get3A_176 : vector<16xf32>
        %sub3A_431 = arith.subf %get3A_397, %get3A_212 : vector<16xf32>
        %sub3A_432 = arith.subf %get3A_403, %get3A_248 : vector<16xf32>
        %mul3A_433 = arith.mulf %sub3A_430, %sub3A_430 : vector<16xf32>
        %mul3A_434 = arith.mulf %sub3A_431, %sub3A_431 : vector<16xf32>
        %add3A_435 = arith.addf %mul3A_433, %mul3A_434 : vector<16xf32>
        %mul3A_436 = arith.mulf %sub3A_432, %sub3A_432 : vector<16xf32>
        %add3A_437 = arith.addf %add3A_435, %mul3A_436 : vector<16xf32>
        %lt3A_438 = arith.constant 3.600000e+01 : f32
        %lt3A_439 = vector.broadcast %lt3A_438 : f32 to vector<16xf32>
        %lt3A_440 = arith.cmpf olt, %add3A_437, %lt3A_439 : vector<16xf32>
        %gt3A_441 = arith.constant 9.99999996E-13 : f32
        %gt3A_442 = vector.broadcast %gt3A_441 : f32 to vector<16xf32>
        %gt3A_443 = arith.cmpf ogt, %add3A_437, %gt3A_442 : vector<16xf32>
        %and3A_444 = arith.andi %lt3A_440, %gt3A_443 : vector<16xi1>
        %jit3A_445 = arith.constant 0.000000e+00 : f32
        %broadcast_in_dim3A_446 = vector.broadcast %jit3A_445 : f32 to vector<16xf32>
        %select_n3A_447 = arith.select %and3A_444, %add3A_437, %broadcast_in_dim3A_446 : vector<16xi1>, vector<16xf32>
        %add3A_448 = arith.constant 1 : i32
        %add3A_449 = arith.addi %mul3A_159, %add3A_448 : i32
        %swap3A_450 = arith.index_cast %select_n3A_109 : i32 to index
        %swap3A_451 = arith.index_cast %add3A_449 : i32 to index
        %swap3A_452 = arith.constant 16 : index
        %swap3A_453 = tpu.vector_load %arg7[%swap3A_450, %swap3A_451, %swap3A_452] {strides = array<i32>} : memref<2x16x512xf32, #tpu.memory_space<vmem>>, vector<1x1x16xf32>,
        %swap3A_454 = vector.shape_cast %swap3A_453 : vector<1x1x16xf32> to vector<16xf32>
        %swap3A_455 = vector.shape_cast %select_n3A_447 : vector<16xf32> to vector<1x1x16xf32>
        tpu.vector_store %arg7[%swap3A_450, %swap3A_451, %swap3A_452], %swap3A_455 {strides = array<i32>} : memref<2x16x512xf32, #tpu.memory_space<vmem>>, vector<1x1x16xf32>,
        %sub3A_456 = arith.subf %get3A_391, %get3A_185 : vector<16xf32>
        %sub3A_457 = arith.subf %get3A_397, %get3A_221 : vector<16xf32>
        %sub3A_458 = arith.subf %get3A_403, %get3A_257 : vector<16xf32>
        %mul3A_459 = arith.mulf %sub3A_456, %sub3A_456 : vector<16xf32>
        %mul3A_460 = arith.mulf %sub3A_457, %sub3A_457 : vector<16xf32>
        %add3A_461 = arith.addf %mul3A_459, %mul3A_460 : vector<16xf32>
        %mul3A_462 = arith.mulf %sub3A_458, %sub3A_458 : vector<16xf32>
        %add3A_463 = arith.addf %add3A_461, %mul3A_462 : vector<16xf32>
        %lt3A_464 = arith.constant 3.600000e+01 : f32
        %lt3A_465 = vector.broadcast %lt3A_464 : f32 to vector<16xf32>
        %lt3A_466 = arith.cmpf olt, %add3A_463, %lt3A_465 : vector<16xf32>
        %gt3A_467 = arith.constant 9.99999996E-13 : f32
        %gt3A_468 = vector.broadcast %gt3A_467 : f32 to vector<16xf32>
        %gt3A_469 = arith.cmpf ogt, %add3A_463, %gt3A_468 : vector<16xf32>
        %and3A_470 = arith.andi %lt3A_466, %gt3A_469 : vector<16xi1>
        %jit3A_471 = arith.constant 0.000000e+00 : f32
        %broadcast_in_dim3A_472 = vector.broadcast %jit3A_471 : f32 to vector<16xf32>
        %select_n3A_473 = arith.select %and3A_470, %add3A_463, %broadcast_in_dim3A_472 : vector<16xi1>, vector<16xf32>
        %add3A_474 = arith.constant 2 : i32
        %add3A_475 = arith.addi %mul3A_159, %add3A_474 : i32
        %swap3A_476 = arith.index_cast %select_n3A_109 : i32 to index
        %swap3A_477 = arith.index_cast %add3A_475 : i32 to index
        %swap3A_478 = arith.constant 16 : index
        %swap3A_479 = tpu.vector_load %arg7[%swap3A_476, %swap3A_477, %swap3A_478] {strides = array<i32>} : memref<2x16x512xf32, #tpu.memory_space<vmem>>, vector<1x1x16xf32>,
        %swap3A_480 = vector.shape_cast %swap3A_479 : vector<1x1x16xf32> to vector<16xf32>
        %swap3A_481 = vector.shape_cast %select_n3A_473 : vector<16xf32> to vector<1x1x16xf32>
        tpu.vector_store %arg7[%swap3A_476, %swap3A_477, %swap3A_478], %swap3A_481 {strides = array<i32>} : memref<2x16x512xf32, #tpu.memory_space<vmem>>, vector<1x1x16xf32>,
        %sub3A_482 = arith.subf %get3A_391, %get3A_194 : vector<16xf32>
        %sub3A_483 = arith.subf %get3A_397, %get3A_230 : vector<16xf32>
        %sub3A_484 = arith.subf %get3A_403, %get3A_266 : vector<16xf32>
        %mul3A_485 = arith.mulf %sub3A_482, %sub3A_482 : vector<16xf32>
        %mul3A_486 = arith.mulf %sub3A_483, %sub3A_483 : vector<16xf32>
        %add3A_487 = arith.addf %mul3A_485, %mul3A_486 : vector<16xf32>
        %mul3A_488 = arith.mulf %sub3A_484, %sub3A_484 : vector<16xf32>
        %add3A_489 = arith.addf %add3A_487, %mul3A_488 : vector<16xf32>
        %lt3A_490 = arith.constant 3.600000e+01 : f32
        %lt3A_491 = vector.broadcast %lt3A_490 : f32 to vector<16xf32>
        %lt3A_492 = arith.cmpf olt, %add3A_489, %lt3A_491 : vector<16xf32>
        %gt3A_493 = arith.constant 9.99999996E-13 : f32
        %gt3A_494 = vector.broadcast %gt3A_493 : f32 to vector<16xf32>
        %gt3A_495 = arith.cmpf ogt, %add3A_489, %gt3A_494 : vector<16xf32>
        %and3A_496 = arith.andi %lt3A_492, %gt3A_495 : vector<16xi1>
        %jit3A_497 = arith.constant 0.000000e+00 : f32
        %broadcast_in_dim3A_498 = vector.broadcast %jit3A_497 : f32 to vector<16xf32>
        %select_n3A_499 = arith.select %and3A_496, %add3A_489, %broadcast_in_dim3A_498 : vector<16xi1>, vector<16xf32>
        %add3A_500 = arith.constant 3 : i32
        %add3A_501 = arith.addi %mul3A_159, %add3A_500 : i32
        %swap3A_502 = arith.index_cast %select_n3A_109 : i32 to index
        %swap3A_503 = arith.index_cast %add3A_501 : i32 to index
        %swap3A_504 = arith.constant 16 : index
        %swap3A_505 = tpu.vector_load %arg7[%swap3A_502, %swap3A_503, %swap3A_504] {strides = array<i32>} : memref<2x16x512xf32, #tpu.memory_space<vmem>>, vector<1x1x16xf32>,
        %swap3A_506 = vector.shape_cast %swap3A_505 : vector<1x1x16xf32> to vector<16xf32>
        %swap3A_507 = vector.shape_cast %select_n3A_499 : vector<16xf32> to vector<1x1x16xf32>
        tpu.vector_store %arg7[%swap3A_502, %swap3A_503, %swap3A_504], %swap3A_507 {strides = array<i32>} : memref<2x16x512xf32, #tpu.memory_space<vmem>>, vector<1x1x16xf32>,
        %get3A_508 = arith.constant 0 : i32
        %get3A_509 = arith.index_cast %select_n3A_109 : i32 to index
        %get3A_510 = arith.index_cast %get3A_508 : i32 to index
        %get3A_511 = arith.constant 32 : index
        %get3A_512 = tpu.vector_load %arg5[%get3A_509, %get3A_510, %get3A_511] {strides = array<i32>} : memref<2x3x512xf32, #tpu.memory_space<vmem>>, vector<1x1x16xf32>,
        %get3A_513 = vector.shape_cast %get3A_512 : vector<1x1x16xf32> to vector<16xf32>
        %get3A_514 = arith.constant 1 : i32
        %get3A_515 = arith.index_cast %select_n3A_109 : i32 to index
        %get3A_516 = arith.index_cast %get3A_514 : i32 to index
        %get3A_517 = arith.constant 32 : index
        %get3A_518 = tpu.vector_load %arg5[%get3A_515, %get3A_516, %get3A_517] {strides = array<i32>} : memref<2x3x512xf32, #tpu.memory_space<vmem>>, vector<1x1x16xf32>,
        %get3A_519 = vector.shape_cast %get3A_518 : vector<1x1x16xf32> to vector<16xf32>
        %get3A_520 = arith.constant 2 : i32
        %get3A_521 = arith.index_cast %select_n3A_109 : i32 to index
        %get3A_522 = arith.index_cast %get3A_520 : i32 to index
        %get3A_523 = arith.constant 32 : index
        %get3A_524 = tpu.vector_load %arg5[%get3A_521, %get3A_522, %get3A_523] {strides = array<i32>} : memref<2x3x512xf32, #tpu.memory_space<vmem>>, vector<1x1x16xf32>,
        %get3A_525 = vector.shape_cast %get3A_524 : vector<1x1x16xf32> to vector<16xf32>
        %sub3A_526 = arith.subf %get3A_513, %get3A_167 : vector<16xf32>
        %sub3A_527 = arith.subf %get3A_519, %get3A_203 : vector<16xf32>
        %sub3A_528 = arith.subf %get3A_525, %get3A_239 : vector<16xf32>
        %mul3A_529 = arith.mulf %sub3A_526, %sub3A_526 : vector<16xf32>
        %mul3A_530 = arith.mulf %sub3A_527, %sub3A_527 : vector<16xf32>
        %add3A_531 = arith.addf %mul3A_529, %mul3A_530 : vector<16xf32>
        %mul3A_532 = arith.mulf %sub3A_528, %sub3A_528 : vector<16xf32>
        %add3A_533 = arith.addf %add3A_531, %mul3A_532 : vector<16xf32>
        %lt3A_534 = arith.constant 3.600000e+01 : f32
        %lt3A_535 = vector.broadcast %lt3A_534 : f32 to vector<16xf32>
        %lt3A_536 = arith.cmpf olt, %add3A_533, %lt3A_535 : vector<16xf32>
        %gt3A_537 = arith.constant 9.99999996E-13 : f32
        %gt3A_538 = vector.broadcast %gt3A_537 : f32 to vector<16xf32>
        %gt3A_539 = arith.cmpf ogt, %add3A_533, %gt3A_538 : vector<16xf32>
        %and3A_540 = arith.andi %lt3A_536, %gt3A_539 : vector<16xi1>
        %jit3A_541 = arith.constant 0.000000e+00 : f32
        %broadcast_in_dim3A_542 = vector.broadcast %jit3A_541 : f32 to vector<16xf32>
        %select_n3A_543 = arith.select %and3A_540, %add3A_533, %broadcast_in_dim3A_542 : vector<16xi1>, vector<16xf32>
        %add3A_544 = arith.constant 0 : i32
        %add3A_545 = arith.addi %mul3A_159, %add3A_544 : i32
        %swap3A_546 = arith.index_cast %select_n3A_109 : i32 to index
        %swap3A_547 = arith.index_cast %add3A_545 : i32 to index
        %swap3A_548 = arith.constant 32 : index
        %swap3A_549 = tpu.vector_load %arg7[%swap3A_546, %swap3A_547, %swap3A_548] {strides = array<i32>} : memref<2x16x512xf32, #tpu.memory_space<vmem>>, vector<1x1x16xf32>,
        %swap3A_550 = vector.shape_cast %swap3A_549 : vector<1x1x16xf32> to vector<16xf32>
        %swap3A_551 = vector.shape_cast %select_n3A_543 : vector<16xf32> to vector<1x1x16xf32>
        tpu.vector_store %arg7[%swap3A_546, %swap3A_547, %swap3A_548], %swap3A_551 {strides = array<i32>} : memref<2x16x512xf32, #tpu.memory_space<vmem>>, vector<1x1x16xf32>,
        %sub3A_552 = arith.subf %get3A_513, %get3A_176 : vector<16xf32>
        %sub3A_553 = arith.subf %get3A_519, %get3A_212 : vector<16xf32>
        %sub3A_554 = arith.subf %get3A_525, %get3A_248 : vector<16xf32>
        %mul3A_555 = arith.mulf %sub3A_552, %sub3A_552 : vector<16xf32>
        %mul3A_556 = arith.mulf %sub3A_553, %sub3A_553 : vector<16xf32>
        %add3A_557 = arith.addf %mul3A_555, %mul3A_556 : vector<16xf32>
        %mul3A_558 = arith.mulf %sub3A_554, %sub3A_554 : vector<16xf32>
        %add3A_559 = arith.addf %add3A_557, %mul3A_558 : vector<16xf32>
        %lt3A_560 = arith.constant 3.600000e+01 : f32
        %lt3A_561 = vector.broadcast %lt3A_560 : f32 to vector<16xf32>
        %lt3A_562 = arith.cmpf olt, %add3A_559, %lt3A_561 : vector<16xf32>
        %gt3A_563 = arith.constant 9.99999996E-13 : f32
        %gt3A_564 = vector.broadcast %gt3A_563 : f32 to vector<16xf32>
        %gt3A_565 = arith.cmpf ogt, %add3A_559, %gt3A_564 : vector<16xf32>
        %and3A_566 = arith.andi %lt3A_562, %gt3A_565 : vector<16xi1>
        %jit3A_567 = arith.constant 0.000000e+00 : f32
        %broadcast_in_dim3A_568 = vector.broadcast %jit3A_567 : f32 to vector<16xf32>
        %select_n3A_569 = arith.select %and3A_566, %add3A_559, %broadcast_in_dim3A_568 : vector<16xi1>, vector<16xf32>
        %add3A_570 = arith.constant 1 : i32
        %add3A_571 = arith.addi %mul3A_159, %add3A_570 : i32
        %swap3A_572 = arith.index_cast %select_n3A_109 : i32 to index
        %swap3A_573 = arith.index_cast %add3A_571 : i32 to index
        %swap3A_574 = arith.constant 32 : index
        %swap3A_575 = tpu.vector_load %arg7[%swap3A_572, %swap3A_573, %swap3A_574] {strides = array<i32>} : memref<2x16x512xf32, #tpu.memory_space<vmem>>, vector<1x1x16xf32>,
        %swap3A_576 = vector.shape_cast %swap3A_575 : vector<1x1x16xf32> to vector<16xf32>
        %swap3A_577 = vector.shape_cast %select_n3A_569 : vector<16xf32> to vector<1x1x16xf32>
        tpu.vector_store %arg7[%swap3A_572, %swap3A_573, %swap3A_574], %swap3A_577 {strides = array<i32>} : memref<2x16x512xf32, #tpu.memory_space<vmem>>, vector<1x1x16xf32>,
        %sub3A_578 = arith.subf %get3A_513, %get3A_185 : vector<16xf32>
        %sub3A_579 = arith.subf %get3A_519, %get3A_221 : vector<16xf32>
        %sub3A_580 = arith.subf %get3A_525, %get3A_257 : vector<16xf32>
        %mul3A_581 = arith.mulf %sub3A_578, %sub3A_578 : vector<16xf32>
        %mul3A_582 = arith.mulf %sub3A_579, %sub3A_579 : vector<16xf32>
        %add3A_583 = arith.addf %mul3A_581, %mul3A_582 : vector<16xf32>
        %mul3A_584 = arith.mulf %sub3A_580, %sub3A_580 : vector<16xf32>
        %add3A_585 = arith.addf %add3A_583, %mul3A_584 : vector<16xf32>
        %lt3A_586 = arith.constant 3.600000e+01 : f32
        %lt3A_587 = vector.broadcast %lt3A_586 : f32 to vector<16xf32>
        %lt3A_588 = arith.cmpf olt, %add3A_585, %lt3A_587 : vector<16xf32>
        %gt3A_589 = arith.constant 9.99999996E-13 : f32
        %gt3A_590 = vector.broadcast %gt3A_589 : f32 to vector<16xf32>
        %gt3A_591 = arith.cmpf ogt, %add3A_585, %gt3A_590 : vector<16xf32>
        %and3A_592 = arith.andi %lt3A_588, %gt3A_591 : vector<16xi1>
        %jit3A_593 = arith.constant 0.000000e+00 : f32
        %broadcast_in_dim3A_594 = vector.broadcast %jit3A_593 : f32 to vector<16xf32>
        %select_n3A_595 = arith.select %and3A_592, %add3A_585, %broadcast_in_dim3A_594 : vector<16xi1>, vector<16xf32>
        %add3A_596 = arith.constant 2 : i32
        %add3A_597 = arith.addi %mul3A_159, %add3A_596 : i32
        %swap3A_598 = arith.index_cast %select_n3A_109 : i32 to index
        %swap3A_599 = arith.index_cast %add3A_597 : i32 to index
        %swap3A_600 = arith.constant 32 : index
        %swap3A_601 = tpu.vector_load %arg7[%swap3A_598, %swap3A_599, %swap3A_600] {strides = array<i32>} : memref<2x16x512xf32, #tpu.memory_space<vmem>>, vector<1x1x16xf32>,
        %swap3A_602 = vector.shape_cast %swap3A_601 : vector<1x1x16xf32> to vector<16xf32>
        %swap3A_603 = vector.shape_cast %select_n3A_595 : vector<16xf32> to vector<1x1x16xf32>
        tpu.vector_store %arg7[%swap3A_598, %swap3A_599, %swap3A_600], %swap3A_603 {strides = array<i32>} : memref<2x16x512xf32, #tpu.memory_space<vmem>>, vector<1x1x16xf32>,
        %sub3A_604 = arith.subf %get3A_513, %get3A_194 : vector<16xf32>
        %sub3A_605 = arith.subf %get3A_519, %get3A_230 : vector<16xf32>
        %sub3A_606 = arith.subf %get3A_525, %get3A_266 : vector<16xf32>
        %mul3A_607 = arith.mulf %sub3A_604, %sub3A_604 : vector<16xf32>
        %mul3A_608 = arith.mulf %sub3A_605, %sub3A_605 : vector<16xf32>
        %add3A_609 = arith.addf %mul3A_607, %mul3A_608 : vector<16xf32>
        %mul3A_610 = arith.mulf %sub3A_606, %sub3A_606 : vector<16xf32>
        %add3A_611 = arith.addf %add3A_609, %mul3A_610 : vector<16xf32>
        %lt3A_612 = arith.constant 3.600000e+01 : f32
        %lt3A_613 = vector.broadcast %lt3A_612 : f32 to vector<16xf32>
        %lt3A_614 = arith.cmpf olt, %add3A_611, %lt3A_613 : vector<16xf32>
        %gt3A_615 = arith.constant 9.99999996E-13 : f32
        %gt3A_616 = vector.broadcast %gt3A_615 : f32 to vector<16xf32>
        %gt3A_617 = arith.cmpf ogt, %add3A_611, %gt3A_616 : vector<16xf32>
        %and3A_618 = arith.andi %lt3A_614, %gt3A_617 : vector<16xi1>
        %jit3A_619 = arith.constant 0.000000e+00 : f32
        %broadcast_in_dim3A_620 = vector.broadcast %jit3A_619 : f32 to vector<16xf32>
        %select_n3A_621 = arith.select %and3A_618, %add3A_611, %broadcast_in_dim3A_620 : vector<16xi1>, vector<16xf32>
        %add3A_622 = arith.constant 3 : i32
        %add3A_623 = arith.addi %mul3A_159, %add3A_622 : i32
        %swap3A_624 = arith.index_cast %select_n3A_109 : i32 to index
        %swap3A_625 = arith.index_cast %add3A_623 : i32 to index
        %swap3A_626 = arith.constant 32 : index
        %swap3A_627 = tpu.vector_load %arg7[%swap3A_624, %swap3A_625, %swap3A_626] {strides = array<i32>} : memref<2x16x512xf32, #tpu.memory_space<vmem>>, vector<1x1x16xf32>,
        %swap3A_628 = vector.shape_cast %swap3A_627 : vector<1x1x16xf32> to vector<16xf32>
        %swap3A_629 = vector.shape_cast %select_n3A_621 : vector<16xf32> to vector<1x1x16xf32>
        tpu.vector_store %arg7[%swap3A_624, %swap3A_625, %swap3A_626], %swap3A_629 {strides = array<i32>} : memref<2x16x512xf32, #tpu.memory_space<vmem>>, vector<1x1x16xf32>,
        %get3A_630 = arith.constant 0 : i32
        %get3A_631 = arith.index_cast %select_n3A_109 : i32 to index
        %get3A_632 = arith.index_cast %get3A_630 : i32 to index
        %get3A_633 = arith.constant 48 : index
        %get3A_634 = tpu.vector_load %arg5[%get3A_631, %get3A_632, %get3A_633] {strides = array<i32>} : memref<2x3x512xf32, #tpu.memory_space<vmem>>, vector<1x1x16xf32>,
        %get3A_635 = vector.shape_cast %get3A_634 : vector<1x1x16xf32> to vector<16xf32>
        %get3A_636 = arith.constant 1 : i32
        %get3A_637 = arith.index_cast %select_n3A_109 : i32 to index
        %get3A_638 = arith.index_cast %get3A_636 : i32 to index
        %get3A_639 = arith.constant 48 : index
        %get3A_640 = tpu.vector_load %arg5[%get3A_637, %get3A_638, %get3A_639] {strides = array<i32>} : memref<2x3x512xf32, #tpu.memory_space<vmem>>, vector<1x1x16xf32>,
        %get3A_641 = vector.shape_cast %get3A_640 : vector<1x1x16xf32> to vector<16xf32>
        %get3A_642 = arith.constant 2 : i32
        %get3A_643 = arith.index_cast %select_n3A_109 : i32 to index
        %get3A_644 = arith.index_cast %get3A_642 : i32 to index
        %get3A_645 = arith.constant 48 : index
        %get3A_646 = tpu.vector_load %arg5[%get3A_643, %get3A_644, %get3A_645] {strides = array<i32>} : memref<2x3x512xf32, #tpu.memory_space<vmem>>, vector<1x1x16xf32>,
        %get3A_647 = vector.shape_cast %get3A_646 : vector<1x1x16xf32> to vector<16xf32>
        %sub3A_648 = arith.subf %get3A_635, %get3A_167 : vector<16xf32>
        %sub3A_649 = arith.subf %get3A_641, %get3A_203 : vector<16xf32>
        %sub3A_650 = arith.subf %get3A_647, %get3A_239 : vector<16xf32>
        %mul3A_651 = arith.mulf %sub3A_648, %sub3A_648 : vector<16xf32>
        %mul3A_652 = arith.mulf %sub3A_649, %sub3A_649 : vector<16xf32>
        %add3A_653 = arith.addf %mul3A_651, %mul3A_652 : vector<16xf32>
        %mul3A_654 = arith.mulf %sub3A_650, %sub3A_650 : vector<16xf32>
        %add3A_655 = arith.addf %add3A_653, %mul3A_654 : vector<16xf32>
        %lt3A_656 = arith.constant 3.600000e+01 : f32
        %lt3A_657 = vector.broadcast %lt3A_656 : f32 to vector<16xf32>
        %lt3A_658 = arith.cmpf olt, %add3A_655, %lt3A_657 : vector<16xf32>
        %gt3A_659 = arith.constant 9.99999996E-13 : f32
        %gt3A_660 = vector.broadcast %gt3A_659 : f32 to vector<16xf32>
        %gt3A_661 = arith.cmpf ogt, %add3A_655, %gt3A_660 : vector<16xf32>
        %and3A_662 = arith.andi %lt3A_658, %gt3A_661 : vector<16xi1>
        %jit3A_663 = arith.constant 0.000000e+00 : f32
        %broadcast_in_dim3A_664 = vector.broadcast %jit3A_663 : f32 to vector<16xf32>
        %select_n3A_665 = arith.select %and3A_662, %add3A_655, %broadcast_in_dim3A_664 : vector<16xi1>, vector<16xf32>
        %add3A_666 = arith.constant 0 : i32
        %add3A_667 = arith.addi %mul3A_159, %add3A_666 : i32
        %swap3A_668 = arith.index_cast %select_n3A_109 : i32 to index
        %swap3A_669 = arith.index_cast %add3A_667 : i32 to index
        %swap3A_670 = arith.constant 48 : index
        %swap3A_671 = tpu.vector_load %arg7[%swap3A_668, %swap3A_669, %swap3A_670] {strides = array<i32>} : memref<2x16x512xf32, #tpu.memory_space<vmem>>, vector<1x1x16xf32>,
        %swap3A_672 = vector.shape_cast %swap3A_671 : vector<1x1x16xf32> to vector<16xf32>
        %swap3A_673 = vector.shape_cast %select_n3A_665 : vector<16xf32> to vector<1x1x16xf32>
        tpu.vector_store %arg7[%swap3A_668, %swap3A_669, %swap3A_670], %swap3A_673 {strides = array<i32>} : memref<2x16x512xf32, #tpu.memory_space<vmem>>, vector<1x1x16xf32>,
        %sub3A_674 = arith.subf %get3A_635, %get3A_176 : vector<16xf32>
        %sub3A_675 = arith.subf %get3A_641, %get3A_212 : vector<16xf32>
        %sub3A_676 = arith.subf %get3A_647, %get3A_248 : vector<16xf32>
        %mul3A_677 = arith.mulf %sub3A_674, %sub3A_674 : vector<16xf32>
        %mul3A_678 = arith.mulf %sub3A_675, %sub3A_675 : vector<16xf32>
        %add3A_679 = arith.addf %mul3A_677, %mul3A_678 : vector<16xf32>
        %mul3A_680 = arith.mulf %sub3A_676, %sub3A_676 : vector<16xf32>
        %add3A_681 = arith.addf %add3A_679, %mul3A_680 : vector<16xf32>
        %lt3A_682 = arith.constant 3.600000e+01 : f32
        %lt3A_683 = vector.broadcast %lt3A_682 : f32 to vector<16xf32>
        %lt3A_684 = arith.cmpf olt, %add3A_681, %lt3A_683 : vector<16xf32>
        %gt3A_685 = arith.constant 9.99999996E-13 : f32
        %gt3A_686 = vector.broadcast %gt3A_685 : f32 to vector<16xf32>
        %gt3A_687 = arith.cmpf ogt, %add3A_681, %gt3A_686 : vector<16xf32>
        %and3A_688 = arith.andi %lt3A_684, %gt3A_687 : vector<16xi1>
        %jit3A_689 = arith.constant 0.000000e+00 : f32
        %broadcast_in_dim3A_690 = vector.broadcast %jit3A_689 : f32 to vector<16xf32>
        %select_n3A_691 = arith.select %and3A_688, %add3A_681, %broadcast_in_dim3A_690 : vector<16xi1>, vector<16xf32>
        %add3A_692 = arith.constant 1 : i32
        %add3A_693 = arith.addi %mul3A_159, %add3A_692 : i32
        %swap3A_694 = arith.index_cast %select_n3A_109 : i32 to index
        %swap3A_695 = arith.index_cast %add3A_693 : i32 to index
        %swap3A_696 = arith.constant 48 : index
        %swap3A_697 = tpu.vector_load %arg7[%swap3A_694, %swap3A_695, %swap3A_696] {strides = array<i32>} : memref<2x16x512xf32, #tpu.memory_space<vmem>>, vector<1x1x16xf32>,
        %swap3A_698 = vector.shape_cast %swap3A_697 : vector<1x1x16xf32> to vector<16xf32>
        %swap3A_699 = vector.shape_cast %select_n3A_691 : vector<16xf32> to vector<1x1x16xf32>
        tpu.vector_store %arg7[%swap3A_694, %swap3A_695, %swap3A_696], %swap3A_699 {strides = array<i32>} : memref<2x16x512xf32, #tpu.memory_space<vmem>>, vector<1x1x16xf32>,
        %sub3A_700 = arith.subf %get3A_635, %get3A_185 : vector<16xf32>
        %sub3A_701 = arith.subf %get3A_641, %get3A_221 : vector<16xf32>
        %sub3A_702 = arith.subf %get3A_647, %get3A_257 : vector<16xf32>
        %mul3A_703 = arith.mulf %sub3A_700, %sub3A_700 : vector<16xf32>
        %mul3A_704 = arith.mulf %sub3A_701, %sub3A_701 : vector<16xf32>
        %add3A_705 = arith.addf %mul3A_703, %mul3A_704 : vector<16xf32>
        %mul3A_706 = arith.mulf %sub3A_702, %sub3A_702 : vector<16xf32>
        %add3A_707 = arith.addf %add3A_705, %mul3A_706 : vector<16xf32>
        %lt3A_708 = arith.constant 3.600000e+01 : f32
        %lt3A_709 = vector.broadcast %lt3A_708 : f32 to vector<16xf32>
        %lt3A_710 = arith.cmpf olt, %add3A_707, %lt3A_709 : vector<16xf32>
        %gt3A_711 = arith.constant 9.99999996E-13 : f32
        %gt3A_712 = vector.broadcast %gt3A_711 : f32 to vector<16xf32>
        %gt3A_713 = arith.cmpf ogt, %add3A_707, %gt3A_712 : vector<16xf32>
        %and3A_714 = arith.andi %lt3A_710, %gt3A_713 : vector<16xi1>
        %jit3A_715 = arith.constant 0.000000e+00 : f32
        %broadcast_in_dim3A_716 = vector.broadcast %jit3A_715 : f32 to vector<16xf32>
        %select_n3A_717 = arith.select %and3A_714, %add3A_707, %broadcast_in_dim3A_716 : vector<16xi1>, vector<16xf32>
        %add3A_718 = arith.constant 2 : i32
        %add3A_719 = arith.addi %mul3A_159, %add3A_718 : i32
        %swap3A_720 = arith.index_cast %select_n3A_109 : i32 to index
        %swap3A_721 = arith.index_cast %add3A_719 : i32 to index
        %swap3A_722 = arith.constant 48 : index
        %swap3A_723 = tpu.vector_load %arg7[%swap3A_720, %swap3A_721, %swap3A_722] {strides = array<i32>} : memref<2x16x512xf32, #tpu.memory_space<vmem>>, vector<1x1x16xf32>,
        %swap3A_724 = vector.shape_cast %swap3A_723 : vector<1x1x16xf32> to vector<16xf32>
        %swap3A_725 = vector.shape_cast %select_n3A_717 : vector<16xf32> to vector<1x1x16xf32>
        tpu.vector_store %arg7[%swap3A_720, %swap3A_721, %swap3A_722], %swap3A_725 {strides = array<i32>} : memref<2x16x512xf32, #tpu.memory_space<vmem>>, vector<1x1x16xf32>,
        %sub3A_726 = arith.subf %get3A_635, %get3A_194 : vector<16xf32>
        %sub3A_727 = arith.subf %get3A_641, %get3A_230 : vector<16xf32>
        %sub3A_728 = arith.subf %get3A_647, %get3A_266 : vector<16xf32>
        %mul3A_729 = arith.mulf %sub3A_726, %sub3A_726 : vector<16xf32>
        %mul3A_730 = arith.mulf %sub3A_727, %sub3A_727 : vector<16xf32>
        %add3A_731 = arith.addf %mul3A_729, %mul3A_730 : vector<16xf32>
        %mul3A_732 = arith.mulf %sub3A_728, %sub3A_728 : vector<16xf32>
        %add3A_733 = arith.addf %add3A_731, %mul3A_732 : vector<16xf32>
        %lt3A_734 = arith.constant 3.600000e+01 : f32
        %lt3A_735 = vector.broadcast %lt3A_734 : f32 to vector<16xf32>
        %lt3A_736 = arith.cmpf olt, %add3A_733, %lt3A_735 : vector<16xf32>
        %gt3A_737 = arith.constant 9.99999996E-13 : f32
        %gt3A_738 = vector.broadcast %gt3A_737 : f32 to vector<16xf32>
        %gt3A_739 = arith.cmpf ogt, %add3A_733, %gt3A_738 : vector<16xf32>
        %and3A_740 = arith.andi %lt3A_736, %gt3A_739 : vector<16xi1>
        %jit3A_741 = arith.constant 0.000000e+00 : f32
        %broadcast_in_dim3A_742 = vector.broadcast %jit3A_741 : f32 to vector<16xf32>
        %select_n3A_743 = arith.select %and3A_740, %add3A_733, %broadcast_in_dim3A_742 : vector<16xi1>, vector<16xf32>
        %add3A_744 = arith.constant 3 : i32
        %add3A_745 = arith.addi %mul3A_159, %add3A_744 : i32
        %swap3A_746 = arith.index_cast %select_n3A_109 : i32 to index
        %swap3A_747 = arith.index_cast %add3A_745 : i32 to index
        %swap3A_748 = arith.constant 48 : index
        %swap3A_749 = tpu.vector_load %arg7[%swap3A_746, %swap3A_747, %swap3A_748] {strides = array<i32>} : memref<2x16x512xf32, #tpu.memory_space<vmem>>, vector<1x1x16xf32>,
        %swap3A_750 = vector.shape_cast %swap3A_749 : vector<1x1x16xf32> to vector<16xf32>
        %swap3A_751 = vector.shape_cast %select_n3A_743 : vector<16xf32> to vector<1x1x16xf32>
        tpu.vector_store %arg7[%swap3A_746, %swap3A_747, %swap3A_748], %swap3A_751 {strides = array<i32>} : memref<2x16x512xf32, #tpu.memory_space<vmem>>, vector<1x1x16xf32>,
        %get3A_752 = arith.constant 0 : i32
        %get3A_753 = arith.index_cast %select_n3A_109 : i32 to index
        %get3A_754 = arith.index_cast %get3A_752 : i32 to index
        %get3A_755 = arith.constant 64 : index
        %get3A_756 = tpu.vector_load %arg5[%get3A_753, %get3A_754, %get3A_755] {strides = array<i32>} : memref<2x3x512xf32, #tpu.memory_space<vmem>>, vector<1x1x16xf32>,
        %get3A_757 = vector.shape_cast %get3A_756 : vector<1x1x16xf32> to vector<16xf32>
        %get3A_758 = arith.constant 1 : i32
        %get3A_759 = arith.index_cast %select_n3A_109 : i32 to index
        %get3A_760 = arith.index_cast %get3A_758 : i32 to index
        %get3A_761 = arith.constant 64 : index
        %get3A_762 = tpu.vector_load %arg5[%get3A_759, %get3A_760, %get3A_761] {strides = array<i32>} : memref<2x3x512xf32, #tpu.memory_space<vmem>>, vector<1x1x16xf32>,
        %get3A_763 = vector.shape_cast %get3A_762 : vector<1x1x16xf32> to vector<16xf32>
        %get3A_764 = arith.constant 2 : i32
        %get3A_765 = arith.index_cast %select_n3A_109 : i32 to index
        %get3A_766 = arith.index_cast %get3A_764 : i32 to index
        %get3A_767 = arith.constant 64 : index
        %get3A_768 = tpu.vector_load %arg5[%get3A_765, %get3A_766, %get3A_767] {strides = array<i32>} : memref<2x3x512xf32, #tpu.memory_space<vmem>>, vector<1x1x16xf32>,
        %get3A_769 = vector.shape_cast %get3A_768 : vector<1x1x16xf32> to vector<16xf32>
        %sub3A_770 = arith.subf %get3A_757, %get3A_167 : vector<16xf32>
        %sub3A_771 = arith.subf %get3A_763, %get3A_203 : vector<16xf32>
        %sub3A_772 = arith.subf %get3A_769, %get3A_239 : vector<16xf32>
        %mul3A_773 = arith.mulf %sub3A_770, %sub3A_770 : vector<16xf32>
        %mul3A_774 = arith.mulf %sub3A_771, %sub3A_771 : vector<16xf32>
        %add3A_775 = arith.addf %mul3A_773, %mul3A_774 : vector<16xf32>
        %mul3A_776 = arith.mulf %sub3A_772, %sub3A_772 : vector<16xf32>
        %add3A_777 = arith.addf %add3A_775, %mul3A_776 : vector<16xf32>
        %lt3A_778 = arith.constant 3.600000e+01 : f32
        %lt3A_779 = vector.broadcast %lt3A_778 : f32 to vector<16xf32>
        %lt3A_780 = arith.cmpf olt, %add3A_777, %lt3A_779 : vector<16xf32>
        %gt3A_781 = arith.constant 9.99999996E-13 : f32
        %gt3A_782 = vector.broadcast %gt3A_781 : f32 to vector<16xf32>
        %gt3A_783 = arith.cmpf ogt, %add3A_777, %gt3A_782 : vector<16xf32>
        %and3A_784 = arith.andi %lt3A_780, %gt3A_783 : vector<16xi1>
        %jit3A_785 = arith.constant 0.000000e+00 : f32
        %broadcast_in_dim3A_786 = vector.broadcast %jit3A_785 : f32 to vector<16xf32>
        %select_n3A_787 = arith.select %and3A_784, %add3A_777, %broadcast_in_dim3A_786 : vector<16xi1>, vector<16xf32>
        %add3A_788 = arith.constant 0 : i32
        %add3A_789 = arith.addi %mul3A_159, %add3A_788 : i32
        %swap3A_790 = arith.index_cast %select_n3A_109 : i32 to index
        %swap3A_791 = arith.index_cast %add3A_789 : i32 to index
        %swap3A_792 = arith.constant 64 : index
        %swap3A_793 = tpu.vector_load %arg7[%swap3A_790, %swap3A_791, %swap3A_792] {strides = array<i32>} : memref<2x16x512xf32, #tpu.memory_space<vmem>>, vector<1x1x16xf32>,
        %swap3A_794 = vector.shape_cast %swap3A_793 : vector<1x1x16xf32> to vector<16xf32>
        %swap3A_795 = vector.shape_cast %select_n3A_787 : vector<16xf32> to vector<1x1x16xf32>
        tpu.vector_store %arg7[%swap3A_790, %swap3A_791, %swap3A_792], %swap3A_795 {strides = array<i32>} : memref<2x16x512xf32, #tpu.memory_space<vmem>>, vector<1x1x16xf32>,
        %sub3A_796 = arith.subf %get3A_757, %get3A_176 : vector<16xf32>
        %sub3A_797 = arith.subf %get3A_763, %get3A_212 : vector<16xf32>
        %sub3A_798 = arith.subf %get3A_769, %get3A_248 : vector<16xf32>
        %mul3A_799 = arith.mulf %sub3A_796, %sub3A_796 : vector<16xf32>
        %mul3A_800 = arith.mulf %sub3A_797, %sub3A_797 : vector<16xf32>
        %add3A_801 = arith.addf %mul3A_799, %mul3A_800 : vector<16xf32>
        %mul3A_802 = arith.mulf %sub3A_798, %sub3A_798 : vector<16xf32>
        %add3A_803 = arith.addf %add3A_801, %mul3A_802 : vector<16xf32>
        %lt3A_804 = arith.constant 3.600000e+01 : f32
        %lt3A_805 = vector.broadcast %lt3A_804 : f32 to vector<16xf32>
        %lt3A_806 = arith.cmpf olt, %add3A_803, %lt3A_805 : vector<16xf32>
        %gt3A_807 = arith.constant 9.99999996E-13 : f32
        %gt3A_808 = vector.broadcast %gt3A_807 : f32 to vector<16xf32>
        %gt3A_809 = arith.cmpf ogt, %add3A_803, %gt3A_808 : vector<16xf32>
        %and3A_810 = arith.andi %lt3A_806, %gt3A_809 : vector<16xi1>
        %jit3A_811 = arith.constant 0.000000e+00 : f32
        %broadcast_in_dim3A_812 = vector.broadcast %jit3A_811 : f32 to vector<16xf32>
        %select_n3A_813 = arith.select %and3A_810, %add3A_803, %broadcast_in_dim3A_812 : vector<16xi1>, vector<16xf32>
        %add3A_814 = arith.constant 1 : i32
        %add3A_815 = arith.addi %mul3A_159, %add3A_814 : i32
        %swap3A_816 = arith.index_cast %select_n3A_109 : i32 to index
        %swap3A_817 = arith.index_cast %add3A_815 : i32 to index
        %swap3A_818 = arith.constant 64 : index
        %swap3A_819 = tpu.vector_load %arg7[%swap3A_816, %swap3A_817, %swap3A_818] {strides = array<i32>} : memref<2x16x512xf32, #tpu.memory_space<vmem>>, vector<1x1x16xf32>,
        %swap3A_820 = vector.shape_cast %swap3A_819 : vector<1x1x16xf32> to vector<16xf32>
        %swap3A_821 = vector.shape_cast %select_n3A_813 : vector<16xf32> to vector<1x1x16xf32>
        tpu.vector_store %arg7[%swap3A_816, %swap3A_817, %swap3A_818], %swap3A_821 {strides = array<i32>} : memref<2x16x512xf32, #tpu.memory_space<vmem>>, vector<1x1x16xf32>,
        %sub3A_822 = arith.subf %get3A_757, %get3A_185 : vector<16xf32>
        %sub3A_823 = arith.subf %get3A_763, %get3A_221 : vector<16xf32>
        %sub3A_824 = arith.subf %get3A_769, %get3A_257 : vector<16xf32>
        %mul3A_825 = arith.mulf %sub3A_822, %sub3A_822 : vector<16xf32>
        %mul3A_826 = arith.mulf %sub3A_823, %sub3A_823 : vector<16xf32>
        %add3A_827 = arith.addf %mul3A_825, %mul3A_826 : vector<16xf32>
        %mul3A_828 = arith.mulf %sub3A_824, %sub3A_824 : vector<16xf32>
        %add3A_829 = arith.addf %add3A_827, %mul3A_828 : vector<16xf32>
        %lt3A_830 = arith.constant 3.600000e+01 : f32
        %lt3A_831 = vector.broadcast %lt3A_830 : f32 to vector<16xf32>
        %lt3A_832 = arith.cmpf olt, %add3A_829, %lt3A_831 : vector<16xf32>
        %gt3A_833 = arith.constant 9.99999996E-13 : f32
        %gt3A_834 = vector.broadcast %gt3A_833 : f32 to vector<16xf32>
        %gt3A_835 = arith.cmpf ogt, %add3A_829, %gt3A_834 : vector<16xf32>
        %and3A_836 = arith.andi %lt3A_832, %gt3A_835 : vector<16xi1>
        %jit3A_837 = arith.constant 0.000000e+00 : f32
        %broadcast_in_dim3A_838 = vector.broadcast %jit3A_837 : f32 to vector<16xf32>
        %select_n3A_839 = arith.select %and3A_836, %add3A_829, %broadcast_in_dim3A_838 : vector<16xi1>, vector<16xf32>
        %add3A_840 = arith.constant 2 : i32
        %add3A_841 = arith.addi %mul3A_159, %add3A_840 : i32
        %swap3A_842 = arith.index_cast %select_n3A_109 : i32 to index
        %swap3A_843 = arith.index_cast %add3A_841 : i32 to index
        %swap3A_844 = arith.constant 64 : index
        %swap3A_845 = tpu.vector_load %arg7[%swap3A_842, %swap3A_843, %swap3A_844] {strides = array<i32>} : memref<2x16x512xf32, #tpu.memory_space<vmem>>, vector<1x1x16xf32>,
        %swap3A_846 = vector.shape_cast %swap3A_845 : vector<1x1x16xf32> to vector<16xf32>
        %swap3A_847 = vector.shape_cast %select_n3A_839 : vector<16xf32> to vector<1x1x16xf32>
        tpu.vector_store %arg7[%swap3A_842, %swap3A_843, %swap3A_844], %swap3A_847 {strides = array<i32>} : memref<2x16x512xf32, #tpu.memory_space<vmem>>, vector<1x1x16xf32>,
        %sub3A_848 = arith.subf %get3A_757, %get3A_194 : vector<16xf32>
        %sub3A_849 = arith.subf %get3A_763, %get3A_230 : vector<16xf32>
        %sub3A_850 = arith.subf %get3A_769, %get3A_266 : vector<16xf32>
        %mul3A_851 = arith.mulf %sub3A_848, %sub3A_848 : vector<16xf32>
        %mul3A_852 = arith.mulf %sub3A_849, %sub3A_849 : vector<16xf32>
        %add3A_853 = arith.addf %mul3A_851, %mul3A_852 : vector<16xf32>
        %mul3A_854 = arith.mulf %sub3A_850, %sub3A_850 : vector<16xf32>
        %add3A_855 = arith.addf %add3A_853, %mul3A_854 : vector<16xf32>
        %lt3A_856 = arith.constant 3.600000e+01 : f32
        %lt3A_857 = vector.broadcast %lt3A_856 : f32 to vector<16xf32>
        %lt3A_858 = arith.cmpf olt, %add3A_855, %lt3A_857 : vector<16xf32>
        %gt3A_859 = arith.constant 9.99999996E-13 : f32
        %gt3A_860 = vector.broadcast %gt3A_859 : f32 to vector<16xf32>
        %gt3A_861 = arith.cmpf ogt, %add3A_855, %gt3A_860 : vector<16xf32>
        %and3A_862 = arith.andi %lt3A_858, %gt3A_861 : vector<16xi1>
        %jit3A_863 = arith.constant 0.000000e+00 : f32
        %broadcast_in_dim3A_864 = vector.broadcast %jit3A_863 : f32 to vector<16xf32>
        %select_n3A_865 = arith.select %and3A_862, %add3A_855, %broadcast_in_dim3A_864 : vector<16xi1>, vector<16xf32>
        %add3A_866 = arith.constant 3 : i32
        %add3A_867 = arith.addi %mul3A_159, %add3A_866 : i32
        %swap3A_868 = arith.index_cast %select_n3A_109 : i32 to index
        %swap3A_869 = arith.index_cast %add3A_867 : i32 to index
        %swap3A_870 = arith.constant 64 : index
        %swap3A_871 = tpu.vector_load %arg7[%swap3A_868, %swap3A_869, %swap3A_870] {strides = array<i32>} : memref<2x16x512xf32, #tpu.memory_space<vmem>>, vector<1x1x16xf32>,
        %swap3A_872 = vector.shape_cast %swap3A_871 : vector<1x1x16xf32> to vector<16xf32>
        %swap3A_873 = vector.shape_cast %select_n3A_865 : vector<16xf32> to vector<1x1x16xf32>
        tpu.vector_store %arg7[%swap3A_868, %swap3A_869, %swap3A_870], %swap3A_873 {strides = array<i32>} : memref<2x16x512xf32, #tpu.memory_space<vmem>>, vector<1x1x16xf32>,
        %get3A_874 = arith.constant 0 : i32
        %get3A_875 = arith.index_cast %select_n3A_109 : i32 to index
        %get3A_876 = arith.index_cast %get3A_874 : i32 to index
        %get3A_877 = arith.constant 80 : index
        %get3A_878 = tpu.vector_load %arg5[%get3A_875, %get3A_876, %get3A_877] {strides = array<i32>} : memref<2x3x512xf32, #tpu.memory_space<vmem>>, vector<1x1x16xf32>,
        %get3A_879 = vector.shape_cast %get3A_878 : vector<1x1x16xf32> to vector<16xf32>
        %get3A_880 = arith.constant 1 : i32
        %get3A_881 = arith.index_cast %select_n3A_109 : i32 to index
        %get3A_882 = arith.index_cast %get3A_880 : i32 to index
        %get3A_883 = arith.constant 80 : index
        %get3A_884 = tpu.vector_load %arg5[%get3A_881, %get3A_882, %get3A_883] {strides = array<i32>} : memref<2x3x512xf32, #tpu.memory_space<vmem>>, vector<1x1x16xf32>,
        %get3A_885 = vector.shape_cast %get3A_884 : vector<1x1x16xf32> to vector<16xf32>
        %get3A_886 = arith.constant 2 : i32
        %get3A_887 = arith.index_cast %select_n3A_109 : i32 to index
        %get3A_888 = arith.index_cast %get3A_886 : i32 to index
        %get3A_889 = arith.constant 80 : index
        %get3A_890 = tpu.vector_load %arg5[%get3A_887, %get3A_888, %get3A_889] {strides = array<i32>} : memref<2x3x512xf32, #tpu.memory_space<vmem>>, vector<1x1x16xf32>,
        %get3A_891 = vector.shape_cast %get3A_890 : vector<1x1x16xf32> to vector<16xf32>
        %sub3A_892 = arith.subf %get3A_879, %get3A_167 : vector<16xf32>
        %sub3A_893 = arith.subf %get3A_885, %get3A_203 : vector<16xf32>
        %sub3A_894 = arith.subf %get3A_891, %get3A_239 : vector<16xf32>
        %mul3A_895 = arith.mulf %sub3A_892, %sub3A_892 : vector<16xf32>
        %mul3A_896 = arith.mulf %sub3A_893, %sub3A_893 : vector<16xf32>
        %add3A_897 = arith.addf %mul3A_895, %mul3A_896 : vector<16xf32>
        %mul3A_898 = arith.mulf %sub3A_894, %sub3A_894 : vector<16xf32>
        %add3A_899 = arith.addf %add3A_897, %mul3A_898 : vector<16xf32>
        %lt3A_900 = arith.constant 3.600000e+01 : f32
        %lt3A_901 = vector.broadcast %lt3A_900 : f32 to vector<16xf32>
        %lt3A_902 = arith.cmpf olt, %add3A_899, %lt3A_901 : vector<16xf32>
        %gt3A_903 = arith.constant 9.99999996E-13 : f32
        %gt3A_904 = vector.broadcast %gt3A_903 : f32 to vector<16xf32>
        %gt3A_905 = arith.cmpf ogt, %add3A_899, %gt3A_904 : vector<16xf32>
        %and3A_906 = arith.andi %lt3A_902, %gt3A_905 : vector<16xi1>
        %jit3A_907 = arith.constant 0.000000e+00 : f32
        %broadcast_in_dim3A_908 = vector.broadcast %jit3A_907 : f32 to vector<16xf32>
        %select_n3A_909 = arith.select %and3A_906, %add3A_899, %broadcast_in_dim3A_908 : vector<16xi1>, vector<16xf32>
        %add3A_910 = arith.constant 0 : i32
        %add3A_911 = arith.addi %mul3A_159, %add3A_910 : i32
        %swap3A_912 = arith.index_cast %select_n3A_109 : i32 to index
        %swap3A_913 = arith.index_cast %add3A_911 : i32 to index
        %swap3A_914 = arith.constant 80 : index
        %swap3A_915 = tpu.vector_load %arg7[%swap3A_912, %swap3A_913, %swap3A_914] {strides = array<i32>} : memref<2x16x512xf32, #tpu.memory_space<vmem>>, vector<1x1x16xf32>,
        %swap3A_916 = vector.shape_cast %swap3A_915 : vector<1x1x16xf32> to vector<16xf32>
        %swap3A_917 = vector.shape_cast %select_n3A_909 : vector<16xf32> to vector<1x1x16xf32>
        tpu.vector_store %arg7[%swap3A_912, %swap3A_913, %swap3A_914], %swap3A_917 {strides = array<i32>} : memref<2x16x512xf32, #tpu.memory_space<vmem>>, vector<1x1x16xf32>,
        %sub3A_918 = arith.subf %get3A_879, %get3A_176 : vector<16xf32>
        %sub3A_919 = arith.subf %get3A_885, %get3A_212 : vector<16xf32>
        %sub3A_920 = arith.subf %get3A_891, %get3A_248 : vector<16xf32>
        %mul3A_921 = arith.mulf %sub3A_918, %sub3A_918 : vector<16xf32>
        %mul3A_922 = arith.mulf %sub3A_919, %sub3A_919 : vector<16xf32>
        %add3A_923 = arith.addf %mul3A_921, %mul3A_922 : vector<16xf32>
        %mul3A_924 = arith.mulf %sub3A_920, %sub3A_920 : vector<16xf32>
        %add3A_925 = arith.addf %add3A_923, %mul3A_924 : vector<16xf32>
        %lt3A_926 = arith.constant 3.600000e+01 : f32
        %lt3A_927 = vector.broadcast %lt3A_926 : f32 to vector<16xf32>
        %lt3A_928 = arith.cmpf olt, %add3A_925, %lt3A_927 : vector<16xf32>
        %gt3A_929 = arith.constant 9.99999996E-13 : f32
        %gt3A_930 = vector.broadcast %gt3A_929 : f32 to vector<16xf32>
        %gt3A_931 = arith.cmpf ogt, %add3A_925, %gt3A_930 : vector<16xf32>
        %and3A_932 = arith.andi %lt3A_928, %gt3A_931 : vector<16xi1>
        %jit3A_933 = arith.constant 0.000000e+00 : f32
        %broadcast_in_dim3A_934 = vector.broadcast %jit3A_933 : f32 to vector<16xf32>
        %select_n3A_935 = arith.select %and3A_932, %add3A_925, %broadcast_in_dim3A_934 : vector<16xi1>, vector<16xf32>
        %add3A_936 = arith.constant 1 : i32
        %add3A_937 = arith.addi %mul3A_159, %add3A_936 : i32
        %swap3A_938 = arith.index_cast %select_n3A_109 : i32 to index
        %swap3A_939 = arith.index_cast %add3A_937 : i32 to index
        %swap3A_940 = arith.constant 80 : index
        %swap3A_941 = tpu.vector_load %arg7[%swap3A_938, %swap3A_939, %swap3A_940] {strides = array<i32>} : memref<2x16x512xf32, #tpu.memory_space<vmem>>, vector<1x1x16xf32>,
        %swap3A_942 = vector.shape_cast %swap3A_941 : vector<1x1x16xf32> to vector<16xf32>
        %swap3A_943 = vector.shape_cast %select_n3A_935 : vector<16xf32> to vector<1x1x16xf32>
        tpu.vector_store %arg7[%swap3A_938, %swap3A_939, %swap3A_940], %swap3A_943 {strides = array<i32>} : memref<2x16x512xf32, #tpu.memory_space<vmem>>, vector<1x1x16xf32>,
        %sub3A_944 = arith.subf %get3A_879, %get3A_185 : vector<16xf32>
        %sub3A_945 = arith.subf %get3A_885, %get3A_221 : vector<16xf32>
        %sub3A_946 = arith.subf %get3A_891, %get3A_257 : vector<16xf32>
        %mul3A_947 = arith.mulf %sub3A_944, %sub3A_944 : vector<16xf32>
        %mul3A_948 = arith.mulf %sub3A_945, %sub3A_945 : vector<16xf32>
        %add3A_949 = arith.addf %mul3A_947, %mul3A_948 : vector<16xf32>
        %mul3A_950 = arith.mulf %sub3A_946, %sub3A_946 : vector<16xf32>
        %add3A_951 = arith.addf %add3A_949, %mul3A_950 : vector<16xf32>
        %lt3A_952 = arith.constant 3.600000e+01 : f32
        %lt3A_953 = vector.broadcast %lt3A_952 : f32 to vector<16xf32>
        %lt3A_954 = arith.cmpf olt, %add3A_951, %lt3A_953 : vector<16xf32>
        %gt3A_955 = arith.constant 9.99999996E-13 : f32
        %gt3A_956 = vector.broadcast %gt3A_955 : f32 to vector<16xf32>
        %gt3A_957 = arith.cmpf ogt, %add3A_951, %gt3A_956 : vector<16xf32>
        %and3A_958 = arith.andi %lt3A_954, %gt3A_957 : vector<16xi1>
        %jit3A_959 = arith.constant 0.000000e+00 : f32
        %broadcast_in_dim3A_960 = vector.broadcast %jit3A_959 : f32 to vector<16xf32>
        %select_n3A_961 = arith.select %and3A_958, %add3A_951, %broadcast_in_dim3A_960 : vector<16xi1>, vector<16xf32>
        %add3A_962 = arith.constant 2 : i32
        %add3A_963 = arith.addi %mul3A_159, %add3A_962 : i32
        %swap3A_964 = arith.index_cast %select_n3A_109 : i32 to index
        %swap3A_965 = arith.index_cast %add3A_963 : i32 to index
        %swap3A_966 = arith.constant 80 : index
        %swap3A_967 = tpu.vector_load %arg7[%swap3A_964, %swap3A_965, %swap3A_966] {strides = array<i32>} : memref<2x16x512xf32, #tpu.memory_space<vmem>>, vector<1x1x16xf32>,
        %swap3A_968 = vector.shape_cast %swap3A_967 : vector<1x1x16xf32> to vector<16xf32>
        %swap3A_969 = vector.shape_cast %select_n3A_961 : vector<16xf32> to vector<1x1x16xf32>
        tpu.vector_store %arg7[%swap3A_964, %swap3A_965, %swap3A_966], %swap3A_969 {strides = array<i32>} : memref<2x16x512xf32, #tpu.memory_space<vmem>>, vector<1x1x16xf32>,
        %sub3A_970 = arith.subf %get3A_879, %get3A_194 : vector<16xf32>
        %sub3A_971 = arith.subf %get3A_885, %get3A_230 : vector<16xf32>
        %sub3A_972 = arith.subf %get3A_891, %get3A_266 : vector<16xf32>
        %mul3A_973 = arith.mulf %sub3A_970, %sub3A_970 : vector<16xf32>
        %mul3A_974 = arith.mulf %sub3A_971, %sub3A_971 : vector<16xf32>
        %add3A_975 = arith.addf %mul3A_973, %mul3A_974 : vector<16xf32>
        %mul3A_976 = arith.mulf %sub3A_972, %sub3A_972 : vector<16xf32>
        %add3A_977 = arith.addf %add3A_975, %mul3A_976 : vector<16xf32>
        %lt3A_978 = arith.constant 3.600000e+01 : f32
        %lt3A_979 = vector.broadcast %lt3A_978 : f32 to vector<16xf32>
        %lt3A_980 = arith.cmpf olt, %add3A_977, %lt3A_979 : vector<16xf32>
        %gt3A_981 = arith.constant 9.99999996E-13 : f32
        %gt3A_982 = vector.broadcast %gt3A_981 : f32 to vector<16xf32>
        %gt3A_983 = arith.cmpf ogt, %add3A_977, %gt3A_982 : vector<16xf32>
        %and3A_984 = arith.andi %lt3A_980, %gt3A_983 : vector<16xi1>
        %jit3A_985 = arith.constant 0.000000e+00 : f32
        %broadcast_in_dim3A_986 = vector.broadcast %jit3A_985 : f32 to vector<16xf32>
        %select_n3A_987 = arith.select %and3A_984, %add3A_977, %broadcast_in_dim3A_986 : vector<16xi1>, vector<16xf32>
        %add3A_988 = arith.constant 3 : i32
        %add3A_989 = arith.addi %mul3A_159, %add3A_988 : i32
        %swap3A_990 = arith.index_cast %select_n3A_109 : i32 to index
        %swap3A_991 = arith.index_cast %add3A_989 : i32 to index
        %swap3A_992 = arith.constant 80 : index
        %swap3A_993 = tpu.vector_load %arg7[%swap3A_990, %swap3A_991, %swap3A_992] {strides = array<i32>} : memref<2x16x512xf32, #tpu.memory_space<vmem>>, vector<1x1x16xf32>,
        %swap3A_994 = vector.shape_cast %swap3A_993 : vector<1x1x16xf32> to vector<16xf32>
        %swap3A_995 = vector.shape_cast %select_n3A_987 : vector<16xf32> to vector<1x1x16xf32>
        tpu.vector_store %arg7[%swap3A_990, %swap3A_991, %swap3A_992], %swap3A_995 {strides = array<i32>} : memref<2x16x512xf32, #tpu.memory_space<vmem>>, vector<1x1x16xf32>,
        %get3A_996 = arith.constant 0 : i32
        %get3A_997 = arith.index_cast %select_n3A_109 : i32 to index
        %get3A_998 = arith.index_cast %get3A_996 : i32 to index
        %get3A_999 = arith.constant 96 : index
        %get3A_1000 = tpu.vector_load %arg5[%get3A_997, %get3A_998, %get3A_999] {strides = array<i32>} : memref<2x3x512xf32, #tpu.memory_space<vmem>>, vector<1x1x16xf32>,
        %get3A_1001 = vector.shape_cast %get3A_1000 : vector<1x1x16xf32> to vector<16xf32>
        %get3A_1002 = arith.constant 1 : i32
        %get3A_1003 = arith.index_cast %select_n3A_109 : i32 to index
        %get3A_1004 = arith.index_cast %get3A_1002 : i32 to index
        %get3A_1005 = arith.constant 96 : index
        %get3A_1006 = tpu.vector_load %arg5[%get3A_1003, %get3A_1004, %get3A_1005] {strides = array<i32>} : memref<2x3x512xf32, #tpu.memory_space<vmem>>, vector<1x1x16xf32>,
        %get3A_1007 = vector.shape_cast %get3A_1006 : vector<1x1x16xf32> to vector<16xf32>
        %get3A_1008 = arith.constant 2 : i32
        %get3A_1009 = arith.index_cast %select_n3A_109 : i32 to index
        %get3A_1010 = arith.index_cast %get3A_1008 : i32 to index
        %get3A_1011 = arith.constant 96 : index
        %get3A_1012 = tpu.vector_load %arg5[%get3A_1009, %get3A_1010, %get3A_1011] {strides = array<i32>} : memref<2x3x512xf32, #tpu.memory_space<vmem>>, vector<1x1x16xf32>,
        %get3A_1013 = vector.shape_cast %get3A_1012 : vector<1x1x16xf32> to vector<16xf32>
        %sub3A_1014 = arith.subf %get3A_1001, %get3A_167 : vector<16xf32>
        %sub3A_1015 = arith.subf %get3A_1007, %get3A_203 : vector<16xf32>
        %sub3A_1016 = arith.subf %get3A_1013, %get3A_239 : vector<16xf32>
        %mul3A_1017 = arith.mulf %sub3A_1014, %sub3A_1014 : vector<16xf32>
        %mul3A_1018 = arith.mulf %sub3A_1015, %sub3A_1015 : vector<16xf32>
        %add3A_1019 = arith.addf %mul3A_1017, %mul3A_1018 : vector<16xf32>
        %mul3A_1020 = arith.mulf %sub3A_1016, %sub3A_1016 : vector<16xf32>
        %add3A_1021 = arith.addf %add3A_1019, %mul3A_1020 : vector<16xf32>
        %lt3A_1022 = arith.constant 3.600000e+01 : f32
        %lt3A_1023 = vector.broadcast %lt3A_1022 : f32 to vector<16xf32>
        %lt3A_1024 = arith.cmpf olt, %add3A_1021, %lt3A_1023 : vector<16xf32>
        %gt3A_1025 = arith.constant 9.99999996E-13 : f32
        %gt3A_1026 = vector.broadcast %gt3A_1025 : f32 to vector<16xf32>
        %gt3A_1027 = arith.cmpf ogt, %add3A_1021, %gt3A_1026 : vector<16xf32>
        %and3A_1028 = arith.andi %lt3A_1024, %gt3A_1027 : vector<16xi1>
        %jit3A_1029 = arith.constant 0.000000e+00 : f32
        %broadcast_in_dim3A_1030 = vector.broadcast %jit3A_1029 : f32 to vector<16xf32>
        %select_n3A_1031 = arith.select %and3A_1028, %add3A_1021, %broadcast_in_dim3A_1030 : vector<16xi1>, vector<16xf32>
        %add3A_1032 = arith.constant 0 : i32
        %add3A_1033 = arith.addi %mul3A_159, %add3A_1032 : i32
        %swap3A_1034 = arith.index_cast %select_n3A_109 : i32 to index
        %swap3A_1035 = arith.index_cast %add3A_1033 : i32 to index
        %swap3A_1036 = arith.constant 96 : index
        %swap3A_1037 = tpu.vector_load %arg7[%swap3A_1034, %swap3A_1035, %swap3A_1036] {strides = array<i32>} : memref<2x16x512xf32, #tpu.memory_space<vmem>>, vector<1x1x16xf32>,
        %swap3A_1038 = vector.shape_cast %swap3A_1037 : vector<1x1x16xf32> to vector<16xf32>
        %swap3A_1039 = vector.shape_cast %select_n3A_1031 : vector<16xf32> to vector<1x1x16xf32>
        tpu.vector_store %arg7[%swap3A_1034, %swap3A_1035, %swap3A_1036], %swap3A_1039 {strides = array<i32>} : memref<2x16x512xf32, #tpu.memory_space<vmem>>, vector<1x1x16xf32>,
        %sub3A_1040 = arith.subf %get3A_1001, %get3A_176 : vector<16xf32>
        %sub3A_1041 = arith.subf %get3A_1007, %get3A_212 : vector<16xf32>
        %sub3A_1042 = arith.subf %get3A_1013, %get3A_248 : vector<16xf32>
        %mul3A_1043 = arith.mulf %sub3A_1040, %sub3A_1040 : vector<16xf32>
        %mul3A_1044 = arith.mulf %sub3A_1041, %sub3A_1041 : vector<16xf32>
        %add3A_1045 = arith.addf %mul3A_1043, %mul3A_1044 : vector<16xf32>
        %mul3A_1046 = arith.mulf %sub3A_1042, %sub3A_1042 : vector<16xf32>
        %add3A_1047 = arith.addf %add3A_1045, %mul3A_1046 : vector<16xf32>
        %lt3A_1048 = arith.constant 3.600000e+01 : f32
        %lt3A_1049 = vector.broadcast %lt3A_1048 : f32 to vector<16xf32>
        %lt3A_1050 = arith.cmpf olt, %add3A_1047, %lt3A_1049 : vector<16xf32>
        %gt3A_1051 = arith.constant 9.99999996E-13 : f32
        %gt3A_1052 = vector.broadcast %gt3A_1051 : f32 to vector<16xf32>
        %gt3A_1053 = arith.cmpf ogt, %add3A_1047, %gt3A_1052 : vector<16xf32>
        %and3A_1054 = arith.andi %lt3A_1050, %gt3A_1053 : vector<16xi1>
        %jit3A_1055 = arith.constant 0.000000e+00 : f32
        %broadcast_in_dim3A_1056 = vector.broadcast %jit3A_1055 : f32 to vector<16xf32>
        %select_n3A_1057 = arith.select %and3A_1054, %add3A_1047, %broadcast_in_dim3A_1056 : vector<16xi1>, vector<16xf32>
        %add3A_1058 = arith.constant 1 : i32
        %add3A_1059 = arith.addi %mul3A_159, %add3A_1058 : i32
        %swap3A_1060 = arith.index_cast %select_n3A_109 : i32 to index
        %swap3A_1061 = arith.index_cast %add3A_1059 : i32 to index
        %swap3A_1062 = arith.constant 96 : index
        %swap3A_1063 = tpu.vector_load %arg7[%swap3A_1060, %swap3A_1061, %swap3A_1062] {strides = array<i32>} : memref<2x16x512xf32, #tpu.memory_space<vmem>>, vector<1x1x16xf32>,
        %swap3A_1064 = vector.shape_cast %swap3A_1063 : vector<1x1x16xf32> to vector<16xf32>
        %swap3A_1065 = vector.shape_cast %select_n3A_1057 : vector<16xf32> to vector<1x1x16xf32>
        tpu.vector_store %arg7[%swap3A_1060, %swap3A_1061, %swap3A_1062], %swap3A_1065 {strides = array<i32>} : memref<2x16x512xf32, #tpu.memory_space<vmem>>, vector<1x1x16xf32>,
        %sub3A_1066 = arith.subf %get3A_1001, %get3A_185 : vector<16xf32>
        %sub3A_1067 = arith.subf %get3A_1007, %get3A_221 : vector<16xf32>
        %sub3A_1068 = arith.subf %get3A_1013, %get3A_257 : vector<16xf32>
        %mul3A_1069 = arith.mulf %sub3A_1066, %sub3A_1066 : vector<16xf32>
        %mul3A_1070 = arith.mulf %sub3A_1067, %sub3A_1067 : vector<16xf32>
        %add3A_1071 = arith.addf %mul3A_1069, %mul3A_1070 : vector<16xf32>
        %mul3A_1072 = arith.mulf %sub3A_1068, %sub3A_1068 : vector<16xf32>
        %add3A_1073 = arith.addf %add3A_1071, %mul3A_1072 : vector<16xf32>
        %lt3A_1074 = arith.constant 3.600000e+01 : f32
        %lt3A_1075 = vector.broadcast %lt3A_1074 : f32 to vector<16xf32>
        %lt3A_1076 = arith.cmpf olt, %add3A_1073, %lt3A_1075 : vector<16xf32>
        %gt3A_1077 = arith.constant 9.99999996E-13 : f32
        %gt3A_1078 = vector.broadcast %gt3A_1077 : f32 to vector<16xf32>
        %gt3A_1079 = arith.cmpf ogt, %add3A_1073, %gt3A_1078 : vector<16xf32>
        %and3A_1080 = arith.andi %lt3A_1076, %gt3A_1079 : vector<16xi1>
        %jit3A_1081 = arith.constant 0.000000e+00 : f32
        %broadcast_in_dim3A_1082 = vector.broadcast %jit3A_1081 : f32 to vector<16xf32>
        %select_n3A_1083 = arith.select %and3A_1080, %add3A_1073, %broadcast_in_dim3A_1082 : vector<16xi1>, vector<16xf32>
        %add3A_1084 = arith.constant 2 : i32
        %add3A_1085 = arith.addi %mul3A_159, %add3A_1084 : i32
        %swap3A_1086 = arith.index_cast %select_n3A_109 : i32 to index
        %swap3A_1087 = arith.index_cast %add3A_1085 : i32 to index
        %swap3A_1088 = arith.constant 96 : index
        %swap3A_1089 = tpu.vector_load %arg7[%swap3A_1086, %swap3A_1087, %swap3A_1088] {strides = array<i32>} : memref<2x16x512xf32, #tpu.memory_space<vmem>>, vector<1x1x16xf32>,
        %swap3A_1090 = vector.shape_cast %swap3A_1089 : vector<1x1x16xf32> to vector<16xf32>
        %swap3A_1091 = vector.shape_cast %select_n3A_1083 : vector<16xf32> to vector<1x1x16xf32>
        tpu.vector_store %arg7[%swap3A_1086, %swap3A_1087, %swap3A_1088], %swap3A_1091 {strides = array<i32>} : memref<2x16x512xf32, #tpu.memory_space<vmem>>, vector<1x1x16xf32>,
        %sub3A_1092 = arith.subf %get3A_1001, %get3A_194 : vector<16xf32>
        %sub3A_1093 = arith.subf %get3A_1007, %get3A_230 : vector<16xf32>
        %sub3A_1094 = arith.subf %get3A_1013, %get3A_266 : vector<16xf32>
        %mul3A_1095 = arith.mulf %sub3A_1092, %sub3A_1092 : vector<16xf32>
        %mul3A_1096 = arith.mulf %sub3A_1093, %sub3A_1093 : vector<16xf32>
        %add3A_1097 = arith.addf %mul3A_1095, %mul3A_1096 : vector<16xf32>
        %mul3A_1098 = arith.mulf %sub3A_1094, %sub3A_1094 : vector<16xf32>
        %add3A_1099 = arith.addf %add3A_1097, %mul3A_1098 : vector<16xf32>
        %lt3A_1100 = arith.constant 3.600000e+01 : f32
        %lt3A_1101 = vector.broadcast %lt3A_1100 : f32 to vector<16xf32>
        %lt3A_1102 = arith.cmpf olt, %add3A_1099, %lt3A_1101 : vector<16xf32>
        %gt3A_1103 = arith.constant 9.99999996E-13 : f32
        %gt3A_1104 = vector.broadcast %gt3A_1103 : f32 to vector<16xf32>
        %gt3A_1105 = arith.cmpf ogt, %add3A_1099, %gt3A_1104 : vector<16xf32>
        %and3A_1106 = arith.andi %lt3A_1102, %gt3A_1105 : vector<16xi1>
        %jit3A_1107 = arith.constant 0.000000e+00 : f32
        %broadcast_in_dim3A_1108 = vector.broadcast %jit3A_1107 : f32 to vector<16xf32>
        %select_n3A_1109 = arith.select %and3A_1106, %add3A_1099, %broadcast_in_dim3A_1108 : vector<16xi1>, vector<16xf32>
        %add3A_1110 = arith.constant 3 : i32
        %add3A_1111 = arith.addi %mul3A_159, %add3A_1110 : i32
        %swap3A_1112 = arith.index_cast %select_n3A_109 : i32 to index
        %swap3A_1113 = arith.index_cast %add3A_1111 : i32 to index
        %swap3A_1114 = arith.constant 96 : index
        %swap3A_1115 = tpu.vector_load %arg7[%swap3A_1112, %swap3A_1113, %swap3A_1114] {strides = array<i32>} : memref<2x16x512xf32, #tpu.memory_space<vmem>>, vector<1x1x16xf32>,
        %swap3A_1116 = vector.shape_cast %swap3A_1115 : vector<1x1x16xf32> to vector<16xf32>
        %swap3A_1117 = vector.shape_cast %select_n3A_1109 : vector<16xf32> to vector<1x1x16xf32>
        tpu.vector_store %arg7[%swap3A_1112, %swap3A_1113, %swap3A_1114], %swap3A_1117 {strides = array<i32>} : memref<2x16x512xf32, #tpu.memory_space<vmem>>, vector<1x1x16xf32>,
        %get3A_1118 = arith.constant 0 : i32
        %get3A_1119 = arith.index_cast %select_n3A_109 : i32 to index
        %get3A_1120 = arith.index_cast %get3A_1118 : i32 to index
        %get3A_1121 = arith.constant 112 : index
        %get3A_1122 = tpu.vector_load %arg5[%get3A_1119, %get3A_1120, %get3A_1121] {strides = array<i32>} : memref<2x3x512xf32, #tpu.memory_space<vmem>>, vector<1x1x16xf32>,
        %get3A_1123 = vector.shape_cast %get3A_1122 : vector<1x1x16xf32> to vector<16xf32>
        %get3A_1124 = arith.constant 1 : i32
        %get3A_1125 = arith.index_cast %select_n3A_109 : i32 to index
        %get3A_1126 = arith.index_cast %get3A_1124 : i32 to index
        %get3A_1127 = arith.constant 112 : index
        %get3A_1128 = tpu.vector_load %arg5[%get3A_1125, %get3A_1126, %get3A_1127] {strides = array<i32>} : memref<2x3x512xf32, #tpu.memory_space<vmem>>, vector<1x1x16xf32>,
        %get3A_1129 = vector.shape_cast %get3A_1128 : vector<1x1x16xf32> to vector<16xf32>
        %get3A_1130 = arith.constant 2 : i32
        %get3A_1131 = arith.index_cast %select_n3A_109 : i32 to index
        %get3A_1132 = arith.index_cast %get3A_1130 : i32 to index
        %get3A_1133 = arith.constant 112 : index
        %get3A_1134 = tpu.vector_load %arg5[%get3A_1131, %get3A_1132, %get3A_1133] {strides = array<i32>} : memref<2x3x512xf32, #tpu.memory_space<vmem>>, vector<1x1x16xf32>,
        %get3A_1135 = vector.shape_cast %get3A_1134 : vector<1x1x16xf32> to vector<16xf32>
        %sub3A_1136 = arith.subf %get3A_1123, %get3A_167 : vector<16xf32>
        %sub3A_1137 = arith.subf %get3A_1129, %get3A_203 : vector<16xf32>
        %sub3A_1138 = arith.subf %get3A_1135, %get3A_239 : vector<16xf32>
        %mul3A_1139 = arith.mulf %sub3A_1136, %sub3A_1136 : vector<16xf32>
        %mul3A_1140 = arith.mulf %sub3A_1137, %sub3A_1137 : vector<16xf32>
        %add3A_1141 = arith.addf %mul3A_1139, %mul3A_1140 : vector<16xf32>
        %mul3A_1142 = arith.mulf %sub3A_1138, %sub3A_1138 : vector<16xf32>
        %add3A_1143 = arith.addf %add3A_1141, %mul3A_1142 : vector<16xf32>
        %lt3A_1144 = arith.constant 3.600000e+01 : f32
        %lt3A_1145 = vector.broadcast %lt3A_1144 : f32 to vector<16xf32>
        %lt3A_1146 = arith.cmpf olt, %add3A_1143, %lt3A_1145 : vector<16xf32>
        %gt3A_1147 = arith.constant 9.99999996E-13 : f32
        %gt3A_1148 = vector.broadcast %gt3A_1147 : f32 to vector<16xf32>
        %gt3A_1149 = arith.cmpf ogt, %add3A_1143, %gt3A_1148 : vector<16xf32>
        %and3A_1150 = arith.andi %lt3A_1146, %gt3A_1149 : vector<16xi1>
        %jit3A_1151 = arith.constant 0.000000e+00 : f32
        %broadcast_in_dim3A_1152 = vector.broadcast %jit3A_1151 : f32 to vector<16xf32>
        %select_n3A_1153 = arith.select %and3A_1150, %add3A_1143, %broadcast_in_dim3A_1152 : vector<16xi1>, vector<16xf32>
        %add3A_1154 = arith.constant 0 : i32
        %add3A_1155 = arith.addi %mul3A_159, %add3A_1154 : i32
        %swap3A_1156 = arith.index_cast %select_n3A_109 : i32 to index
        %swap3A_1157 = arith.index_cast %add3A_1155 : i32 to index
        %swap3A_1158 = arith.constant 112 : index
        %swap3A_1159 = tpu.vector_load %arg7[%swap3A_1156, %swap3A_1157, %swap3A_1158] {strides = array<i32>} : memref<2x16x512xf32, #tpu.memory_space<vmem>>, vector<1x1x16xf32>,
        %swap3A_1160 = vector.shape_cast %swap3A_1159 : vector<1x1x16xf32> to vector<16xf32>
        %swap3A_1161 = vector.shape_cast %select_n3A_1153 : vector<16xf32> to vector<1x1x16xf32>
        tpu.vector_store %arg7[%swap3A_1156, %swap3A_1157, %swap3A_1158], %swap3A_1161 {strides = array<i32>} : memref<2x16x512xf32, #tpu.memory_space<vmem>>, vector<1x1x16xf32>,
        %sub3A_1162 = arith.subf %get3A_1123, %get3A_176 : vector<16xf32>
        %sub3A_1163 = arith.subf %get3A_1129, %get3A_212 : vector<16xf32>
        %sub3A_1164 = arith.subf %get3A_1135, %get3A_248 : vector<16xf32>
        %mul3A_1165 = arith.mulf %sub3A_1162, %sub3A_1162 : vector<16xf32>
        %mul3A_1166 = arith.mulf %sub3A_1163, %sub3A_1163 : vector<16xf32>
        %add3A_1167 = arith.addf %mul3A_1165, %mul3A_1166 : vector<16xf32>
        %mul3A_1168 = arith.mulf %sub3A_1164, %sub3A_1164 : vector<16xf32>
        %add3A_1169 = arith.addf %add3A_1167, %mul3A_1168 : vector<16xf32>
        %lt3A_1170 = arith.constant 3.600000e+01 : f32
        %lt3A_1171 = vector.broadcast %lt3A_1170 : f32 to vector<16xf32>
        %lt3A_1172 = arith.cmpf olt, %add3A_1169, %lt3A_1171 : vector<16xf32>
        %gt3A_1173 = arith.constant 9.99999996E-13 : f32
        %gt3A_1174 = vector.broadcast %gt3A_1173 : f32 to vector<16xf32>
        %gt3A_1175 = arith.cmpf ogt, %add3A_1169, %gt3A_1174 : vector<16xf32>
        %and3A_1176 = arith.andi %lt3A_1172, %gt3A_1175 : vector<16xi1>
        %jit3A_1177 = arith.constant 0.000000e+00 : f32
        %broadcast_in_dim3A_1178 = vector.broadcast %jit3A_1177 : f32 to vector<16xf32>
        %select_n3A_1179 = arith.select %and3A_1176, %add3A_1169, %broadcast_in_dim3A_1178 : vector<16xi1>, vector<16xf32>
        %add3A_1180 = arith.constant 1 : i32
        %add3A_1181 = arith.addi %mul3A_159, %add3A_1180 : i32
        %swap3A_1182 = arith.index_cast %select_n3A_109 : i32 to index
        %swap3A_1183 = arith.index_cast %add3A_1181 : i32 to index
        %swap3A_1184 = arith.constant 112 : index
        %swap3A_1185 = tpu.vector_load %arg7[%swap3A_1182, %swap3A_1183, %swap3A_1184] {strides = array<i32>} : memref<2x16x512xf32, #tpu.memory_space<vmem>>, vector<1x1x16xf32>,
        %swap3A_1186 = vector.shape_cast %swap3A_1185 : vector<1x1x16xf32> to vector<16xf32>
        %swap3A_1187 = vector.shape_cast %select_n3A_1179 : vector<16xf32> to vector<1x1x16xf32>
        tpu.vector_store %arg7[%swap3A_1182, %swap3A_1183, %swap3A_1184], %swap3A_1187 {strides = array<i32>} : memref<2x16x512xf32, #tpu.memory_space<vmem>>, vector<1x1x16xf32>,
        %sub3A_1188 = arith.subf %get3A_1123, %get3A_185 : vector<16xf32>
        %sub3A_1189 = arith.subf %get3A_1129, %get3A_221 : vector<16xf32>
        %sub3A_1190 = arith.subf %get3A_1135, %get3A_257 : vector<16xf32>
        %mul3A_1191 = arith.mulf %sub3A_1188, %sub3A_1188 : vector<16xf32>
        %mul3A_1192 = arith.mulf %sub3A_1189, %sub3A_1189 : vector<16xf32>
        %add3A_1193 = arith.addf %mul3A_1191, %mul3A_1192 : vector<16xf32>
        %mul3A_1194 = arith.mulf %sub3A_1190, %sub3A_1190 : vector<16xf32>
        %add3A_1195 = arith.addf %add3A_1193, %mul3A_1194 : vector<16xf32>
        %lt3A_1196 = arith.constant 3.600000e+01 : f32
        %lt3A_1197 = vector.broadcast %lt3A_1196 : f32 to vector<16xf32>
        %lt3A_1198 = arith.cmpf olt, %add3A_1195, %lt3A_1197 : vector<16xf32>
        %gt3A_1199 = arith.constant 9.99999996E-13 : f32
        %gt3A_1200 = vector.broadcast %gt3A_1199 : f32 to vector<16xf32>
        %gt3A_1201 = arith.cmpf ogt, %add3A_1195, %gt3A_1200 : vector<16xf32>
        %and3A_1202 = arith.andi %lt3A_1198, %gt3A_1201 : vector<16xi1>
        %jit3A_1203 = arith.constant 0.000000e+00 : f32
        %broadcast_in_dim3A_1204 = vector.broadcast %jit3A_1203 : f32 to vector<16xf32>
        %select_n3A_1205 = arith.select %and3A_1202, %add3A_1195, %broadcast_in_dim3A_1204 : vector<16xi1>, vector<16xf32>
        %add3A_1206 = arith.constant 2 : i32
        %add3A_1207 = arith.addi %mul3A_159, %add3A_1206 : i32
        %swap3A_1208 = arith.index_cast %select_n3A_109 : i32 to index
        %swap3A_1209 = arith.index_cast %add3A_1207 : i32 to index
        %swap3A_1210 = arith.constant 112 : index
        %swap3A_1211 = tpu.vector_load %arg7[%swap3A_1208, %swap3A_1209, %swap3A_1210] {strides = array<i32>} : memref<2x16x512xf32, #tpu.memory_space<vmem>>, vector<1x1x16xf32>,
        %swap3A_1212 = vector.shape_cast %swap3A_1211 : vector<1x1x16xf32> to vector<16xf32>
        %swap3A_1213 = vector.shape_cast %select_n3A_1205 : vector<16xf32> to vector<1x1x16xf32>
        tpu.vector_store %arg7[%swap3A_1208, %swap3A_1209, %swap3A_1210], %swap3A_1213 {strides = array<i32>} : memref<2x16x512xf32, #tpu.memory_space<vmem>>, vector<1x1x16xf32>,
        %sub3A_1214 = arith.subf %get3A_1123, %get3A_194 : vector<16xf32>
        %sub3A_1215 = arith.subf %get3A_1129, %get3A_230 : vector<16xf32>
        %sub3A_1216 = arith.subf %get3A_1135, %get3A_266 : vector<16xf32>
        %mul3A_1217 = arith.mulf %sub3A_1214, %sub3A_1214 : vector<16xf32>
        %mul3A_1218 = arith.mulf %sub3A_1215, %sub3A_1215 : vector<16xf32>
        %add3A_1219 = arith.addf %mul3A_1217, %mul3A_1218 : vector<16xf32>
        %mul3A_1220 = arith.mulf %sub3A_1216, %sub3A_1216 : vector<16xf32>
        %add3A_1221 = arith.addf %add3A_1219, %mul3A_1220 : vector<16xf32>
        %lt3A_1222 = arith.constant 3.600000e+01 : f32
        %lt3A_1223 = vector.broadcast %lt3A_1222 : f32 to vector<16xf32>
        %lt3A_1224 = arith.cmpf olt, %add3A_1221, %lt3A_1223 : vector<16xf32>
        %gt3A_1225 = arith.constant 9.99999996E-13 : f32
        %gt3A_1226 = vector.broadcast %gt3A_1225 : f32 to vector<16xf32>
        %gt3A_1227 = arith.cmpf ogt, %add3A_1221, %gt3A_1226 : vector<16xf32>
        %and3A_1228 = arith.andi %lt3A_1224, %gt3A_1227 : vector<16xi1>
        %jit3A_1229 = arith.constant 0.000000e+00 : f32
        %broadcast_in_dim3A_1230 = vector.broadcast %jit3A_1229 : f32 to vector<16xf32>
        %select_n3A_1231 = arith.select %and3A_1228, %add3A_1221, %broadcast_in_dim3A_1230 : vector<16xi1>, vector<16xf32>
        %add3A_1232 = arith.constant 3 : i32
        %add3A_1233 = arith.addi %mul3A_159, %add3A_1232 : i32
        %swap3A_1234 = arith.index_cast %select_n3A_109 : i32 to index
        %swap3A_1235 = arith.index_cast %add3A_1233 : i32 to index
        %swap3A_1236 = arith.constant 112 : index
        %swap3A_1237 = tpu.vector_load %arg7[%swap3A_1234, %swap3A_1235, %swap3A_1236] {strides = array<i32>} : memref<2x16x512xf32, #tpu.memory_space<vmem>>, vector<1x1x16xf32>,
        %swap3A_1238 = vector.shape_cast %swap3A_1237 : vector<1x1x16xf32> to vector<16xf32>
        %swap3A_1239 = vector.shape_cast %select_n3A_1231 : vector<16xf32> to vector<1x1x16xf32>
        tpu.vector_store %arg7[%swap3A_1234, %swap3A_1235, %swap3A_1236], %swap3A_1239 {strides = array<i32>} : memref<2x16x512xf32, #tpu.memory_space<vmem>>, vector<1x1x16xf32>,
        %get3A_1240 = arith.constant 0 : i32
        %get3A_1241 = arith.index_cast %select_n3A_109 : i32 to index
        %get3A_1242 = arith.index_cast %get3A_1240 : i32 to index
        %get3A_1243 = arith.constant 128 : index
        %get3A_1244 = tpu.vector_load %arg5[%get3A_1241, %get3A_1242, %get3A_1243] {strides = array<i32>} : memref<2x3x512xf32, #tpu.memory_space<vmem>>, vector<1x1x16xf32>,
        %get3A_1245 = vector.shape_cast %get3A_1244 : vector<1x1x16xf32> to vector<16xf32>
        %get3A_1246 = arith.constant 1 : i32
        %get3A_1247 = arith.index_cast %select_n3A_109 : i32 to index
        %get3A_1248 = arith.index_cast %get3A_1246 : i32 to index
        %get3A_1249 = arith.constant 128 : index
        %get3A_1250 = tpu.vector_load %arg5[%get3A_1247, %get3A_1248, %get3A_1249] {strides = array<i32>} : memref<2x3x512xf32, #tpu.memory_space<vmem>>, vector<1x1x16xf32>,
        %get3A_1251 = vector.shape_cast %get3A_1250 : vector<1x1x16xf32> to vector<16xf32>
        %get3A_1252 = arith.constant 2 : i32
        %get3A_1253 = arith.index_cast %select_n3A_109 : i32 to index
        %get3A_1254 = arith.index_cast %get3A_1252 : i32 to index
        %get3A_1255 = arith.constant 128 : index
        %get3A_1256 = tpu.vector_load %arg5[%get3A_1253, %get3A_1254, %get3A_1255] {strides = array<i32>} : memref<2x3x512xf32, #tpu.memory_space<vmem>>, vector<1x1x16xf32>,
        %get3A_1257 = vector.shape_cast %get3A_1256 : vector<1x1x16xf32> to vector<16xf32>
        %sub3A_1258 = arith.subf %get3A_1245, %get3A_167 : vector<16xf32>
        %sub3A_1259 = arith.subf %get3A_1251, %get3A_203 : vector<16xf32>
        %sub3A_1260 = arith.subf %get3A_1257, %get3A_239 : vector<16xf32>
        %mul3A_1261 = arith.mulf %sub3A_1258, %sub3A_1258 : vector<16xf32>
        %mul3A_1262 = arith.mulf %sub3A_1259, %sub3A_1259 : vector<16xf32>
        %add3A_1263 = arith.addf %mul3A_1261, %mul3A_1262 : vector<16xf32>
        %mul3A_1264 = arith.mulf %sub3A_1260, %sub3A_1260 : vector<16xf32>
        %add3A_1265 = arith.addf %add3A_1263, %mul3A_1264 : vector<16xf32>
        %lt3A_1266 = arith.constant 3.600000e+01 : f32
        %lt3A_1267 = vector.broadcast %lt3A_1266 : f32 to vector<16xf32>
        %lt3A_1268 = arith.cmpf olt, %add3A_1265, %lt3A_1267 : vector<16xf32>
        %gt3A_1269 = arith.constant 9.99999996E-13 : f32
        %gt3A_1270 = vector.broadcast %gt3A_1269 : f32 to vector<16xf32>
        %gt3A_1271 = arith.cmpf ogt, %add3A_1265, %gt3A_1270 : vector<16xf32>
        %and3A_1272 = arith.andi %lt3A_1268, %gt3A_1271 : vector<16xi1>
        %jit3A_1273 = arith.constant 0.000000e+00 : f32
        %broadcast_in_dim3A_1274 = vector.broadcast %jit3A_1273 : f32 to vector<16xf32>
        %select_n3A_1275 = arith.select %and3A_1272, %add3A_1265, %broadcast_in_dim3A_1274 : vector<16xi1>, vector<16xf32>
        %add3A_1276 = arith.constant 0 : i32
        %add3A_1277 = arith.addi %mul3A_159, %add3A_1276 : i32
        %swap3A_1278 = arith.index_cast %select_n3A_109 : i32 to index
        %swap3A_1279 = arith.index_cast %add3A_1277 : i32 to index
        %swap3A_1280 = arith.constant 128 : index
        %swap3A_1281 = tpu.vector_load %arg7[%swap3A_1278, %swap3A_1279, %swap3A_1280] {strides = array<i32>} : memref<2x16x512xf32, #tpu.memory_space<vmem>>, vector<1x1x16xf32>,
        %swap3A_1282 = vector.shape_cast %swap3A_1281 : vector<1x1x16xf32> to vector<16xf32>
        %swap3A_1283 = vector.shape_cast %select_n3A_1275 : vector<16xf32> to vector<1x1x16xf32>
        tpu.vector_store %arg7[%swap3A_1278, %swap3A_1279, %swap3A_1280], %swap3A_1283 {strides = array<i32>} : memref<2x16x512xf32, #tpu.memory_space<vmem>>, vector<1x1x16xf32>,
        %sub3A_1284 = arith.subf %get3A_1245, %get3A_176 : vector<16xf32>
        %sub3A_1285 = arith.subf %get3A_1251, %get3A_212 : vector<16xf32>
        %sub3A_1286 = arith.subf %get3A_1257, %get3A_248 : vector<16xf32>
        %mul3A_1287 = arith.mulf %sub3A_1284, %sub3A_1284 : vector<16xf32>
        %mul3A_1288 = arith.mulf %sub3A_1285, %sub3A_1285 : vector<16xf32>
        %add3A_1289 = arith.addf %mul3A_1287, %mul3A_1288 : vector<16xf32>
        %mul3A_1290 = arith.mulf %sub3A_1286, %sub3A_1286 : vector<16xf32>
        %add3A_1291 = arith.addf %add3A_1289, %mul3A_1290 : vector<16xf32>
        %lt3A_1292 = arith.constant 3.600000e+01 : f32
        %lt3A_1293 = vector.broadcast %lt3A_1292 : f32 to vector<16xf32>
        %lt3A_1294 = arith.cmpf olt, %add3A_1291, %lt3A_1293 : vector<16xf32>
        %gt3A_1295 = arith.constant 9.99999996E-13 : f32
        %gt3A_1296 = vector.broadcast %gt3A_1295 : f32 to vector<16xf32>
        %gt3A_1297 = arith.cmpf ogt, %add3A_1291, %gt3A_1296 : vector<16xf32>
        %and3A_1298 = arith.andi %lt3A_1294, %gt3A_1297 : vector<16xi1>
        %jit3A_1299 = arith.constant 0.000000e+00 : f32
        %broadcast_in_dim3A_1300 = vector.broadcast %jit3A_1299 : f32 to vector<16xf32>
        %select_n3A_1301 = arith.select %and3A_1298, %add3A_1291, %broadcast_in_dim3A_1300 : vector<16xi1>, vector<16xf32>
        %add3A_1302 = arith.constant 1 : i32
        %add3A_1303 = arith.addi %mul3A_159, %add3A_1302 : i32
        %swap3A_1304 = arith.index_cast %select_n3A_109 : i32 to index
        %swap3A_1305 = arith.index_cast %add3A_1303 : i32 to index
        %swap3A_1306 = arith.constant 128 : index
        %swap3A_1307 = tpu.vector_load %arg7[%swap3A_1304, %swap3A_1305, %swap3A_1306] {strides = array<i32>} : memref<2x16x512xf32, #tpu.memory_space<vmem>>, vector<1x1x16xf32>,
        %swap3A_1308 = vector.shape_cast %swap3A_1307 : vector<1x1x16xf32> to vector<16xf32>
        %swap3A_1309 = vector.shape_cast %select_n3A_1301 : vector<16xf32> to vector<1x1x16xf32>
        tpu.vector_store %arg7[%swap3A_1304, %swap3A_1305, %swap3A_1306], %swap3A_1309 {strides = array<i32>} : memref<2x16x512xf32, #tpu.memory_space<vmem>>, vector<1x1x16xf32>,
        %sub3A_1310 = arith.subf %get3A_1245, %get3A_185 : vector<16xf32>
        %sub3A_1311 = arith.subf %get3A_1251, %get3A_221 : vector<16xf32>
        %sub3A_1312 = arith.subf %get3A_1257, %get3A_257 : vector<16xf32>
        %mul3A_1313 = arith.mulf %sub3A_1310, %sub3A_1310 : vector<16xf32>
        %mul3A_1314 = arith.mulf %sub3A_1311, %sub3A_1311 : vector<16xf32>
        %add3A_1315 = arith.addf %mul3A_1313, %mul3A_1314 : vector<16xf32>
        %mul3A_1316 = arith.mulf %sub3A_1312, %sub3A_1312 : vector<16xf32>
        %add3A_1317 = arith.addf %add3A_1315, %mul3A_1316 : vector<16xf32>
        %lt3A_1318 = arith.constant 3.600000e+01 : f32
        %lt3A_1319 = vector.broadcast %lt3A_1318 : f32 to vector<16xf32>
        %lt3A_1320 = arith.cmpf olt, %add3A_1317, %lt3A_1319 : vector<16xf32>
        %gt3A_1321 = arith.constant 9.99999996E-13 : f32
        %gt3A_1322 = vector.broadcast %gt3A_1321 : f32 to vector<16xf32>
        %gt3A_1323 = arith.cmpf ogt, %add3A_1317, %gt3A_1322 : vector<16xf32>
        %and3A_1324 = arith.andi %lt3A_1320, %gt3A_1323 : vector<16xi1>
        %jit3A_1325 = arith.constant 0.000000e+00 : f32
        %broadcast_in_dim3A_1326 = vector.broadcast %jit3A_1325 : f32 to vector<16xf32>
        %select_n3A_1327 = arith.select %and3A_1324, %add3A_1317, %broadcast_in_dim3A_1326 : vector<16xi1>, vector<16xf32>
        %add3A_1328 = arith.constant 2 : i32
        %add3A_1329 = arith.addi %mul3A_159, %add3A_1328 : i32
        %swap3A_1330 = arith.index_cast %select_n3A_109 : i32 to index
        %swap3A_1331 = arith.index_cast %add3A_1329 : i32 to index
        %swap3A_1332 = arith.constant 128 : index
        %swap3A_1333 = tpu.vector_load %arg7[%swap3A_1330, %swap3A_1331, %swap3A_1332] {strides = array<i32>} : memref<2x16x512xf32, #tpu.memory_space<vmem>>, vector<1x1x16xf32>,
        %swap3A_1334 = vector.shape_cast %swap3A_1333 : vector<1x1x16xf32> to vector<16xf32>
        %swap3A_1335 = vector.shape_cast %select_n3A_1327 : vector<16xf32> to vector<1x1x16xf32>
        tpu.vector_store %arg7[%swap3A_1330, %swap3A_1331, %swap3A_1332], %swap3A_1335 {strides = array<i32>} : memref<2x16x512xf32, #tpu.memory_space<vmem>>, vector<1x1x16xf32>,
        %sub3A_1336 = arith.subf %get3A_1245, %get3A_194 : vector<16xf32>
        %sub3A_1337 = arith.subf %get3A_1251, %get3A_230 : vector<16xf32>
        %sub3A_1338 = arith.subf %get3A_1257, %get3A_266 : vector<16xf32>
        %mul3A_1339 = arith.mulf %sub3A_1336, %sub3A_1336 : vector<16xf32>
        %mul3A_1340 = arith.mulf %sub3A_1337, %sub3A_1337 : vector<16xf32>
        %add3A_1341 = arith.addf %mul3A_1339, %mul3A_1340 : vector<16xf32>
        %mul3A_1342 = arith.mulf %sub3A_1338, %sub3A_1338 : vector<16xf32>
        %add3A_1343 = arith.addf %add3A_1341, %mul3A_1342 : vector<16xf32>
        %lt3A_1344 = arith.constant 3.600000e+01 : f32
        %lt3A_1345 = vector.broadcast %lt3A_1344 : f32 to vector<16xf32>
        %lt3A_1346 = arith.cmpf olt, %add3A_1343, %lt3A_1345 : vector<16xf32>
        %gt3A_1347 = arith.constant 9.99999996E-13 : f32
        %gt3A_1348 = vector.broadcast %gt3A_1347 : f32 to vector<16xf32>
        %gt3A_1349 = arith.cmpf ogt, %add3A_1343, %gt3A_1348 : vector<16xf32>
        %and3A_1350 = arith.andi %lt3A_1346, %gt3A_1349 : vector<16xi1>
        %jit3A_1351 = arith.constant 0.000000e+00 : f32
        %broadcast_in_dim3A_1352 = vector.broadcast %jit3A_1351 : f32 to vector<16xf32>
        %select_n3A_1353 = arith.select %and3A_1350, %add3A_1343, %broadcast_in_dim3A_1352 : vector<16xi1>, vector<16xf32>
        %add3A_1354 = arith.constant 3 : i32
        %add3A_1355 = arith.addi %mul3A_159, %add3A_1354 : i32
        %swap3A_1356 = arith.index_cast %select_n3A_109 : i32 to index
        %swap3A_1357 = arith.index_cast %add3A_1355 : i32 to index
        %swap3A_1358 = arith.constant 128 : index
        %swap3A_1359 = tpu.vector_load %arg7[%swap3A_1356, %swap3A_1357, %swap3A_1358] {strides = array<i32>} : memref<2x16x512xf32, #tpu.memory_space<vmem>>, vector<1x1x16xf32>,
        %swap3A_1360 = vector.shape_cast %swap3A_1359 : vector<1x1x16xf32> to vector<16xf32>
        %swap3A_1361 = vector.shape_cast %select_n3A_1353 : vector<16xf32> to vector<1x1x16xf32>
        tpu.vector_store %arg7[%swap3A_1356, %swap3A_1357, %swap3A_1358], %swap3A_1361 {strides = array<i32>} : memref<2x16x512xf32, #tpu.memory_space<vmem>>, vector<1x1x16xf32>,
        %get3A_1362 = arith.constant 0 : i32
        %get3A_1363 = arith.index_cast %select_n3A_109 : i32 to index
        %get3A_1364 = arith.index_cast %get3A_1362 : i32 to index
        %get3A_1365 = arith.constant 144 : index
        %get3A_1366 = tpu.vector_load %arg5[%get3A_1363, %get3A_1364, %get3A_1365] {strides = array<i32>} : memref<2x3x512xf32, #tpu.memory_space<vmem>>, vector<1x1x16xf32>,
        %get3A_1367 = vector.shape_cast %get3A_1366 : vector<1x1x16xf32> to vector<16xf32>
        %get3A_1368 = arith.constant 1 : i32
        %get3A_1369 = arith.index_cast %select_n3A_109 : i32 to index
        %get3A_1370 = arith.index_cast %get3A_1368 : i32 to index
        %get3A_1371 = arith.constant 144 : index
        %get3A_1372 = tpu.vector_load %arg5[%get3A_1369, %get3A_1370, %get3A_1371] {strides = array<i32>} : memref<2x3x512xf32, #tpu.memory_space<vmem>>, vector<1x1x16xf32>,
        %get3A_1373 = vector.shape_cast %get3A_1372 : vector<1x1x16xf32> to vector<16xf32>
        %get3A_1374 = arith.constant 2 : i32
        %get3A_1375 = arith.index_cast %select_n3A_109 : i32 to index
        %get3A_1376 = arith.index_cast %get3A_1374 : i32 to index
        %get3A_1377 = arith.constant 144 : index
        %get3A_1378 = tpu.vector_load %arg5[%get3A_1375, %get3A_1376, %get3A_1377] {strides = array<i32>} : memref<2x3x512xf32, #tpu.memory_space<vmem>>, vector<1x1x16xf32>,
        %get3A_1379 = vector.shape_cast %get3A_1378 : vector<1x1x16xf32> to vector<16xf32>
        %sub3A_1380 = arith.subf %get3A_1367, %get3A_167 : vector<16xf32>
        %sub3A_1381 = arith.subf %get3A_1373, %get3A_203 : vector<16xf32>
        %sub3A_1382 = arith.subf %get3A_1379, %get3A_239 : vector<16xf32>
        %mul3A_1383 = arith.mulf %sub3A_1380, %sub3A_1380 : vector<16xf32>
        %mul3A_1384 = arith.mulf %sub3A_1381, %sub3A_1381 : vector<16xf32>
        %add3A_1385 = arith.addf %mul3A_1383, %mul3A_1384 : vector<16xf32>
        %mul3A_1386 = arith.mulf %sub3A_1382, %sub3A_1382 : vector<16xf32>
        %add3A_1387 = arith.addf %add3A_1385, %mul3A_1386 : vector<16xf32>
        %lt3A_1388 = arith.constant 3.600000e+01 : f32
        %lt3A_1389 = vector.broadcast %lt3A_1388 : f32 to vector<16xf32>
        %lt3A_1390 = arith.cmpf olt, %add3A_1387, %lt3A_1389 : vector<16xf32>
        %gt3A_1391 = arith.constant 9.99999996E-13 : f32
        %gt3A_1392 = vector.broadcast %gt3A_1391 : f32 to vector<16xf32>
        %gt3A_1393 = arith.cmpf ogt, %add3A_1387, %gt3A_1392 : vector<16xf32>
        %and3A_1394 = arith.andi %lt3A_1390, %gt3A_1393 : vector<16xi1>
        %jit3A_1395 = arith.constant 0.000000e+00 : f32
        %broadcast_in_dim3A_1396 = vector.broadcast %jit3A_1395 : f32 to vector<16xf32>
        %select_n3A_1397 = arith.select %and3A_1394, %add3A_1387, %broadcast_in_dim3A_1396 : vector<16xi1>, vector<16xf32>
        %add3A_1398 = arith.constant 0 : i32
        %add3A_1399 = arith.addi %mul3A_159, %add3A_1398 : i32
        %swap3A_1400 = arith.index_cast %select_n3A_109 : i32 to index
        %swap3A_1401 = arith.index_cast %add3A_1399 : i32 to index
        %swap3A_1402 = arith.constant 144 : index
        %swap3A_1403 = tpu.vector_load %arg7[%swap3A_1400, %swap3A_1401, %swap3A_1402] {strides = array<i32>} : memref<2x16x512xf32, #tpu.memory_space<vmem>>, vector<1x1x16xf32>,
        %swap3A_1404 = vector.shape_cast %swap3A_1403 : vector<1x1x16xf32> to vector<16xf32>
        %swap3A_1405 = vector.shape_cast %select_n3A_1397 : vector<16xf32> to vector<1x1x16xf32>
        tpu.vector_store %arg7[%swap3A_1400, %swap3A_1401, %swap3A_1402], %swap3A_1405 {strides = array<i32>} : memref<2x16x512xf32, #tpu.memory_space<vmem>>, vector<1x1x16xf32>,
        %sub3A_1406 = arith.subf %get3A_1367, %get3A_176 : vector<16xf32>
        %sub3A_1407 = arith.subf %get3A_1373, %get3A_212 : vector<16xf32>
        %sub3A_1408 = arith.subf %get3A_1379, %get3A_248 : vector<16xf32>
        %mul3A_1409 = arith.mulf %sub3A_1406, %sub3A_1406 : vector<16xf32>
        %mul3A_1410 = arith.mulf %sub3A_1407, %sub3A_1407 : vector<16xf32>
        %add3A_1411 = arith.addf %mul3A_1409, %mul3A_1410 : vector<16xf32>
        %mul3A_1412 = arith.mulf %sub3A_1408, %sub3A_1408 : vector<16xf32>
        %add3A_1413 = arith.addf %add3A_1411, %mul3A_1412 : vector<16xf32>
        %lt3A_1414 = arith.constant 3.600000e+01 : f32
        %lt3A_1415 = vector.broadcast %lt3A_1414 : f32 to vector<16xf32>
        %lt3A_1416 = arith.cmpf olt, %add3A_1413, %lt3A_1415 : vector<16xf32>
        %gt3A_1417 = arith.constant 9.99999996E-13 : f32
        %gt3A_1418 = vector.broadcast %gt3A_1417 : f32 to vector<16xf32>
        %gt3A_1419 = arith.cmpf ogt, %add3A_1413, %gt3A_1418 : vector<16xf32>
        %and3A_1420 = arith.andi %lt3A_1416, %gt3A_1419 : vector<16xi1>
        %jit3A_1421 = arith.constant 0.000000e+00 : f32
        %broadcast_in_dim3A_1422 = vector.broadcast %jit3A_1421 : f32 to vector<16xf32>
        %select_n3A_1423 = arith.select %and3A_1420, %add3A_1413, %broadcast_in_dim3A_1422 : vector<16xi1>, vector<16xf32>
        %add3A_1424 = arith.constant 1 : i32
        %add3A_1425 = arith.addi %mul3A_159, %add3A_1424 : i32
        %swap3A_1426 = arith.index_cast %select_n3A_109 : i32 to index
        %swap3A_1427 = arith.index_cast %add3A_1425 : i32 to index
        %swap3A_1428 = arith.constant 144 : index
        %swap3A_1429 = tpu.vector_load %arg7[%swap3A_1426, %swap3A_1427, %swap3A_1428] {strides = array<i32>} : memref<2x16x512xf32, #tpu.memory_space<vmem>>, vector<1x1x16xf32>,
        %swap3A_1430 = vector.shape_cast %swap3A_1429 : vector<1x1x16xf32> to vector<16xf32>
        %swap3A_1431 = vector.shape_cast %select_n3A_1423 : vector<16xf32> to vector<1x1x16xf32>
        tpu.vector_store %arg7[%swap3A_1426, %swap3A_1427, %swap3A_1428], %swap3A_1431 {strides = array<i32>} : memref<2x16x512xf32, #tpu.memory_space<vmem>>, vector<1x1x16xf32>,
        %sub3A_1432 = arith.subf %get3A_1367, %get3A_185 : vector<16xf32>
        %sub3A_1433 = arith.subf %get3A_1373, %get3A_221 : vector<16xf32>
        %sub3A_1434 = arith.subf %get3A_1379, %get3A_257 : vector<16xf32>
        %mul3A_1435 = arith.mulf %sub3A_1432, %sub3A_1432 : vector<16xf32>
        %mul3A_1436 = arith.mulf %sub3A_1433, %sub3A_1433 : vector<16xf32>
        %add3A_1437 = arith.addf %mul3A_1435, %mul3A_1436 : vector<16xf32>
        %mul3A_1438 = arith.mulf %sub3A_1434, %sub3A_1434 : vector<16xf32>
        %add3A_1439 = arith.addf %add3A_1437, %mul3A_1438 : vector<16xf32>
        %lt3A_1440 = arith.constant 3.600000e+01 : f32
        %lt3A_1441 = vector.broadcast %lt3A_1440 : f32 to vector<16xf32>
        %lt3A_1442 = arith.cmpf olt, %add3A_1439, %lt3A_1441 : vector<16xf32>
        %gt3A_1443 = arith.constant 9.99999996E-13 : f32
        %gt3A_1444 = vector.broadcast %gt3A_1443 : f32 to vector<16xf32>
        %gt3A_1445 = arith.cmpf ogt, %add3A_1439, %gt3A_1444 : vector<16xf32>
        %and3A_1446 = arith.andi %lt3A_1442, %gt3A_1445 : vector<16xi1>
        %jit3A_1447 = arith.constant 0.000000e+00 : f32
        %broadcast_in_dim3A_1448 = vector.broadcast %jit3A_1447 : f32 to vector<16xf32>
        %select_n3A_1449 = arith.select %and3A_1446, %add3A_1439, %broadcast_in_dim3A_1448 : vector<16xi1>, vector<16xf32>
        %add3A_1450 = arith.constant 2 : i32
        %add3A_1451 = arith.addi %mul3A_159, %add3A_1450 : i32
        %swap3A_1452 = arith.index_cast %select_n3A_109 : i32 to index
        %swap3A_1453 = arith.index_cast %add3A_1451 : i32 to index
        %swap3A_1454 = arith.constant 144 : index
        %swap3A_1455 = tpu.vector_load %arg7[%swap3A_1452, %swap3A_1453, %swap3A_1454] {strides = array<i32>} : memref<2x16x512xf32, #tpu.memory_space<vmem>>, vector<1x1x16xf32>,
        %swap3A_1456 = vector.shape_cast %swap3A_1455 : vector<1x1x16xf32> to vector<16xf32>
        %swap3A_1457 = vector.shape_cast %select_n3A_1449 : vector<16xf32> to vector<1x1x16xf32>
        tpu.vector_store %arg7[%swap3A_1452, %swap3A_1453, %swap3A_1454], %swap3A_1457 {strides = array<i32>} : memref<2x16x512xf32, #tpu.memory_space<vmem>>, vector<1x1x16xf32>,
        %sub3A_1458 = arith.subf %get3A_1367, %get3A_194 : vector<16xf32>
        %sub3A_1459 = arith.subf %get3A_1373, %get3A_230 : vector<16xf32>
        %sub3A_1460 = arith.subf %get3A_1379, %get3A_266 : vector<16xf32>
        %mul3A_1461 = arith.mulf %sub3A_1458, %sub3A_1458 : vector<16xf32>
        %mul3A_1462 = arith.mulf %sub3A_1459, %sub3A_1459 : vector<16xf32>
        %add3A_1463 = arith.addf %mul3A_1461, %mul3A_1462 : vector<16xf32>
        %mul3A_1464 = arith.mulf %sub3A_1460, %sub3A_1460 : vector<16xf32>
        %add3A_1465 = arith.addf %add3A_1463, %mul3A_1464 : vector<16xf32>
        %lt3A_1466 = arith.constant 3.600000e+01 : f32
        %lt3A_1467 = vector.broadcast %lt3A_1466 : f32 to vector<16xf32>
        %lt3A_1468 = arith.cmpf olt, %add3A_1465, %lt3A_1467 : vector<16xf32>
        %gt3A_1469 = arith.constant 9.99999996E-13 : f32
        %gt3A_1470 = vector.broadcast %gt3A_1469 : f32 to vector<16xf32>
        %gt3A_1471 = arith.cmpf ogt, %add3A_1465, %gt3A_1470 : vector<16xf32>
        %and3A_1472 = arith.andi %lt3A_1468, %gt3A_1471 : vector<16xi1>
        %jit3A_1473 = arith.constant 0.000000e+00 : f32
        %broadcast_in_dim3A_1474 = vector.broadcast %jit3A_1473 : f32 to vector<16xf32>
        %select_n3A_1475 = arith.select %and3A_1472, %add3A_1465, %broadcast_in_dim3A_1474 : vector<16xi1>, vector<16xf32>
        %add3A_1476 = arith.constant 3 : i32
        %add3A_1477 = arith.addi %mul3A_159, %add3A_1476 : i32
        %swap3A_1478 = arith.index_cast %select_n3A_109 : i32 to index
        %swap3A_1479 = arith.index_cast %add3A_1477 : i32 to index
        %swap3A_1480 = arith.constant 144 : index
        %swap3A_1481 = tpu.vector_load %arg7[%swap3A_1478, %swap3A_1479, %swap3A_1480] {strides = array<i32>} : memref<2x16x512xf32, #tpu.memory_space<vmem>>, vector<1x1x16xf32>,
        %swap3A_1482 = vector.shape_cast %swap3A_1481 : vector<1x1x16xf32> to vector<16xf32>
        %swap3A_1483 = vector.shape_cast %select_n3A_1475 : vector<16xf32> to vector<1x1x16xf32>
        tpu.vector_store %arg7[%swap3A_1478, %swap3A_1479, %swap3A_1480], %swap3A_1483 {strides = array<i32>} : memref<2x16x512xf32, #tpu.memory_space<vmem>>, vector<1x1x16xf32>,
        %get3A_1484 = arith.constant 0 : i32
        %get3A_1485 = arith.index_cast %select_n3A_109 : i32 to index
        %get3A_1486 = arith.index_cast %get3A_1484 : i32 to index
        %get3A_1487 = arith.constant 160 : index
        %get3A_1488 = tpu.vector_load %arg5[%get3A_1485, %get3A_1486, %get3A_1487] {strides = array<i32>} : memref<2x3x512xf32, #tpu.memory_space<vmem>>, vector<1x1x16xf32>,
        %get3A_1489 = vector.shape_cast %get3A_1488 : vector<1x1x16xf32> to vector<16xf32>
        %get3A_1490 = arith.constant 1 : i32
        %get3A_1491 = arith.index_cast %select_n3A_109 : i32 to index
        %get3A_1492 = arith.index_cast %get3A_1490 : i32 to index
        %get3A_1493 = arith.constant 160 : index
        %get3A_1494 = tpu.vector_load %arg5[%get3A_1491, %get3A_1492, %get3A_1493] {strides = array<i32>} : memref<2x3x512xf32, #tpu.memory_space<vmem>>, vector<1x1x16xf32>,
        %get3A_1495 = vector.shape_cast %get3A_1494 : vector<1x1x16xf32> to vector<16xf32>
        %get3A_1496 = arith.constant 2 : i32
        %get3A_1497 = arith.index_cast %select_n3A_109 : i32 to index
        %get3A_1498 = arith.index_cast %get3A_1496 : i32 to index
        %get3A_1499 = arith.constant 160 : index
        %get3A_1500 = tpu.vector_load %arg5[%get3A_1497, %get3A_1498, %get3A_1499] {strides = array<i32>} : memref<2x3x512xf32, #tpu.memory_space<vmem>>, vector<1x1x16xf32>,
        %get3A_1501 = vector.shape_cast %get3A_1500 : vector<1x1x16xf32> to vector<16xf32>
        %sub3A_1502 = arith.subf %get3A_1489, %get3A_167 : vector<16xf32>
        %sub3A_1503 = arith.subf %get3A_1495, %get3A_203 : vector<16xf32>
        %sub3A_1504 = arith.subf %get3A_1501, %get3A_239 : vector<16xf32>
        %mul3A_1505 = arith.mulf %sub3A_1502, %sub3A_1502 : vector<16xf32>
        %mul3A_1506 = arith.mulf %sub3A_1503, %sub3A_1503 : vector<16xf32>
        %add3A_1507 = arith.addf %mul3A_1505, %mul3A_1506 : vector<16xf32>
        %mul3A_1508 = arith.mulf %sub3A_1504, %sub3A_1504 : vector<16xf32>
        %add3A_1509 = arith.addf %add3A_1507, %mul3A_1508 : vector<16xf32>
        %lt3A_1510 = arith.constant 3.600000e+01 : f32
        %lt3A_1511 = vector.broadcast %lt3A_1510 : f32 to vector<16xf32>
        %lt3A_1512 = arith.cmpf olt, %add3A_1509, %lt3A_1511 : vector<16xf32>
        %gt3A_1513 = arith.constant 9.99999996E-13 : f32
        %gt3A_1514 = vector.broadcast %gt3A_1513 : f32 to vector<16xf32>
        %gt3A_1515 = arith.cmpf ogt, %add3A_1509, %gt3A_1514 : vector<16xf32>
        %and3A_1516 = arith.andi %lt3A_1512, %gt3A_1515 : vector<16xi1>
        %jit3A_1517 = arith.constant 0.000000e+00 : f32
        %broadcast_in_dim3A_1518 = vector.broadcast %jit3A_1517 : f32 to vector<16xf32>
        %select_n3A_1519 = arith.select %and3A_1516, %add3A_1509, %broadcast_in_dim3A_1518 : vector<16xi1>, vector<16xf32>
        %add3A_1520 = arith.constant 0 : i32
        %add3A_1521 = arith.addi %mul3A_159, %add3A_1520 : i32
        %swap3A_1522 = arith.index_cast %select_n3A_109 : i32 to index
        %swap3A_1523 = arith.index_cast %add3A_1521 : i32 to index
        %swap3A_1524 = arith.constant 160 : index
        %swap3A_1525 = tpu.vector_load %arg7[%swap3A_1522, %swap3A_1523, %swap3A_1524] {strides = array<i32>} : memref<2x16x512xf32, #tpu.memory_space<vmem>>, vector<1x1x16xf32>,
        %swap3A_1526 = vector.shape_cast %swap3A_1525 : vector<1x1x16xf32> to vector<16xf32>
        %swap3A_1527 = vector.shape_cast %select_n3A_1519 : vector<16xf32> to vector<1x1x16xf32>
        tpu.vector_store %arg7[%swap3A_1522, %swap3A_1523, %swap3A_1524], %swap3A_1527 {strides = array<i32>} : memref<2x16x512xf32, #tpu.memory_space<vmem>>, vector<1x1x16xf32>,
        %sub3A_1528 = arith.subf %get3A_1489, %get3A_176 : vector<16xf32>
        %sub3A_1529 = arith.subf %get3A_1495, %get3A_212 : vector<16xf32>
        %sub3A_1530 = arith.subf %get3A_1501, %get3A_248 : vector<16xf32>
        %mul3A_1531 = arith.mulf %sub3A_1528, %sub3A_1528 : vector<16xf32>
        %mul3A_1532 = arith.mulf %sub3A_1529, %sub3A_1529 : vector<16xf32>
        %add3A_1533 = arith.addf %mul3A_1531, %mul3A_1532 : vector<16xf32>
        %mul3A_1534 = arith.mulf %sub3A_1530, %sub3A_1530 : vector<16xf32>
        %add3A_1535 = arith.addf %add3A_1533, %mul3A_1534 : vector<16xf32>
        %lt3A_1536 = arith.constant 3.600000e+01 : f32
        %lt3A_1537 = vector.broadcast %lt3A_1536 : f32 to vector<16xf32>
        %lt3A_1538 = arith.cmpf olt, %add3A_1535, %lt3A_1537 : vector<16xf32>
        %gt3A_1539 = arith.constant 9.99999996E-13 : f32
        %gt3A_1540 = vector.broadcast %gt3A_1539 : f32 to vector<16xf32>
        %gt3A_1541 = arith.cmpf ogt, %add3A_1535, %gt3A_1540 : vector<16xf32>
        %and3A_1542 = arith.andi %lt3A_1538, %gt3A_1541 : vector<16xi1>
        %jit3A_1543 = arith.constant 0.000000e+00 : f32
        %broadcast_in_dim3A_1544 = vector.broadcast %jit3A_1543 : f32 to vector<16xf32>
        %select_n3A_1545 = arith.select %and3A_1542, %add3A_1535, %broadcast_in_dim3A_1544 : vector<16xi1>, vector<16xf32>
        %add3A_1546 = arith.constant 1 : i32
        %add3A_1547 = arith.addi %mul3A_159, %add3A_1546 : i32
        %swap3A_1548 = arith.index_cast %select_n3A_109 : i32 to index
        %swap3A_1549 = arith.index_cast %add3A_1547 : i32 to index
        %swap3A_1550 = arith.constant 160 : index
        %swap3A_1551 = tpu.vector_load %arg7[%swap3A_1548, %swap3A_1549, %swap3A_1550] {strides = array<i32>} : memref<2x16x512xf32, #tpu.memory_space<vmem>>, vector<1x1x16xf32>,
        %swap3A_1552 = vector.shape_cast %swap3A_1551 : vector<1x1x16xf32> to vector<16xf32>
        %swap3A_1553 = vector.shape_cast %select_n3A_1545 : vector<16xf32> to vector<1x1x16xf32>
        tpu.vector_store %arg7[%swap3A_1548, %swap3A_1549, %swap3A_1550], %swap3A_1553 {strides = array<i32>} : memref<2x16x512xf32, #tpu.memory_space<vmem>>, vector<1x1x16xf32>,
        %sub3A_1554 = arith.subf %get3A_1489, %get3A_185 : vector<16xf32>
        %sub3A_1555 = arith.subf %get3A_1495, %get3A_221 : vector<16xf32>
        %sub3A_1556 = arith.subf %get3A_1501, %get3A_257 : vector<16xf32>
        %mul3A_1557 = arith.mulf %sub3A_1554, %sub3A_1554 : vector<16xf32>
        %mul3A_1558 = arith.mulf %sub3A_1555, %sub3A_1555 : vector<16xf32>
        %add3A_1559 = arith.addf %mul3A_1557, %mul3A_1558 : vector<16xf32>
        %mul3A_1560 = arith.mulf %sub3A_1556, %sub3A_1556 : vector<16xf32>
        %add3A_1561 = arith.addf %add3A_1559, %mul3A_1560 : vector<16xf32>
        %lt3A_1562 = arith.constant 3.600000e+01 : f32
        %lt3A_1563 = vector.broadcast %lt3A_1562 : f32 to vector<16xf32>
        %lt3A_1564 = arith.cmpf olt, %add3A_1561, %lt3A_1563 : vector<16xf32>
        %gt3A_1565 = arith.constant 9.99999996E-13 : f32
        %gt3A_1566 = vector.broadcast %gt3A_1565 : f32 to vector<16xf32>
        %gt3A_1567 = arith.cmpf ogt, %add3A_1561, %gt3A_1566 : vector<16xf32>
        %and3A_1568 = arith.andi %lt3A_1564, %gt3A_1567 : vector<16xi1>
        %jit3A_1569 = arith.constant 0.000000e+00 : f32
        %broadcast_in_dim3A_1570 = vector.broadcast %jit3A_1569 : f32 to vector<16xf32>
        %select_n3A_1571 = arith.select %and3A_1568, %add3A_1561, %broadcast_in_dim3A_1570 : vector<16xi1>, vector<16xf32>
        %add3A_1572 = arith.constant 2 : i32
        %add3A_1573 = arith.addi %mul3A_159, %add3A_1572 : i32
        %swap3A_1574 = arith.index_cast %select_n3A_109 : i32 to index
        %swap3A_1575 = arith.index_cast %add3A_1573 : i32 to index
        %swap3A_1576 = arith.constant 160 : index
        %swap3A_1577 = tpu.vector_load %arg7[%swap3A_1574, %swap3A_1575, %swap3A_1576] {strides = array<i32>} : memref<2x16x512xf32, #tpu.memory_space<vmem>>, vector<1x1x16xf32>,
        %swap3A_1578 = vector.shape_cast %swap3A_1577 : vector<1x1x16xf32> to vector<16xf32>
        %swap3A_1579 = vector.shape_cast %select_n3A_1571 : vector<16xf32> to vector<1x1x16xf32>
        tpu.vector_store %arg7[%swap3A_1574, %swap3A_1575, %swap3A_1576], %swap3A_1579 {strides = array<i32>} : memref<2x16x512xf32, #tpu.memory_space<vmem>>, vector<1x1x16xf32>,
        %sub3A_1580 = arith.subf %get3A_1489, %get3A_194 : vector<16xf32>
        %sub3A_1581 = arith.subf %get3A_1495, %get3A_230 : vector<16xf32>
        %sub3A_1582 = arith.subf %get3A_1501, %get3A_266 : vector<16xf32>
        %mul3A_1583 = arith.mulf %sub3A_1580, %sub3A_1580 : vector<16xf32>
        %mul3A_1584 = arith.mulf %sub3A_1581, %sub3A_1581 : vector<16xf32>
        %add3A_1585 = arith.addf %mul3A_1583, %mul3A_1584 : vector<16xf32>
        %mul3A_1586 = arith.mulf %sub3A_1582, %sub3A_1582 : vector<16xf32>
        %add3A_1587 = arith.addf %add3A_1585, %mul3A_1586 : vector<16xf32>
        %lt3A_1588 = arith.constant 3.600000e+01 : f32
        %lt3A_1589 = vector.broadcast %lt3A_1588 : f32 to vector<16xf32>
        %lt3A_1590 = arith.cmpf olt, %add3A_1587, %lt3A_1589 : vector<16xf32>
        %gt3A_1591 = arith.constant 9.99999996E-13 : f32
        %gt3A_1592 = vector.broadcast %gt3A_1591 : f32 to vector<16xf32>
        %gt3A_1593 = arith.cmpf ogt, %add3A_1587, %gt3A_1592 : vector<16xf32>
        %and3A_1594 = arith.andi %lt3A_1590, %gt3A_1593 : vector<16xi1>
        %jit3A_1595 = arith.constant 0.000000e+00 : f32
        %broadcast_in_dim3A_1596 = vector.broadcast %jit3A_1595 : f32 to vector<16xf32>
        %select_n3A_1597 = arith.select %and3A_1594, %add3A_1587, %broadcast_in_dim3A_1596 : vector<16xi1>, vector<16xf32>
        %add3A_1598 = arith.constant 3 : i32
        %add3A_1599 = arith.addi %mul3A_159, %add3A_1598 : i32
        %swap3A_1600 = arith.index_cast %select_n3A_109 : i32 to index
        %swap3A_1601 = arith.index_cast %add3A_1599 : i32 to index
        %swap3A_1602 = arith.constant 160 : index
        %swap3A_1603 = tpu.vector_load %arg7[%swap3A_1600, %swap3A_1601, %swap3A_1602] {strides = array<i32>} : memref<2x16x512xf32, #tpu.memory_space<vmem>>, vector<1x1x16xf32>,
        %swap3A_1604 = vector.shape_cast %swap3A_1603 : vector<1x1x16xf32> to vector<16xf32>
        %swap3A_1605 = vector.shape_cast %select_n3A_1597 : vector<16xf32> to vector<1x1x16xf32>
        tpu.vector_store %arg7[%swap3A_1600, %swap3A_1601, %swap3A_1602], %swap3A_1605 {strides = array<i32>} : memref<2x16x512xf32, #tpu.memory_space<vmem>>, vector<1x1x16xf32>,
        %get3A_1606 = arith.constant 0 : i32
        %get3A_1607 = arith.index_cast %select_n3A_109 : i32 to index
        %get3A_1608 = arith.index_cast %get3A_1606 : i32 to index
        %get3A_1609 = arith.constant 176 : index
        %get3A_1610 = tpu.vector_load %arg5[%get3A_1607, %get3A_1608, %get3A_1609] {strides = array<i32>} : memref<2x3x512xf32, #tpu.memory_space<vmem>>, vector<1x1x16xf32>,
        %get3A_1611 = vector.shape_cast %get3A_1610 : vector<1x1x16xf32> to vector<16xf32>
        %get3A_1612 = arith.constant 1 : i32
        %get3A_1613 = arith.index_cast %select_n3A_109 : i32 to index
        %get3A_1614 = arith.index_cast %get3A_1612 : i32 to index
        %get3A_1615 = arith.constant 176 : index
        %get3A_1616 = tpu.vector_load %arg5[%get3A_1613, %get3A_1614, %get3A_1615] {strides = array<i32>} : memref<2x3x512xf32, #tpu.memory_space<vmem>>, vector<1x1x16xf32>,
        %get3A_1617 = vector.shape_cast %get3A_1616 : vector<1x1x16xf32> to vector<16xf32>
        %get3A_1618 = arith.constant 2 : i32
        %get3A_1619 = arith.index_cast %select_n3A_109 : i32 to index
        %get3A_1620 = arith.index_cast %get3A_1618 : i32 to index
        %get3A_1621 = arith.constant 176 : index
        %get3A_1622 = tpu.vector_load %arg5[%get3A_1619, %get3A_1620, %get3A_1621] {strides = array<i32>} : memref<2x3x512xf32, #tpu.memory_space<vmem>>, vector<1x1x16xf32>,
        %get3A_1623 = vector.shape_cast %get3A_1622 : vector<1x1x16xf32> to vector<16xf32>
        %sub3A_1624 = arith.subf %get3A_1611, %get3A_167 : vector<16xf32>
        %sub3A_1625 = arith.subf %get3A_1617, %get3A_203 : vector<16xf32>
        %sub3A_1626 = arith.subf %get3A_1623, %get3A_239 : vector<16xf32>
        %mul3A_1627 = arith.mulf %sub3A_1624, %sub3A_1624 : vector<16xf32>
        %mul3A_1628 = arith.mulf %sub3A_1625, %sub3A_1625 : vector<16xf32>
        %add3A_1629 = arith.addf %mul3A_1627, %mul3A_1628 : vector<16xf32>
        %mul3A_1630 = arith.mulf %sub3A_1626, %sub3A_1626 : vector<16xf32>
        %add3A_1631 = arith.addf %add3A_1629, %mul3A_1630 : vector<16xf32>
        %lt3A_1632 = arith.constant 3.600000e+01 : f32
        %lt3A_1633 = vector.broadcast %lt3A_1632 : f32 to vector<16xf32>
        %lt3A_1634 = arith.cmpf olt, %add3A_1631, %lt3A_1633 : vector<16xf32>
        %gt3A_1635 = arith.constant 9.99999996E-13 : f32
        %gt3A_1636 = vector.broadcast %gt3A_1635 : f32 to vector<16xf32>
        %gt3A_1637 = arith.cmpf ogt, %add3A_1631, %gt3A_1636 : vector<16xf32>
        %and3A_1638 = arith.andi %lt3A_1634, %gt3A_1637 : vector<16xi1>
        %jit3A_1639 = arith.constant 0.000000e+00 : f32
        %broadcast_in_dim3A_1640 = vector.broadcast %jit3A_1639 : f32 to vector<16xf32>
        %select_n3A_1641 = arith.select %and3A_1638, %add3A_1631, %broadcast_in_dim3A_1640 : vector<16xi1>, vector<16xf32>
        %add3A_1642 = arith.constant 0 : i32
        %add3A_1643 = arith.addi %mul3A_159, %add3A_1642 : i32
        %swap3A_1644 = arith.index_cast %select_n3A_109 : i32 to index
        %swap3A_1645 = arith.index_cast %add3A_1643 : i32 to index
        %swap3A_1646 = arith.constant 176 : index
        %swap3A_1647 = tpu.vector_load %arg7[%swap3A_1644, %swap3A_1645, %swap3A_1646] {strides = array<i32>} : memref<2x16x512xf32, #tpu.memory_space<vmem>>, vector<1x1x16xf32>,
        %swap3A_1648 = vector.shape_cast %swap3A_1647 : vector<1x1x16xf32> to vector<16xf32>
        %swap3A_1649 = vector.shape_cast %select_n3A_1641 : vector<16xf32> to vector<1x1x16xf32>
        tpu.vector_store %arg7[%swap3A_1644, %swap3A_1645, %swap3A_1646], %swap3A_1649 {strides = array<i32>} : memref<2x16x512xf32, #tpu.memory_space<vmem>>, vector<1x1x16xf32>,
        %sub3A_1650 = arith.subf %get3A_1611, %get3A_176 : vector<16xf32>
        %sub3A_1651 = arith.subf %get3A_1617, %get3A_212 : vector<16xf32>
        %sub3A_1652 = arith.subf %get3A_1623, %get3A_248 : vector<16xf32>
        %mul3A_1653 = arith.mulf %sub3A_1650, %sub3A_1650 : vector<16xf32>
        %mul3A_1654 = arith.mulf %sub3A_1651, %sub3A_1651 : vector<16xf32>
        %add3A_1655 = arith.addf %mul3A_1653, %mul3A_1654 : vector<16xf32>
        %mul3A_1656 = arith.mulf %sub3A_1652, %sub3A_1652 : vector<16xf32>
        %add3A_1657 = arith.addf %add3A_1655, %mul3A_1656 : vector<16xf32>
        %lt3A_1658 = arith.constant 3.600000e+01 : f32
        %lt3A_1659 = vector.broadcast %lt3A_1658 : f32 to vector<16xf32>
        %lt3A_1660 = arith.cmpf olt, %add3A_1657, %lt3A_1659 : vector<16xf32>
        %gt3A_1661 = arith.constant 9.99999996E-13 : f32
        %gt3A_1662 = vector.broadcast %gt3A_1661 : f32 to vector<16xf32>
        %gt3A_1663 = arith.cmpf ogt, %add3A_1657, %gt3A_1662 : vector<16xf32>
        %and3A_1664 = arith.andi %lt3A_1660, %gt3A_1663 : vector<16xi1>
        %jit3A_1665 = arith.constant 0.000000e+00 : f32
        %broadcast_in_dim3A_1666 = vector.broadcast %jit3A_1665 : f32 to vector<16xf32>
        %select_n3A_1667 = arith.select %and3A_1664, %add3A_1657, %broadcast_in_dim3A_1666 : vector<16xi1>, vector<16xf32>
        %add3A_1668 = arith.constant 1 : i32
        %add3A_1669 = arith.addi %mul3A_159, %add3A_1668 : i32
        %swap3A_1670 = arith.index_cast %select_n3A_109 : i32 to index
        %swap3A_1671 = arith.index_cast %add3A_1669 : i32 to index
        %swap3A_1672 = arith.constant 176 : index
        %swap3A_1673 = tpu.vector_load %arg7[%swap3A_1670, %swap3A_1671, %swap3A_1672] {strides = array<i32>} : memref<2x16x512xf32, #tpu.memory_space<vmem>>, vector<1x1x16xf32>,
        %swap3A_1674 = vector.shape_cast %swap3A_1673 : vector<1x1x16xf32> to vector<16xf32>
        %swap3A_1675 = vector.shape_cast %select_n3A_1667 : vector<16xf32> to vector<1x1x16xf32>
        tpu.vector_store %arg7[%swap3A_1670, %swap3A_1671, %swap3A_1672], %swap3A_1675 {strides = array<i32>} : memref<2x16x512xf32, #tpu.memory_space<vmem>>, vector<1x1x16xf32>,
        %sub3A_1676 = arith.subf %get3A_1611, %get3A_185 : vector<16xf32>
        %sub3A_1677 = arith.subf %get3A_1617, %get3A_221 : vector<16xf32>
        %sub3A_1678 = arith.subf %get3A_1623, %get3A_257 : vector<16xf32>
        %mul3A_1679 = arith.mulf %sub3A_1676, %sub3A_1676 : vector<16xf32>
        %mul3A_1680 = arith.mulf %sub3A_1677, %sub3A_1677 : vector<16xf32>
        %add3A_1681 = arith.addf %mul3A_1679, %mul3A_1680 : vector<16xf32>
        %mul3A_1682 = arith.mulf %sub3A_1678, %sub3A_1678 : vector<16xf32>
        %add3A_1683 = arith.addf %add3A_1681, %mul3A_1682 : vector<16xf32>
        %lt3A_1684 = arith.constant 3.600000e+01 : f32
        %lt3A_1685 = vector.broadcast %lt3A_1684 : f32 to vector<16xf32>
        %lt3A_1686 = arith.cmpf olt, %add3A_1683, %lt3A_1685 : vector<16xf32>
        %gt3A_1687 = arith.constant 9.99999996E-13 : f32
        %gt3A_1688 = vector.broadcast %gt3A_1687 : f32 to vector<16xf32>
        %gt3A_1689 = arith.cmpf ogt, %add3A_1683, %gt3A_1688 : vector<16xf32>
        %and3A_1690 = arith.andi %lt3A_1686, %gt3A_1689 : vector<16xi1>
        %jit3A_1691 = arith.constant 0.000000e+00 : f32
        %broadcast_in_dim3A_1692 = vector.broadcast %jit3A_1691 : f32 to vector<16xf32>
        %select_n3A_1693 = arith.select %and3A_1690, %add3A_1683, %broadcast_in_dim3A_1692 : vector<16xi1>, vector<16xf32>
        %add3A_1694 = arith.constant 2 : i32
        %add3A_1695 = arith.addi %mul3A_159, %add3A_1694 : i32
        %swap3A_1696 = arith.index_cast %select_n3A_109 : i32 to index
        %swap3A_1697 = arith.index_cast %add3A_1695 : i32 to index
        %swap3A_1698 = arith.constant 176 : index
        %swap3A_1699 = tpu.vector_load %arg7[%swap3A_1696, %swap3A_1697, %swap3A_1698] {strides = array<i32>} : memref<2x16x512xf32, #tpu.memory_space<vmem>>, vector<1x1x16xf32>,
        %swap3A_1700 = vector.shape_cast %swap3A_1699 : vector<1x1x16xf32> to vector<16xf32>
        %swap3A_1701 = vector.shape_cast %select_n3A_1693 : vector<16xf32> to vector<1x1x16xf32>
        tpu.vector_store %arg7[%swap3A_1696, %swap3A_1697, %swap3A_1698], %swap3A_1701 {strides = array<i32>} : memref<2x16x512xf32, #tpu.memory_space<vmem>>, vector<1x1x16xf32>,
        %sub3A_1702 = arith.subf %get3A_1611, %get3A_194 : vector<16xf32>
        %sub3A_1703 = arith.subf %get3A_1617, %get3A_230 : vector<16xf32>
        %sub3A_1704 = arith.subf %get3A_1623, %get3A_266 : vector<16xf32>
        %mul3A_1705 = arith.mulf %sub3A_1702, %sub3A_1702 : vector<16xf32>
        %mul3A_1706 = arith.mulf %sub3A_1703, %sub3A_1703 : vector<16xf32>
        %add3A_1707 = arith.addf %mul3A_1705, %mul3A_1706 : vector<16xf32>
        %mul3A_1708 = arith.mulf %sub3A_1704, %sub3A_1704 : vector<16xf32>
        %add3A_1709 = arith.addf %add3A_1707, %mul3A_1708 : vector<16xf32>
        %lt3A_1710 = arith.constant 3.600000e+01 : f32
        %lt3A_1711 = vector.broadcast %lt3A_1710 : f32 to vector<16xf32>
        %lt3A_1712 = arith.cmpf olt, %add3A_1709, %lt3A_1711 : vector<16xf32>
        %gt3A_1713 = arith.constant 9.99999996E-13 : f32
        %gt3A_1714 = vector.broadcast %gt3A_1713 : f32 to vector<16xf32>
        %gt3A_1715 = arith.cmpf ogt, %add3A_1709, %gt3A_1714 : vector<16xf32>
        %and3A_1716 = arith.andi %lt3A_1712, %gt3A_1715 : vector<16xi1>
        %jit3A_1717 = arith.constant 0.000000e+00 : f32
        %broadcast_in_dim3A_1718 = vector.broadcast %jit3A_1717 : f32 to vector<16xf32>
        %select_n3A_1719 = arith.select %and3A_1716, %add3A_1709, %broadcast_in_dim3A_1718 : vector<16xi1>, vector<16xf32>
        %add3A_1720 = arith.constant 3 : i32
        %add3A_1721 = arith.addi %mul3A_159, %add3A_1720 : i32
        %swap3A_1722 = arith.index_cast %select_n3A_109 : i32 to index
        %swap3A_1723 = arith.index_cast %add3A_1721 : i32 to index
        %swap3A_1724 = arith.constant 176 : index
        %swap3A_1725 = tpu.vector_load %arg7[%swap3A_1722, %swap3A_1723, %swap3A_1724] {strides = array<i32>} : memref<2x16x512xf32, #tpu.memory_space<vmem>>, vector<1x1x16xf32>,
        %swap3A_1726 = vector.shape_cast %swap3A_1725 : vector<1x1x16xf32> to vector<16xf32>
        %swap3A_1727 = vector.shape_cast %select_n3A_1719 : vector<16xf32> to vector<1x1x16xf32>
        tpu.vector_store %arg7[%swap3A_1722, %swap3A_1723, %swap3A_1724], %swap3A_1727 {strides = array<i32>} : memref<2x16x512xf32, #tpu.memory_space<vmem>>, vector<1x1x16xf32>,
        %get3A_1728 = arith.constant 0 : i32
        %get3A_1729 = arith.index_cast %select_n3A_109 : i32 to index
        %get3A_1730 = arith.index_cast %get3A_1728 : i32 to index
        %get3A_1731 = arith.constant 192 : index
        %get3A_1732 = tpu.vector_load %arg5[%get3A_1729, %get3A_1730, %get3A_1731] {strides = array<i32>} : memref<2x3x512xf32, #tpu.memory_space<vmem>>, vector<1x1x16xf32>,
        %get3A_1733 = vector.shape_cast %get3A_1732 : vector<1x1x16xf32> to vector<16xf32>
        %get3A_1734 = arith.constant 1 : i32
        %get3A_1735 = arith.index_cast %select_n3A_109 : i32 to index
        %get3A_1736 = arith.index_cast %get3A_1734 : i32 to index
        %get3A_1737 = arith.constant 192 : index
        %get3A_1738 = tpu.vector_load %arg5[%get3A_1735, %get3A_1736, %get3A_1737] {strides = array<i32>} : memref<2x3x512xf32, #tpu.memory_space<vmem>>, vector<1x1x16xf32>,
        %get3A_1739 = vector.shape_cast %get3A_1738 : vector<1x1x16xf32> to vector<16xf32>
        %get3A_1740 = arith.constant 2 : i32
        %get3A_1741 = arith.index_cast %select_n3A_109 : i32 to index
        %get3A_1742 = arith.index_cast %get3A_1740 : i32 to index
        %get3A_1743 = arith.constant 192 : index
        %get3A_1744 = tpu.vector_load %arg5[%get3A_1741, %get3A_1742, %get3A_1743] {strides = array<i32>} : memref<2x3x512xf32, #tpu.memory_space<vmem>>, vector<1x1x16xf32>,
        %get3A_1745 = vector.shape_cast %get3A_1744 : vector<1x1x16xf32> to vector<16xf32>
        %sub3A_1746 = arith.subf %get3A_1733, %get3A_167 : vector<16xf32>
        %sub3A_1747 = arith.subf %get3A_1739, %get3A_203 : vector<16xf32>
        %sub3A_1748 = arith.subf %get3A_1745, %get3A_239 : vector<16xf32>
        %mul3A_1749 = arith.mulf %sub3A_1746, %sub3A_1746 : vector<16xf32>
        %mul3A_1750 = arith.mulf %sub3A_1747, %sub3A_1747 : vector<16xf32>
        %add3A_1751 = arith.addf %mul3A_1749, %mul3A_1750 : vector<16xf32>
        %mul3A_1752 = arith.mulf %sub3A_1748, %sub3A_1748 : vector<16xf32>
        %add3A_1753 = arith.addf %add3A_1751, %mul3A_1752 : vector<16xf32>
        %lt3A_1754 = arith.constant 3.600000e+01 : f32
        %lt3A_1755 = vector.broadcast %lt3A_1754 : f32 to vector<16xf32>
        %lt3A_1756 = arith.cmpf olt, %add3A_1753, %lt3A_1755 : vector<16xf32>
        %gt3A_1757 = arith.constant 9.99999996E-13 : f32
        %gt3A_1758 = vector.broadcast %gt3A_1757 : f32 to vector<16xf32>
        %gt3A_1759 = arith.cmpf ogt, %add3A_1753, %gt3A_1758 : vector<16xf32>
        %and3A_1760 = arith.andi %lt3A_1756, %gt3A_1759 : vector<16xi1>
        %jit3A_1761 = arith.constant 0.000000e+00 : f32
        %broadcast_in_dim3A_1762 = vector.broadcast %jit3A_1761 : f32 to vector<16xf32>
        %select_n3A_1763 = arith.select %and3A_1760, %add3A_1753, %broadcast_in_dim3A_1762 : vector<16xi1>, vector<16xf32>
        %add3A_1764 = arith.constant 0 : i32
        %add3A_1765 = arith.addi %mul3A_159, %add3A_1764 : i32
        %swap3A_1766 = arith.index_cast %select_n3A_109 : i32 to index
        %swap3A_1767 = arith.index_cast %add3A_1765 : i32 to index
        %swap3A_1768 = arith.constant 192 : index
        %swap3A_1769 = tpu.vector_load %arg7[%swap3A_1766, %swap3A_1767, %swap3A_1768] {strides = array<i32>} : memref<2x16x512xf32, #tpu.memory_space<vmem>>, vector<1x1x16xf32>,
        %swap3A_1770 = vector.shape_cast %swap3A_1769 : vector<1x1x16xf32> to vector<16xf32>
        %swap3A_1771 = vector.shape_cast %select_n3A_1763 : vector<16xf32> to vector<1x1x16xf32>
        tpu.vector_store %arg7[%swap3A_1766, %swap3A_1767, %swap3A_1768], %swap3A_1771 {strides = array<i32>} : memref<2x16x512xf32, #tpu.memory_space<vmem>>, vector<1x1x16xf32>,
        %sub3A_1772 = arith.subf %get3A_1733, %get3A_176 : vector<16xf32>
        %sub3A_1773 = arith.subf %get3A_1739, %get3A_212 : vector<16xf32>
        %sub3A_1774 = arith.subf %get3A_1745, %get3A_248 : vector<16xf32>
        %mul3A_1775 = arith.mulf %sub3A_1772, %sub3A_1772 : vector<16xf32>
        %mul3A_1776 = arith.mulf %sub3A_1773, %sub3A_1773 : vector<16xf32>
        %add3A_1777 = arith.addf %mul3A_1775, %mul3A_1776 : vector<16xf32>
        %mul3A_1778 = arith.mulf %sub3A_1774, %sub3A_1774 : vector<16xf32>
        %add3A_1779 = arith.addf %add3A_1777, %mul3A_1778 : vector<16xf32>
        %lt3A_1780 = arith.constant 3.600000e+01 : f32
        %lt3A_1781 = vector.broadcast %lt3A_1780 : f32 to vector<16xf32>
        %lt3A_1782 = arith.cmpf olt, %add3A_1779, %lt3A_1781 : vector<16xf32>
        %gt3A_1783 = arith.constant 9.99999996E-13 : f32
        %gt3A_1784 = vector.broadcast %gt3A_1783 : f32 to vector<16xf32>
        %gt3A_1785 = arith.cmpf ogt, %add3A_1779, %gt3A_1784 : vector<16xf32>
        %and3A_1786 = arith.andi %lt3A_1782, %gt3A_1785 : vector<16xi1>
        %jit3A_1787 = arith.constant 0.000000e+00 : f32
        %broadcast_in_dim3A_1788 = vector.broadcast %jit3A_1787 : f32 to vector<16xf32>
        %select_n3A_1789 = arith.select %and3A_1786, %add3A_1779, %broadcast_in_dim3A_1788 : vector<16xi1>, vector<16xf32>
        %add3A_1790 = arith.constant 1 : i32
        %add3A_1791 = arith.addi %mul3A_159, %add3A_1790 : i32
        %swap3A_1792 = arith.index_cast %select_n3A_109 : i32 to index
        %swap3A_1793 = arith.index_cast %add3A_1791 : i32 to index
        %swap3A_1794 = arith.constant 192 : index
        %swap3A_1795 = tpu.vector_load %arg7[%swap3A_1792, %swap3A_1793, %swap3A_1794] {strides = array<i32>} : memref<2x16x512xf32, #tpu.memory_space<vmem>>, vector<1x1x16xf32>,
        %swap3A_1796 = vector.shape_cast %swap3A_1795 : vector<1x1x16xf32> to vector<16xf32>
        %swap3A_1797 = vector.shape_cast %select_n3A_1789 : vector<16xf32> to vector<1x1x16xf32>
        tpu.vector_store %arg7[%swap3A_1792, %swap3A_1793, %swap3A_1794], %swap3A_1797 {strides = array<i32>} : memref<2x16x512xf32, #tpu.memory_space<vmem>>, vector<1x1x16xf32>,
        %sub3A_1798 = arith.subf %get3A_1733, %get3A_185 : vector<16xf32>
        %sub3A_1799 = arith.subf %get3A_1739, %get3A_221 : vector<16xf32>
        %sub3A_1800 = arith.subf %get3A_1745, %get3A_257 : vector<16xf32>
        %mul3A_1801 = arith.mulf %sub3A_1798, %sub3A_1798 : vector<16xf32>
        %mul3A_1802 = arith.mulf %sub3A_1799, %sub3A_1799 : vector<16xf32>
        %add3A_1803 = arith.addf %mul3A_1801, %mul3A_1802 : vector<16xf32>
        %mul3A_1804 = arith.mulf %sub3A_1800, %sub3A_1800 : vector<16xf32>
        %add3A_1805 = arith.addf %add3A_1803, %mul3A_1804 : vector<16xf32>
        %lt3A_1806 = arith.constant 3.600000e+01 : f32
        %lt3A_1807 = vector.broadcast %lt3A_1806 : f32 to vector<16xf32>
        %lt3A_1808 = arith.cmpf olt, %add3A_1805, %lt3A_1807 : vector<16xf32>
        %gt3A_1809 = arith.constant 9.99999996E-13 : f32
        %gt3A_1810 = vector.broadcast %gt3A_1809 : f32 to vector<16xf32>
        %gt3A_1811 = arith.cmpf ogt, %add3A_1805, %gt3A_1810 : vector<16xf32>
        %and3A_1812 = arith.andi %lt3A_1808, %gt3A_1811 : vector<16xi1>
        %jit3A_1813 = arith.constant 0.000000e+00 : f32
        %broadcast_in_dim3A_1814 = vector.broadcast %jit3A_1813 : f32 to vector<16xf32>
        %select_n3A_1815 = arith.select %and3A_1812, %add3A_1805, %broadcast_in_dim3A_1814 : vector<16xi1>, vector<16xf32>
        %add3A_1816 = arith.constant 2 : i32
        %add3A_1817 = arith.addi %mul3A_159, %add3A_1816 : i32
        %swap3A_1818 = arith.index_cast %select_n3A_109 : i32 to index
        %swap3A_1819 = arith.index_cast %add3A_1817 : i32 to index
        %swap3A_1820 = arith.constant 192 : index
        %swap3A_1821 = tpu.vector_load %arg7[%swap3A_1818, %swap3A_1819, %swap3A_1820] {strides = array<i32>} : memref<2x16x512xf32, #tpu.memory_space<vmem>>, vector<1x1x16xf32>,
        %swap3A_1822 = vector.shape_cast %swap3A_1821 : vector<1x1x16xf32> to vector<16xf32>
        %swap3A_1823 = vector.shape_cast %select_n3A_1815 : vector<16xf32> to vector<1x1x16xf32>
        tpu.vector_store %arg7[%swap3A_1818, %swap3A_1819, %swap3A_1820], %swap3A_1823 {strides = array<i32>} : memref<2x16x512xf32, #tpu.memory_space<vmem>>, vector<1x1x16xf32>,
        %sub3A_1824 = arith.subf %get3A_1733, %get3A_194 : vector<16xf32>
        %sub3A_1825 = arith.subf %get3A_1739, %get3A_230 : vector<16xf32>
        %sub3A_1826 = arith.subf %get3A_1745, %get3A_266 : vector<16xf32>
        %mul3A_1827 = arith.mulf %sub3A_1824, %sub3A_1824 : vector<16xf32>
        %mul3A_1828 = arith.mulf %sub3A_1825, %sub3A_1825 : vector<16xf32>
        %add3A_1829 = arith.addf %mul3A_1827, %mul3A_1828 : vector<16xf32>
        %mul3A_1830 = arith.mulf %sub3A_1826, %sub3A_1826 : vector<16xf32>
        %add3A_1831 = arith.addf %add3A_1829, %mul3A_1830 : vector<16xf32>
        %lt3A_1832 = arith.constant 3.600000e+01 : f32
        %lt3A_1833 = vector.broadcast %lt3A_1832 : f32 to vector<16xf32>
        %lt3A_1834 = arith.cmpf olt, %add3A_1831, %lt3A_1833 : vector<16xf32>
        %gt3A_1835 = arith.constant 9.99999996E-13 : f32
        %gt3A_1836 = vector.broadcast %gt3A_1835 : f32 to vector<16xf32>
        %gt3A_1837 = arith.cmpf ogt, %add3A_1831, %gt3A_1836 : vector<16xf32>
        %and3A_1838 = arith.andi %lt3A_1834, %gt3A_1837 : vector<16xi1>
        %jit3A_1839 = arith.constant 0.000000e+00 : f32
        %broadcast_in_dim3A_1840 = vector.broadcast %jit3A_1839 : f32 to vector<16xf32>
        %select_n3A_1841 = arith.select %and3A_1838, %add3A_1831, %broadcast_in_dim3A_1840 : vector<16xi1>, vector<16xf32>
        %add3A_1842 = arith.constant 3 : i32
        %add3A_1843 = arith.addi %mul3A_159, %add3A_1842 : i32
        %swap3A_1844 = arith.index_cast %select_n3A_109 : i32 to index
        %swap3A_1845 = arith.index_cast %add3A_1843 : i32 to index
        %swap3A_1846 = arith.constant 192 : index
        %swap3A_1847 = tpu.vector_load %arg7[%swap3A_1844, %swap3A_1845, %swap3A_1846] {strides = array<i32>} : memref<2x16x512xf32, #tpu.memory_space<vmem>>, vector<1x1x16xf32>,
        %swap3A_1848 = vector.shape_cast %swap3A_1847 : vector<1x1x16xf32> to vector<16xf32>
        %swap3A_1849 = vector.shape_cast %select_n3A_1841 : vector<16xf32> to vector<1x1x16xf32>
        tpu.vector_store %arg7[%swap3A_1844, %swap3A_1845, %swap3A_1846], %swap3A_1849 {strides = array<i32>} : memref<2x16x512xf32, #tpu.memory_space<vmem>>, vector<1x1x16xf32>,
        %get3A_1850 = arith.constant 0 : i32
        %get3A_1851 = arith.index_cast %select_n3A_109 : i32 to index
        %get3A_1852 = arith.index_cast %get3A_1850 : i32 to index
        %get3A_1853 = arith.constant 208 : index
        %get3A_1854 = tpu.vector_load %arg5[%get3A_1851, %get3A_1852, %get3A_1853] {strides = array<i32>} : memref<2x3x512xf32, #tpu.memory_space<vmem>>, vector<1x1x16xf32>,
        %get3A_1855 = vector.shape_cast %get3A_1854 : vector<1x1x16xf32> to vector<16xf32>
        %get3A_1856 = arith.constant 1 : i32
        %get3A_1857 = arith.index_cast %select_n3A_109 : i32 to index
        %get3A_1858 = arith.index_cast %get3A_1856 : i32 to index
        %get3A_1859 = arith.constant 208 : index
        %get3A_1860 = tpu.vector_load %arg5[%get3A_1857, %get3A_1858, %get3A_1859] {strides = array<i32>} : memref<2x3x512xf32, #tpu.memory_space<vmem>>, vector<1x1x16xf32>,
        %get3A_1861 = vector.shape_cast %get3A_1860 : vector<1x1x16xf32> to vector<16xf32>
        %get3A_1862 = arith.constant 2 : i32
        %get3A_1863 = arith.index_cast %select_n3A_109 : i32 to index
        %get3A_1864 = arith.index_cast %get3A_1862 : i32 to index
        %get3A_1865 = arith.constant 208 : index
        %get3A_1866 = tpu.vector_load %arg5[%get3A_1863, %get3A_1864, %get3A_1865] {strides = array<i32>} : memref<2x3x512xf32, #tpu.memory_space<vmem>>, vector<1x1x16xf32>,
        %get3A_1867 = vector.shape_cast %get3A_1866 : vector<1x1x16xf32> to vector<16xf32>
        %sub3A_1868 = arith.subf %get3A_1855, %get3A_167 : vector<16xf32>
        %sub3A_1869 = arith.subf %get3A_1861, %get3A_203 : vector<16xf32>
        %sub3A_1870 = arith.subf %get3A_1867, %get3A_239 : vector<16xf32>
        %mul3A_1871 = arith.mulf %sub3A_1868, %sub3A_1868 : vector<16xf32>
        %mul3A_1872 = arith.mulf %sub3A_1869, %sub3A_1869 : vector<16xf32>
        %add3A_1873 = arith.addf %mul3A_1871, %mul3A_1872 : vector<16xf32>
        %mul3A_1874 = arith.mulf %sub3A_1870, %sub3A_1870 : vector<16xf32>
        %add3A_1875 = arith.addf %add3A_1873, %mul3A_1874 : vector<16xf32>
        %lt3A_1876 = arith.constant 3.600000e+01 : f32
        %lt3A_1877 = vector.broadcast %lt3A_1876 : f32 to vector<16xf32>
        %lt3A_1878 = arith.cmpf olt, %add3A_1875, %lt3A_1877 : vector<16xf32>
        %gt3A_1879 = arith.constant 9.99999996E-13 : f32
        %gt3A_1880 = vector.broadcast %gt3A_1879 : f32 to vector<16xf32>
        %gt3A_1881 = arith.cmpf ogt, %add3A_1875, %gt3A_1880 : vector<16xf32>
        %and3A_1882 = arith.andi %lt3A_1878, %gt3A_1881 : vector<16xi1>
        %jit3A_1883 = arith.constant 0.000000e+00 : f32
        %broadcast_in_dim3A_1884 = vector.broadcast %jit3A_1883 : f32 to vector<16xf32>
        %select_n3A_1885 = arith.select %and3A_1882, %add3A_1875, %broadcast_in_dim3A_1884 : vector<16xi1>, vector<16xf32>
        %add3A_1886 = arith.constant 0 : i32
        %add3A_1887 = arith.addi %mul3A_159, %add3A_1886 : i32
        %swap3A_1888 = arith.index_cast %select_n3A_109 : i32 to index
        %swap3A_1889 = arith.index_cast %add3A_1887 : i32 to index
        %swap3A_1890 = arith.constant 208 : index
        %swap3A_1891 = tpu.vector_load %arg7[%swap3A_1888, %swap3A_1889, %swap3A_1890] {strides = array<i32>} : memref<2x16x512xf32, #tpu.memory_space<vmem>>, vector<1x1x16xf32>,
        %swap3A_1892 = vector.shape_cast %swap3A_1891 : vector<1x1x16xf32> to vector<16xf32>
        %swap3A_1893 = vector.shape_cast %select_n3A_1885 : vector<16xf32> to vector<1x1x16xf32>
        tpu.vector_store %arg7[%swap3A_1888, %swap3A_1889, %swap3A_1890], %swap3A_1893 {strides = array<i32>} : memref<2x16x512xf32, #tpu.memory_space<vmem>>, vector<1x1x16xf32>,
        %sub3A_1894 = arith.subf %get3A_1855, %get3A_176 : vector<16xf32>
        %sub3A_1895 = arith.subf %get3A_1861, %get3A_212 : vector<16xf32>
        %sub3A_1896 = arith.subf %get3A_1867, %get3A_248 : vector<16xf32>
        %mul3A_1897 = arith.mulf %sub3A_1894, %sub3A_1894 : vector<16xf32>
        %mul3A_1898 = arith.mulf %sub3A_1895, %sub3A_1895 : vector<16xf32>
        %add3A_1899 = arith.addf %mul3A_1897, %mul3A_1898 : vector<16xf32>
        %mul3A_1900 = arith.mulf %sub3A_1896, %sub3A_1896 : vector<16xf32>
        %add3A_1901 = arith.addf %add3A_1899, %mul3A_1900 : vector<16xf32>
        %lt3A_1902 = arith.constant 3.600000e+01 : f32
        %lt3A_1903 = vector.broadcast %lt3A_1902 : f32 to vector<16xf32>
        %lt3A_1904 = arith.cmpf olt, %add3A_1901, %lt3A_1903 : vector<16xf32>
        %gt3A_1905 = arith.constant 9.99999996E-13 : f32
        %gt3A_1906 = vector.broadcast %gt3A_1905 : f32 to vector<16xf32>
        %gt3A_1907 = arith.cmpf ogt, %add3A_1901, %gt3A_1906 : vector<16xf32>
        %and3A_1908 = arith.andi %lt3A_1904, %gt3A_1907 : vector<16xi1>
        %jit3A_1909 = arith.constant 0.000000e+00 : f32
        %broadcast_in_dim3A_1910 = vector.broadcast %jit3A_1909 : f32 to vector<16xf32>
        %select_n3A_1911 = arith.select %and3A_1908, %add3A_1901, %broadcast_in_dim3A_1910 : vector<16xi1>, vector<16xf32>
        %add3A_1912 = arith.constant 1 : i32
        %add3A_1913 = arith.addi %mul3A_159, %add3A_1912 : i32
        %swap3A_1914 = arith.index_cast %select_n3A_109 : i32 to index
        %swap3A_1915 = arith.index_cast %add3A_1913 : i32 to index
        %swap3A_1916 = arith.constant 208 : index
        %swap3A_1917 = tpu.vector_load %arg7[%swap3A_1914, %swap3A_1915, %swap3A_1916] {strides = array<i32>} : memref<2x16x512xf32, #tpu.memory_space<vmem>>, vector<1x1x16xf32>,
        %swap3A_1918 = vector.shape_cast %swap3A_1917 : vector<1x1x16xf32> to vector<16xf32>
        %swap3A_1919 = vector.shape_cast %select_n3A_1911 : vector<16xf32> to vector<1x1x16xf32>
        tpu.vector_store %arg7[%swap3A_1914, %swap3A_1915, %swap3A_1916], %swap3A_1919 {strides = array<i32>} : memref<2x16x512xf32, #tpu.memory_space<vmem>>, vector<1x1x16xf32>,
        %sub3A_1920 = arith.subf %get3A_1855, %get3A_185 : vector<16xf32>
        %sub3A_1921 = arith.subf %get3A_1861, %get3A_221 : vector<16xf32>
        %sub3A_1922 = arith.subf %get3A_1867, %get3A_257 : vector<16xf32>
        %mul3A_1923 = arith.mulf %sub3A_1920, %sub3A_1920 : vector<16xf32>
        %mul3A_1924 = arith.mulf %sub3A_1921, %sub3A_1921 : vector<16xf32>
        %add3A_1925 = arith.addf %mul3A_1923, %mul3A_1924 : vector<16xf32>
        %mul3A_1926 = arith.mulf %sub3A_1922, %sub3A_1922 : vector<16xf32>
        %add3A_1927 = arith.addf %add3A_1925, %mul3A_1926 : vector<16xf32>
        %lt3A_1928 = arith.constant 3.600000e+01 : f32
        %lt3A_1929 = vector.broadcast %lt3A_1928 : f32 to vector<16xf32>
        %lt3A_1930 = arith.cmpf olt, %add3A_1927, %lt3A_1929 : vector<16xf32>
        %gt3A_1931 = arith.constant 9.99999996E-13 : f32
        %gt3A_1932 = vector.broadcast %gt3A_1931 : f32 to vector<16xf32>
        %gt3A_1933 = arith.cmpf ogt, %add3A_1927, %gt3A_1932 : vector<16xf32>
        %and3A_1934 = arith.andi %lt3A_1930, %gt3A_1933 : vector<16xi1>
        %jit3A_1935 = arith.constant 0.000000e+00 : f32
        %broadcast_in_dim3A_1936 = vector.broadcast %jit3A_1935 : f32 to vector<16xf32>
        %select_n3A_1937 = arith.select %and3A_1934, %add3A_1927, %broadcast_in_dim3A_1936 : vector<16xi1>, vector<16xf32>
        %add3A_1938 = arith.constant 2 : i32
        %add3A_1939 = arith.addi %mul3A_159, %add3A_1938 : i32
        %swap3A_1940 = arith.index_cast %select_n3A_109 : i32 to index
        %swap3A_1941 = arith.index_cast %add3A_1939 : i32 to index
        %swap3A_1942 = arith.constant 208 : index
        %swap3A_1943 = tpu.vector_load %arg7[%swap3A_1940, %swap3A_1941, %swap3A_1942] {strides = array<i32>} : memref<2x16x512xf32, #tpu.memory_space<vmem>>, vector<1x1x16xf32>,
        %swap3A_1944 = vector.shape_cast %swap3A_1943 : vector<1x1x16xf32> to vector<16xf32>
        %swap3A_1945 = vector.shape_cast %select_n3A_1937 : vector<16xf32> to vector<1x1x16xf32>
        tpu.vector_store %arg7[%swap3A_1940, %swap3A_1941, %swap3A_1942], %swap3A_1945 {strides = array<i32>} : memref<2x16x512xf32, #tpu.memory_space<vmem>>, vector<1x1x16xf32>,
        %sub3A_1946 = arith.subf %get3A_1855, %get3A_194 : vector<16xf32>
        %sub3A_1947 = arith.subf %get3A_1861, %get3A_230 : vector<16xf32>
        %sub3A_1948 = arith.subf %get3A_1867, %get3A_266 : vector<16xf32>
        %mul3A_1949 = arith.mulf %sub3A_1946, %sub3A_1946 : vector<16xf32>
        %mul3A_1950 = arith.mulf %sub3A_1947, %sub3A_1947 : vector<16xf32>
        %add3A_1951 = arith.addf %mul3A_1949, %mul3A_1950 : vector<16xf32>
        %mul3A_1952 = arith.mulf %sub3A_1948, %sub3A_1948 : vector<16xf32>
        %add3A_1953 = arith.addf %add3A_1951, %mul3A_1952 : vector<16xf32>
        %lt3A_1954 = arith.constant 3.600000e+01 : f32
        %lt3A_1955 = vector.broadcast %lt3A_1954 : f32 to vector<16xf32>
        %lt3A_1956 = arith.cmpf olt, %add3A_1953, %lt3A_1955 : vector<16xf32>
        %gt3A_1957 = arith.constant 9.99999996E-13 : f32
        %gt3A_1958 = vector.broadcast %gt3A_1957 : f32 to vector<16xf32>
        %gt3A_1959 = arith.cmpf ogt, %add3A_1953, %gt3A_1958 : vector<16xf32>
        %and3A_1960 = arith.andi %lt3A_1956, %gt3A_1959 : vector<16xi1>
        %jit3A_1961 = arith.constant 0.000000e+00 : f32
        %broadcast_in_dim3A_1962 = vector.broadcast %jit3A_1961 : f32 to vector<16xf32>
        %select_n3A_1963 = arith.select %and3A_1960, %add3A_1953, %broadcast_in_dim3A_1962 : vector<16xi1>, vector<16xf32>
        %add3A_1964 = arith.constant 3 : i32
        %add3A_1965 = arith.addi %mul3A_159, %add3A_1964 : i32
        %swap3A_1966 = arith.index_cast %select_n3A_109 : i32 to index
        %swap3A_1967 = arith.index_cast %add3A_1965 : i32 to index
        %swap3A_1968 = arith.constant 208 : index
        %swap3A_1969 = tpu.vector_load %arg7[%swap3A_1966, %swap3A_1967, %swap3A_1968] {strides = array<i32>} : memref<2x16x512xf32, #tpu.memory_space<vmem>>, vector<1x1x16xf32>,
        %swap3A_1970 = vector.shape_cast %swap3A_1969 : vector<1x1x16xf32> to vector<16xf32>
        %swap3A_1971 = vector.shape_cast %select_n3A_1963 : vector<16xf32> to vector<1x1x16xf32>
        tpu.vector_store %arg7[%swap3A_1966, %swap3A_1967, %swap3A_1968], %swap3A_1971 {strides = array<i32>} : memref<2x16x512xf32, #tpu.memory_space<vmem>>, vector<1x1x16xf32>,
        %get3A_1972 = arith.constant 0 : i32
        %get3A_1973 = arith.index_cast %select_n3A_109 : i32 to index
        %get3A_1974 = arith.index_cast %get3A_1972 : i32 to index
        %get3A_1975 = arith.constant 224 : index
        %get3A_1976 = tpu.vector_load %arg5[%get3A_1973, %get3A_1974, %get3A_1975] {strides = array<i32>} : memref<2x3x512xf32, #tpu.memory_space<vmem>>, vector<1x1x16xf32>,
        %get3A_1977 = vector.shape_cast %get3A_1976 : vector<1x1x16xf32> to vector<16xf32>
        %get3A_1978 = arith.constant 1 : i32
        %get3A_1979 = arith.index_cast %select_n3A_109 : i32 to index
        %get3A_1980 = arith.index_cast %get3A_1978 : i32 to index
        %get3A_1981 = arith.constant 224 : index
        %get3A_1982 = tpu.vector_load %arg5[%get3A_1979, %get3A_1980, %get3A_1981] {strides = array<i32>} : memref<2x3x512xf32, #tpu.memory_space<vmem>>, vector<1x1x16xf32>,
        %get3A_1983 = vector.shape_cast %get3A_1982 : vector<1x1x16xf32> to vector<16xf32>
        %get3A_1984 = arith.constant 2 : i32
        %get3A_1985 = arith.index_cast %select_n3A_109 : i32 to index
        %get3A_1986 = arith.index_cast %get3A_1984 : i32 to index
        %get3A_1987 = arith.constant 224 : index
        %get3A_1988 = tpu.vector_load %arg5[%get3A_1985, %get3A_1986, %get3A_1987] {strides = array<i32>} : memref<2x3x512xf32, #tpu.memory_space<vmem>>, vector<1x1x16xf32>,
        %get3A_1989 = vector.shape_cast %get3A_1988 : vector<1x1x16xf32> to vector<16xf32>
        %sub3A_1990 = arith.subf %get3A_1977, %get3A_167 : vector<16xf32>
        %sub3A_1991 = arith.subf %get3A_1983, %get3A_203 : vector<16xf32>
        %sub3A_1992 = arith.subf %get3A_1989, %get3A_239 : vector<16xf32>
        %mul3A_1993 = arith.mulf %sub3A_1990, %sub3A_1990 : vector<16xf32>
        %mul3A_1994 = arith.mulf %sub3A_1991, %sub3A_1991 : vector<16xf32>
        %add3A_1995 = arith.addf %mul3A_1993, %mul3A_1994 : vector<16xf32>
        %mul3A_1996 = arith.mulf %sub3A_1992, %sub3A_1992 : vector<16xf32>
        %add3A_1997 = arith.addf %add3A_1995, %mul3A_1996 : vector<16xf32>
        %lt3A_1998 = arith.constant 3.600000e+01 : f32
        %lt3A_1999 = vector.broadcast %lt3A_1998 : f32 to vector<16xf32>
        %lt3A_2000 = arith.cmpf olt, %add3A_1997, %lt3A_1999 : vector<16xf32>
        %gt3A_2001 = arith.constant 9.99999996E-13 : f32
        %gt3A_2002 = vector.broadcast %gt3A_2001 : f32 to vector<16xf32>
        %gt3A_2003 = arith.cmpf ogt, %add3A_1997, %gt3A_2002 : vector<16xf32>
        %and3A_2004 = arith.andi %lt3A_2000, %gt3A_2003 : vector<16xi1>
        %jit3A_2005 = arith.constant 0.000000e+00 : f32
        %broadcast_in_dim3A_2006 = vector.broadcast %jit3A_2005 : f32 to vector<16xf32>
        %select_n3A_2007 = arith.select %and3A_2004, %add3A_1997, %broadcast_in_dim3A_2006 : vector<16xi1>, vector<16xf32>
        %add3A_2008 = arith.constant 0 : i32
        %add3A_2009 = arith.addi %mul3A_159, %add3A_2008 : i32
        %swap3A_2010 = arith.index_cast %select_n3A_109 : i32 to index
        %swap3A_2011 = arith.index_cast %add3A_2009 : i32 to index
        %swap3A_2012 = arith.constant 224 : index
        %swap3A_2013 = tpu.vector_load %arg7[%swap3A_2010, %swap3A_2011, %swap3A_2012] {strides = array<i32>} : memref<2x16x512xf32, #tpu.memory_space<vmem>>, vector<1x1x16xf32>,
        %swap3A_2014 = vector.shape_cast %swap3A_2013 : vector<1x1x16xf32> to vector<16xf32>
        %swap3A_2015 = vector.shape_cast %select_n3A_2007 : vector<16xf32> to vector<1x1x16xf32>
        tpu.vector_store %arg7[%swap3A_2010, %swap3A_2011, %swap3A_2012], %swap3A_2015 {strides = array<i32>} : memref<2x16x512xf32, #tpu.memory_space<vmem>>, vector<1x1x16xf32>,
        %sub3A_2016 = arith.subf %get3A_1977, %get3A_176 : vector<16xf32>
        %sub3A_2017 = arith.subf %get3A_1983, %get3A_212 : vector<16xf32>
        %sub3A_2018 = arith.subf %get3A_1989, %get3A_248 : vector<16xf32>
        %mul3A_2019 = arith.mulf %sub3A_2016, %sub3A_2016 : vector<16xf32>
        %mul3A_2020 = arith.mulf %sub3A_2017, %sub3A_2017 : vector<16xf32>
        %add3A_2021 = arith.addf %mul3A_2019, %mul3A_2020 : vector<16xf32>
        %mul3A_2022 = arith.mulf %sub3A_2018, %sub3A_2018 : vector<16xf32>
        %add3A_2023 = arith.addf %add3A_2021, %mul3A_2022 : vector<16xf32>
        %lt3A_2024 = arith.constant 3.600000e+01 : f32
        %lt3A_2025 = vector.broadcast %lt3A_2024 : f32 to vector<16xf32>
        %lt3A_2026 = arith.cmpf olt, %add3A_2023, %lt3A_2025 : vector<16xf32>
        %gt3A_2027 = arith.constant 9.99999996E-13 : f32
        %gt3A_2028 = vector.broadcast %gt3A_2027 : f32 to vector<16xf32>
        %gt3A_2029 = arith.cmpf ogt, %add3A_2023, %gt3A_2028 : vector<16xf32>
        %and3A_2030 = arith.andi %lt3A_2026, %gt3A_2029 : vector<16xi1>
        %jit3A_2031 = arith.constant 0.000000e+00 : f32
        %broadcast_in_dim3A_2032 = vector.broadcast %jit3A_2031 : f32 to vector<16xf32>
        %select_n3A_2033 = arith.select %and3A_2030, %add3A_2023, %broadcast_in_dim3A_2032 : vector<16xi1>, vector<16xf32>
        %add3A_2034 = arith.constant 1 : i32
        %add3A_2035 = arith.addi %mul3A_159, %add3A_2034 : i32
        %swap3A_2036 = arith.index_cast %select_n3A_109 : i32 to index
        %swap3A_2037 = arith.index_cast %add3A_2035 : i32 to index
        %swap3A_2038 = arith.constant 224 : index
        %swap3A_2039 = tpu.vector_load %arg7[%swap3A_2036, %swap3A_2037, %swap3A_2038] {strides = array<i32>} : memref<2x16x512xf32, #tpu.memory_space<vmem>>, vector<1x1x16xf32>,
        %swap3A_2040 = vector.shape_cast %swap3A_2039 : vector<1x1x16xf32> to vector<16xf32>
        %swap3A_2041 = vector.shape_cast %select_n3A_2033 : vector<16xf32> to vector<1x1x16xf32>
        tpu.vector_store %arg7[%swap3A_2036, %swap3A_2037, %swap3A_2038], %swap3A_2041 {strides = array<i32>} : memref<2x16x512xf32, #tpu.memory_space<vmem>>, vector<1x1x16xf32>,
        %sub3A_2042 = arith.subf %get3A_1977, %get3A_185 : vector<16xf32>
        %sub3A_2043 = arith.subf %get3A_1983, %get3A_221 : vector<16xf32>
        %sub3A_2044 = arith.subf %get3A_1989, %get3A_257 : vector<16xf32>
        %mul3A_2045 = arith.mulf %sub3A_2042, %sub3A_2042 : vector<16xf32>
        %mul3A_2046 = arith.mulf %sub3A_2043, %sub3A_2043 : vector<16xf32>
        %add3A_2047 = arith.addf %mul3A_2045, %mul3A_2046 : vector<16xf32>
        %mul3A_2048 = arith.mulf %sub3A_2044, %sub3A_2044 : vector<16xf32>
        %add3A_2049 = arith.addf %add3A_2047, %mul3A_2048 : vector<16xf32>
        %lt3A_2050 = arith.constant 3.600000e+01 : f32
        %lt3A_2051 = vector.broadcast %lt3A_2050 : f32 to vector<16xf32>
        %lt3A_2052 = arith.cmpf olt, %add3A_2049, %lt3A_2051 : vector<16xf32>
        %gt3A_2053 = arith.constant 9.99999996E-13 : f32
        %gt3A_2054 = vector.broadcast %gt3A_2053 : f32 to vector<16xf32>
        %gt3A_2055 = arith.cmpf ogt, %add3A_2049, %gt3A_2054 : vector<16xf32>
        %and3A_2056 = arith.andi %lt3A_2052, %gt3A_2055 : vector<16xi1>
        %jit3A_2057 = arith.constant 0.000000e+00 : f32
        %broadcast_in_dim3A_2058 = vector.broadcast %jit3A_2057 : f32 to vector<16xf32>
        %select_n3A_2059 = arith.select %and3A_2056, %add3A_2049, %broadcast_in_dim3A_2058 : vector<16xi1>, vector<16xf32>
        %add3A_2060 = arith.constant 2 : i32
        %add3A_2061 = arith.addi %mul3A_159, %add3A_2060 : i32
        %swap3A_2062 = arith.index_cast %select_n3A_109 : i32 to index
        %swap3A_2063 = arith.index_cast %add3A_2061 : i32 to index
        %swap3A_2064 = arith.constant 224 : index
        %swap3A_2065 = tpu.vector_load %arg7[%swap3A_2062, %swap3A_2063, %swap3A_2064] {strides = array<i32>} : memref<2x16x512xf32, #tpu.memory_space<vmem>>, vector<1x1x16xf32>,
        %swap3A_2066 = vector.shape_cast %swap3A_2065 : vector<1x1x16xf32> to vector<16xf32>
        %swap3A_2067 = vector.shape_cast %select_n3A_2059 : vector<16xf32> to vector<1x1x16xf32>
        tpu.vector_store %arg7[%swap3A_2062, %swap3A_2063, %swap3A_2064], %swap3A_2067 {strides = array<i32>} : memref<2x16x512xf32, #tpu.memory_space<vmem>>, vector<1x1x16xf32>,
        %sub3A_2068 = arith.subf %get3A_1977, %get3A_194 : vector<16xf32>
        %sub3A_2069 = arith.subf %get3A_1983, %get3A_230 : vector<16xf32>
        %sub3A_2070 = arith.subf %get3A_1989, %get3A_266 : vector<16xf32>
        %mul3A_2071 = arith.mulf %sub3A_2068, %sub3A_2068 : vector<16xf32>
        %mul3A_2072 = arith.mulf %sub3A_2069, %sub3A_2069 : vector<16xf32>
        %add3A_2073 = arith.addf %mul3A_2071, %mul3A_2072 : vector<16xf32>
        %mul3A_2074 = arith.mulf %sub3A_2070, %sub3A_2070 : vector<16xf32>
        %add3A_2075 = arith.addf %add3A_2073, %mul3A_2074 : vector<16xf32>
        %lt3A_2076 = arith.constant 3.600000e+01 : f32
        %lt3A_2077 = vector.broadcast %lt3A_2076 : f32 to vector<16xf32>
        %lt3A_2078 = arith.cmpf olt, %add3A_2075, %lt3A_2077 : vector<16xf32>
        %gt3A_2079 = arith.constant 9.99999996E-13 : f32
        %gt3A_2080 = vector.broadcast %gt3A_2079 : f32 to vector<16xf32>
        %gt3A_2081 = arith.cmpf ogt, %add3A_2075, %gt3A_2080 : vector<16xf32>
        %and3A_2082 = arith.andi %lt3A_2078, %gt3A_2081 : vector<16xi1>
        %jit3A_2083 = arith.constant 0.000000e+00 : f32
        %broadcast_in_dim3A_2084 = vector.broadcast %jit3A_2083 : f32 to vector<16xf32>
        %select_n3A_2085 = arith.select %and3A_2082, %add3A_2075, %broadcast_in_dim3A_2084 : vector<16xi1>, vector<16xf32>
        %add3A_2086 = arith.constant 3 : i32
        %add3A_2087 = arith.addi %mul3A_159, %add3A_2086 : i32
        %swap3A_2088 = arith.index_cast %select_n3A_109 : i32 to index
        %swap3A_2089 = arith.index_cast %add3A_2087 : i32 to index
        %swap3A_2090 = arith.constant 224 : index
        %swap3A_2091 = tpu.vector_load %arg7[%swap3A_2088, %swap3A_2089, %swap3A_2090] {strides = array<i32>} : memref<2x16x512xf32, #tpu.memory_space<vmem>>, vector<1x1x16xf32>,
        %swap3A_2092 = vector.shape_cast %swap3A_2091 : vector<1x1x16xf32> to vector<16xf32>
        %swap3A_2093 = vector.shape_cast %select_n3A_2085 : vector<16xf32> to vector<1x1x16xf32>
        tpu.vector_store %arg7[%swap3A_2088, %swap3A_2089, %swap3A_2090], %swap3A_2093 {strides = array<i32>} : memref<2x16x512xf32, #tpu.memory_space<vmem>>, vector<1x1x16xf32>,
        %get3A_2094 = arith.constant 0 : i32
        %get3A_2095 = arith.index_cast %select_n3A_109 : i32 to index
        %get3A_2096 = arith.index_cast %get3A_2094 : i32 to index
        %get3A_2097 = arith.constant 240 : index
        %get3A_2098 = tpu.vector_load %arg5[%get3A_2095, %get3A_2096, %get3A_2097] {strides = array<i32>} : memref<2x3x512xf32, #tpu.memory_space<vmem>>, vector<1x1x16xf32>,
        %get3A_2099 = vector.shape_cast %get3A_2098 : vector<1x1x16xf32> to vector<16xf32>
        %get3A_2100 = arith.constant 1 : i32
        %get3A_2101 = arith.index_cast %select_n3A_109 : i32 to index
        %get3A_2102 = arith.index_cast %get3A_2100 : i32 to index
        %get3A_2103 = arith.constant 240 : index
        %get3A_2104 = tpu.vector_load %arg5[%get3A_2101, %get3A_2102, %get3A_2103] {strides = array<i32>} : memref<2x3x512xf32, #tpu.memory_space<vmem>>, vector<1x1x16xf32>,
        %get3A_2105 = vector.shape_cast %get3A_2104 : vector<1x1x16xf32> to vector<16xf32>
        %get3A_2106 = arith.constant 2 : i32
        %get3A_2107 = arith.index_cast %select_n3A_109 : i32 to index
        %get3A_2108 = arith.index_cast %get3A_2106 : i32 to index
        %get3A_2109 = arith.constant 240 : index
        %get3A_2110 = tpu.vector_load %arg5[%get3A_2107, %get3A_2108, %get3A_2109] {strides = array<i32>} : memref<2x3x512xf32, #tpu.memory_space<vmem>>, vector<1x1x16xf32>,
        %get3A_2111 = vector.shape_cast %get3A_2110 : vector<1x1x16xf32> to vector<16xf32>
        %sub3A_2112 = arith.subf %get3A_2099, %get3A_167 : vector<16xf32>
        %sub3A_2113 = arith.subf %get3A_2105, %get3A_203 : vector<16xf32>
        %sub3A_2114 = arith.subf %get3A_2111, %get3A_239 : vector<16xf32>
        %mul3A_2115 = arith.mulf %sub3A_2112, %sub3A_2112 : vector<16xf32>
        %mul3A_2116 = arith.mulf %sub3A_2113, %sub3A_2113 : vector<16xf32>
        %add3A_2117 = arith.addf %mul3A_2115, %mul3A_2116 : vector<16xf32>
        %mul3A_2118 = arith.mulf %sub3A_2114, %sub3A_2114 : vector<16xf32>
        %add3A_2119 = arith.addf %add3A_2117, %mul3A_2118 : vector<16xf32>
        %lt3A_2120 = arith.constant 3.600000e+01 : f32
        %lt3A_2121 = vector.broadcast %lt3A_2120 : f32 to vector<16xf32>
        %lt3A_2122 = arith.cmpf olt, %add3A_2119, %lt3A_2121 : vector<16xf32>
        %gt3A_2123 = arith.constant 9.99999996E-13 : f32
        %gt3A_2124 = vector.broadcast %gt3A_2123 : f32 to vector<16xf32>
        %gt3A_2125 = arith.cmpf ogt, %add3A_2119, %gt3A_2124 : vector<16xf32>
        %and3A_2126 = arith.andi %lt3A_2122, %gt3A_2125 : vector<16xi1>
        %jit3A_2127 = arith.constant 0.000000e+00 : f32
        %broadcast_in_dim3A_2128 = vector.broadcast %jit3A_2127 : f32 to vector<16xf32>
        %select_n3A_2129 = arith.select %and3A_2126, %add3A_2119, %broadcast_in_dim3A_2128 : vector<16xi1>, vector<16xf32>
        %add3A_2130 = arith.constant 0 : i32
        %add3A_2131 = arith.addi %mul3A_159, %add3A_2130 : i32
        %swap3A_2132 = arith.index_cast %select_n3A_109 : i32 to index
        %swap3A_2133 = arith.index_cast %add3A_2131 : i32 to index
        %swap3A_2134 = arith.constant 240 : index
        %swap3A_2135 = tpu.vector_load %arg7[%swap3A_2132, %swap3A_2133, %swap3A_2134] {strides = array<i32>} : memref<2x16x512xf32, #tpu.memory_space<vmem>>, vector<1x1x16xf32>,
        %swap3A_2136 = vector.shape_cast %swap3A_2135 : vector<1x1x16xf32> to vector<16xf32>
        %swap3A_2137 = vector.shape_cast %select_n3A_2129 : vector<16xf32> to vector<1x1x16xf32>
        tpu.vector_store %arg7[%swap3A_2132, %swap3A_2133, %swap3A_2134], %swap3A_2137 {strides = array<i32>} : memref<2x16x512xf32, #tpu.memory_space<vmem>>, vector<1x1x16xf32>,
        %sub3A_2138 = arith.subf %get3A_2099, %get3A_176 : vector<16xf32>
        %sub3A_2139 = arith.subf %get3A_2105, %get3A_212 : vector<16xf32>
        %sub3A_2140 = arith.subf %get3A_2111, %get3A_248 : vector<16xf32>
        %mul3A_2141 = arith.mulf %sub3A_2138, %sub3A_2138 : vector<16xf32>
        %mul3A_2142 = arith.mulf %sub3A_2139, %sub3A_2139 : vector<16xf32>
        %add3A_2143 = arith.addf %mul3A_2141, %mul3A_2142 : vector<16xf32>
        %mul3A_2144 = arith.mulf %sub3A_2140, %sub3A_2140 : vector<16xf32>
        %add3A_2145 = arith.addf %add3A_2143, %mul3A_2144 : vector<16xf32>
        %lt3A_2146 = arith.constant 3.600000e+01 : f32
        %lt3A_2147 = vector.broadcast %lt3A_2146 : f32 to vector<16xf32>
        %lt3A_2148 = arith.cmpf olt, %add3A_2145, %lt3A_2147 : vector<16xf32>
        %gt3A_2149 = arith.constant 9.99999996E-13 : f32
        %gt3A_2150 = vector.broadcast %gt3A_2149 : f32 to vector<16xf32>
        %gt3A_2151 = arith.cmpf ogt, %add3A_2145, %gt3A_2150 : vector<16xf32>
        %and3A_2152 = arith.andi %lt3A_2148, %gt3A_2151 : vector<16xi1>
        %jit3A_2153 = arith.constant 0.000000e+00 : f32
        %broadcast_in_dim3A_2154 = vector.broadcast %jit3A_2153 : f32 to vector<16xf32>
        %select_n3A_2155 = arith.select %and3A_2152, %add3A_2145, %broadcast_in_dim3A_2154 : vector<16xi1>, vector<16xf32>
        %add3A_2156 = arith.constant 1 : i32
        %add3A_2157 = arith.addi %mul3A_159, %add3A_2156 : i32
        %swap3A_2158 = arith.index_cast %select_n3A_109 : i32 to index
        %swap3A_2159 = arith.index_cast %add3A_2157 : i32 to index
        %swap3A_2160 = arith.constant 240 : index
        %swap3A_2161 = tpu.vector_load %arg7[%swap3A_2158, %swap3A_2159, %swap3A_2160] {strides = array<i32>} : memref<2x16x512xf32, #tpu.memory_space<vmem>>, vector<1x1x16xf32>,
        %swap3A_2162 = vector.shape_cast %swap3A_2161 : vector<1x1x16xf32> to vector<16xf32>
        %swap3A_2163 = vector.shape_cast %select_n3A_2155 : vector<16xf32> to vector<1x1x16xf32>
        tpu.vector_store %arg7[%swap3A_2158, %swap3A_2159, %swap3A_2160], %swap3A_2163 {strides = array<i32>} : memref<2x16x512xf32, #tpu.memory_space<vmem>>, vector<1x1x16xf32>,
        %sub3A_2164 = arith.subf %get3A_2099, %get3A_185 : vector<16xf32>
        %sub3A_2165 = arith.subf %get3A_2105, %get3A_221 : vector<16xf32>
        %sub3A_2166 = arith.subf %get3A_2111, %get3A_257 : vector<16xf32>
        %mul3A_2167 = arith.mulf %sub3A_2164, %sub3A_2164 : vector<16xf32>
        %mul3A_2168 = arith.mulf %sub3A_2165, %sub3A_2165 : vector<16xf32>
        %add3A_2169 = arith.addf %mul3A_2167, %mul3A_2168 : vector<16xf32>
        %mul3A_2170 = arith.mulf %sub3A_2166, %sub3A_2166 : vector<16xf32>
        %add3A_2171 = arith.addf %add3A_2169, %mul3A_2170 : vector<16xf32>
        %lt3A_2172 = arith.constant 3.600000e+01 : f32
        %lt3A_2173 = vector.broadcast %lt3A_2172 : f32 to vector<16xf32>
        %lt3A_2174 = arith.cmpf olt, %add3A_2171, %lt3A_2173 : vector<16xf32>
        %gt3A_2175 = arith.constant 9.99999996E-13 : f32
        %gt3A_2176 = vector.broadcast %gt3A_2175 : f32 to vector<16xf32>
        %gt3A_2177 = arith.cmpf ogt, %add3A_2171, %gt3A_2176 : vector<16xf32>
        %and3A_2178 = arith.andi %lt3A_2174, %gt3A_2177 : vector<16xi1>
        %jit3A_2179 = arith.constant 0.000000e+00 : f32
        %broadcast_in_dim3A_2180 = vector.broadcast %jit3A_2179 : f32 to vector<16xf32>
        %select_n3A_2181 = arith.select %and3A_2178, %add3A_2171, %broadcast_in_dim3A_2180 : vector<16xi1>, vector<16xf32>
        %add3A_2182 = arith.constant 2 : i32
        %add3A_2183 = arith.addi %mul3A_159, %add3A_2182 : i32
        %swap3A_2184 = arith.index_cast %select_n3A_109 : i32 to index
        %swap3A_2185 = arith.index_cast %add3A_2183 : i32 to index
        %swap3A_2186 = arith.constant 240 : index
        %swap3A_2187 = tpu.vector_load %arg7[%swap3A_2184, %swap3A_2185, %swap3A_2186] {strides = array<i32>} : memref<2x16x512xf32, #tpu.memory_space<vmem>>, vector<1x1x16xf32>,
        %swap3A_2188 = vector.shape_cast %swap3A_2187 : vector<1x1x16xf32> to vector<16xf32>
        %swap3A_2189 = vector.shape_cast %select_n3A_2181 : vector<16xf32> to vector<1x1x16xf32>
        tpu.vector_store %arg7[%swap3A_2184, %swap3A_2185, %swap3A_2186], %swap3A_2189 {strides = array<i32>} : memref<2x16x512xf32, #tpu.memory_space<vmem>>, vector<1x1x16xf32>,
        %sub3A_2190 = arith.subf %get3A_2099, %get3A_194 : vector<16xf32>
        %sub3A_2191 = arith.subf %get3A_2105, %get3A_230 : vector<16xf32>
        %sub3A_2192 = arith.subf %get3A_2111, %get3A_266 : vector<16xf32>
        %mul3A_2193 = arith.mulf %sub3A_2190, %sub3A_2190 : vector<16xf32>
        %mul3A_2194 = arith.mulf %sub3A_2191, %sub3A_2191 : vector<16xf32>
        %add3A_2195 = arith.addf %mul3A_2193, %mul3A_2194 : vector<16xf32>
        %mul3A_2196 = arith.mulf %sub3A_2192, %sub3A_2192 : vector<16xf32>
        %add3A_2197 = arith.addf %add3A_2195, %mul3A_2196 : vector<16xf32>
        %lt3A_2198 = arith.constant 3.600000e+01 : f32
        %lt3A_2199 = vector.broadcast %lt3A_2198 : f32 to vector<16xf32>
        %lt3A_2200 = arith.cmpf olt, %add3A_2197, %lt3A_2199 : vector<16xf32>
        %gt3A_2201 = arith.constant 9.99999996E-13 : f32
        %gt3A_2202 = vector.broadcast %gt3A_2201 : f32 to vector<16xf32>
        %gt3A_2203 = arith.cmpf ogt, %add3A_2197, %gt3A_2202 : vector<16xf32>
        %and3A_2204 = arith.andi %lt3A_2200, %gt3A_2203 : vector<16xi1>
        %jit3A_2205 = arith.constant 0.000000e+00 : f32
        %broadcast_in_dim3A_2206 = vector.broadcast %jit3A_2205 : f32 to vector<16xf32>
        %select_n3A_2207 = arith.select %and3A_2204, %add3A_2197, %broadcast_in_dim3A_2206 : vector<16xi1>, vector<16xf32>
        %add3A_2208 = arith.constant 3 : i32
        %add3A_2209 = arith.addi %mul3A_159, %add3A_2208 : i32
        %swap3A_2210 = arith.index_cast %select_n3A_109 : i32 to index
        %swap3A_2211 = arith.index_cast %add3A_2209 : i32 to index
        %swap3A_2212 = arith.constant 240 : index
        %swap3A_2213 = tpu.vector_load %arg7[%swap3A_2210, %swap3A_2211, %swap3A_2212] {strides = array<i32>} : memref<2x16x512xf32, #tpu.memory_space<vmem>>, vector<1x1x16xf32>,
        %swap3A_2214 = vector.shape_cast %swap3A_2213 : vector<1x1x16xf32> to vector<16xf32>
        %swap3A_2215 = vector.shape_cast %select_n3A_2207 : vector<16xf32> to vector<1x1x16xf32>
        tpu.vector_store %arg7[%swap3A_2210, %swap3A_2211, %swap3A_2212], %swap3A_2215 {strides = array<i32>} : memref<2x16x512xf32, #tpu.memory_space<vmem>>, vector<1x1x16xf32>,
        %get3A_2216 = arith.constant 0 : i32
        %get3A_2217 = arith.index_cast %select_n3A_109 : i32 to index
        %get3A_2218 = arith.index_cast %get3A_2216 : i32 to index
        %get3A_2219 = arith.constant 256 : index
        %get3A_2220 = tpu.vector_load %arg5[%get3A_2217, %get3A_2218, %get3A_2219] {strides = array<i32>} : memref<2x3x512xf32, #tpu.memory_space<vmem>>, vector<1x1x16xf32>,
        %get3A_2221 = vector.shape_cast %get3A_2220 : vector<1x1x16xf32> to vector<16xf32>
        %get3A_2222 = arith.constant 1 : i32
        %get3A_2223 = arith.index_cast %select_n3A_109 : i32 to index
        %get3A_2224 = arith.index_cast %get3A_2222 : i32 to index
        %get3A_2225 = arith.constant 256 : index
        %get3A_2226 = tpu.vector_load %arg5[%get3A_2223, %get3A_2224, %get3A_2225] {strides = array<i32>} : memref<2x3x512xf32, #tpu.memory_space<vmem>>, vector<1x1x16xf32>,
        %get3A_2227 = vector.shape_cast %get3A_2226 : vector<1x1x16xf32> to vector<16xf32>
        %get3A_2228 = arith.constant 2 : i32
        %get3A_2229 = arith.index_cast %select_n3A_109 : i32 to index
        %get3A_2230 = arith.index_cast %get3A_2228 : i32 to index
        %get3A_2231 = arith.constant 256 : index
        %get3A_2232 = tpu.vector_load %arg5[%get3A_2229, %get3A_2230, %get3A_2231] {strides = array<i32>} : memref<2x3x512xf32, #tpu.memory_space<vmem>>, vector<1x1x16xf32>,
        %get3A_2233 = vector.shape_cast %get3A_2232 : vector<1x1x16xf32> to vector<16xf32>
        %sub3A_2234 = arith.subf %get3A_2221, %get3A_167 : vector<16xf32>
        %sub3A_2235 = arith.subf %get3A_2227, %get3A_203 : vector<16xf32>
        %sub3A_2236 = arith.subf %get3A_2233, %get3A_239 : vector<16xf32>
        %mul3A_2237 = arith.mulf %sub3A_2234, %sub3A_2234 : vector<16xf32>
        %mul3A_2238 = arith.mulf %sub3A_2235, %sub3A_2235 : vector<16xf32>
        %add3A_2239 = arith.addf %mul3A_2237, %mul3A_2238 : vector<16xf32>
        %mul3A_2240 = arith.mulf %sub3A_2236, %sub3A_2236 : vector<16xf32>
        %add3A_2241 = arith.addf %add3A_2239, %mul3A_2240 : vector<16xf32>
        %lt3A_2242 = arith.constant 3.600000e+01 : f32
        %lt3A_2243 = vector.broadcast %lt3A_2242 : f32 to vector<16xf32>
        %lt3A_2244 = arith.cmpf olt, %add3A_2241, %lt3A_2243 : vector<16xf32>
        %gt3A_2245 = arith.constant 9.99999996E-13 : f32
        %gt3A_2246 = vector.broadcast %gt3A_2245 : f32 to vector<16xf32>
        %gt3A_2247 = arith.cmpf ogt, %add3A_2241, %gt3A_2246 : vector<16xf32>
        %and3A_2248 = arith.andi %lt3A_2244, %gt3A_2247 : vector<16xi1>
        %jit3A_2249 = arith.constant 0.000000e+00 : f32
        %broadcast_in_dim3A_2250 = vector.broadcast %jit3A_2249 : f32 to vector<16xf32>
        %select_n3A_2251 = arith.select %and3A_2248, %add3A_2241, %broadcast_in_dim3A_2250 : vector<16xi1>, vector<16xf32>
        %add3A_2252 = arith.constant 0 : i32
        %add3A_2253 = arith.addi %mul3A_159, %add3A_2252 : i32
        %swap3A_2254 = arith.index_cast %select_n3A_109 : i32 to index
        %swap3A_2255 = arith.index_cast %add3A_2253 : i32 to index
        %swap3A_2256 = arith.constant 256 : index
        %swap3A_2257 = tpu.vector_load %arg7[%swap3A_2254, %swap3A_2255, %swap3A_2256] {strides = array<i32>} : memref<2x16x512xf32, #tpu.memory_space<vmem>>, vector<1x1x16xf32>,
        %swap3A_2258 = vector.shape_cast %swap3A_2257 : vector<1x1x16xf32> to vector<16xf32>
        %swap3A_2259 = vector.shape_cast %select_n3A_2251 : vector<16xf32> to vector<1x1x16xf32>
        tpu.vector_store %arg7[%swap3A_2254, %swap3A_2255, %swap3A_2256], %swap3A_2259 {strides = array<i32>} : memref<2x16x512xf32, #tpu.memory_space<vmem>>, vector<1x1x16xf32>,
        %sub3A_2260 = arith.subf %get3A_2221, %get3A_176 : vector<16xf32>
        %sub3A_2261 = arith.subf %get3A_2227, %get3A_212 : vector<16xf32>
        %sub3A_2262 = arith.subf %get3A_2233, %get3A_248 : vector<16xf32>
        %mul3A_2263 = arith.mulf %sub3A_2260, %sub3A_2260 : vector<16xf32>
        %mul3A_2264 = arith.mulf %sub3A_2261, %sub3A_2261 : vector<16xf32>
        %add3A_2265 = arith.addf %mul3A_2263, %mul3A_2264 : vector<16xf32>
        %mul3A_2266 = arith.mulf %sub3A_2262, %sub3A_2262 : vector<16xf32>
        %add3A_2267 = arith.addf %add3A_2265, %mul3A_2266 : vector<16xf32>
        %lt3A_2268 = arith.constant 3.600000e+01 : f32
        %lt3A_2269 = vector.broadcast %lt3A_2268 : f32 to vector<16xf32>
        %lt3A_2270 = arith.cmpf olt, %add3A_2267, %lt3A_2269 : vector<16xf32>
        %gt3A_2271 = arith.constant 9.99999996E-13 : f32
        %gt3A_2272 = vector.broadcast %gt3A_2271 : f32 to vector<16xf32>
        %gt3A_2273 = arith.cmpf ogt, %add3A_2267, %gt3A_2272 : vector<16xf32>
        %and3A_2274 = arith.andi %lt3A_2270, %gt3A_2273 : vector<16xi1>
        %jit3A_2275 = arith.constant 0.000000e+00 : f32
        %broadcast_in_dim3A_2276 = vector.broadcast %jit3A_2275 : f32 to vector<16xf32>
        %select_n3A_2277 = arith.select %and3A_2274, %add3A_2267, %broadcast_in_dim3A_2276 : vector<16xi1>, vector<16xf32>
        %add3A_2278 = arith.constant 1 : i32
        %add3A_2279 = arith.addi %mul3A_159, %add3A_2278 : i32
        %swap3A_2280 = arith.index_cast %select_n3A_109 : i32 to index
        %swap3A_2281 = arith.index_cast %add3A_2279 : i32 to index
        %swap3A_2282 = arith.constant 256 : index
        %swap3A_2283 = tpu.vector_load %arg7[%swap3A_2280, %swap3A_2281, %swap3A_2282] {strides = array<i32>} : memref<2x16x512xf32, #tpu.memory_space<vmem>>, vector<1x1x16xf32>,
        %swap3A_2284 = vector.shape_cast %swap3A_2283 : vector<1x1x16xf32> to vector<16xf32>
        %swap3A_2285 = vector.shape_cast %select_n3A_2277 : vector<16xf32> to vector<1x1x16xf32>
        tpu.vector_store %arg7[%swap3A_2280, %swap3A_2281, %swap3A_2282], %swap3A_2285 {strides = array<i32>} : memref<2x16x512xf32, #tpu.memory_space<vmem>>, vector<1x1x16xf32>,
        %sub3A_2286 = arith.subf %get3A_2221, %get3A_185 : vector<16xf32>
        %sub3A_2287 = arith.subf %get3A_2227, %get3A_221 : vector<16xf32>
        %sub3A_2288 = arith.subf %get3A_2233, %get3A_257 : vector<16xf32>
        %mul3A_2289 = arith.mulf %sub3A_2286, %sub3A_2286 : vector<16xf32>
        %mul3A_2290 = arith.mulf %sub3A_2287, %sub3A_2287 : vector<16xf32>
        %add3A_2291 = arith.addf %mul3A_2289, %mul3A_2290 : vector<16xf32>
        %mul3A_2292 = arith.mulf %sub3A_2288, %sub3A_2288 : vector<16xf32>
        %add3A_2293 = arith.addf %add3A_2291, %mul3A_2292 : vector<16xf32>
        %lt3A_2294 = arith.constant 3.600000e+01 : f32
        %lt3A_2295 = vector.broadcast %lt3A_2294 : f32 to vector<16xf32>
        %lt3A_2296 = arith.cmpf olt, %add3A_2293, %lt3A_2295 : vector<16xf32>
        %gt3A_2297 = arith.constant 9.99999996E-13 : f32
        %gt3A_2298 = vector.broadcast %gt3A_2297 : f32 to vector<16xf32>
        %gt3A_2299 = arith.cmpf ogt, %add3A_2293, %gt3A_2298 : vector<16xf32>
        %and3A_2300 = arith.andi %lt3A_2296, %gt3A_2299 : vector<16xi1>
        %jit3A_2301 = arith.constant 0.000000e+00 : f32
        %broadcast_in_dim3A_2302 = vector.broadcast %jit3A_2301 : f32 to vector<16xf32>
        %select_n3A_2303 = arith.select %and3A_2300, %add3A_2293, %broadcast_in_dim3A_2302 : vector<16xi1>, vector<16xf32>
        %add3A_2304 = arith.constant 2 : i32
        %add3A_2305 = arith.addi %mul3A_159, %add3A_2304 : i32
        %swap3A_2306 = arith.index_cast %select_n3A_109 : i32 to index
        %swap3A_2307 = arith.index_cast %add3A_2305 : i32 to index
        %swap3A_2308 = arith.constant 256 : index
        %swap3A_2309 = tpu.vector_load %arg7[%swap3A_2306, %swap3A_2307, %swap3A_2308] {strides = array<i32>} : memref<2x16x512xf32, #tpu.memory_space<vmem>>, vector<1x1x16xf32>,
        %swap3A_2310 = vector.shape_cast %swap3A_2309 : vector<1x1x16xf32> to vector<16xf32>
        %swap3A_2311 = vector.shape_cast %select_n3A_2303 : vector<16xf32> to vector<1x1x16xf32>
        tpu.vector_store %arg7[%swap3A_2306, %swap3A_2307, %swap3A_2308], %swap3A_2311 {strides = array<i32>} : memref<2x16x512xf32, #tpu.memory_space<vmem>>, vector<1x1x16xf32>,
        %sub3A_2312 = arith.subf %get3A_2221, %get3A_194 : vector<16xf32>
        %sub3A_2313 = arith.subf %get3A_2227, %get3A_230 : vector<16xf32>
        %sub3A_2314 = arith.subf %get3A_2233, %get3A_266 : vector<16xf32>
        %mul3A_2315 = arith.mulf %sub3A_2312, %sub3A_2312 : vector<16xf32>
        %mul3A_2316 = arith.mulf %sub3A_2313, %sub3A_2313 : vector<16xf32>
        %add3A_2317 = arith.addf %mul3A_2315, %mul3A_2316 : vector<16xf32>
        %mul3A_2318 = arith.mulf %sub3A_2314, %sub3A_2314 : vector<16xf32>
        %add3A_2319 = arith.addf %add3A_2317, %mul3A_2318 : vector<16xf32>
        %lt3A_2320 = arith.constant 3.600000e+01 : f32
        %lt3A_2321 = vector.broadcast %lt3A_2320 : f32 to vector<16xf32>
        %lt3A_2322 = arith.cmpf olt, %add3A_2319, %lt3A_2321 : vector<16xf32>
        %gt3A_2323 = arith.constant 9.99999996E-13 : f32
        %gt3A_2324 = vector.broadcast %gt3A_2323 : f32 to vector<16xf32>
        %gt3A_2325 = arith.cmpf ogt, %add3A_2319, %gt3A_2324 : vector<16xf32>
        %and3A_2326 = arith.andi %lt3A_2322, %gt3A_2325 : vector<16xi1>
        %jit3A_2327 = arith.constant 0.000000e+00 : f32
        %broadcast_in_dim3A_2328 = vector.broadcast %jit3A_2327 : f32 to vector<16xf32>
        %select_n3A_2329 = arith.select %and3A_2326, %add3A_2319, %broadcast_in_dim3A_2328 : vector<16xi1>, vector<16xf32>
        %add3A_2330 = arith.constant 3 : i32
        %add3A_2331 = arith.addi %mul3A_159, %add3A_2330 : i32
        %swap3A_2332 = arith.index_cast %select_n3A_109 : i32 to index
        %swap3A_2333 = arith.index_cast %add3A_2331 : i32 to index
        %swap3A_2334 = arith.constant 256 : index
        %swap3A_2335 = tpu.vector_load %arg7[%swap3A_2332, %swap3A_2333, %swap3A_2334] {strides = array<i32>} : memref<2x16x512xf32, #tpu.memory_space<vmem>>, vector<1x1x16xf32>,
        %swap3A_2336 = vector.shape_cast %swap3A_2335 : vector<1x1x16xf32> to vector<16xf32>
        %swap3A_2337 = vector.shape_cast %select_n3A_2329 : vector<16xf32> to vector<1x1x16xf32>
        tpu.vector_store %arg7[%swap3A_2332, %swap3A_2333, %swap3A_2334], %swap3A_2337 {strides = array<i32>} : memref<2x16x512xf32, #tpu.memory_space<vmem>>, vector<1x1x16xf32>,
        %get3A_2338 = arith.constant 0 : i32
        %get3A_2339 = arith.index_cast %select_n3A_109 : i32 to index
        %get3A_2340 = arith.index_cast %get3A_2338 : i32 to index
        %get3A_2341 = arith.constant 272 : index
        %get3A_2342 = tpu.vector_load %arg5[%get3A_2339, %get3A_2340, %get3A_2341] {strides = array<i32>} : memref<2x3x512xf32, #tpu.memory_space<vmem>>, vector<1x1x16xf32>,
        %get3A_2343 = vector.shape_cast %get3A_2342 : vector<1x1x16xf32> to vector<16xf32>
        %get3A_2344 = arith.constant 1 : i32
        %get3A_2345 = arith.index_cast %select_n3A_109 : i32 to index
        %get3A_2346 = arith.index_cast %get3A_2344 : i32 to index
        %get3A_2347 = arith.constant 272 : index
        %get3A_2348 = tpu.vector_load %arg5[%get3A_2345, %get3A_2346, %get3A_2347] {strides = array<i32>} : memref<2x3x512xf32, #tpu.memory_space<vmem>>, vector<1x1x16xf32>,
        %get3A_2349 = vector.shape_cast %get3A_2348 : vector<1x1x16xf32> to vector<16xf32>
        %get3A_2350 = arith.constant 2 : i32
        %get3A_2351 = arith.index_cast %select_n3A_109 : i32 to index
        %get3A_2352 = arith.index_cast %get3A_2350 : i32 to index
        %get3A_2353 = arith.constant 272 : index
        %get3A_2354 = tpu.vector_load %arg5[%get3A_2351, %get3A_2352, %get3A_2353] {strides = array<i32>} : memref<2x3x512xf32, #tpu.memory_space<vmem>>, vector<1x1x16xf32>,
        %get3A_2355 = vector.shape_cast %get3A_2354 : vector<1x1x16xf32> to vector<16xf32>
        %sub3A_2356 = arith.subf %get3A_2343, %get3A_167 : vector<16xf32>
        %sub3A_2357 = arith.subf %get3A_2349, %get3A_203 : vector<16xf32>
        %sub3A_2358 = arith.subf %get3A_2355, %get3A_239 : vector<16xf32>
        %mul3A_2359 = arith.mulf %sub3A_2356, %sub3A_2356 : vector<16xf32>
        %mul3A_2360 = arith.mulf %sub3A_2357, %sub3A_2357 : vector<16xf32>
        %add3A_2361 = arith.addf %mul3A_2359, %mul3A_2360 : vector<16xf32>
        %mul3A_2362 = arith.mulf %sub3A_2358, %sub3A_2358 : vector<16xf32>
        %add3A_2363 = arith.addf %add3A_2361, %mul3A_2362 : vector<16xf32>
        %lt3A_2364 = arith.constant 3.600000e+01 : f32
        %lt3A_2365 = vector.broadcast %lt3A_2364 : f32 to vector<16xf32>
        %lt3A_2366 = arith.cmpf olt, %add3A_2363, %lt3A_2365 : vector<16xf32>
        %gt3A_2367 = arith.constant 9.99999996E-13 : f32
        %gt3A_2368 = vector.broadcast %gt3A_2367 : f32 to vector<16xf32>
        %gt3A_2369 = arith.cmpf ogt, %add3A_2363, %gt3A_2368 : vector<16xf32>
        %and3A_2370 = arith.andi %lt3A_2366, %gt3A_2369 : vector<16xi1>
        %jit3A_2371 = arith.constant 0.000000e+00 : f32
        %broadcast_in_dim3A_2372 = vector.broadcast %jit3A_2371 : f32 to vector<16xf32>
        %select_n3A_2373 = arith.select %and3A_2370, %add3A_2363, %broadcast_in_dim3A_2372 : vector<16xi1>, vector<16xf32>
        %add3A_2374 = arith.constant 0 : i32
        %add3A_2375 = arith.addi %mul3A_159, %add3A_2374 : i32
        %swap3A_2376 = arith.index_cast %select_n3A_109 : i32 to index
        %swap3A_2377 = arith.index_cast %add3A_2375 : i32 to index
        %swap3A_2378 = arith.constant 272 : index
        %swap3A_2379 = tpu.vector_load %arg7[%swap3A_2376, %swap3A_2377, %swap3A_2378] {strides = array<i32>} : memref<2x16x512xf32, #tpu.memory_space<vmem>>, vector<1x1x16xf32>,
        %swap3A_2380 = vector.shape_cast %swap3A_2379 : vector<1x1x16xf32> to vector<16xf32>
        %swap3A_2381 = vector.shape_cast %select_n3A_2373 : vector<16xf32> to vector<1x1x16xf32>
        tpu.vector_store %arg7[%swap3A_2376, %swap3A_2377, %swap3A_2378], %swap3A_2381 {strides = array<i32>} : memref<2x16x512xf32, #tpu.memory_space<vmem>>, vector<1x1x16xf32>,
        %sub3A_2382 = arith.subf %get3A_2343, %get3A_176 : vector<16xf32>
        %sub3A_2383 = arith.subf %get3A_2349, %get3A_212 : vector<16xf32>
        %sub3A_2384 = arith.subf %get3A_2355, %get3A_248 : vector<16xf32>
        %mul3A_2385 = arith.mulf %sub3A_2382, %sub3A_2382 : vector<16xf32>
        %mul3A_2386 = arith.mulf %sub3A_2383, %sub3A_2383 : vector<16xf32>
        %add3A_2387 = arith.addf %mul3A_2385, %mul3A_2386 : vector<16xf32>
        %mul3A_2388 = arith.mulf %sub3A_2384, %sub3A_2384 : vector<16xf32>
        %add3A_2389 = arith.addf %add3A_2387, %mul3A_2388 : vector<16xf32>
        %lt3A_2390 = arith.constant 3.600000e+01 : f32
        %lt3A_2391 = vector.broadcast %lt3A_2390 : f32 to vector<16xf32>
        %lt3A_2392 = arith.cmpf olt, %add3A_2389, %lt3A_2391 : vector<16xf32>
        %gt3A_2393 = arith.constant 9.99999996E-13 : f32
        %gt3A_2394 = vector.broadcast %gt3A_2393 : f32 to vector<16xf32>
        %gt3A_2395 = arith.cmpf ogt, %add3A_2389, %gt3A_2394 : vector<16xf32>
        %and3A_2396 = arith.andi %lt3A_2392, %gt3A_2395 : vector<16xi1>
        %jit3A_2397 = arith.constant 0.000000e+00 : f32
        %broadcast_in_dim3A_2398 = vector.broadcast %jit3A_2397 : f32 to vector<16xf32>
        %select_n3A_2399 = arith.select %and3A_2396, %add3A_2389, %broadcast_in_dim3A_2398 : vector<16xi1>, vector<16xf32>
        %add3A_2400 = arith.constant 1 : i32
        %add3A_2401 = arith.addi %mul3A_159, %add3A_2400 : i32
        %swap3A_2402 = arith.index_cast %select_n3A_109 : i32 to index
        %swap3A_2403 = arith.index_cast %add3A_2401 : i32 to index
        %swap3A_2404 = arith.constant 272 : index
        %swap3A_2405 = tpu.vector_load %arg7[%swap3A_2402, %swap3A_2403, %swap3A_2404] {strides = array<i32>} : memref<2x16x512xf32, #tpu.memory_space<vmem>>, vector<1x1x16xf32>,
        %swap3A_2406 = vector.shape_cast %swap3A_2405 : vector<1x1x16xf32> to vector<16xf32>
        %swap3A_2407 = vector.shape_cast %select_n3A_2399 : vector<16xf32> to vector<1x1x16xf32>
        tpu.vector_store %arg7[%swap3A_2402, %swap3A_2403, %swap3A_2404], %swap3A_2407 {strides = array<i32>} : memref<2x16x512xf32, #tpu.memory_space<vmem>>, vector<1x1x16xf32>,
        %sub3A_2408 = arith.subf %get3A_2343, %get3A_185 : vector<16xf32>
        %sub3A_2409 = arith.subf %get3A_2349, %get3A_221 : vector<16xf32>
        %sub3A_2410 = arith.subf %get3A_2355, %get3A_257 : vector<16xf32>
        %mul3A_2411 = arith.mulf %sub3A_2408, %sub3A_2408 : vector<16xf32>
        %mul3A_2412 = arith.mulf %sub3A_2409, %sub3A_2409 : vector<16xf32>
        %add3A_2413 = arith.addf %mul3A_2411, %mul3A_2412 : vector<16xf32>
        %mul3A_2414 = arith.mulf %sub3A_2410, %sub3A_2410 : vector<16xf32>
        %add3A_2415 = arith.addf %add3A_2413, %mul3A_2414 : vector<16xf32>
        %lt3A_2416 = arith.constant 3.600000e+01 : f32
        %lt3A_2417 = vector.broadcast %lt3A_2416 : f32 to vector<16xf32>
        %lt3A_2418 = arith.cmpf olt, %add3A_2415, %lt3A_2417 : vector<16xf32>
        %gt3A_2419 = arith.constant 9.99999996E-13 : f32
        %gt3A_2420 = vector.broadcast %gt3A_2419 : f32 to vector<16xf32>
        %gt3A_2421 = arith.cmpf ogt, %add3A_2415, %gt3A_2420 : vector<16xf32>
        %and3A_2422 = arith.andi %lt3A_2418, %gt3A_2421 : vector<16xi1>
        %jit3A_2423 = arith.constant 0.000000e+00 : f32
        %broadcast_in_dim3A_2424 = vector.broadcast %jit3A_2423 : f32 to vector<16xf32>
        %select_n3A_2425 = arith.select %and3A_2422, %add3A_2415, %broadcast_in_dim3A_2424 : vector<16xi1>, vector<16xf32>
        %add3A_2426 = arith.constant 2 : i32
        %add3A_2427 = arith.addi %mul3A_159, %add3A_2426 : i32
        %swap3A_2428 = arith.index_cast %select_n3A_109 : i32 to index
        %swap3A_2429 = arith.index_cast %add3A_2427 : i32 to index
        %swap3A_2430 = arith.constant 272 : index
        %swap3A_2431 = tpu.vector_load %arg7[%swap3A_2428, %swap3A_2429, %swap3A_2430] {strides = array<i32>} : memref<2x16x512xf32, #tpu.memory_space<vmem>>, vector<1x1x16xf32>,
        %swap3A_2432 = vector.shape_cast %swap3A_2431 : vector<1x1x16xf32> to vector<16xf32>
        %swap3A_2433 = vector.shape_cast %select_n3A_2425 : vector<16xf32> to vector<1x1x16xf32>
        tpu.vector_store %arg7[%swap3A_2428, %swap3A_2429, %swap3A_2430], %swap3A_2433 {strides = array<i32>} : memref<2x16x512xf32, #tpu.memory_space<vmem>>, vector<1x1x16xf32>,
        %sub3A_2434 = arith.subf %get3A_2343, %get3A_194 : vector<16xf32>
        %sub3A_2435 = arith.subf %get3A_2349, %get3A_230 : vector<16xf32>
        %sub3A_2436 = arith.subf %get3A_2355, %get3A_266 : vector<16xf32>
        %mul3A_2437 = arith.mulf %sub3A_2434, %sub3A_2434 : vector<16xf32>
        %mul3A_2438 = arith.mulf %sub3A_2435, %sub3A_2435 : vector<16xf32>
        %add3A_2439 = arith.addf %mul3A_2437, %mul3A_2438 : vector<16xf32>
        %mul3A_2440 = arith.mulf %sub3A_2436, %sub3A_2436 : vector<16xf32>
        %add3A_2441 = arith.addf %add3A_2439, %mul3A_2440 : vector<16xf32>
        %lt3A_2442 = arith.constant 3.600000e+01 : f32
        %lt3A_2443 = vector.broadcast %lt3A_2442 : f32 to vector<16xf32>
        %lt3A_2444 = arith.cmpf olt, %add3A_2441, %lt3A_2443 : vector<16xf32>
        %gt3A_2445 = arith.constant 9.99999996E-13 : f32
        %gt3A_2446 = vector.broadcast %gt3A_2445 : f32 to vector<16xf32>
        %gt3A_2447 = arith.cmpf ogt, %add3A_2441, %gt3A_2446 : vector<16xf32>
        %and3A_2448 = arith.andi %lt3A_2444, %gt3A_2447 : vector<16xi1>
        %jit3A_2449 = arith.constant 0.000000e+00 : f32
        %broadcast_in_dim3A_2450 = vector.broadcast %jit3A_2449 : f32 to vector<16xf32>
        %select_n3A_2451 = arith.select %and3A_2448, %add3A_2441, %broadcast_in_dim3A_2450 : vector<16xi1>, vector<16xf32>
        %add3A_2452 = arith.constant 3 : i32
        %add3A_2453 = arith.addi %mul3A_159, %add3A_2452 : i32
        %swap3A_2454 = arith.index_cast %select_n3A_109 : i32 to index
        %swap3A_2455 = arith.index_cast %add3A_2453 : i32 to index
        %swap3A_2456 = arith.constant 272 : index
        %swap3A_2457 = tpu.vector_load %arg7[%swap3A_2454, %swap3A_2455, %swap3A_2456] {strides = array<i32>} : memref<2x16x512xf32, #tpu.memory_space<vmem>>, vector<1x1x16xf32>,
        %swap3A_2458 = vector.shape_cast %swap3A_2457 : vector<1x1x16xf32> to vector<16xf32>
        %swap3A_2459 = vector.shape_cast %select_n3A_2451 : vector<16xf32> to vector<1x1x16xf32>
        tpu.vector_store %arg7[%swap3A_2454, %swap3A_2455, %swap3A_2456], %swap3A_2459 {strides = array<i32>} : memref<2x16x512xf32, #tpu.memory_space<vmem>>, vector<1x1x16xf32>,
        %get3A_2460 = arith.constant 0 : i32
        %get3A_2461 = arith.index_cast %select_n3A_109 : i32 to index
        %get3A_2462 = arith.index_cast %get3A_2460 : i32 to index
        %get3A_2463 = arith.constant 288 : index
        %get3A_2464 = tpu.vector_load %arg5[%get3A_2461, %get3A_2462, %get3A_2463] {strides = array<i32>} : memref<2x3x512xf32, #tpu.memory_space<vmem>>, vector<1x1x16xf32>,
        %get3A_2465 = vector.shape_cast %get3A_2464 : vector<1x1x16xf32> to vector<16xf32>
        %get3A_2466 = arith.constant 1 : i32
        %get3A_2467 = arith.index_cast %select_n3A_109 : i32 to index
        %get3A_2468 = arith.index_cast %get3A_2466 : i32 to index
        %get3A_2469 = arith.constant 288 : index
        %get3A_2470 = tpu.vector_load %arg5[%get3A_2467, %get3A_2468, %get3A_2469] {strides = array<i32>} : memref<2x3x512xf32, #tpu.memory_space<vmem>>, vector<1x1x16xf32>,
        %get3A_2471 = vector.shape_cast %get3A_2470 : vector<1x1x16xf32> to vector<16xf32>
        %get3A_2472 = arith.constant 2 : i32
        %get3A_2473 = arith.index_cast %select_n3A_109 : i32 to index
        %get3A_2474 = arith.index_cast %get3A_2472 : i32 to index
        %get3A_2475 = arith.constant 288 : index
        %get3A_2476 = tpu.vector_load %arg5[%get3A_2473, %get3A_2474, %get3A_2475] {strides = array<i32>} : memref<2x3x512xf32, #tpu.memory_space<vmem>>, vector<1x1x16xf32>,
        %get3A_2477 = vector.shape_cast %get3A_2476 : vector<1x1x16xf32> to vector<16xf32>
        %sub3A_2478 = arith.subf %get3A_2465, %get3A_167 : vector<16xf32>
        %sub3A_2479 = arith.subf %get3A_2471, %get3A_203 : vector<16xf32>
        %sub3A_2480 = arith.subf %get3A_2477, %get3A_239 : vector<16xf32>
        %mul3A_2481 = arith.mulf %sub3A_2478, %sub3A_2478 : vector<16xf32>
        %mul3A_2482 = arith.mulf %sub3A_2479, %sub3A_2479 : vector<16xf32>
        %add3A_2483 = arith.addf %mul3A_2481, %mul3A_2482 : vector<16xf32>
        %mul3A_2484 = arith.mulf %sub3A_2480, %sub3A_2480 : vector<16xf32>
        %add3A_2485 = arith.addf %add3A_2483, %mul3A_2484 : vector<16xf32>
        %lt3A_2486 = arith.constant 3.600000e+01 : f32
        %lt3A_2487 = vector.broadcast %lt3A_2486 : f32 to vector<16xf32>
        %lt3A_2488 = arith.cmpf olt, %add3A_2485, %lt3A_2487 : vector<16xf32>
        %gt3A_2489 = arith.constant 9.99999996E-13 : f32
        %gt3A_2490 = vector.broadcast %gt3A_2489 : f32 to vector<16xf32>
        %gt3A_2491 = arith.cmpf ogt, %add3A_2485, %gt3A_2490 : vector<16xf32>
        %and3A_2492 = arith.andi %lt3A_2488, %gt3A_2491 : vector<16xi1>
        %jit3A_2493 = arith.constant 0.000000e+00 : f32
        %broadcast_in_dim3A_2494 = vector.broadcast %jit3A_2493 : f32 to vector<16xf32>
        %select_n3A_2495 = arith.select %and3A_2492, %add3A_2485, %broadcast_in_dim3A_2494 : vector<16xi1>, vector<16xf32>
        %add3A_2496 = arith.constant 0 : i32
        %add3A_2497 = arith.addi %mul3A_159, %add3A_2496 : i32
        %swap3A_2498 = arith.index_cast %select_n3A_109 : i32 to index
        %swap3A_2499 = arith.index_cast %add3A_2497 : i32 to index
        %swap3A_2500 = arith.constant 288 : index
        %swap3A_2501 = tpu.vector_load %arg7[%swap3A_2498, %swap3A_2499, %swap3A_2500] {strides = array<i32>} : memref<2x16x512xf32, #tpu.memory_space<vmem>>, vector<1x1x16xf32>,
        %swap3A_2502 = vector.shape_cast %swap3A_2501 : vector<1x1x16xf32> to vector<16xf32>
        %swap3A_2503 = vector.shape_cast %select_n3A_2495 : vector<16xf32> to vector<1x1x16xf32>
        tpu.vector_store %arg7[%swap3A_2498, %swap3A_2499, %swap3A_2500], %swap3A_2503 {strides = array<i32>} : memref<2x16x512xf32, #tpu.memory_space<vmem>>, vector<1x1x16xf32>,
        %sub3A_2504 = arith.subf %get3A_2465, %get3A_176 : vector<16xf32>
        %sub3A_2505 = arith.subf %get3A_2471, %get3A_212 : vector<16xf32>
        %sub3A_2506 = arith.subf %get3A_2477, %get3A_248 : vector<16xf32>
        %mul3A_2507 = arith.mulf %sub3A_2504, %sub3A_2504 : vector<16xf32>
        %mul3A_2508 = arith.mulf %sub3A_2505, %sub3A_2505 : vector<16xf32>
        %add3A_2509 = arith.addf %mul3A_2507, %mul3A_2508 : vector<16xf32>
        %mul3A_2510 = arith.mulf %sub3A_2506, %sub3A_2506 : vector<16xf32>
        %add3A_2511 = arith.addf %add3A_2509, %mul3A_2510 : vector<16xf32>
        %lt3A_2512 = arith.constant 3.600000e+01 : f32
        %lt3A_2513 = vector.broadcast %lt3A_2512 : f32 to vector<16xf32>
        %lt3A_2514 = arith.cmpf olt, %add3A_2511, %lt3A_2513 : vector<16xf32>
        %gt3A_2515 = arith.constant 9.99999996E-13 : f32
        %gt3A_2516 = vector.broadcast %gt3A_2515 : f32 to vector<16xf32>
        %gt3A_2517 = arith.cmpf ogt, %add3A_2511, %gt3A_2516 : vector<16xf32>
        %and3A_2518 = arith.andi %lt3A_2514, %gt3A_2517 : vector<16xi1>
        %jit3A_2519 = arith.constant 0.000000e+00 : f32
        %broadcast_in_dim3A_2520 = vector.broadcast %jit3A_2519 : f32 to vector<16xf32>
        %select_n3A_2521 = arith.select %and3A_2518, %add3A_2511, %broadcast_in_dim3A_2520 : vector<16xi1>, vector<16xf32>
        %add3A_2522 = arith.constant 1 : i32
        %add3A_2523 = arith.addi %mul3A_159, %add3A_2522 : i32
        %swap3A_2524 = arith.index_cast %select_n3A_109 : i32 to index
        %swap3A_2525 = arith.index_cast %add3A_2523 : i32 to index
        %swap3A_2526 = arith.constant 288 : index
        %swap3A_2527 = tpu.vector_load %arg7[%swap3A_2524, %swap3A_2525, %swap3A_2526] {strides = array<i32>} : memref<2x16x512xf32, #tpu.memory_space<vmem>>, vector<1x1x16xf32>,
        %swap3A_2528 = vector.shape_cast %swap3A_2527 : vector<1x1x16xf32> to vector<16xf32>
        %swap3A_2529 = vector.shape_cast %select_n3A_2521 : vector<16xf32> to vector<1x1x16xf32>
        tpu.vector_store %arg7[%swap3A_2524, %swap3A_2525, %swap3A_2526], %swap3A_2529 {strides = array<i32>} : memref<2x16x512xf32, #tpu.memory_space<vmem>>, vector<1x1x16xf32>,
        %sub3A_2530 = arith.subf %get3A_2465, %get3A_185 : vector<16xf32>
        %sub3A_2531 = arith.subf %get3A_2471, %get3A_221 : vector<16xf32>
        %sub3A_2532 = arith.subf %get3A_2477, %get3A_257 : vector<16xf32>
        %mul3A_2533 = arith.mulf %sub3A_2530, %sub3A_2530 : vector<16xf32>
        %mul3A_2534 = arith.mulf %sub3A_2531, %sub3A_2531 : vector<16xf32>
        %add3A_2535 = arith.addf %mul3A_2533, %mul3A_2534 : vector<16xf32>
        %mul3A_2536 = arith.mulf %sub3A_2532, %sub3A_2532 : vector<16xf32>
        %add3A_2537 = arith.addf %add3A_2535, %mul3A_2536 : vector<16xf32>
        %lt3A_2538 = arith.constant 3.600000e+01 : f32
        %lt3A_2539 = vector.broadcast %lt3A_2538 : f32 to vector<16xf32>
        %lt3A_2540 = arith.cmpf olt, %add3A_2537, %lt3A_2539 : vector<16xf32>
        %gt3A_2541 = arith.constant 9.99999996E-13 : f32
        %gt3A_2542 = vector.broadcast %gt3A_2541 : f32 to vector<16xf32>
        %gt3A_2543 = arith.cmpf ogt, %add3A_2537, %gt3A_2542 : vector<16xf32>
        %and3A_2544 = arith.andi %lt3A_2540, %gt3A_2543 : vector<16xi1>
        %jit3A_2545 = arith.constant 0.000000e+00 : f32
        %broadcast_in_dim3A_2546 = vector.broadcast %jit3A_2545 : f32 to vector<16xf32>
        %select_n3A_2547 = arith.select %and3A_2544, %add3A_2537, %broadcast_in_dim3A_2546 : vector<16xi1>, vector<16xf32>
        %add3A_2548 = arith.constant 2 : i32
        %add3A_2549 = arith.addi %mul3A_159, %add3A_2548 : i32
        %swap3A_2550 = arith.index_cast %select_n3A_109 : i32 to index
        %swap3A_2551 = arith.index_cast %add3A_2549 : i32 to index
        %swap3A_2552 = arith.constant 288 : index
        %swap3A_2553 = tpu.vector_load %arg7[%swap3A_2550, %swap3A_2551, %swap3A_2552] {strides = array<i32>} : memref<2x16x512xf32, #tpu.memory_space<vmem>>, vector<1x1x16xf32>,
        %swap3A_2554 = vector.shape_cast %swap3A_2553 : vector<1x1x16xf32> to vector<16xf32>
        %swap3A_2555 = vector.shape_cast %select_n3A_2547 : vector<16xf32> to vector<1x1x16xf32>
        tpu.vector_store %arg7[%swap3A_2550, %swap3A_2551, %swap3A_2552], %swap3A_2555 {strides = array<i32>} : memref<2x16x512xf32, #tpu.memory_space<vmem>>, vector<1x1x16xf32>,
        %sub3A_2556 = arith.subf %get3A_2465, %get3A_194 : vector<16xf32>
        %sub3A_2557 = arith.subf %get3A_2471, %get3A_230 : vector<16xf32>
        %sub3A_2558 = arith.subf %get3A_2477, %get3A_266 : vector<16xf32>
        %mul3A_2559 = arith.mulf %sub3A_2556, %sub3A_2556 : vector<16xf32>
        %mul3A_2560 = arith.mulf %sub3A_2557, %sub3A_2557 : vector<16xf32>
        %add3A_2561 = arith.addf %mul3A_2559, %mul3A_2560 : vector<16xf32>
        %mul3A_2562 = arith.mulf %sub3A_2558, %sub3A_2558 : vector<16xf32>
        %add3A_2563 = arith.addf %add3A_2561, %mul3A_2562 : vector<16xf32>
        %lt3A_2564 = arith.constant 3.600000e+01 : f32
        %lt3A_2565 = vector.broadcast %lt3A_2564 : f32 to vector<16xf32>
        %lt3A_2566 = arith.cmpf olt, %add3A_2563, %lt3A_2565 : vector<16xf32>
        %gt3A_2567 = arith.constant 9.99999996E-13 : f32
        %gt3A_2568 = vector.broadcast %gt3A_2567 : f32 to vector<16xf32>
        %gt3A_2569 = arith.cmpf ogt, %add3A_2563, %gt3A_2568 : vector<16xf32>
        %and3A_2570 = arith.andi %lt3A_2566, %gt3A_2569 : vector<16xi1>
        %jit3A_2571 = arith.constant 0.000000e+00 : f32
        %broadcast_in_dim3A_2572 = vector.broadcast %jit3A_2571 : f32 to vector<16xf32>
        %select_n3A_2573 = arith.select %and3A_2570, %add3A_2563, %broadcast_in_dim3A_2572 : vector<16xi1>, vector<16xf32>
        %add3A_2574 = arith.constant 3 : i32
        %add3A_2575 = arith.addi %mul3A_159, %add3A_2574 : i32
        %swap3A_2576 = arith.index_cast %select_n3A_109 : i32 to index
        %swap3A_2577 = arith.index_cast %add3A_2575 : i32 to index
        %swap3A_2578 = arith.constant 288 : index
        %swap3A_2579 = tpu.vector_load %arg7[%swap3A_2576, %swap3A_2577, %swap3A_2578] {strides = array<i32>} : memref<2x16x512xf32, #tpu.memory_space<vmem>>, vector<1x1x16xf32>,
        %swap3A_2580 = vector.shape_cast %swap3A_2579 : vector<1x1x16xf32> to vector<16xf32>
        %swap3A_2581 = vector.shape_cast %select_n3A_2573 : vector<16xf32> to vector<1x1x16xf32>
        tpu.vector_store %arg7[%swap3A_2576, %swap3A_2577, %swap3A_2578], %swap3A_2581 {strides = array<i32>} : memref<2x16x512xf32, #tpu.memory_space<vmem>>, vector<1x1x16xf32>,
        %get3A_2582 = arith.constant 0 : i32
        %get3A_2583 = arith.index_cast %select_n3A_109 : i32 to index
        %get3A_2584 = arith.index_cast %get3A_2582 : i32 to index
        %get3A_2585 = arith.constant 304 : index
        %get3A_2586 = tpu.vector_load %arg5[%get3A_2583, %get3A_2584, %get3A_2585] {strides = array<i32>} : memref<2x3x512xf32, #tpu.memory_space<vmem>>, vector<1x1x16xf32>,
        %get3A_2587 = vector.shape_cast %get3A_2586 : vector<1x1x16xf32> to vector<16xf32>
        %get3A_2588 = arith.constant 1 : i32
        %get3A_2589 = arith.index_cast %select_n3A_109 : i32 to index
        %get3A_2590 = arith.index_cast %get3A_2588 : i32 to index
        %get3A_2591 = arith.constant 304 : index
        %get3A_2592 = tpu.vector_load %arg5[%get3A_2589, %get3A_2590, %get3A_2591] {strides = array<i32>} : memref<2x3x512xf32, #tpu.memory_space<vmem>>, vector<1x1x16xf32>,
        %get3A_2593 = vector.shape_cast %get3A_2592 : vector<1x1x16xf32> to vector<16xf32>
        %get3A_2594 = arith.constant 2 : i32
        %get3A_2595 = arith.index_cast %select_n3A_109 : i32 to index
        %get3A_2596 = arith.index_cast %get3A_2594 : i32 to index
        %get3A_2597 = arith.constant 304 : index
        %get3A_2598 = tpu.vector_load %arg5[%get3A_2595, %get3A_2596, %get3A_2597] {strides = array<i32>} : memref<2x3x512xf32, #tpu.memory_space<vmem>>, vector<1x1x16xf32>,
        %get3A_2599 = vector.shape_cast %get3A_2598 : vector<1x1x16xf32> to vector<16xf32>
        %sub3A_2600 = arith.subf %get3A_2587, %get3A_167 : vector<16xf32>
        %sub3A_2601 = arith.subf %get3A_2593, %get3A_203 : vector<16xf32>
        %sub3A_2602 = arith.subf %get3A_2599, %get3A_239 : vector<16xf32>
        %mul3A_2603 = arith.mulf %sub3A_2600, %sub3A_2600 : vector<16xf32>
        %mul3A_2604 = arith.mulf %sub3A_2601, %sub3A_2601 : vector<16xf32>
        %add3A_2605 = arith.addf %mul3A_2603, %mul3A_2604 : vector<16xf32>
        %mul3A_2606 = arith.mulf %sub3A_2602, %sub3A_2602 : vector<16xf32>
        %add3A_2607 = arith.addf %add3A_2605, %mul3A_2606 : vector<16xf32>
        %lt3A_2608 = arith.constant 3.600000e+01 : f32
        %lt3A_2609 = vector.broadcast %lt3A_2608 : f32 to vector<16xf32>
        %lt3A_2610 = arith.cmpf olt, %add3A_2607, %lt3A_2609 : vector<16xf32>
        %gt3A_2611 = arith.constant 9.99999996E-13 : f32
        %gt3A_2612 = vector.broadcast %gt3A_2611 : f32 to vector<16xf32>
        %gt3A_2613 = arith.cmpf ogt, %add3A_2607, %gt3A_2612 : vector<16xf32>
        %and3A_2614 = arith.andi %lt3A_2610, %gt3A_2613 : vector<16xi1>
        %jit3A_2615 = arith.constant 0.000000e+00 : f32
        %broadcast_in_dim3A_2616 = vector.broadcast %jit3A_2615 : f32 to vector<16xf32>
        %select_n3A_2617 = arith.select %and3A_2614, %add3A_2607, %broadcast_in_dim3A_2616 : vector<16xi1>, vector<16xf32>
        %add3A_2618 = arith.constant 0 : i32
        %add3A_2619 = arith.addi %mul3A_159, %add3A_2618 : i32
        %swap3A_2620 = arith.index_cast %select_n3A_109 : i32 to index
        %swap3A_2621 = arith.index_cast %add3A_2619 : i32 to index
        %swap3A_2622 = arith.constant 304 : index
        %swap3A_2623 = tpu.vector_load %arg7[%swap3A_2620, %swap3A_2621, %swap3A_2622] {strides = array<i32>} : memref<2x16x512xf32, #tpu.memory_space<vmem>>, vector<1x1x16xf32>,
        %swap3A_2624 = vector.shape_cast %swap3A_2623 : vector<1x1x16xf32> to vector<16xf32>
        %swap3A_2625 = vector.shape_cast %select_n3A_2617 : vector<16xf32> to vector<1x1x16xf32>
        tpu.vector_store %arg7[%swap3A_2620, %swap3A_2621, %swap3A_2622], %swap3A_2625 {strides = array<i32>} : memref<2x16x512xf32, #tpu.memory_space<vmem>>, vector<1x1x16xf32>,
        %sub3A_2626 = arith.subf %get3A_2587, %get3A_176 : vector<16xf32>
        %sub3A_2627 = arith.subf %get3A_2593, %get3A_212 : vector<16xf32>
        %sub3A_2628 = arith.subf %get3A_2599, %get3A_248 : vector<16xf32>
        %mul3A_2629 = arith.mulf %sub3A_2626, %sub3A_2626 : vector<16xf32>
        %mul3A_2630 = arith.mulf %sub3A_2627, %sub3A_2627 : vector<16xf32>
        %add3A_2631 = arith.addf %mul3A_2629, %mul3A_2630 : vector<16xf32>
        %mul3A_2632 = arith.mulf %sub3A_2628, %sub3A_2628 : vector<16xf32>
        %add3A_2633 = arith.addf %add3A_2631, %mul3A_2632 : vector<16xf32>
        %lt3A_2634 = arith.constant 3.600000e+01 : f32
        %lt3A_2635 = vector.broadcast %lt3A_2634 : f32 to vector<16xf32>
        %lt3A_2636 = arith.cmpf olt, %add3A_2633, %lt3A_2635 : vector<16xf32>
        %gt3A_2637 = arith.constant 9.99999996E-13 : f32
        %gt3A_2638 = vector.broadcast %gt3A_2637 : f32 to vector<16xf32>
        %gt3A_2639 = arith.cmpf ogt, %add3A_2633, %gt3A_2638 : vector<16xf32>
        %and3A_2640 = arith.andi %lt3A_2636, %gt3A_2639 : vector<16xi1>
        %jit3A_2641 = arith.constant 0.000000e+00 : f32
        %broadcast_in_dim3A_2642 = vector.broadcast %jit3A_2641 : f32 to vector<16xf32>
        %select_n3A_2643 = arith.select %and3A_2640, %add3A_2633, %broadcast_in_dim3A_2642 : vector<16xi1>, vector<16xf32>
        %add3A_2644 = arith.constant 1 : i32
        %add3A_2645 = arith.addi %mul3A_159, %add3A_2644 : i32
        %swap3A_2646 = arith.index_cast %select_n3A_109 : i32 to index
        %swap3A_2647 = arith.index_cast %add3A_2645 : i32 to index
        %swap3A_2648 = arith.constant 304 : index
        %swap3A_2649 = tpu.vector_load %arg7[%swap3A_2646, %swap3A_2647, %swap3A_2648] {strides = array<i32>} : memref<2x16x512xf32, #tpu.memory_space<vmem>>, vector<1x1x16xf32>,
        %swap3A_2650 = vector.shape_cast %swap3A_2649 : vector<1x1x16xf32> to vector<16xf32>
        %swap3A_2651 = vector.shape_cast %select_n3A_2643 : vector<16xf32> to vector<1x1x16xf32>
        tpu.vector_store %arg7[%swap3A_2646, %swap3A_2647, %swap3A_2648], %swap3A_2651 {strides = array<i32>} : memref<2x16x512xf32, #tpu.memory_space<vmem>>, vector<1x1x16xf32>,
        %sub3A_2652 = arith.subf %get3A_2587, %get3A_185 : vector<16xf32>
        %sub3A_2653 = arith.subf %get3A_2593, %get3A_221 : vector<16xf32>
        %sub3A_2654 = arith.subf %get3A_2599, %get3A_257 : vector<16xf32>
        %mul3A_2655 = arith.mulf %sub3A_2652, %sub3A_2652 : vector<16xf32>
        %mul3A_2656 = arith.mulf %sub3A_2653, %sub3A_2653 : vector<16xf32>
        %add3A_2657 = arith.addf %mul3A_2655, %mul3A_2656 : vector<16xf32>
        %mul3A_2658 = arith.mulf %sub3A_2654, %sub3A_2654 : vector<16xf32>
        %add3A_2659 = arith.addf %add3A_2657, %mul3A_2658 : vector<16xf32>
        %lt3A_2660 = arith.constant 3.600000e+01 : f32
        %lt3A_2661 = vector.broadcast %lt3A_2660 : f32 to vector<16xf32>
        %lt3A_2662 = arith.cmpf olt, %add3A_2659, %lt3A_2661 : vector<16xf32>
        %gt3A_2663 = arith.constant 9.99999996E-13 : f32
        %gt3A_2664 = vector.broadcast %gt3A_2663 : f32 to vector<16xf32>
        %gt3A_2665 = arith.cmpf ogt, %add3A_2659, %gt3A_2664 : vector<16xf32>
        %and3A_2666 = arith.andi %lt3A_2662, %gt3A_2665 : vector<16xi1>
        %jit3A_2667 = arith.constant 0.000000e+00 : f32
        %broadcast_in_dim3A_2668 = vector.broadcast %jit3A_2667 : f32 to vector<16xf32>
        %select_n3A_2669 = arith.select %and3A_2666, %add3A_2659, %broadcast_in_dim3A_2668 : vector<16xi1>, vector<16xf32>
        %add3A_2670 = arith.constant 2 : i32
        %add3A_2671 = arith.addi %mul3A_159, %add3A_2670 : i32
        %swap3A_2672 = arith.index_cast %select_n3A_109 : i32 to index
        %swap3A_2673 = arith.index_cast %add3A_2671 : i32 to index
        %swap3A_2674 = arith.constant 304 : index
        %swap3A_2675 = tpu.vector_load %arg7[%swap3A_2672, %swap3A_2673, %swap3A_2674] {strides = array<i32>} : memref<2x16x512xf32, #tpu.memory_space<vmem>>, vector<1x1x16xf32>,
        %swap3A_2676 = vector.shape_cast %swap3A_2675 : vector<1x1x16xf32> to vector<16xf32>
        %swap3A_2677 = vector.shape_cast %select_n3A_2669 : vector<16xf32> to vector<1x1x16xf32>
        tpu.vector_store %arg7[%swap3A_2672, %swap3A_2673, %swap3A_2674], %swap3A_2677 {strides = array<i32>} : memref<2x16x512xf32, #tpu.memory_space<vmem>>, vector<1x1x16xf32>,
        %sub3A_2678 = arith.subf %get3A_2587, %get3A_194 : vector<16xf32>
        %sub3A_2679 = arith.subf %get3A_2593, %get3A_230 : vector<16xf32>
        %sub3A_2680 = arith.subf %get3A_2599, %get3A_266 : vector<16xf32>
        %mul3A_2681 = arith.mulf %sub3A_2678, %sub3A_2678 : vector<16xf32>
        %mul3A_2682 = arith.mulf %sub3A_2679, %sub3A_2679 : vector<16xf32>
        %add3A_2683 = arith.addf %mul3A_2681, %mul3A_2682 : vector<16xf32>
        %mul3A_2684 = arith.mulf %sub3A_2680, %sub3A_2680 : vector<16xf32>
        %add3A_2685 = arith.addf %add3A_2683, %mul3A_2684 : vector<16xf32>
        %lt3A_2686 = arith.constant 3.600000e+01 : f32
        %lt3A_2687 = vector.broadcast %lt3A_2686 : f32 to vector<16xf32>
        %lt3A_2688 = arith.cmpf olt, %add3A_2685, %lt3A_2687 : vector<16xf32>
        %gt3A_2689 = arith.constant 9.99999996E-13 : f32
        %gt3A_2690 = vector.broadcast %gt3A_2689 : f32 to vector<16xf32>
        %gt3A_2691 = arith.cmpf ogt, %add3A_2685, %gt3A_2690 : vector<16xf32>
        %and3A_2692 = arith.andi %lt3A_2688, %gt3A_2691 : vector<16xi1>
        %jit3A_2693 = arith.constant 0.000000e+00 : f32
        %broadcast_in_dim3A_2694 = vector.broadcast %jit3A_2693 : f32 to vector<16xf32>
        %select_n3A_2695 = arith.select %and3A_2692, %add3A_2685, %broadcast_in_dim3A_2694 : vector<16xi1>, vector<16xf32>
        %add3A_2696 = arith.constant 3 : i32
        %add3A_2697 = arith.addi %mul3A_159, %add3A_2696 : i32
        %swap3A_2698 = arith.index_cast %select_n3A_109 : i32 to index
        %swap3A_2699 = arith.index_cast %add3A_2697 : i32 to index
        %swap3A_2700 = arith.constant 304 : index
        %swap3A_2701 = tpu.vector_load %arg7[%swap3A_2698, %swap3A_2699, %swap3A_2700] {strides = array<i32>} : memref<2x16x512xf32, #tpu.memory_space<vmem>>, vector<1x1x16xf32>,
        %swap3A_2702 = vector.shape_cast %swap3A_2701 : vector<1x1x16xf32> to vector<16xf32>
        %swap3A_2703 = vector.shape_cast %select_n3A_2695 : vector<16xf32> to vector<1x1x16xf32>
        tpu.vector_store %arg7[%swap3A_2698, %swap3A_2699, %swap3A_2700], %swap3A_2703 {strides = array<i32>} : memref<2x16x512xf32, #tpu.memory_space<vmem>>, vector<1x1x16xf32>,
        %get3A_2704 = arith.constant 0 : i32
        %get3A_2705 = arith.index_cast %select_n3A_109 : i32 to index
        %get3A_2706 = arith.index_cast %get3A_2704 : i32 to index
        %get3A_2707 = arith.constant 320 : index
        %get3A_2708 = tpu.vector_load %arg5[%get3A_2705, %get3A_2706, %get3A_2707] {strides = array<i32>} : memref<2x3x512xf32, #tpu.memory_space<vmem>>, vector<1x1x16xf32>,
        %get3A_2709 = vector.shape_cast %get3A_2708 : vector<1x1x16xf32> to vector<16xf32>
        %get3A_2710 = arith.constant 1 : i32
        %get3A_2711 = arith.index_cast %select_n3A_109 : i32 to index
        %get3A_2712 = arith.index_cast %get3A_2710 : i32 to index
        %get3A_2713 = arith.constant 320 : index
        %get3A_2714 = tpu.vector_load %arg5[%get3A_2711, %get3A_2712, %get3A_2713] {strides = array<i32>} : memref<2x3x512xf32, #tpu.memory_space<vmem>>, vector<1x1x16xf32>,
        %get3A_2715 = vector.shape_cast %get3A_2714 : vector<1x1x16xf32> to vector<16xf32>
        %get3A_2716 = arith.constant 2 : i32
        %get3A_2717 = arith.index_cast %select_n3A_109 : i32 to index
        %get3A_2718 = arith.index_cast %get3A_2716 : i32 to index
        %get3A_2719 = arith.constant 320 : index
        %get3A_2720 = tpu.vector_load %arg5[%get3A_2717, %get3A_2718, %get3A_2719] {strides = array<i32>} : memref<2x3x512xf32, #tpu.memory_space<vmem>>, vector<1x1x16xf32>,
        %get3A_2721 = vector.shape_cast %get3A_2720 : vector<1x1x16xf32> to vector<16xf32>
        %sub3A_2722 = arith.subf %get3A_2709, %get3A_167 : vector<16xf32>
        %sub3A_2723 = arith.subf %get3A_2715, %get3A_203 : vector<16xf32>
        %sub3A_2724 = arith.subf %get3A_2721, %get3A_239 : vector<16xf32>
        %mul3A_2725 = arith.mulf %sub3A_2722, %sub3A_2722 : vector<16xf32>
        %mul3A_2726 = arith.mulf %sub3A_2723, %sub3A_2723 : vector<16xf32>
        %add3A_2727 = arith.addf %mul3A_2725, %mul3A_2726 : vector<16xf32>
        %mul3A_2728 = arith.mulf %sub3A_2724, %sub3A_2724 : vector<16xf32>
        %add3A_2729 = arith.addf %add3A_2727, %mul3A_2728 : vector<16xf32>
        %lt3A_2730 = arith.constant 3.600000e+01 : f32
        %lt3A_2731 = vector.broadcast %lt3A_2730 : f32 to vector<16xf32>
        %lt3A_2732 = arith.cmpf olt, %add3A_2729, %lt3A_2731 : vector<16xf32>
        %gt3A_2733 = arith.constant 9.99999996E-13 : f32
        %gt3A_2734 = vector.broadcast %gt3A_2733 : f32 to vector<16xf32>
        %gt3A_2735 = arith.cmpf ogt, %add3A_2729, %gt3A_2734 : vector<16xf32>
        %and3A_2736 = arith.andi %lt3A_2732, %gt3A_2735 : vector<16xi1>
        %jit3A_2737 = arith.constant 0.000000e+00 : f32
        %broadcast_in_dim3A_2738 = vector.broadcast %jit3A_2737 : f32 to vector<16xf32>
        %select_n3A_2739 = arith.select %and3A_2736, %add3A_2729, %broadcast_in_dim3A_2738 : vector<16xi1>, vector<16xf32>
        %add3A_2740 = arith.constant 0 : i32
        %add3A_2741 = arith.addi %mul3A_159, %add3A_2740 : i32
        %swap3A_2742 = arith.index_cast %select_n3A_109 : i32 to index
        %swap3A_2743 = arith.index_cast %add3A_2741 : i32 to index
        %swap3A_2744 = arith.constant 320 : index
        %swap3A_2745 = tpu.vector_load %arg7[%swap3A_2742, %swap3A_2743, %swap3A_2744] {strides = array<i32>} : memref<2x16x512xf32, #tpu.memory_space<vmem>>, vector<1x1x16xf32>,
        %swap3A_2746 = vector.shape_cast %swap3A_2745 : vector<1x1x16xf32> to vector<16xf32>
        %swap3A_2747 = vector.shape_cast %select_n3A_2739 : vector<16xf32> to vector<1x1x16xf32>
        tpu.vector_store %arg7[%swap3A_2742, %swap3A_2743, %swap3A_2744], %swap3A_2747 {strides = array<i32>} : memref<2x16x512xf32, #tpu.memory_space<vmem>>, vector<1x1x16xf32>,
        %sub3A_2748 = arith.subf %get3A_2709, %get3A_176 : vector<16xf32>
        %sub3A_2749 = arith.subf %get3A_2715, %get3A_212 : vector<16xf32>
        %sub3A_2750 = arith.subf %get3A_2721, %get3A_248 : vector<16xf32>
        %mul3A_2751 = arith.mulf %sub3A_2748, %sub3A_2748 : vector<16xf32>
        %mul3A_2752 = arith.mulf %sub3A_2749, %sub3A_2749 : vector<16xf32>
        %add3A_2753 = arith.addf %mul3A_2751, %mul3A_2752 : vector<16xf32>
        %mul3A_2754 = arith.mulf %sub3A_2750, %sub3A_2750 : vector<16xf32>
        %add3A_2755 = arith.addf %add3A_2753, %mul3A_2754 : vector<16xf32>
        %lt3A_2756 = arith.constant 3.600000e+01 : f32
        %lt3A_2757 = vector.broadcast %lt3A_2756 : f32 to vector<16xf32>
        %lt3A_2758 = arith.cmpf olt, %add3A_2755, %lt3A_2757 : vector<16xf32>
        %gt3A_2759 = arith.constant 9.99999996E-13 : f32
        %gt3A_2760 = vector.broadcast %gt3A_2759 : f32 to vector<16xf32>
        %gt3A_2761 = arith.cmpf ogt, %add3A_2755, %gt3A_2760 : vector<16xf32>
        %and3A_2762 = arith.andi %lt3A_2758, %gt3A_2761 : vector<16xi1>
        %jit3A_2763 = arith.constant 0.000000e+00 : f32
        %broadcast_in_dim3A_2764 = vector.broadcast %jit3A_2763 : f32 to vector<16xf32>
        %select_n3A_2765 = arith.select %and3A_2762, %add3A_2755, %broadcast_in_dim3A_2764 : vector<16xi1>, vector<16xf32>
        %add3A_2766 = arith.constant 1 : i32
        %add3A_2767 = arith.addi %mul3A_159, %add3A_2766 : i32
        %swap3A_2768 = arith.index_cast %select_n3A_109 : i32 to index
        %swap3A_2769 = arith.index_cast %add3A_2767 : i32 to index
        %swap3A_2770 = arith.constant 320 : index
        %swap3A_2771 = tpu.vector_load %arg7[%swap3A_2768, %swap3A_2769, %swap3A_2770] {strides = array<i32>} : memref<2x16x512xf32, #tpu.memory_space<vmem>>, vector<1x1x16xf32>,
        %swap3A_2772 = vector.shape_cast %swap3A_2771 : vector<1x1x16xf32> to vector<16xf32>
        %swap3A_2773 = vector.shape_cast %select_n3A_2765 : vector<16xf32> to vector<1x1x16xf32>
        tpu.vector_store %arg7[%swap3A_2768, %swap3A_2769, %swap3A_2770], %swap3A_2773 {strides = array<i32>} : memref<2x16x512xf32, #tpu.memory_space<vmem>>, vector<1x1x16xf32>,
        %sub3A_2774 = arith.subf %get3A_2709, %get3A_185 : vector<16xf32>
        %sub3A_2775 = arith.subf %get3A_2715, %get3A_221 : vector<16xf32>
        %sub3A_2776 = arith.subf %get3A_2721, %get3A_257 : vector<16xf32>
        %mul3A_2777 = arith.mulf %sub3A_2774, %sub3A_2774 : vector<16xf32>
        %mul3A_2778 = arith.mulf %sub3A_2775, %sub3A_2775 : vector<16xf32>
        %add3A_2779 = arith.addf %mul3A_2777, %mul3A_2778 : vector<16xf32>
        %mul3A_2780 = arith.mulf %sub3A_2776, %sub3A_2776 : vector<16xf32>
        %add3A_2781 = arith.addf %add3A_2779, %mul3A_2780 : vector<16xf32>
        %lt3A_2782 = arith.constant 3.600000e+01 : f32
        %lt3A_2783 = vector.broadcast %lt3A_2782 : f32 to vector<16xf32>
        %lt3A_2784 = arith.cmpf olt, %add3A_2781, %lt3A_2783 : vector<16xf32>
        %gt3A_2785 = arith.constant 9.99999996E-13 : f32
        %gt3A_2786 = vector.broadcast %gt3A_2785 : f32 to vector<16xf32>
        %gt3A_2787 = arith.cmpf ogt, %add3A_2781, %gt3A_2786 : vector<16xf32>
        %and3A_2788 = arith.andi %lt3A_2784, %gt3A_2787 : vector<16xi1>
        %jit3A_2789 = arith.constant 0.000000e+00 : f32
        %broadcast_in_dim3A_2790 = vector.broadcast %jit3A_2789 : f32 to vector<16xf32>
        %select_n3A_2791 = arith.select %and3A_2788, %add3A_2781, %broadcast_in_dim3A_2790 : vector<16xi1>, vector<16xf32>
        %add3A_2792 = arith.constant 2 : i32
        %add3A_2793 = arith.addi %mul3A_159, %add3A_2792 : i32
        %swap3A_2794 = arith.index_cast %select_n3A_109 : i32 to index
        %swap3A_2795 = arith.index_cast %add3A_2793 : i32 to index
        %swap3A_2796 = arith.constant 320 : index
        %swap3A_2797 = tpu.vector_load %arg7[%swap3A_2794, %swap3A_2795, %swap3A_2796] {strides = array<i32>} : memref<2x16x512xf32, #tpu.memory_space<vmem>>, vector<1x1x16xf32>,
        %swap3A_2798 = vector.shape_cast %swap3A_2797 : vector<1x1x16xf32> to vector<16xf32>
        %swap3A_2799 = vector.shape_cast %select_n3A_2791 : vector<16xf32> to vector<1x1x16xf32>
        tpu.vector_store %arg7[%swap3A_2794, %swap3A_2795, %swap3A_2796], %swap3A_2799 {strides = array<i32>} : memref<2x16x512xf32, #tpu.memory_space<vmem>>, vector<1x1x16xf32>,
        %sub3A_2800 = arith.subf %get3A_2709, %get3A_194 : vector<16xf32>
        %sub3A_2801 = arith.subf %get3A_2715, %get3A_230 : vector<16xf32>
        %sub3A_2802 = arith.subf %get3A_2721, %get3A_266 : vector<16xf32>
        %mul3A_2803 = arith.mulf %sub3A_2800, %sub3A_2800 : vector<16xf32>
        %mul3A_2804 = arith.mulf %sub3A_2801, %sub3A_2801 : vector<16xf32>
        %add3A_2805 = arith.addf %mul3A_2803, %mul3A_2804 : vector<16xf32>
        %mul3A_2806 = arith.mulf %sub3A_2802, %sub3A_2802 : vector<16xf32>
        %add3A_2807 = arith.addf %add3A_2805, %mul3A_2806 : vector<16xf32>
        %lt3A_2808 = arith.constant 3.600000e+01 : f32
        %lt3A_2809 = vector.broadcast %lt3A_2808 : f32 to vector<16xf32>
        %lt3A_2810 = arith.cmpf olt, %add3A_2807, %lt3A_2809 : vector<16xf32>
        %gt3A_2811 = arith.constant 9.99999996E-13 : f32
        %gt3A_2812 = vector.broadcast %gt3A_2811 : f32 to vector<16xf32>
        %gt3A_2813 = arith.cmpf ogt, %add3A_2807, %gt3A_2812 : vector<16xf32>
        %and3A_2814 = arith.andi %lt3A_2810, %gt3A_2813 : vector<16xi1>
        %jit3A_2815 = arith.constant 0.000000e+00 : f32
        %broadcast_in_dim3A_2816 = vector.broadcast %jit3A_2815 : f32 to vector<16xf32>
        %select_n3A_2817 = arith.select %and3A_2814, %add3A_2807, %broadcast_in_dim3A_2816 : vector<16xi1>, vector<16xf32>
        %add3A_2818 = arith.constant 3 : i32
        %add3A_2819 = arith.addi %mul3A_159, %add3A_2818 : i32
        %swap3A_2820 = arith.index_cast %select_n3A_109 : i32 to index
        %swap3A_2821 = arith.index_cast %add3A_2819 : i32 to index
        %swap3A_2822 = arith.constant 320 : index
        %swap3A_2823 = tpu.vector_load %arg7[%swap3A_2820, %swap3A_2821, %swap3A_2822] {strides = array<i32>} : memref<2x16x512xf32, #tpu.memory_space<vmem>>, vector<1x1x16xf32>,
        %swap3A_2824 = vector.shape_cast %swap3A_2823 : vector<1x1x16xf32> to vector<16xf32>
        %swap3A_2825 = vector.shape_cast %select_n3A_2817 : vector<16xf32> to vector<1x1x16xf32>
        tpu.vector_store %arg7[%swap3A_2820, %swap3A_2821, %swap3A_2822], %swap3A_2825 {strides = array<i32>} : memref<2x16x512xf32, #tpu.memory_space<vmem>>, vector<1x1x16xf32>,
        %get3A_2826 = arith.constant 0 : i32
        %get3A_2827 = arith.index_cast %select_n3A_109 : i32 to index
        %get3A_2828 = arith.index_cast %get3A_2826 : i32 to index
        %get3A_2829 = arith.constant 336 : index
        %get3A_2830 = tpu.vector_load %arg5[%get3A_2827, %get3A_2828, %get3A_2829] {strides = array<i32>} : memref<2x3x512xf32, #tpu.memory_space<vmem>>, vector<1x1x16xf32>,
        %get3A_2831 = vector.shape_cast %get3A_2830 : vector<1x1x16xf32> to vector<16xf32>
        %get3A_2832 = arith.constant 1 : i32
        %get3A_2833 = arith.index_cast %select_n3A_109 : i32 to index
        %get3A_2834 = arith.index_cast %get3A_2832 : i32 to index
        %get3A_2835 = arith.constant 336 : index
        %get3A_2836 = tpu.vector_load %arg5[%get3A_2833, %get3A_2834, %get3A_2835] {strides = array<i32>} : memref<2x3x512xf32, #tpu.memory_space<vmem>>, vector<1x1x16xf32>,
        %get3A_2837 = vector.shape_cast %get3A_2836 : vector<1x1x16xf32> to vector<16xf32>
        %get3A_2838 = arith.constant 2 : i32
        %get3A_2839 = arith.index_cast %select_n3A_109 : i32 to index
        %get3A_2840 = arith.index_cast %get3A_2838 : i32 to index
        %get3A_2841 = arith.constant 336 : index
        %get3A_2842 = tpu.vector_load %arg5[%get3A_2839, %get3A_2840, %get3A_2841] {strides = array<i32>} : memref<2x3x512xf32, #tpu.memory_space<vmem>>, vector<1x1x16xf32>,
        %get3A_2843 = vector.shape_cast %get3A_2842 : vector<1x1x16xf32> to vector<16xf32>
        %sub3A_2844 = arith.subf %get3A_2831, %get3A_167 : vector<16xf32>
        %sub3A_2845 = arith.subf %get3A_2837, %get3A_203 : vector<16xf32>
        %sub3A_2846 = arith.subf %get3A_2843, %get3A_239 : vector<16xf32>
        %mul3A_2847 = arith.mulf %sub3A_2844, %sub3A_2844 : vector<16xf32>
        %mul3A_2848 = arith.mulf %sub3A_2845, %sub3A_2845 : vector<16xf32>
        %add3A_2849 = arith.addf %mul3A_2847, %mul3A_2848 : vector<16xf32>
        %mul3A_2850 = arith.mulf %sub3A_2846, %sub3A_2846 : vector<16xf32>
        %add3A_2851 = arith.addf %add3A_2849, %mul3A_2850 : vector<16xf32>
        %lt3A_2852 = arith.constant 3.600000e+01 : f32
        %lt3A_2853 = vector.broadcast %lt3A_2852 : f32 to vector<16xf32>
        %lt3A_2854 = arith.cmpf olt, %add3A_2851, %lt3A_2853 : vector<16xf32>
        %gt3A_2855 = arith.constant 9.99999996E-13 : f32
        %gt3A_2856 = vector.broadcast %gt3A_2855 : f32 to vector<16xf32>
        %gt3A_2857 = arith.cmpf ogt, %add3A_2851, %gt3A_2856 : vector<16xf32>
        %and3A_2858 = arith.andi %lt3A_2854, %gt3A_2857 : vector<16xi1>
        %jit3A_2859 = arith.constant 0.000000e+00 : f32
        %broadcast_in_dim3A_2860 = vector.broadcast %jit3A_2859 : f32 to vector<16xf32>
        %select_n3A_2861 = arith.select %and3A_2858, %add3A_2851, %broadcast_in_dim3A_2860 : vector<16xi1>, vector<16xf32>
        %add3A_2862 = arith.constant 0 : i32
        %add3A_2863 = arith.addi %mul3A_159, %add3A_2862 : i32
        %swap3A_2864 = arith.index_cast %select_n3A_109 : i32 to index
        %swap3A_2865 = arith.index_cast %add3A_2863 : i32 to index
        %swap3A_2866 = arith.constant 336 : index
        %swap3A_2867 = tpu.vector_load %arg7[%swap3A_2864, %swap3A_2865, %swap3A_2866] {strides = array<i32>} : memref<2x16x512xf32, #tpu.memory_space<vmem>>, vector<1x1x16xf32>,
        %swap3A_2868 = vector.shape_cast %swap3A_2867 : vector<1x1x16xf32> to vector<16xf32>
        %swap3A_2869 = vector.shape_cast %select_n3A_2861 : vector<16xf32> to vector<1x1x16xf32>
        tpu.vector_store %arg7[%swap3A_2864, %swap3A_2865, %swap3A_2866], %swap3A_2869 {strides = array<i32>} : memref<2x16x512xf32, #tpu.memory_space<vmem>>, vector<1x1x16xf32>,
        %sub3A_2870 = arith.subf %get3A_2831, %get3A_176 : vector<16xf32>
        %sub3A_2871 = arith.subf %get3A_2837, %get3A_212 : vector<16xf32>
        %sub3A_2872 = arith.subf %get3A_2843, %get3A_248 : vector<16xf32>
        %mul3A_2873 = arith.mulf %sub3A_2870, %sub3A_2870 : vector<16xf32>
        %mul3A_2874 = arith.mulf %sub3A_2871, %sub3A_2871 : vector<16xf32>
        %add3A_2875 = arith.addf %mul3A_2873, %mul3A_2874 : vector<16xf32>
        %mul3A_2876 = arith.mulf %sub3A_2872, %sub3A_2872 : vector<16xf32>
        %add3A_2877 = arith.addf %add3A_2875, %mul3A_2876 : vector<16xf32>
        %lt3A_2878 = arith.constant 3.600000e+01 : f32
        %lt3A_2879 = vector.broadcast %lt3A_2878 : f32 to vector<16xf32>
        %lt3A_2880 = arith.cmpf olt, %add3A_2877, %lt3A_2879 : vector<16xf32>
        %gt3A_2881 = arith.constant 9.99999996E-13 : f32
        %gt3A_2882 = vector.broadcast %gt3A_2881 : f32 to vector<16xf32>
        %gt3A_2883 = arith.cmpf ogt, %add3A_2877, %gt3A_2882 : vector<16xf32>
        %and3A_2884 = arith.andi %lt3A_2880, %gt3A_2883 : vector<16xi1>
        %jit3A_2885 = arith.constant 0.000000e+00 : f32
        %broadcast_in_dim3A_2886 = vector.broadcast %jit3A_2885 : f32 to vector<16xf32>
        %select_n3A_2887 = arith.select %and3A_2884, %add3A_2877, %broadcast_in_dim3A_2886 : vector<16xi1>, vector<16xf32>
        %add3A_2888 = arith.constant 1 : i32
        %add3A_2889 = arith.addi %mul3A_159, %add3A_2888 : i32
        %swap3A_2890 = arith.index_cast %select_n3A_109 : i32 to index
        %swap3A_2891 = arith.index_cast %add3A_2889 : i32 to index
        %swap3A_2892 = arith.constant 336 : index
        %swap3A_2893 = tpu.vector_load %arg7[%swap3A_2890, %swap3A_2891, %swap3A_2892] {strides = array<i32>} : memref<2x16x512xf32, #tpu.memory_space<vmem>>, vector<1x1x16xf32>,
        %swap3A_2894 = vector.shape_cast %swap3A_2893 : vector<1x1x16xf32> to vector<16xf32>
        %swap3A_2895 = vector.shape_cast %select_n3A_2887 : vector<16xf32> to vector<1x1x16xf32>
        tpu.vector_store %arg7[%swap3A_2890, %swap3A_2891, %swap3A_2892], %swap3A_2895 {strides = array<i32>} : memref<2x16x512xf32, #tpu.memory_space<vmem>>, vector<1x1x16xf32>,
        %sub3A_2896 = arith.subf %get3A_2831, %get3A_185 : vector<16xf32>
        %sub3A_2897 = arith.subf %get3A_2837, %get3A_221 : vector<16xf32>
        %sub3A_2898 = arith.subf %get3A_2843, %get3A_257 : vector<16xf32>
        %mul3A_2899 = arith.mulf %sub3A_2896, %sub3A_2896 : vector<16xf32>
        %mul3A_2900 = arith.mulf %sub3A_2897, %sub3A_2897 : vector<16xf32>
        %add3A_2901 = arith.addf %mul3A_2899, %mul3A_2900 : vector<16xf32>
        %mul3A_2902 = arith.mulf %sub3A_2898, %sub3A_2898 : vector<16xf32>
        %add3A_2903 = arith.addf %add3A_2901, %mul3A_2902 : vector<16xf32>
        %lt3A_2904 = arith.constant 3.600000e+01 : f32
        %lt3A_2905 = vector.broadcast %lt3A_2904 : f32 to vector<16xf32>
        %lt3A_2906 = arith.cmpf olt, %add3A_2903, %lt3A_2905 : vector<16xf32>
        %gt3A_2907 = arith.constant 9.99999996E-13 : f32
        %gt3A_2908 = vector.broadcast %gt3A_2907 : f32 to vector<16xf32>
        %gt3A_2909 = arith.cmpf ogt, %add3A_2903, %gt3A_2908 : vector<16xf32>
        %and3A_2910 = arith.andi %lt3A_2906, %gt3A_2909 : vector<16xi1>
        %jit3A_2911 = arith.constant 0.000000e+00 : f32
        %broadcast_in_dim3A_2912 = vector.broadcast %jit3A_2911 : f32 to vector<16xf32>
        %select_n3A_2913 = arith.select %and3A_2910, %add3A_2903, %broadcast_in_dim3A_2912 : vector<16xi1>, vector<16xf32>
        %add3A_2914 = arith.constant 2 : i32
        %add3A_2915 = arith.addi %mul3A_159, %add3A_2914 : i32
        %swap3A_2916 = arith.index_cast %select_n3A_109 : i32 to index
        %swap3A_2917 = arith.index_cast %add3A_2915 : i32 to index
        %swap3A_2918 = arith.constant 336 : index
        %swap3A_2919 = tpu.vector_load %arg7[%swap3A_2916, %swap3A_2917, %swap3A_2918] {strides = array<i32>} : memref<2x16x512xf32, #tpu.memory_space<vmem>>, vector<1x1x16xf32>,
        %swap3A_2920 = vector.shape_cast %swap3A_2919 : vector<1x1x16xf32> to vector<16xf32>
        %swap3A_2921 = vector.shape_cast %select_n3A_2913 : vector<16xf32> to vector<1x1x16xf32>
        tpu.vector_store %arg7[%swap3A_2916, %swap3A_2917, %swap3A_2918], %swap3A_2921 {strides = array<i32>} : memref<2x16x512xf32, #tpu.memory_space<vmem>>, vector<1x1x16xf32>,
        %sub3A_2922 = arith.subf %get3A_2831, %get3A_194 : vector<16xf32>
        %sub3A_2923 = arith.subf %get3A_2837, %get3A_230 : vector<16xf32>
        %sub3A_2924 = arith.subf %get3A_2843, %get3A_266 : vector<16xf32>
        %mul3A_2925 = arith.mulf %sub3A_2922, %sub3A_2922 : vector<16xf32>
        %mul3A_2926 = arith.mulf %sub3A_2923, %sub3A_2923 : vector<16xf32>
        %add3A_2927 = arith.addf %mul3A_2925, %mul3A_2926 : vector<16xf32>
        %mul3A_2928 = arith.mulf %sub3A_2924, %sub3A_2924 : vector<16xf32>
        %add3A_2929 = arith.addf %add3A_2927, %mul3A_2928 : vector<16xf32>
        %lt3A_2930 = arith.constant 3.600000e+01 : f32
        %lt3A_2931 = vector.broadcast %lt3A_2930 : f32 to vector<16xf32>
        %lt3A_2932 = arith.cmpf olt, %add3A_2929, %lt3A_2931 : vector<16xf32>
        %gt3A_2933 = arith.constant 9.99999996E-13 : f32
        %gt3A_2934 = vector.broadcast %gt3A_2933 : f32 to vector<16xf32>
        %gt3A_2935 = arith.cmpf ogt, %add3A_2929, %gt3A_2934 : vector<16xf32>
        %and3A_2936 = arith.andi %lt3A_2932, %gt3A_2935 : vector<16xi1>
        %jit3A_2937 = arith.constant 0.000000e+00 : f32
        %broadcast_in_dim3A_2938 = vector.broadcast %jit3A_2937 : f32 to vector<16xf32>
        %select_n3A_2939 = arith.select %and3A_2936, %add3A_2929, %broadcast_in_dim3A_2938 : vector<16xi1>, vector<16xf32>
        %add3A_2940 = arith.constant 3 : i32
        %add3A_2941 = arith.addi %mul3A_159, %add3A_2940 : i32
        %swap3A_2942 = arith.index_cast %select_n3A_109 : i32 to index
        %swap3A_2943 = arith.index_cast %add3A_2941 : i32 to index
        %swap3A_2944 = arith.constant 336 : index
        %swap3A_2945 = tpu.vector_load %arg7[%swap3A_2942, %swap3A_2943, %swap3A_2944] {strides = array<i32>} : memref<2x16x512xf32, #tpu.memory_space<vmem>>, vector<1x1x16xf32>,
        %swap3A_2946 = vector.shape_cast %swap3A_2945 : vector<1x1x16xf32> to vector<16xf32>
        %swap3A_2947 = vector.shape_cast %select_n3A_2939 : vector<16xf32> to vector<1x1x16xf32>
        tpu.vector_store %arg7[%swap3A_2942, %swap3A_2943, %swap3A_2944], %swap3A_2947 {strides = array<i32>} : memref<2x16x512xf32, #tpu.memory_space<vmem>>, vector<1x1x16xf32>,
        %get3A_2948 = arith.constant 0 : i32
        %get3A_2949 = arith.index_cast %select_n3A_109 : i32 to index
        %get3A_2950 = arith.index_cast %get3A_2948 : i32 to index
        %get3A_2951 = arith.constant 352 : index
        %get3A_2952 = tpu.vector_load %arg5[%get3A_2949, %get3A_2950, %get3A_2951] {strides = array<i32>} : memref<2x3x512xf32, #tpu.memory_space<vmem>>, vector<1x1x16xf32>,
        %get3A_2953 = vector.shape_cast %get3A_2952 : vector<1x1x16xf32> to vector<16xf32>
        %get3A_2954 = arith.constant 1 : i32
        %get3A_2955 = arith.index_cast %select_n3A_109 : i32 to index
        %get3A_2956 = arith.index_cast %get3A_2954 : i32 to index
        %get3A_2957 = arith.constant 352 : index
        %get3A_2958 = tpu.vector_load %arg5[%get3A_2955, %get3A_2956, %get3A_2957] {strides = array<i32>} : memref<2x3x512xf32, #tpu.memory_space<vmem>>, vector<1x1x16xf32>,
        %get3A_2959 = vector.shape_cast %get3A_2958 : vector<1x1x16xf32> to vector<16xf32>
        %get3A_2960 = arith.constant 2 : i32
        %get3A_2961 = arith.index_cast %select_n3A_109 : i32 to index
        %get3A_2962 = arith.index_cast %get3A_2960 : i32 to index
        %get3A_2963 = arith.constant 352 : index
        %get3A_2964 = tpu.vector_load %arg5[%get3A_2961, %get3A_2962, %get3A_2963] {strides = array<i32>} : memref<2x3x512xf32, #tpu.memory_space<vmem>>, vector<1x1x16xf32>,
        %get3A_2965 = vector.shape_cast %get3A_2964 : vector<1x1x16xf32> to vector<16xf32>
        %sub3A_2966 = arith.subf %get3A_2953, %get3A_167 : vector<16xf32>
        %sub3A_2967 = arith.subf %get3A_2959, %get3A_203 : vector<16xf32>
        %sub3A_2968 = arith.subf %get3A_2965, %get3A_239 : vector<16xf32>
        %mul3A_2969 = arith.mulf %sub3A_2966, %sub3A_2966 : vector<16xf32>
        %mul3A_2970 = arith.mulf %sub3A_2967, %sub3A_2967 : vector<16xf32>
        %add3A_2971 = arith.addf %mul3A_2969, %mul3A_2970 : vector<16xf32>
        %mul3A_2972 = arith.mulf %sub3A_2968, %sub3A_2968 : vector<16xf32>
        %add3A_2973 = arith.addf %add3A_2971, %mul3A_2972 : vector<16xf32>
        %lt3A_2974 = arith.constant 3.600000e+01 : f32
        %lt3A_2975 = vector.broadcast %lt3A_2974 : f32 to vector<16xf32>
        %lt3A_2976 = arith.cmpf olt, %add3A_2973, %lt3A_2975 : vector<16xf32>
        %gt3A_2977 = arith.constant 9.99999996E-13 : f32
        %gt3A_2978 = vector.broadcast %gt3A_2977 : f32 to vector<16xf32>
        %gt3A_2979 = arith.cmpf ogt, %add3A_2973, %gt3A_2978 : vector<16xf32>
        %and3A_2980 = arith.andi %lt3A_2976, %gt3A_2979 : vector<16xi1>
        %jit3A_2981 = arith.constant 0.000000e+00 : f32
        %broadcast_in_dim3A_2982 = vector.broadcast %jit3A_2981 : f32 to vector<16xf32>
        %select_n3A_2983 = arith.select %and3A_2980, %add3A_2973, %broadcast_in_dim3A_2982 : vector<16xi1>, vector<16xf32>
        %add3A_2984 = arith.constant 0 : i32
        %add3A_2985 = arith.addi %mul3A_159, %add3A_2984 : i32
        %swap3A_2986 = arith.index_cast %select_n3A_109 : i32 to index
        %swap3A_2987 = arith.index_cast %add3A_2985 : i32 to index
        %swap3A_2988 = arith.constant 352 : index
        %swap3A_2989 = tpu.vector_load %arg7[%swap3A_2986, %swap3A_2987, %swap3A_2988] {strides = array<i32>} : memref<2x16x512xf32, #tpu.memory_space<vmem>>, vector<1x1x16xf32>,
        %swap3A_2990 = vector.shape_cast %swap3A_2989 : vector<1x1x16xf32> to vector<16xf32>
        %swap3A_2991 = vector.shape_cast %select_n3A_2983 : vector<16xf32> to vector<1x1x16xf32>
        tpu.vector_store %arg7[%swap3A_2986, %swap3A_2987, %swap3A_2988], %swap3A_2991 {strides = array<i32>} : memref<2x16x512xf32, #tpu.memory_space<vmem>>, vector<1x1x16xf32>,
        %sub3A_2992 = arith.subf %get3A_2953, %get3A_176 : vector<16xf32>
        %sub3A_2993 = arith.subf %get3A_2959, %get3A_212 : vector<16xf32>
        %sub3A_2994 = arith.subf %get3A_2965, %get3A_248 : vector<16xf32>
        %mul3A_2995 = arith.mulf %sub3A_2992, %sub3A_2992 : vector<16xf32>
        %mul3A_2996 = arith.mulf %sub3A_2993, %sub3A_2993 : vector<16xf32>
        %add3A_2997 = arith.addf %mul3A_2995, %mul3A_2996 : vector<16xf32>
        %mul3A_2998 = arith.mulf %sub3A_2994, %sub3A_2994 : vector<16xf32>
        %add3A_2999 = arith.addf %add3A_2997, %mul3A_2998 : vector<16xf32>
        %lt3A_3000 = arith.constant 3.600000e+01 : f32
        %lt3A_3001 = vector.broadcast %lt3A_3000 : f32 to vector<16xf32>
        %lt3A_3002 = arith.cmpf olt, %add3A_2999, %lt3A_3001 : vector<16xf32>
        %gt3A_3003 = arith.constant 9.99999996E-13 : f32
        %gt3A_3004 = vector.broadcast %gt3A_3003 : f32 to vector<16xf32>
        %gt3A_3005 = arith.cmpf ogt, %add3A_2999, %gt3A_3004 : vector<16xf32>
        %and3A_3006 = arith.andi %lt3A_3002, %gt3A_3005 : vector<16xi1>
        %jit3A_3007 = arith.constant 0.000000e+00 : f32
        %broadcast_in_dim3A_3008 = vector.broadcast %jit3A_3007 : f32 to vector<16xf32>
        %select_n3A_3009 = arith.select %and3A_3006, %add3A_2999, %broadcast_in_dim3A_3008 : vector<16xi1>, vector<16xf32>
        %add3A_3010 = arith.constant 1 : i32
        %add3A_3011 = arith.addi %mul3A_159, %add3A_3010 : i32
        %swap3A_3012 = arith.index_cast %select_n3A_109 : i32 to index
        %swap3A_3013 = arith.index_cast %add3A_3011 : i32 to index
        %swap3A_3014 = arith.constant 352 : index
        %swap3A_3015 = tpu.vector_load %arg7[%swap3A_3012, %swap3A_3013, %swap3A_3014] {strides = array<i32>} : memref<2x16x512xf32, #tpu.memory_space<vmem>>, vector<1x1x16xf32>,
        %swap3A_3016 = vector.shape_cast %swap3A_3015 : vector<1x1x16xf32> to vector<16xf32>
        %swap3A_3017 = vector.shape_cast %select_n3A_3009 : vector<16xf32> to vector<1x1x16xf32>
        tpu.vector_store %arg7[%swap3A_3012, %swap3A_3013, %swap3A_3014], %swap3A_3017 {strides = array<i32>} : memref<2x16x512xf32, #tpu.memory_space<vmem>>, vector<1x1x16xf32>,
        %sub3A_3018 = arith.subf %get3A_2953, %get3A_185 : vector<16xf32>
        %sub3A_3019 = arith.subf %get3A_2959, %get3A_221 : vector<16xf32>
        %sub3A_3020 = arith.subf %get3A_2965, %get3A_257 : vector<16xf32>
        %mul3A_3021 = arith.mulf %sub3A_3018, %sub3A_3018 : vector<16xf32>
        %mul3A_3022 = arith.mulf %sub3A_3019, %sub3A_3019 : vector<16xf32>
        %add3A_3023 = arith.addf %mul3A_3021, %mul3A_3022 : vector<16xf32>
        %mul3A_3024 = arith.mulf %sub3A_3020, %sub3A_3020 : vector<16xf32>
        %add3A_3025 = arith.addf %add3A_3023, %mul3A_3024 : vector<16xf32>
        %lt3A_3026 = arith.constant 3.600000e+01 : f32
        %lt3A_3027 = vector.broadcast %lt3A_3026 : f32 to vector<16xf32>
        %lt3A_3028 = arith.cmpf olt, %add3A_3025, %lt3A_3027 : vector<16xf32>
        %gt3A_3029 = arith.constant 9.99999996E-13 : f32
        %gt3A_3030 = vector.broadcast %gt3A_3029 : f32 to vector<16xf32>
        %gt3A_3031 = arith.cmpf ogt, %add3A_3025, %gt3A_3030 : vector<16xf32>
        %and3A_3032 = arith.andi %lt3A_3028, %gt3A_3031 : vector<16xi1>
        %jit3A_3033 = arith.constant 0.000000e+00 : f32
        %broadcast_in_dim3A_3034 = vector.broadcast %jit3A_3033 : f32 to vector<16xf32>
        %select_n3A_3035 = arith.select %and3A_3032, %add3A_3025, %broadcast_in_dim3A_3034 : vector<16xi1>, vector<16xf32>
        %add3A_3036 = arith.constant 2 : i32
        %add3A_3037 = arith.addi %mul3A_159, %add3A_3036 : i32
        %swap3A_3038 = arith.index_cast %select_n3A_109 : i32 to index
        %swap3A_3039 = arith.index_cast %add3A_3037 : i32 to index
        %swap3A_3040 = arith.constant 352 : index
        %swap3A_3041 = tpu.vector_load %arg7[%swap3A_3038, %swap3A_3039, %swap3A_3040] {strides = array<i32>} : memref<2x16x512xf32, #tpu.memory_space<vmem>>, vector<1x1x16xf32>,
        %swap3A_3042 = vector.shape_cast %swap3A_3041 : vector<1x1x16xf32> to vector<16xf32>
        %swap3A_3043 = vector.shape_cast %select_n3A_3035 : vector<16xf32> to vector<1x1x16xf32>
        tpu.vector_store %arg7[%swap3A_3038, %swap3A_3039, %swap3A_3040], %swap3A_3043 {strides = array<i32>} : memref<2x16x512xf32, #tpu.memory_space<vmem>>, vector<1x1x16xf32>,
        %sub3A_3044 = arith.subf %get3A_2953, %get3A_194 : vector<16xf32>
        %sub3A_3045 = arith.subf %get3A_2959, %get3A_230 : vector<16xf32>
        %sub3A_3046 = arith.subf %get3A_2965, %get3A_266 : vector<16xf32>
        %mul3A_3047 = arith.mulf %sub3A_3044, %sub3A_3044 : vector<16xf32>
        %mul3A_3048 = arith.mulf %sub3A_3045, %sub3A_3045 : vector<16xf32>
        %add3A_3049 = arith.addf %mul3A_3047, %mul3A_3048 : vector<16xf32>
        %mul3A_3050 = arith.mulf %sub3A_3046, %sub3A_3046 : vector<16xf32>
        %add3A_3051 = arith.addf %add3A_3049, %mul3A_3050 : vector<16xf32>
        %lt3A_3052 = arith.constant 3.600000e+01 : f32
        %lt3A_3053 = vector.broadcast %lt3A_3052 : f32 to vector<16xf32>
        %lt3A_3054 = arith.cmpf olt, %add3A_3051, %lt3A_3053 : vector<16xf32>
        %gt3A_3055 = arith.constant 9.99999996E-13 : f32
        %gt3A_3056 = vector.broadcast %gt3A_3055 : f32 to vector<16xf32>
        %gt3A_3057 = arith.cmpf ogt, %add3A_3051, %gt3A_3056 : vector<16xf32>
        %and3A_3058 = arith.andi %lt3A_3054, %gt3A_3057 : vector<16xi1>
        %jit3A_3059 = arith.constant 0.000000e+00 : f32
        %broadcast_in_dim3A_3060 = vector.broadcast %jit3A_3059 : f32 to vector<16xf32>
        %select_n3A_3061 = arith.select %and3A_3058, %add3A_3051, %broadcast_in_dim3A_3060 : vector<16xi1>, vector<16xf32>
        %add3A_3062 = arith.constant 3 : i32
        %add3A_3063 = arith.addi %mul3A_159, %add3A_3062 : i32
        %swap3A_3064 = arith.index_cast %select_n3A_109 : i32 to index
        %swap3A_3065 = arith.index_cast %add3A_3063 : i32 to index
        %swap3A_3066 = arith.constant 352 : index
        %swap3A_3067 = tpu.vector_load %arg7[%swap3A_3064, %swap3A_3065, %swap3A_3066] {strides = array<i32>} : memref<2x16x512xf32, #tpu.memory_space<vmem>>, vector<1x1x16xf32>,
        %swap3A_3068 = vector.shape_cast %swap3A_3067 : vector<1x1x16xf32> to vector<16xf32>
        %swap3A_3069 = vector.shape_cast %select_n3A_3061 : vector<16xf32> to vector<1x1x16xf32>
        tpu.vector_store %arg7[%swap3A_3064, %swap3A_3065, %swap3A_3066], %swap3A_3069 {strides = array<i32>} : memref<2x16x512xf32, #tpu.memory_space<vmem>>, vector<1x1x16xf32>,
        %get3A_3070 = arith.constant 0 : i32
        %get3A_3071 = arith.index_cast %select_n3A_109 : i32 to index
        %get3A_3072 = arith.index_cast %get3A_3070 : i32 to index
        %get3A_3073 = arith.constant 368 : index
        %get3A_3074 = tpu.vector_load %arg5[%get3A_3071, %get3A_3072, %get3A_3073] {strides = array<i32>} : memref<2x3x512xf32, #tpu.memory_space<vmem>>, vector<1x1x16xf32>,
        %get3A_3075 = vector.shape_cast %get3A_3074 : vector<1x1x16xf32> to vector<16xf32>
        %get3A_3076 = arith.constant 1 : i32
        %get3A_3077 = arith.index_cast %select_n3A_109 : i32 to index
        %get3A_3078 = arith.index_cast %get3A_3076 : i32 to index
        %get3A_3079 = arith.constant 368 : index
        %get3A_3080 = tpu.vector_load %arg5[%get3A_3077, %get3A_3078, %get3A_3079] {strides = array<i32>} : memref<2x3x512xf32, #tpu.memory_space<vmem>>, vector<1x1x16xf32>,
        %get3A_3081 = vector.shape_cast %get3A_3080 : vector<1x1x16xf32> to vector<16xf32>
        %get3A_3082 = arith.constant 2 : i32
        %get3A_3083 = arith.index_cast %select_n3A_109 : i32 to index
        %get3A_3084 = arith.index_cast %get3A_3082 : i32 to index
        %get3A_3085 = arith.constant 368 : index
        %get3A_3086 = tpu.vector_load %arg5[%get3A_3083, %get3A_3084, %get3A_3085] {strides = array<i32>} : memref<2x3x512xf32, #tpu.memory_space<vmem>>, vector<1x1x16xf32>,
        %get3A_3087 = vector.shape_cast %get3A_3086 : vector<1x1x16xf32> to vector<16xf32>
        %sub3A_3088 = arith.subf %get3A_3075, %get3A_167 : vector<16xf32>
        %sub3A_3089 = arith.subf %get3A_3081, %get3A_203 : vector<16xf32>
        %sub3A_3090 = arith.subf %get3A_3087, %get3A_239 : vector<16xf32>
        %mul3A_3091 = arith.mulf %sub3A_3088, %sub3A_3088 : vector<16xf32>
        %mul3A_3092 = arith.mulf %sub3A_3089, %sub3A_3089 : vector<16xf32>
        %add3A_3093 = arith.addf %mul3A_3091, %mul3A_3092 : vector<16xf32>
        %mul3A_3094 = arith.mulf %sub3A_3090, %sub3A_3090 : vector<16xf32>
        %add3A_3095 = arith.addf %add3A_3093, %mul3A_3094 : vector<16xf32>
        %lt3A_3096 = arith.constant 3.600000e+01 : f32
        %lt3A_3097 = vector.broadcast %lt3A_3096 : f32 to vector<16xf32>
        %lt3A_3098 = arith.cmpf olt, %add3A_3095, %lt3A_3097 : vector<16xf32>
        %gt3A_3099 = arith.constant 9.99999996E-13 : f32
        %gt3A_3100 = vector.broadcast %gt3A_3099 : f32 to vector<16xf32>
        %gt3A_3101 = arith.cmpf ogt, %add3A_3095, %gt3A_3100 : vector<16xf32>
        %and3A_3102 = arith.andi %lt3A_3098, %gt3A_3101 : vector<16xi1>
        %jit3A_3103 = arith.constant 0.000000e+00 : f32
        %broadcast_in_dim3A_3104 = vector.broadcast %jit3A_3103 : f32 to vector<16xf32>
        %select_n3A_3105 = arith.select %and3A_3102, %add3A_3095, %broadcast_in_dim3A_3104 : vector<16xi1>, vector<16xf32>
        %add3A_3106 = arith.constant 0 : i32
        %add3A_3107 = arith.addi %mul3A_159, %add3A_3106 : i32
        %swap3A_3108 = arith.index_cast %select_n3A_109 : i32 to index
        %swap3A_3109 = arith.index_cast %add3A_3107 : i32 to index
        %swap3A_3110 = arith.constant 368 : index
        %swap3A_3111 = tpu.vector_load %arg7[%swap3A_3108, %swap3A_3109, %swap3A_3110] {strides = array<i32>} : memref<2x16x512xf32, #tpu.memory_space<vmem>>, vector<1x1x16xf32>,
        %swap3A_3112 = vector.shape_cast %swap3A_3111 : vector<1x1x16xf32> to vector<16xf32>
        %swap3A_3113 = vector.shape_cast %select_n3A_3105 : vector<16xf32> to vector<1x1x16xf32>
        tpu.vector_store %arg7[%swap3A_3108, %swap3A_3109, %swap3A_3110], %swap3A_3113 {strides = array<i32>} : memref<2x16x512xf32, #tpu.memory_space<vmem>>, vector<1x1x16xf32>,
        %sub3A_3114 = arith.subf %get3A_3075, %get3A_176 : vector<16xf32>
        %sub3A_3115 = arith.subf %get3A_3081, %get3A_212 : vector<16xf32>
        %sub3A_3116 = arith.subf %get3A_3087, %get3A_248 : vector<16xf32>
        %mul3A_3117 = arith.mulf %sub3A_3114, %sub3A_3114 : vector<16xf32>
        %mul3A_3118 = arith.mulf %sub3A_3115, %sub3A_3115 : vector<16xf32>
        %add3A_3119 = arith.addf %mul3A_3117, %mul3A_3118 : vector<16xf32>
        %mul3A_3120 = arith.mulf %sub3A_3116, %sub3A_3116 : vector<16xf32>
        %add3A_3121 = arith.addf %add3A_3119, %mul3A_3120 : vector<16xf32>
        %lt3A_3122 = arith.constant 3.600000e+01 : f32
        %lt3A_3123 = vector.broadcast %lt3A_3122 : f32 to vector<16xf32>
        %lt3A_3124 = arith.cmpf olt, %add3A_3121, %lt3A_3123 : vector<16xf32>
        %gt3A_3125 = arith.constant 9.99999996E-13 : f32
        %gt3A_3126 = vector.broadcast %gt3A_3125 : f32 to vector<16xf32>
        %gt3A_3127 = arith.cmpf ogt, %add3A_3121, %gt3A_3126 : vector<16xf32>
        %and3A_3128 = arith.andi %lt3A_3124, %gt3A_3127 : vector<16xi1>
        %jit3A_3129 = arith.constant 0.000000e+00 : f32
        %broadcast_in_dim3A_3130 = vector.broadcast %jit3A_3129 : f32 to vector<16xf32>
        %select_n3A_3131 = arith.select %and3A_3128, %add3A_3121, %broadcast_in_dim3A_3130 : vector<16xi1>, vector<16xf32>
        %add3A_3132 = arith.constant 1 : i32
        %add3A_3133 = arith.addi %mul3A_159, %add3A_3132 : i32
        %swap3A_3134 = arith.index_cast %select_n3A_109 : i32 to index
        %swap3A_3135 = arith.index_cast %add3A_3133 : i32 to index
        %swap3A_3136 = arith.constant 368 : index
        %swap3A_3137 = tpu.vector_load %arg7[%swap3A_3134, %swap3A_3135, %swap3A_3136] {strides = array<i32>} : memref<2x16x512xf32, #tpu.memory_space<vmem>>, vector<1x1x16xf32>,
        %swap3A_3138 = vector.shape_cast %swap3A_3137 : vector<1x1x16xf32> to vector<16xf32>
        %swap3A_3139 = vector.shape_cast %select_n3A_3131 : vector<16xf32> to vector<1x1x16xf32>
        tpu.vector_store %arg7[%swap3A_3134, %swap3A_3135, %swap3A_3136], %swap3A_3139 {strides = array<i32>} : memref<2x16x512xf32, #tpu.memory_space<vmem>>, vector<1x1x16xf32>,
        %sub3A_3140 = arith.subf %get3A_3075, %get3A_185 : vector<16xf32>
        %sub3A_3141 = arith.subf %get3A_3081, %get3A_221 : vector<16xf32>
        %sub3A_3142 = arith.subf %get3A_3087, %get3A_257 : vector<16xf32>
        %mul3A_3143 = arith.mulf %sub3A_3140, %sub3A_3140 : vector<16xf32>
        %mul3A_3144 = arith.mulf %sub3A_3141, %sub3A_3141 : vector<16xf32>
        %add3A_3145 = arith.addf %mul3A_3143, %mul3A_3144 : vector<16xf32>
        %mul3A_3146 = arith.mulf %sub3A_3142, %sub3A_3142 : vector<16xf32>
        %add3A_3147 = arith.addf %add3A_3145, %mul3A_3146 : vector<16xf32>
        %lt3A_3148 = arith.constant 3.600000e+01 : f32
        %lt3A_3149 = vector.broadcast %lt3A_3148 : f32 to vector<16xf32>
        %lt3A_3150 = arith.cmpf olt, %add3A_3147, %lt3A_3149 : vector<16xf32>
        %gt3A_3151 = arith.constant 9.99999996E-13 : f32
        %gt3A_3152 = vector.broadcast %gt3A_3151 : f32 to vector<16xf32>
        %gt3A_3153 = arith.cmpf ogt, %add3A_3147, %gt3A_3152 : vector<16xf32>
        %and3A_3154 = arith.andi %lt3A_3150, %gt3A_3153 : vector<16xi1>
        %jit3A_3155 = arith.constant 0.000000e+00 : f32
        %broadcast_in_dim3A_3156 = vector.broadcast %jit3A_3155 : f32 to vector<16xf32>
        %select_n3A_3157 = arith.select %and3A_3154, %add3A_3147, %broadcast_in_dim3A_3156 : vector<16xi1>, vector<16xf32>
        %add3A_3158 = arith.constant 2 : i32
        %add3A_3159 = arith.addi %mul3A_159, %add3A_3158 : i32
        %swap3A_3160 = arith.index_cast %select_n3A_109 : i32 to index
        %swap3A_3161 = arith.index_cast %add3A_3159 : i32 to index
        %swap3A_3162 = arith.constant 368 : index
        %swap3A_3163 = tpu.vector_load %arg7[%swap3A_3160, %swap3A_3161, %swap3A_3162] {strides = array<i32>} : memref<2x16x512xf32, #tpu.memory_space<vmem>>, vector<1x1x16xf32>,
        %swap3A_3164 = vector.shape_cast %swap3A_3163 : vector<1x1x16xf32> to vector<16xf32>
        %swap3A_3165 = vector.shape_cast %select_n3A_3157 : vector<16xf32> to vector<1x1x16xf32>
        tpu.vector_store %arg7[%swap3A_3160, %swap3A_3161, %swap3A_3162], %swap3A_3165 {strides = array<i32>} : memref<2x16x512xf32, #tpu.memory_space<vmem>>, vector<1x1x16xf32>,
        %sub3A_3166 = arith.subf %get3A_3075, %get3A_194 : vector<16xf32>
        %sub3A_3167 = arith.subf %get3A_3081, %get3A_230 : vector<16xf32>
        %sub3A_3168 = arith.subf %get3A_3087, %get3A_266 : vector<16xf32>
        %mul3A_3169 = arith.mulf %sub3A_3166, %sub3A_3166 : vector<16xf32>
        %mul3A_3170 = arith.mulf %sub3A_3167, %sub3A_3167 : vector<16xf32>
        %add3A_3171 = arith.addf %mul3A_3169, %mul3A_3170 : vector<16xf32>
        %mul3A_3172 = arith.mulf %sub3A_3168, %sub3A_3168 : vector<16xf32>
        %add3A_3173 = arith.addf %add3A_3171, %mul3A_3172 : vector<16xf32>
        %lt3A_3174 = arith.constant 3.600000e+01 : f32
        %lt3A_3175 = vector.broadcast %lt3A_3174 : f32 to vector<16xf32>
        %lt3A_3176 = arith.cmpf olt, %add3A_3173, %lt3A_3175 : vector<16xf32>
        %gt3A_3177 = arith.constant 9.99999996E-13 : f32
        %gt3A_3178 = vector.broadcast %gt3A_3177 : f32 to vector<16xf32>
        %gt3A_3179 = arith.cmpf ogt, %add3A_3173, %gt3A_3178 : vector<16xf32>
        %and3A_3180 = arith.andi %lt3A_3176, %gt3A_3179 : vector<16xi1>
        %jit3A_3181 = arith.constant 0.000000e+00 : f32
        %broadcast_in_dim3A_3182 = vector.broadcast %jit3A_3181 : f32 to vector<16xf32>
        %select_n3A_3183 = arith.select %and3A_3180, %add3A_3173, %broadcast_in_dim3A_3182 : vector<16xi1>, vector<16xf32>
        %add3A_3184 = arith.constant 3 : i32
        %add3A_3185 = arith.addi %mul3A_159, %add3A_3184 : i32
        %swap3A_3186 = arith.index_cast %select_n3A_109 : i32 to index
        %swap3A_3187 = arith.index_cast %add3A_3185 : i32 to index
        %swap3A_3188 = arith.constant 368 : index
        %swap3A_3189 = tpu.vector_load %arg7[%swap3A_3186, %swap3A_3187, %swap3A_3188] {strides = array<i32>} : memref<2x16x512xf32, #tpu.memory_space<vmem>>, vector<1x1x16xf32>,
        %swap3A_3190 = vector.shape_cast %swap3A_3189 : vector<1x1x16xf32> to vector<16xf32>
        %swap3A_3191 = vector.shape_cast %select_n3A_3183 : vector<16xf32> to vector<1x1x16xf32>
        tpu.vector_store %arg7[%swap3A_3186, %swap3A_3187, %swap3A_3188], %swap3A_3191 {strides = array<i32>} : memref<2x16x512xf32, #tpu.memory_space<vmem>>, vector<1x1x16xf32>,
        %get3A_3192 = arith.constant 0 : i32
        %get3A_3193 = arith.index_cast %select_n3A_109 : i32 to index
        %get3A_3194 = arith.index_cast %get3A_3192 : i32 to index
        %get3A_3195 = arith.constant 384 : index
        %get3A_3196 = tpu.vector_load %arg5[%get3A_3193, %get3A_3194, %get3A_3195] {strides = array<i32>} : memref<2x3x512xf32, #tpu.memory_space<vmem>>, vector<1x1x16xf32>,
        %get3A_3197 = vector.shape_cast %get3A_3196 : vector<1x1x16xf32> to vector<16xf32>
        %get3A_3198 = arith.constant 1 : i32
        %get3A_3199 = arith.index_cast %select_n3A_109 : i32 to index
        %get3A_3200 = arith.index_cast %get3A_3198 : i32 to index
        %get3A_3201 = arith.constant 384 : index
        %get3A_3202 = tpu.vector_load %arg5[%get3A_3199, %get3A_3200, %get3A_3201] {strides = array<i32>} : memref<2x3x512xf32, #tpu.memory_space<vmem>>, vector<1x1x16xf32>,
        %get3A_3203 = vector.shape_cast %get3A_3202 : vector<1x1x16xf32> to vector<16xf32>
        %get3A_3204 = arith.constant 2 : i32
        %get3A_3205 = arith.index_cast %select_n3A_109 : i32 to index
        %get3A_3206 = arith.index_cast %get3A_3204 : i32 to index
        %get3A_3207 = arith.constant 384 : index
        %get3A_3208 = tpu.vector_load %arg5[%get3A_3205, %get3A_3206, %get3A_3207] {strides = array<i32>} : memref<2x3x512xf32, #tpu.memory_space<vmem>>, vector<1x1x16xf32>,
        %get3A_3209 = vector.shape_cast %get3A_3208 : vector<1x1x16xf32> to vector<16xf32>
        %sub3A_3210 = arith.subf %get3A_3197, %get3A_167 : vector<16xf32>
        %sub3A_3211 = arith.subf %get3A_3203, %get3A_203 : vector<16xf32>
        %sub3A_3212 = arith.subf %get3A_3209, %get3A_239 : vector<16xf32>
        %mul3A_3213 = arith.mulf %sub3A_3210, %sub3A_3210 : vector<16xf32>
        %mul3A_3214 = arith.mulf %sub3A_3211, %sub3A_3211 : vector<16xf32>
        %add3A_3215 = arith.addf %mul3A_3213, %mul3A_3214 : vector<16xf32>
        %mul3A_3216 = arith.mulf %sub3A_3212, %sub3A_3212 : vector<16xf32>
        %add3A_3217 = arith.addf %add3A_3215, %mul3A_3216 : vector<16xf32>
        %lt3A_3218 = arith.constant 3.600000e+01 : f32
        %lt3A_3219 = vector.broadcast %lt3A_3218 : f32 to vector<16xf32>
        %lt3A_3220 = arith.cmpf olt, %add3A_3217, %lt3A_3219 : vector<16xf32>
        %gt3A_3221 = arith.constant 9.99999996E-13 : f32
        %gt3A_3222 = vector.broadcast %gt3A_3221 : f32 to vector<16xf32>
        %gt3A_3223 = arith.cmpf ogt, %add3A_3217, %gt3A_3222 : vector<16xf32>
        %and3A_3224 = arith.andi %lt3A_3220, %gt3A_3223 : vector<16xi1>
        %jit3A_3225 = arith.constant 0.000000e+00 : f32
        %broadcast_in_dim3A_3226 = vector.broadcast %jit3A_3225 : f32 to vector<16xf32>
        %select_n3A_3227 = arith.select %and3A_3224, %add3A_3217, %broadcast_in_dim3A_3226 : vector<16xi1>, vector<16xf32>
        %add3A_3228 = arith.constant 0 : i32
        %add3A_3229 = arith.addi %mul3A_159, %add3A_3228 : i32
        %swap3A_3230 = arith.index_cast %select_n3A_109 : i32 to index
        %swap3A_3231 = arith.index_cast %add3A_3229 : i32 to index
        %swap3A_3232 = arith.constant 384 : index
        %swap3A_3233 = tpu.vector_load %arg7[%swap3A_3230, %swap3A_3231, %swap3A_3232] {strides = array<i32>} : memref<2x16x512xf32, #tpu.memory_space<vmem>>, vector<1x1x16xf32>,
        %swap3A_3234 = vector.shape_cast %swap3A_3233 : vector<1x1x16xf32> to vector<16xf32>
        %swap3A_3235 = vector.shape_cast %select_n3A_3227 : vector<16xf32> to vector<1x1x16xf32>
        tpu.vector_store %arg7[%swap3A_3230, %swap3A_3231, %swap3A_3232], %swap3A_3235 {strides = array<i32>} : memref<2x16x512xf32, #tpu.memory_space<vmem>>, vector<1x1x16xf32>,
        %sub3A_3236 = arith.subf %get3A_3197, %get3A_176 : vector<16xf32>
        %sub3A_3237 = arith.subf %get3A_3203, %get3A_212 : vector<16xf32>
        %sub3A_3238 = arith.subf %get3A_3209, %get3A_248 : vector<16xf32>
        %mul3A_3239 = arith.mulf %sub3A_3236, %sub3A_3236 : vector<16xf32>
        %mul3A_3240 = arith.mulf %sub3A_3237, %sub3A_3237 : vector<16xf32>
        %add3A_3241 = arith.addf %mul3A_3239, %mul3A_3240 : vector<16xf32>
        %mul3A_3242 = arith.mulf %sub3A_3238, %sub3A_3238 : vector<16xf32>
        %add3A_3243 = arith.addf %add3A_3241, %mul3A_3242 : vector<16xf32>
        %lt3A_3244 = arith.constant 3.600000e+01 : f32
        %lt3A_3245 = vector.broadcast %lt3A_3244 : f32 to vector<16xf32>
        %lt3A_3246 = arith.cmpf olt, %add3A_3243, %lt3A_3245 : vector<16xf32>
        %gt3A_3247 = arith.constant 9.99999996E-13 : f32
        %gt3A_3248 = vector.broadcast %gt3A_3247 : f32 to vector<16xf32>
        %gt3A_3249 = arith.cmpf ogt, %add3A_3243, %gt3A_3248 : vector<16xf32>
        %and3A_3250 = arith.andi %lt3A_3246, %gt3A_3249 : vector<16xi1>
        %jit3A_3251 = arith.constant 0.000000e+00 : f32
        %broadcast_in_dim3A_3252 = vector.broadcast %jit3A_3251 : f32 to vector<16xf32>
        %select_n3A_3253 = arith.select %and3A_3250, %add3A_3243, %broadcast_in_dim3A_3252 : vector<16xi1>, vector<16xf32>
        %add3A_3254 = arith.constant 1 : i32
        %add3A_3255 = arith.addi %mul3A_159, %add3A_3254 : i32
        %swap3A_3256 = arith.index_cast %select_n3A_109 : i32 to index
        %swap3A_3257 = arith.index_cast %add3A_3255 : i32 to index
        %swap3A_3258 = arith.constant 384 : index
        %swap3A_3259 = tpu.vector_load %arg7[%swap3A_3256, %swap3A_3257, %swap3A_3258] {strides = array<i32>} : memref<2x16x512xf32, #tpu.memory_space<vmem>>, vector<1x1x16xf32>,
        %swap3A_3260 = vector.shape_cast %swap3A_3259 : vector<1x1x16xf32> to vector<16xf32>
        %swap3A_3261 = vector.shape_cast %select_n3A_3253 : vector<16xf32> to vector<1x1x16xf32>
        tpu.vector_store %arg7[%swap3A_3256, %swap3A_3257, %swap3A_3258], %swap3A_3261 {strides = array<i32>} : memref<2x16x512xf32, #tpu.memory_space<vmem>>, vector<1x1x16xf32>,
        %sub3A_3262 = arith.subf %get3A_3197, %get3A_185 : vector<16xf32>
        %sub3A_3263 = arith.subf %get3A_3203, %get3A_221 : vector<16xf32>
        %sub3A_3264 = arith.subf %get3A_3209, %get3A_257 : vector<16xf32>
        %mul3A_3265 = arith.mulf %sub3A_3262, %sub3A_3262 : vector<16xf32>
        %mul3A_3266 = arith.mulf %sub3A_3263, %sub3A_3263 : vector<16xf32>
        %add3A_3267 = arith.addf %mul3A_3265, %mul3A_3266 : vector<16xf32>
        %mul3A_3268 = arith.mulf %sub3A_3264, %sub3A_3264 : vector<16xf32>
        %add3A_3269 = arith.addf %add3A_3267, %mul3A_3268 : vector<16xf32>
        %lt3A_3270 = arith.constant 3.600000e+01 : f32
        %lt3A_3271 = vector.broadcast %lt3A_3270 : f32 to vector<16xf32>
        %lt3A_3272 = arith.cmpf olt, %add3A_3269, %lt3A_3271 : vector<16xf32>
        %gt3A_3273 = arith.constant 9.99999996E-13 : f32
        %gt3A_3274 = vector.broadcast %gt3A_3273 : f32 to vector<16xf32>
        %gt3A_3275 = arith.cmpf ogt, %add3A_3269, %gt3A_3274 : vector<16xf32>
        %and3A_3276 = arith.andi %lt3A_3272, %gt3A_3275 : vector<16xi1>
        %jit3A_3277 = arith.constant 0.000000e+00 : f32
        %broadcast_in_dim3A_3278 = vector.broadcast %jit3A_3277 : f32 to vector<16xf32>
        %select_n3A_3279 = arith.select %and3A_3276, %add3A_3269, %broadcast_in_dim3A_3278 : vector<16xi1>, vector<16xf32>
        %add3A_3280 = arith.constant 2 : i32
        %add3A_3281 = arith.addi %mul3A_159, %add3A_3280 : i32
        %swap3A_3282 = arith.index_cast %select_n3A_109 : i32 to index
        %swap3A_3283 = arith.index_cast %add3A_3281 : i32 to index
        %swap3A_3284 = arith.constant 384 : index
        %swap3A_3285 = tpu.vector_load %arg7[%swap3A_3282, %swap3A_3283, %swap3A_3284] {strides = array<i32>} : memref<2x16x512xf32, #tpu.memory_space<vmem>>, vector<1x1x16xf32>,
        %swap3A_3286 = vector.shape_cast %swap3A_3285 : vector<1x1x16xf32> to vector<16xf32>
        %swap3A_3287 = vector.shape_cast %select_n3A_3279 : vector<16xf32> to vector<1x1x16xf32>
        tpu.vector_store %arg7[%swap3A_3282, %swap3A_3283, %swap3A_3284], %swap3A_3287 {strides = array<i32>} : memref<2x16x512xf32, #tpu.memory_space<vmem>>, vector<1x1x16xf32>,
        %sub3A_3288 = arith.subf %get3A_3197, %get3A_194 : vector<16xf32>
        %sub3A_3289 = arith.subf %get3A_3203, %get3A_230 : vector<16xf32>
        %sub3A_3290 = arith.subf %get3A_3209, %get3A_266 : vector<16xf32>
        %mul3A_3291 = arith.mulf %sub3A_3288, %sub3A_3288 : vector<16xf32>
        %mul3A_3292 = arith.mulf %sub3A_3289, %sub3A_3289 : vector<16xf32>
        %add3A_3293 = arith.addf %mul3A_3291, %mul3A_3292 : vector<16xf32>
        %mul3A_3294 = arith.mulf %sub3A_3290, %sub3A_3290 : vector<16xf32>
        %add3A_3295 = arith.addf %add3A_3293, %mul3A_3294 : vector<16xf32>
        %lt3A_3296 = arith.constant 3.600000e+01 : f32
        %lt3A_3297 = vector.broadcast %lt3A_3296 : f32 to vector<16xf32>
        %lt3A_3298 = arith.cmpf olt, %add3A_3295, %lt3A_3297 : vector<16xf32>
        %gt3A_3299 = arith.constant 9.99999996E-13 : f32
        %gt3A_3300 = vector.broadcast %gt3A_3299 : f32 to vector<16xf32>
        %gt3A_3301 = arith.cmpf ogt, %add3A_3295, %gt3A_3300 : vector<16xf32>
        %and3A_3302 = arith.andi %lt3A_3298, %gt3A_3301 : vector<16xi1>
        %jit3A_3303 = arith.constant 0.000000e+00 : f32
        %broadcast_in_dim3A_3304 = vector.broadcast %jit3A_3303 : f32 to vector<16xf32>
        %select_n3A_3305 = arith.select %and3A_3302, %add3A_3295, %broadcast_in_dim3A_3304 : vector<16xi1>, vector<16xf32>
        %add3A_3306 = arith.constant 3 : i32
        %add3A_3307 = arith.addi %mul3A_159, %add3A_3306 : i32
        %swap3A_3308 = arith.index_cast %select_n3A_109 : i32 to index
        %swap3A_3309 = arith.index_cast %add3A_3307 : i32 to index
        %swap3A_3310 = arith.constant 384 : index
        %swap3A_3311 = tpu.vector_load %arg7[%swap3A_3308, %swap3A_3309, %swap3A_3310] {strides = array<i32>} : memref<2x16x512xf32, #tpu.memory_space<vmem>>, vector<1x1x16xf32>,
        %swap3A_3312 = vector.shape_cast %swap3A_3311 : vector<1x1x16xf32> to vector<16xf32>
        %swap3A_3313 = vector.shape_cast %select_n3A_3305 : vector<16xf32> to vector<1x1x16xf32>
        tpu.vector_store %arg7[%swap3A_3308, %swap3A_3309, %swap3A_3310], %swap3A_3313 {strides = array<i32>} : memref<2x16x512xf32, #tpu.memory_space<vmem>>, vector<1x1x16xf32>,
        %get3A_3314 = arith.constant 0 : i32
        %get3A_3315 = arith.index_cast %select_n3A_109 : i32 to index
        %get3A_3316 = arith.index_cast %get3A_3314 : i32 to index
        %get3A_3317 = arith.constant 400 : index
        %get3A_3318 = tpu.vector_load %arg5[%get3A_3315, %get3A_3316, %get3A_3317] {strides = array<i32>} : memref<2x3x512xf32, #tpu.memory_space<vmem>>, vector<1x1x16xf32>,
        %get3A_3319 = vector.shape_cast %get3A_3318 : vector<1x1x16xf32> to vector<16xf32>
        %get3A_3320 = arith.constant 1 : i32
        %get3A_3321 = arith.index_cast %select_n3A_109 : i32 to index
        %get3A_3322 = arith.index_cast %get3A_3320 : i32 to index
        %get3A_3323 = arith.constant 400 : index
        %get3A_3324 = tpu.vector_load %arg5[%get3A_3321, %get3A_3322, %get3A_3323] {strides = array<i32>} : memref<2x3x512xf32, #tpu.memory_space<vmem>>, vector<1x1x16xf32>,
        %get3A_3325 = vector.shape_cast %get3A_3324 : vector<1x1x16xf32> to vector<16xf32>
        %get3A_3326 = arith.constant 2 : i32
        %get3A_3327 = arith.index_cast %select_n3A_109 : i32 to index
        %get3A_3328 = arith.index_cast %get3A_3326 : i32 to index
        %get3A_3329 = arith.constant 400 : index
        %get3A_3330 = tpu.vector_load %arg5[%get3A_3327, %get3A_3328, %get3A_3329] {strides = array<i32>} : memref<2x3x512xf32, #tpu.memory_space<vmem>>, vector<1x1x16xf32>,
        %get3A_3331 = vector.shape_cast %get3A_3330 : vector<1x1x16xf32> to vector<16xf32>
        %sub3A_3332 = arith.subf %get3A_3319, %get3A_167 : vector<16xf32>
        %sub3A_3333 = arith.subf %get3A_3325, %get3A_203 : vector<16xf32>
        %sub3A_3334 = arith.subf %get3A_3331, %get3A_239 : vector<16xf32>
        %mul3A_3335 = arith.mulf %sub3A_3332, %sub3A_3332 : vector<16xf32>
        %mul3A_3336 = arith.mulf %sub3A_3333, %sub3A_3333 : vector<16xf32>
        %add3A_3337 = arith.addf %mul3A_3335, %mul3A_3336 : vector<16xf32>
        %mul3A_3338 = arith.mulf %sub3A_3334, %sub3A_3334 : vector<16xf32>
        %add3A_3339 = arith.addf %add3A_3337, %mul3A_3338 : vector<16xf32>
        %lt3A_3340 = arith.constant 3.600000e+01 : f32
        %lt3A_3341 = vector.broadcast %lt3A_3340 : f32 to vector<16xf32>
        %lt3A_3342 = arith.cmpf olt, %add3A_3339, %lt3A_3341 : vector<16xf32>
        %gt3A_3343 = arith.constant 9.99999996E-13 : f32
        %gt3A_3344 = vector.broadcast %gt3A_3343 : f32 to vector<16xf32>
        %gt3A_3345 = arith.cmpf ogt, %add3A_3339, %gt3A_3344 : vector<16xf32>
        %and3A_3346 = arith.andi %lt3A_3342, %gt3A_3345 : vector<16xi1>
        %jit3A_3347 = arith.constant 0.000000e+00 : f32
        %broadcast_in_dim3A_3348 = vector.broadcast %jit3A_3347 : f32 to vector<16xf32>
        %select_n3A_3349 = arith.select %and3A_3346, %add3A_3339, %broadcast_in_dim3A_3348 : vector<16xi1>, vector<16xf32>
        %add3A_3350 = arith.constant 0 : i32
        %add3A_3351 = arith.addi %mul3A_159, %add3A_3350 : i32
        %swap3A_3352 = arith.index_cast %select_n3A_109 : i32 to index
        %swap3A_3353 = arith.index_cast %add3A_3351 : i32 to index
        %swap3A_3354 = arith.constant 400 : index
        %swap3A_3355 = tpu.vector_load %arg7[%swap3A_3352, %swap3A_3353, %swap3A_3354] {strides = array<i32>} : memref<2x16x512xf32, #tpu.memory_space<vmem>>, vector<1x1x16xf32>,
        %swap3A_3356 = vector.shape_cast %swap3A_3355 : vector<1x1x16xf32> to vector<16xf32>
        %swap3A_3357 = vector.shape_cast %select_n3A_3349 : vector<16xf32> to vector<1x1x16xf32>
        tpu.vector_store %arg7[%swap3A_3352, %swap3A_3353, %swap3A_3354], %swap3A_3357 {strides = array<i32>} : memref<2x16x512xf32, #tpu.memory_space<vmem>>, vector<1x1x16xf32>,
        %sub3A_3358 = arith.subf %get3A_3319, %get3A_176 : vector<16xf32>
        %sub3A_3359 = arith.subf %get3A_3325, %get3A_212 : vector<16xf32>
        %sub3A_3360 = arith.subf %get3A_3331, %get3A_248 : vector<16xf32>
        %mul3A_3361 = arith.mulf %sub3A_3358, %sub3A_3358 : vector<16xf32>
        %mul3A_3362 = arith.mulf %sub3A_3359, %sub3A_3359 : vector<16xf32>
        %add3A_3363 = arith.addf %mul3A_3361, %mul3A_3362 : vector<16xf32>
        %mul3A_3364 = arith.mulf %sub3A_3360, %sub3A_3360 : vector<16xf32>
        %add3A_3365 = arith.addf %add3A_3363, %mul3A_3364 : vector<16xf32>
        %lt3A_3366 = arith.constant 3.600000e+01 : f32
        %lt3A_3367 = vector.broadcast %lt3A_3366 : f32 to vector<16xf32>
        %lt3A_3368 = arith.cmpf olt, %add3A_3365, %lt3A_3367 : vector<16xf32>
        %gt3A_3369 = arith.constant 9.99999996E-13 : f32
        %gt3A_3370 = vector.broadcast %gt3A_3369 : f32 to vector<16xf32>
        %gt3A_3371 = arith.cmpf ogt, %add3A_3365, %gt3A_3370 : vector<16xf32>
        %and3A_3372 = arith.andi %lt3A_3368, %gt3A_3371 : vector<16xi1>
        %jit3A_3373 = arith.constant 0.000000e+00 : f32
        %broadcast_in_dim3A_3374 = vector.broadcast %jit3A_3373 : f32 to vector<16xf32>
        %select_n3A_3375 = arith.select %and3A_3372, %add3A_3365, %broadcast_in_dim3A_3374 : vector<16xi1>, vector<16xf32>
        %add3A_3376 = arith.constant 1 : i32
        %add3A_3377 = arith.addi %mul3A_159, %add3A_3376 : i32
        %swap3A_3378 = arith.index_cast %select_n3A_109 : i32 to index
        %swap3A_3379 = arith.index_cast %add3A_3377 : i32 to index
        %swap3A_3380 = arith.constant 400 : index
        %swap3A_3381 = tpu.vector_load %arg7[%swap3A_3378, %swap3A_3379, %swap3A_3380] {strides = array<i32>} : memref<2x16x512xf32, #tpu.memory_space<vmem>>, vector<1x1x16xf32>,
        %swap3A_3382 = vector.shape_cast %swap3A_3381 : vector<1x1x16xf32> to vector<16xf32>
        %swap3A_3383 = vector.shape_cast %select_n3A_3375 : vector<16xf32> to vector<1x1x16xf32>
        tpu.vector_store %arg7[%swap3A_3378, %swap3A_3379, %swap3A_3380], %swap3A_3383 {strides = array<i32>} : memref<2x16x512xf32, #tpu.memory_space<vmem>>, vector<1x1x16xf32>,
        %sub3A_3384 = arith.subf %get3A_3319, %get3A_185 : vector<16xf32>
        %sub3A_3385 = arith.subf %get3A_3325, %get3A_221 : vector<16xf32>
        %sub3A_3386 = arith.subf %get3A_3331, %get3A_257 : vector<16xf32>
        %mul3A_3387 = arith.mulf %sub3A_3384, %sub3A_3384 : vector<16xf32>
        %mul3A_3388 = arith.mulf %sub3A_3385, %sub3A_3385 : vector<16xf32>
        %add3A_3389 = arith.addf %mul3A_3387, %mul3A_3388 : vector<16xf32>
        %mul3A_3390 = arith.mulf %sub3A_3386, %sub3A_3386 : vector<16xf32>
        %add3A_3391 = arith.addf %add3A_3389, %mul3A_3390 : vector<16xf32>
        %lt3A_3392 = arith.constant 3.600000e+01 : f32
        %lt3A_3393 = vector.broadcast %lt3A_3392 : f32 to vector<16xf32>
        %lt3A_3394 = arith.cmpf olt, %add3A_3391, %lt3A_3393 : vector<16xf32>
        %gt3A_3395 = arith.constant 9.99999996E-13 : f32
        %gt3A_3396 = vector.broadcast %gt3A_3395 : f32 to vector<16xf32>
        %gt3A_3397 = arith.cmpf ogt, %add3A_3391, %gt3A_3396 : vector<16xf32>
        %and3A_3398 = arith.andi %lt3A_3394, %gt3A_3397 : vector<16xi1>
        %jit3A_3399 = arith.constant 0.000000e+00 : f32
        %broadcast_in_dim3A_3400 = vector.broadcast %jit3A_3399 : f32 to vector<16xf32>
        %select_n3A_3401 = arith.select %and3A_3398, %add3A_3391, %broadcast_in_dim3A_3400 : vector<16xi1>, vector<16xf32>
        %add3A_3402 = arith.constant 2 : i32
        %add3A_3403 = arith.addi %mul3A_159, %add3A_3402 : i32
        %swap3A_3404 = arith.index_cast %select_n3A_109 : i32 to index
        %swap3A_3405 = arith.index_cast %add3A_3403 : i32 to index
        %swap3A_3406 = arith.constant 400 : index
        %swap3A_3407 = tpu.vector_load %arg7[%swap3A_3404, %swap3A_3405, %swap3A_3406] {strides = array<i32>} : memref<2x16x512xf32, #tpu.memory_space<vmem>>, vector<1x1x16xf32>,
        %swap3A_3408 = vector.shape_cast %swap3A_3407 : vector<1x1x16xf32> to vector<16xf32>
        %swap3A_3409 = vector.shape_cast %select_n3A_3401 : vector<16xf32> to vector<1x1x16xf32>
        tpu.vector_store %arg7[%swap3A_3404, %swap3A_3405, %swap3A_3406], %swap3A_3409 {strides = array<i32>} : memref<2x16x512xf32, #tpu.memory_space<vmem>>, vector<1x1x16xf32>,
        %sub3A_3410 = arith.subf %get3A_3319, %get3A_194 : vector<16xf32>
        %sub3A_3411 = arith.subf %get3A_3325, %get3A_230 : vector<16xf32>
        %sub3A_3412 = arith.subf %get3A_3331, %get3A_266 : vector<16xf32>
        %mul3A_3413 = arith.mulf %sub3A_3410, %sub3A_3410 : vector<16xf32>
        %mul3A_3414 = arith.mulf %sub3A_3411, %sub3A_3411 : vector<16xf32>
        %add3A_3415 = arith.addf %mul3A_3413, %mul3A_3414 : vector<16xf32>
        %mul3A_3416 = arith.mulf %sub3A_3412, %sub3A_3412 : vector<16xf32>
        %add3A_3417 = arith.addf %add3A_3415, %mul3A_3416 : vector<16xf32>
        %lt3A_3418 = arith.constant 3.600000e+01 : f32
        %lt3A_3419 = vector.broadcast %lt3A_3418 : f32 to vector<16xf32>
        %lt3A_3420 = arith.cmpf olt, %add3A_3417, %lt3A_3419 : vector<16xf32>
        %gt3A_3421 = arith.constant 9.99999996E-13 : f32
        %gt3A_3422 = vector.broadcast %gt3A_3421 : f32 to vector<16xf32>
        %gt3A_3423 = arith.cmpf ogt, %add3A_3417, %gt3A_3422 : vector<16xf32>
        %and3A_3424 = arith.andi %lt3A_3420, %gt3A_3423 : vector<16xi1>
        %jit3A_3425 = arith.constant 0.000000e+00 : f32
        %broadcast_in_dim3A_3426 = vector.broadcast %jit3A_3425 : f32 to vector<16xf32>
        %select_n3A_3427 = arith.select %and3A_3424, %add3A_3417, %broadcast_in_dim3A_3426 : vector<16xi1>, vector<16xf32>
        %add3A_3428 = arith.constant 3 : i32
        %add3A_3429 = arith.addi %mul3A_159, %add3A_3428 : i32
        %swap3A_3430 = arith.index_cast %select_n3A_109 : i32 to index
        %swap3A_3431 = arith.index_cast %add3A_3429 : i32 to index
        %swap3A_3432 = arith.constant 400 : index
        %swap3A_3433 = tpu.vector_load %arg7[%swap3A_3430, %swap3A_3431, %swap3A_3432] {strides = array<i32>} : memref<2x16x512xf32, #tpu.memory_space<vmem>>, vector<1x1x16xf32>,
        %swap3A_3434 = vector.shape_cast %swap3A_3433 : vector<1x1x16xf32> to vector<16xf32>
        %swap3A_3435 = vector.shape_cast %select_n3A_3427 : vector<16xf32> to vector<1x1x16xf32>
        tpu.vector_store %arg7[%swap3A_3430, %swap3A_3431, %swap3A_3432], %swap3A_3435 {strides = array<i32>} : memref<2x16x512xf32, #tpu.memory_space<vmem>>, vector<1x1x16xf32>,
        %get3A_3436 = arith.constant 0 : i32
        %get3A_3437 = arith.index_cast %select_n3A_109 : i32 to index
        %get3A_3438 = arith.index_cast %get3A_3436 : i32 to index
        %get3A_3439 = arith.constant 416 : index
        %get3A_3440 = tpu.vector_load %arg5[%get3A_3437, %get3A_3438, %get3A_3439] {strides = array<i32>} : memref<2x3x512xf32, #tpu.memory_space<vmem>>, vector<1x1x16xf32>,
        %get3A_3441 = vector.shape_cast %get3A_3440 : vector<1x1x16xf32> to vector<16xf32>
        %get3A_3442 = arith.constant 1 : i32
        %get3A_3443 = arith.index_cast %select_n3A_109 : i32 to index
        %get3A_3444 = arith.index_cast %get3A_3442 : i32 to index
        %get3A_3445 = arith.constant 416 : index
        %get3A_3446 = tpu.vector_load %arg5[%get3A_3443, %get3A_3444, %get3A_3445] {strides = array<i32>} : memref<2x3x512xf32, #tpu.memory_space<vmem>>, vector<1x1x16xf32>,
        %get3A_3447 = vector.shape_cast %get3A_3446 : vector<1x1x16xf32> to vector<16xf32>
        %get3A_3448 = arith.constant 2 : i32
        %get3A_3449 = arith.index_cast %select_n3A_109 : i32 to index
        %get3A_3450 = arith.index_cast %get3A_3448 : i32 to index
        %get3A_3451 = arith.constant 416 : index
        %get3A_3452 = tpu.vector_load %arg5[%get3A_3449, %get3A_3450, %get3A_3451] {strides = array<i32>} : memref<2x3x512xf32, #tpu.memory_space<vmem>>, vector<1x1x16xf32>,
        %get3A_3453 = vector.shape_cast %get3A_3452 : vector<1x1x16xf32> to vector<16xf32>
        %sub3A_3454 = arith.subf %get3A_3441, %get3A_167 : vector<16xf32>
        %sub3A_3455 = arith.subf %get3A_3447, %get3A_203 : vector<16xf32>
        %sub3A_3456 = arith.subf %get3A_3453, %get3A_239 : vector<16xf32>
        %mul3A_3457 = arith.mulf %sub3A_3454, %sub3A_3454 : vector<16xf32>
        %mul3A_3458 = arith.mulf %sub3A_3455, %sub3A_3455 : vector<16xf32>
        %add3A_3459 = arith.addf %mul3A_3457, %mul3A_3458 : vector<16xf32>
        %mul3A_3460 = arith.mulf %sub3A_3456, %sub3A_3456 : vector<16xf32>
        %add3A_3461 = arith.addf %add3A_3459, %mul3A_3460 : vector<16xf32>
        %lt3A_3462 = arith.constant 3.600000e+01 : f32
        %lt3A_3463 = vector.broadcast %lt3A_3462 : f32 to vector<16xf32>
        %lt3A_3464 = arith.cmpf olt, %add3A_3461, %lt3A_3463 : vector<16xf32>
        %gt3A_3465 = arith.constant 9.99999996E-13 : f32
        %gt3A_3466 = vector.broadcast %gt3A_3465 : f32 to vector<16xf32>
        %gt3A_3467 = arith.cmpf ogt, %add3A_3461, %gt3A_3466 : vector<16xf32>
        %and3A_3468 = arith.andi %lt3A_3464, %gt3A_3467 : vector<16xi1>
        %jit3A_3469 = arith.constant 0.000000e+00 : f32
        %broadcast_in_dim3A_3470 = vector.broadcast %jit3A_3469 : f32 to vector<16xf32>
        %select_n3A_3471 = arith.select %and3A_3468, %add3A_3461, %broadcast_in_dim3A_3470 : vector<16xi1>, vector<16xf32>
        %add3A_3472 = arith.constant 0 : i32
        %add3A_3473 = arith.addi %mul3A_159, %add3A_3472 : i32
        %swap3A_3474 = arith.index_cast %select_n3A_109 : i32 to index
        %swap3A_3475 = arith.index_cast %add3A_3473 : i32 to index
        %swap3A_3476 = arith.constant 416 : index
        %swap3A_3477 = tpu.vector_load %arg7[%swap3A_3474, %swap3A_3475, %swap3A_3476] {strides = array<i32>} : memref<2x16x512xf32, #tpu.memory_space<vmem>>, vector<1x1x16xf32>,
        %swap3A_3478 = vector.shape_cast %swap3A_3477 : vector<1x1x16xf32> to vector<16xf32>
        %swap3A_3479 = vector.shape_cast %select_n3A_3471 : vector<16xf32> to vector<1x1x16xf32>
        tpu.vector_store %arg7[%swap3A_3474, %swap3A_3475, %swap3A_3476], %swap3A_3479 {strides = array<i32>} : memref<2x16x512xf32, #tpu.memory_space<vmem>>, vector<1x1x16xf32>,
        %sub3A_3480 = arith.subf %get3A_3441, %get3A_176 : vector<16xf32>
        %sub3A_3481 = arith.subf %get3A_3447, %get3A_212 : vector<16xf32>
        %sub3A_3482 = arith.subf %get3A_3453, %get3A_248 : vector<16xf32>
        %mul3A_3483 = arith.mulf %sub3A_3480, %sub3A_3480 : vector<16xf32>
        %mul3A_3484 = arith.mulf %sub3A_3481, %sub3A_3481 : vector<16xf32>
        %add3A_3485 = arith.addf %mul3A_3483, %mul3A_3484 : vector<16xf32>
        %mul3A_3486 = arith.mulf %sub3A_3482, %sub3A_3482 : vector<16xf32>
        %add3A_3487 = arith.addf %add3A_3485, %mul3A_3486 : vector<16xf32>
        %lt3A_3488 = arith.constant 3.600000e+01 : f32
        %lt3A_3489 = vector.broadcast %lt3A_3488 : f32 to vector<16xf32>
        %lt3A_3490 = arith.cmpf olt, %add3A_3487, %lt3A_3489 : vector<16xf32>
        %gt3A_3491 = arith.constant 9.99999996E-13 : f32
        %gt3A_3492 = vector.broadcast %gt3A_3491 : f32 to vector<16xf32>
        %gt3A_3493 = arith.cmpf ogt, %add3A_3487, %gt3A_3492 : vector<16xf32>
        %and3A_3494 = arith.andi %lt3A_3490, %gt3A_3493 : vector<16xi1>
        %jit3A_3495 = arith.constant 0.000000e+00 : f32
        %broadcast_in_dim3A_3496 = vector.broadcast %jit3A_3495 : f32 to vector<16xf32>
        %select_n3A_3497 = arith.select %and3A_3494, %add3A_3487, %broadcast_in_dim3A_3496 : vector<16xi1>, vector<16xf32>
        %add3A_3498 = arith.constant 1 : i32
        %add3A_3499 = arith.addi %mul3A_159, %add3A_3498 : i32
        %swap3A_3500 = arith.index_cast %select_n3A_109 : i32 to index
        %swap3A_3501 = arith.index_cast %add3A_3499 : i32 to index
        %swap3A_3502 = arith.constant 416 : index
        %swap3A_3503 = tpu.vector_load %arg7[%swap3A_3500, %swap3A_3501, %swap3A_3502] {strides = array<i32>} : memref<2x16x512xf32, #tpu.memory_space<vmem>>, vector<1x1x16xf32>,
        %swap3A_3504 = vector.shape_cast %swap3A_3503 : vector<1x1x16xf32> to vector<16xf32>
        %swap3A_3505 = vector.shape_cast %select_n3A_3497 : vector<16xf32> to vector<1x1x16xf32>
        tpu.vector_store %arg7[%swap3A_3500, %swap3A_3501, %swap3A_3502], %swap3A_3505 {strides = array<i32>} : memref<2x16x512xf32, #tpu.memory_space<vmem>>, vector<1x1x16xf32>,
        %sub3A_3506 = arith.subf %get3A_3441, %get3A_185 : vector<16xf32>
        %sub3A_3507 = arith.subf %get3A_3447, %get3A_221 : vector<16xf32>
        %sub3A_3508 = arith.subf %get3A_3453, %get3A_257 : vector<16xf32>
        %mul3A_3509 = arith.mulf %sub3A_3506, %sub3A_3506 : vector<16xf32>
        %mul3A_3510 = arith.mulf %sub3A_3507, %sub3A_3507 : vector<16xf32>
        %add3A_3511 = arith.addf %mul3A_3509, %mul3A_3510 : vector<16xf32>
        %mul3A_3512 = arith.mulf %sub3A_3508, %sub3A_3508 : vector<16xf32>
        %add3A_3513 = arith.addf %add3A_3511, %mul3A_3512 : vector<16xf32>
        %lt3A_3514 = arith.constant 3.600000e+01 : f32
        %lt3A_3515 = vector.broadcast %lt3A_3514 : f32 to vector<16xf32>
        %lt3A_3516 = arith.cmpf olt, %add3A_3513, %lt3A_3515 : vector<16xf32>
        %gt3A_3517 = arith.constant 9.99999996E-13 : f32
        %gt3A_3518 = vector.broadcast %gt3A_3517 : f32 to vector<16xf32>
        %gt3A_3519 = arith.cmpf ogt, %add3A_3513, %gt3A_3518 : vector<16xf32>
        %and3A_3520 = arith.andi %lt3A_3516, %gt3A_3519 : vector<16xi1>
        %jit3A_3521 = arith.constant 0.000000e+00 : f32
        %broadcast_in_dim3A_3522 = vector.broadcast %jit3A_3521 : f32 to vector<16xf32>
        %select_n3A_3523 = arith.select %and3A_3520, %add3A_3513, %broadcast_in_dim3A_3522 : vector<16xi1>, vector<16xf32>
        %add3A_3524 = arith.constant 2 : i32
        %add3A_3525 = arith.addi %mul3A_159, %add3A_3524 : i32
        %swap3A_3526 = arith.index_cast %select_n3A_109 : i32 to index
        %swap3A_3527 = arith.index_cast %add3A_3525 : i32 to index
        %swap3A_3528 = arith.constant 416 : index
        %swap3A_3529 = tpu.vector_load %arg7[%swap3A_3526, %swap3A_3527, %swap3A_3528] {strides = array<i32>} : memref<2x16x512xf32, #tpu.memory_space<vmem>>, vector<1x1x16xf32>,
        %swap3A_3530 = vector.shape_cast %swap3A_3529 : vector<1x1x16xf32> to vector<16xf32>
        %swap3A_3531 = vector.shape_cast %select_n3A_3523 : vector<16xf32> to vector<1x1x16xf32>
        tpu.vector_store %arg7[%swap3A_3526, %swap3A_3527, %swap3A_3528], %swap3A_3531 {strides = array<i32>} : memref<2x16x512xf32, #tpu.memory_space<vmem>>, vector<1x1x16xf32>,
        %sub3A_3532 = arith.subf %get3A_3441, %get3A_194 : vector<16xf32>
        %sub3A_3533 = arith.subf %get3A_3447, %get3A_230 : vector<16xf32>
        %sub3A_3534 = arith.subf %get3A_3453, %get3A_266 : vector<16xf32>
        %mul3A_3535 = arith.mulf %sub3A_3532, %sub3A_3532 : vector<16xf32>
        %mul3A_3536 = arith.mulf %sub3A_3533, %sub3A_3533 : vector<16xf32>
        %add3A_3537 = arith.addf %mul3A_3535, %mul3A_3536 : vector<16xf32>
        %mul3A_3538 = arith.mulf %sub3A_3534, %sub3A_3534 : vector<16xf32>
        %add3A_3539 = arith.addf %add3A_3537, %mul3A_3538 : vector<16xf32>
        %lt3A_3540 = arith.constant 3.600000e+01 : f32
        %lt3A_3541 = vector.broadcast %lt3A_3540 : f32 to vector<16xf32>
        %lt3A_3542 = arith.cmpf olt, %add3A_3539, %lt3A_3541 : vector<16xf32>
        %gt3A_3543 = arith.constant 9.99999996E-13 : f32
        %gt3A_3544 = vector.broadcast %gt3A_3543 : f32 to vector<16xf32>
        %gt3A_3545 = arith.cmpf ogt, %add3A_3539, %gt3A_3544 : vector<16xf32>
        %and3A_3546 = arith.andi %lt3A_3542, %gt3A_3545 : vector<16xi1>
        %jit3A_3547 = arith.constant 0.000000e+00 : f32
        %broadcast_in_dim3A_3548 = vector.broadcast %jit3A_3547 : f32 to vector<16xf32>
        %select_n3A_3549 = arith.select %and3A_3546, %add3A_3539, %broadcast_in_dim3A_3548 : vector<16xi1>, vector<16xf32>
        %add3A_3550 = arith.constant 3 : i32
        %add3A_3551 = arith.addi %mul3A_159, %add3A_3550 : i32
        %swap3A_3552 = arith.index_cast %select_n3A_109 : i32 to index
        %swap3A_3553 = arith.index_cast %add3A_3551 : i32 to index
        %swap3A_3554 = arith.constant 416 : index
        %swap3A_3555 = tpu.vector_load %arg7[%swap3A_3552, %swap3A_3553, %swap3A_3554] {strides = array<i32>} : memref<2x16x512xf32, #tpu.memory_space<vmem>>, vector<1x1x16xf32>,
        %swap3A_3556 = vector.shape_cast %swap3A_3555 : vector<1x1x16xf32> to vector<16xf32>
        %swap3A_3557 = vector.shape_cast %select_n3A_3549 : vector<16xf32> to vector<1x1x16xf32>
        tpu.vector_store %arg7[%swap3A_3552, %swap3A_3553, %swap3A_3554], %swap3A_3557 {strides = array<i32>} : memref<2x16x512xf32, #tpu.memory_space<vmem>>, vector<1x1x16xf32>,
        %get3A_3558 = arith.constant 0 : i32
        %get3A_3559 = arith.index_cast %select_n3A_109 : i32 to index
        %get3A_3560 = arith.index_cast %get3A_3558 : i32 to index
        %get3A_3561 = arith.constant 432 : index
        %get3A_3562 = tpu.vector_load %arg5[%get3A_3559, %get3A_3560, %get3A_3561] {strides = array<i32>} : memref<2x3x512xf32, #tpu.memory_space<vmem>>, vector<1x1x16xf32>,
        %get3A_3563 = vector.shape_cast %get3A_3562 : vector<1x1x16xf32> to vector<16xf32>
        %get3A_3564 = arith.constant 1 : i32
        %get3A_3565 = arith.index_cast %select_n3A_109 : i32 to index
        %get3A_3566 = arith.index_cast %get3A_3564 : i32 to index
        %get3A_3567 = arith.constant 432 : index
        %get3A_3568 = tpu.vector_load %arg5[%get3A_3565, %get3A_3566, %get3A_3567] {strides = array<i32>} : memref<2x3x512xf32, #tpu.memory_space<vmem>>, vector<1x1x16xf32>,
        %get3A_3569 = vector.shape_cast %get3A_3568 : vector<1x1x16xf32> to vector<16xf32>
        %get3A_3570 = arith.constant 2 : i32
        %get3A_3571 = arith.index_cast %select_n3A_109 : i32 to index
        %get3A_3572 = arith.index_cast %get3A_3570 : i32 to index
        %get3A_3573 = arith.constant 432 : index
        %get3A_3574 = tpu.vector_load %arg5[%get3A_3571, %get3A_3572, %get3A_3573] {strides = array<i32>} : memref<2x3x512xf32, #tpu.memory_space<vmem>>, vector<1x1x16xf32>,
        %get3A_3575 = vector.shape_cast %get3A_3574 : vector<1x1x16xf32> to vector<16xf32>
        %sub3A_3576 = arith.subf %get3A_3563, %get3A_167 : vector<16xf32>
        %sub3A_3577 = arith.subf %get3A_3569, %get3A_203 : vector<16xf32>
        %sub3A_3578 = arith.subf %get3A_3575, %get3A_239 : vector<16xf32>
        %mul3A_3579 = arith.mulf %sub3A_3576, %sub3A_3576 : vector<16xf32>
        %mul3A_3580 = arith.mulf %sub3A_3577, %sub3A_3577 : vector<16xf32>
        %add3A_3581 = arith.addf %mul3A_3579, %mul3A_3580 : vector<16xf32>
        %mul3A_3582 = arith.mulf %sub3A_3578, %sub3A_3578 : vector<16xf32>
        %add3A_3583 = arith.addf %add3A_3581, %mul3A_3582 : vector<16xf32>
        %lt3A_3584 = arith.constant 3.600000e+01 : f32
        %lt3A_3585 = vector.broadcast %lt3A_3584 : f32 to vector<16xf32>
        %lt3A_3586 = arith.cmpf olt, %add3A_3583, %lt3A_3585 : vector<16xf32>
        %gt3A_3587 = arith.constant 9.99999996E-13 : f32
        %gt3A_3588 = vector.broadcast %gt3A_3587 : f32 to vector<16xf32>
        %gt3A_3589 = arith.cmpf ogt, %add3A_3583, %gt3A_3588 : vector<16xf32>
        %and3A_3590 = arith.andi %lt3A_3586, %gt3A_3589 : vector<16xi1>
        %jit3A_3591 = arith.constant 0.000000e+00 : f32
        %broadcast_in_dim3A_3592 = vector.broadcast %jit3A_3591 : f32 to vector<16xf32>
        %select_n3A_3593 = arith.select %and3A_3590, %add3A_3583, %broadcast_in_dim3A_3592 : vector<16xi1>, vector<16xf32>
        %add3A_3594 = arith.constant 0 : i32
        %add3A_3595 = arith.addi %mul3A_159, %add3A_3594 : i32
        %swap3A_3596 = arith.index_cast %select_n3A_109 : i32 to index
        %swap3A_3597 = arith.index_cast %add3A_3595 : i32 to index
        %swap3A_3598 = arith.constant 432 : index
        %swap3A_3599 = tpu.vector_load %arg7[%swap3A_3596, %swap3A_3597, %swap3A_3598] {strides = array<i32>} : memref<2x16x512xf32, #tpu.memory_space<vmem>>, vector<1x1x16xf32>,
        %swap3A_3600 = vector.shape_cast %swap3A_3599 : vector<1x1x16xf32> to vector<16xf32>
        %swap3A_3601 = vector.shape_cast %select_n3A_3593 : vector<16xf32> to vector<1x1x16xf32>
        tpu.vector_store %arg7[%swap3A_3596, %swap3A_3597, %swap3A_3598], %swap3A_3601 {strides = array<i32>} : memref<2x16x512xf32, #tpu.memory_space<vmem>>, vector<1x1x16xf32>,
        %sub3A_3602 = arith.subf %get3A_3563, %get3A_176 : vector<16xf32>
        %sub3A_3603 = arith.subf %get3A_3569, %get3A_212 : vector<16xf32>
        %sub3A_3604 = arith.subf %get3A_3575, %get3A_248 : vector<16xf32>
        %mul3A_3605 = arith.mulf %sub3A_3602, %sub3A_3602 : vector<16xf32>
        %mul3A_3606 = arith.mulf %sub3A_3603, %sub3A_3603 : vector<16xf32>
        %add3A_3607 = arith.addf %mul3A_3605, %mul3A_3606 : vector<16xf32>
        %mul3A_3608 = arith.mulf %sub3A_3604, %sub3A_3604 : vector<16xf32>
        %add3A_3609 = arith.addf %add3A_3607, %mul3A_3608 : vector<16xf32>
        %lt3A_3610 = arith.constant 3.600000e+01 : f32
        %lt3A_3611 = vector.broadcast %lt3A_3610 : f32 to vector<16xf32>
        %lt3A_3612 = arith.cmpf olt, %add3A_3609, %lt3A_3611 : vector<16xf32>
        %gt3A_3613 = arith.constant 9.99999996E-13 : f32
        %gt3A_3614 = vector.broadcast %gt3A_3613 : f32 to vector<16xf32>
        %gt3A_3615 = arith.cmpf ogt, %add3A_3609, %gt3A_3614 : vector<16xf32>
        %and3A_3616 = arith.andi %lt3A_3612, %gt3A_3615 : vector<16xi1>
        %jit3A_3617 = arith.constant 0.000000e+00 : f32
        %broadcast_in_dim3A_3618 = vector.broadcast %jit3A_3617 : f32 to vector<16xf32>
        %select_n3A_3619 = arith.select %and3A_3616, %add3A_3609, %broadcast_in_dim3A_3618 : vector<16xi1>, vector<16xf32>
        %add3A_3620 = arith.constant 1 : i32
        %add3A_3621 = arith.addi %mul3A_159, %add3A_3620 : i32
        %swap3A_3622 = arith.index_cast %select_n3A_109 : i32 to index
        %swap3A_3623 = arith.index_cast %add3A_3621 : i32 to index
        %swap3A_3624 = arith.constant 432 : index
        %swap3A_3625 = tpu.vector_load %arg7[%swap3A_3622, %swap3A_3623, %swap3A_3624] {strides = array<i32>} : memref<2x16x512xf32, #tpu.memory_space<vmem>>, vector<1x1x16xf32>,
        %swap3A_3626 = vector.shape_cast %swap3A_3625 : vector<1x1x16xf32> to vector<16xf32>
        %swap3A_3627 = vector.shape_cast %select_n3A_3619 : vector<16xf32> to vector<1x1x16xf32>
        tpu.vector_store %arg7[%swap3A_3622, %swap3A_3623, %swap3A_3624], %swap3A_3627 {strides = array<i32>} : memref<2x16x512xf32, #tpu.memory_space<vmem>>, vector<1x1x16xf32>,
        %sub3A_3628 = arith.subf %get3A_3563, %get3A_185 : vector<16xf32>
        %sub3A_3629 = arith.subf %get3A_3569, %get3A_221 : vector<16xf32>
        %sub3A_3630 = arith.subf %get3A_3575, %get3A_257 : vector<16xf32>
        %mul3A_3631 = arith.mulf %sub3A_3628, %sub3A_3628 : vector<16xf32>
        %mul3A_3632 = arith.mulf %sub3A_3629, %sub3A_3629 : vector<16xf32>
        %add3A_3633 = arith.addf %mul3A_3631, %mul3A_3632 : vector<16xf32>
        %mul3A_3634 = arith.mulf %sub3A_3630, %sub3A_3630 : vector<16xf32>
        %add3A_3635 = arith.addf %add3A_3633, %mul3A_3634 : vector<16xf32>
        %lt3A_3636 = arith.constant 3.600000e+01 : f32
        %lt3A_3637 = vector.broadcast %lt3A_3636 : f32 to vector<16xf32>
        %lt3A_3638 = arith.cmpf olt, %add3A_3635, %lt3A_3637 : vector<16xf32>
        %gt3A_3639 = arith.constant 9.99999996E-13 : f32
        %gt3A_3640 = vector.broadcast %gt3A_3639 : f32 to vector<16xf32>
        %gt3A_3641 = arith.cmpf ogt, %add3A_3635, %gt3A_3640 : vector<16xf32>
        %and3A_3642 = arith.andi %lt3A_3638, %gt3A_3641 : vector<16xi1>
        %jit3A_3643 = arith.constant 0.000000e+00 : f32
        %broadcast_in_dim3A_3644 = vector.broadcast %jit3A_3643 : f32 to vector<16xf32>
        %select_n3A_3645 = arith.select %and3A_3642, %add3A_3635, %broadcast_in_dim3A_3644 : vector<16xi1>, vector<16xf32>
        %add3A_3646 = arith.constant 2 : i32
        %add3A_3647 = arith.addi %mul3A_159, %add3A_3646 : i32
        %swap3A_3648 = arith.index_cast %select_n3A_109 : i32 to index
        %swap3A_3649 = arith.index_cast %add3A_3647 : i32 to index
        %swap3A_3650 = arith.constant 432 : index
        %swap3A_3651 = tpu.vector_load %arg7[%swap3A_3648, %swap3A_3649, %swap3A_3650] {strides = array<i32>} : memref<2x16x512xf32, #tpu.memory_space<vmem>>, vector<1x1x16xf32>,
        %swap3A_3652 = vector.shape_cast %swap3A_3651 : vector<1x1x16xf32> to vector<16xf32>
        %swap3A_3653 = vector.shape_cast %select_n3A_3645 : vector<16xf32> to vector<1x1x16xf32>
        tpu.vector_store %arg7[%swap3A_3648, %swap3A_3649, %swap3A_3650], %swap3A_3653 {strides = array<i32>} : memref<2x16x512xf32, #tpu.memory_space<vmem>>, vector<1x1x16xf32>,
        %sub3A_3654 = arith.subf %get3A_3563, %get3A_194 : vector<16xf32>
        %sub3A_3655 = arith.subf %get3A_3569, %get3A_230 : vector<16xf32>
        %sub3A_3656 = arith.subf %get3A_3575, %get3A_266 : vector<16xf32>
        %mul3A_3657 = arith.mulf %sub3A_3654, %sub3A_3654 : vector<16xf32>
        %mul3A_3658 = arith.mulf %sub3A_3655, %sub3A_3655 : vector<16xf32>
        %add3A_3659 = arith.addf %mul3A_3657, %mul3A_3658 : vector<16xf32>
        %mul3A_3660 = arith.mulf %sub3A_3656, %sub3A_3656 : vector<16xf32>
        %add3A_3661 = arith.addf %add3A_3659, %mul3A_3660 : vector<16xf32>
        %lt3A_3662 = arith.constant 3.600000e+01 : f32
        %lt3A_3663 = vector.broadcast %lt3A_3662 : f32 to vector<16xf32>
        %lt3A_3664 = arith.cmpf olt, %add3A_3661, %lt3A_3663 : vector<16xf32>
        %gt3A_3665 = arith.constant 9.99999996E-13 : f32
        %gt3A_3666 = vector.broadcast %gt3A_3665 : f32 to vector<16xf32>
        %gt3A_3667 = arith.cmpf ogt, %add3A_3661, %gt3A_3666 : vector<16xf32>
        %and3A_3668 = arith.andi %lt3A_3664, %gt3A_3667 : vector<16xi1>
        %jit3A_3669 = arith.constant 0.000000e+00 : f32
        %broadcast_in_dim3A_3670 = vector.broadcast %jit3A_3669 : f32 to vector<16xf32>
        %select_n3A_3671 = arith.select %and3A_3668, %add3A_3661, %broadcast_in_dim3A_3670 : vector<16xi1>, vector<16xf32>
        %add3A_3672 = arith.constant 3 : i32
        %add3A_3673 = arith.addi %mul3A_159, %add3A_3672 : i32
        %swap3A_3674 = arith.index_cast %select_n3A_109 : i32 to index
        %swap3A_3675 = arith.index_cast %add3A_3673 : i32 to index
        %swap3A_3676 = arith.constant 432 : index
        %swap3A_3677 = tpu.vector_load %arg7[%swap3A_3674, %swap3A_3675, %swap3A_3676] {strides = array<i32>} : memref<2x16x512xf32, #tpu.memory_space<vmem>>, vector<1x1x16xf32>,
        %swap3A_3678 = vector.shape_cast %swap3A_3677 : vector<1x1x16xf32> to vector<16xf32>
        %swap3A_3679 = vector.shape_cast %select_n3A_3671 : vector<16xf32> to vector<1x1x16xf32>
        tpu.vector_store %arg7[%swap3A_3674, %swap3A_3675, %swap3A_3676], %swap3A_3679 {strides = array<i32>} : memref<2x16x512xf32, #tpu.memory_space<vmem>>, vector<1x1x16xf32>,
        %get3A_3680 = arith.constant 0 : i32
        %get3A_3681 = arith.index_cast %select_n3A_109 : i32 to index
        %get3A_3682 = arith.index_cast %get3A_3680 : i32 to index
        %get3A_3683 = arith.constant 448 : index
        %get3A_3684 = tpu.vector_load %arg5[%get3A_3681, %get3A_3682, %get3A_3683] {strides = array<i32>} : memref<2x3x512xf32, #tpu.memory_space<vmem>>, vector<1x1x16xf32>,
        %get3A_3685 = vector.shape_cast %get3A_3684 : vector<1x1x16xf32> to vector<16xf32>
        %get3A_3686 = arith.constant 1 : i32
        %get3A_3687 = arith.index_cast %select_n3A_109 : i32 to index
        %get3A_3688 = arith.index_cast %get3A_3686 : i32 to index
        %get3A_3689 = arith.constant 448 : index
        %get3A_3690 = tpu.vector_load %arg5[%get3A_3687, %get3A_3688, %get3A_3689] {strides = array<i32>} : memref<2x3x512xf32, #tpu.memory_space<vmem>>, vector<1x1x16xf32>,
        %get3A_3691 = vector.shape_cast %get3A_3690 : vector<1x1x16xf32> to vector<16xf32>
        %get3A_3692 = arith.constant 2 : i32
        %get3A_3693 = arith.index_cast %select_n3A_109 : i32 to index
        %get3A_3694 = arith.index_cast %get3A_3692 : i32 to index
        %get3A_3695 = arith.constant 448 : index
        %get3A_3696 = tpu.vector_load %arg5[%get3A_3693, %get3A_3694, %get3A_3695] {strides = array<i32>} : memref<2x3x512xf32, #tpu.memory_space<vmem>>, vector<1x1x16xf32>,
        %get3A_3697 = vector.shape_cast %get3A_3696 : vector<1x1x16xf32> to vector<16xf32>
        %sub3A_3698 = arith.subf %get3A_3685, %get3A_167 : vector<16xf32>
        %sub3A_3699 = arith.subf %get3A_3691, %get3A_203 : vector<16xf32>
        %sub3A_3700 = arith.subf %get3A_3697, %get3A_239 : vector<16xf32>
        %mul3A_3701 = arith.mulf %sub3A_3698, %sub3A_3698 : vector<16xf32>
        %mul3A_3702 = arith.mulf %sub3A_3699, %sub3A_3699 : vector<16xf32>
        %add3A_3703 = arith.addf %mul3A_3701, %mul3A_3702 : vector<16xf32>
        %mul3A_3704 = arith.mulf %sub3A_3700, %sub3A_3700 : vector<16xf32>
        %add3A_3705 = arith.addf %add3A_3703, %mul3A_3704 : vector<16xf32>
        %lt3A_3706 = arith.constant 3.600000e+01 : f32
        %lt3A_3707 = vector.broadcast %lt3A_3706 : f32 to vector<16xf32>
        %lt3A_3708 = arith.cmpf olt, %add3A_3705, %lt3A_3707 : vector<16xf32>
        %gt3A_3709 = arith.constant 9.99999996E-13 : f32
        %gt3A_3710 = vector.broadcast %gt3A_3709 : f32 to vector<16xf32>
        %gt3A_3711 = arith.cmpf ogt, %add3A_3705, %gt3A_3710 : vector<16xf32>
        %and3A_3712 = arith.andi %lt3A_3708, %gt3A_3711 : vector<16xi1>
        %jit3A_3713 = arith.constant 0.000000e+00 : f32
        %broadcast_in_dim3A_3714 = vector.broadcast %jit3A_3713 : f32 to vector<16xf32>
        %select_n3A_3715 = arith.select %and3A_3712, %add3A_3705, %broadcast_in_dim3A_3714 : vector<16xi1>, vector<16xf32>
        %add3A_3716 = arith.constant 0 : i32
        %add3A_3717 = arith.addi %mul3A_159, %add3A_3716 : i32
        %swap3A_3718 = arith.index_cast %select_n3A_109 : i32 to index
        %swap3A_3719 = arith.index_cast %add3A_3717 : i32 to index
        %swap3A_3720 = arith.constant 448 : index
        %swap3A_3721 = tpu.vector_load %arg7[%swap3A_3718, %swap3A_3719, %swap3A_3720] {strides = array<i32>} : memref<2x16x512xf32, #tpu.memory_space<vmem>>, vector<1x1x16xf32>,
        %swap3A_3722 = vector.shape_cast %swap3A_3721 : vector<1x1x16xf32> to vector<16xf32>
        %swap3A_3723 = vector.shape_cast %select_n3A_3715 : vector<16xf32> to vector<1x1x16xf32>
        tpu.vector_store %arg7[%swap3A_3718, %swap3A_3719, %swap3A_3720], %swap3A_3723 {strides = array<i32>} : memref<2x16x512xf32, #tpu.memory_space<vmem>>, vector<1x1x16xf32>,
        %sub3A_3724 = arith.subf %get3A_3685, %get3A_176 : vector<16xf32>
        %sub3A_3725 = arith.subf %get3A_3691, %get3A_212 : vector<16xf32>
        %sub3A_3726 = arith.subf %get3A_3697, %get3A_248 : vector<16xf32>
        %mul3A_3727 = arith.mulf %sub3A_3724, %sub3A_3724 : vector<16xf32>
        %mul3A_3728 = arith.mulf %sub3A_3725, %sub3A_3725 : vector<16xf32>
        %add3A_3729 = arith.addf %mul3A_3727, %mul3A_3728 : vector<16xf32>
        %mul3A_3730 = arith.mulf %sub3A_3726, %sub3A_3726 : vector<16xf32>
        %add3A_3731 = arith.addf %add3A_3729, %mul3A_3730 : vector<16xf32>
        %lt3A_3732 = arith.constant 3.600000e+01 : f32
        %lt3A_3733 = vector.broadcast %lt3A_3732 : f32 to vector<16xf32>
        %lt3A_3734 = arith.cmpf olt, %add3A_3731, %lt3A_3733 : vector<16xf32>
        %gt3A_3735 = arith.constant 9.99999996E-13 : f32
        %gt3A_3736 = vector.broadcast %gt3A_3735 : f32 to vector<16xf32>
        %gt3A_3737 = arith.cmpf ogt, %add3A_3731, %gt3A_3736 : vector<16xf32>
        %and3A_3738 = arith.andi %lt3A_3734, %gt3A_3737 : vector<16xi1>
        %jit3A_3739 = arith.constant 0.000000e+00 : f32
        %broadcast_in_dim3A_3740 = vector.broadcast %jit3A_3739 : f32 to vector<16xf32>
        %select_n3A_3741 = arith.select %and3A_3738, %add3A_3731, %broadcast_in_dim3A_3740 : vector<16xi1>, vector<16xf32>
        %add3A_3742 = arith.constant 1 : i32
        %add3A_3743 = arith.addi %mul3A_159, %add3A_3742 : i32
        %swap3A_3744 = arith.index_cast %select_n3A_109 : i32 to index
        %swap3A_3745 = arith.index_cast %add3A_3743 : i32 to index
        %swap3A_3746 = arith.constant 448 : index
        %swap3A_3747 = tpu.vector_load %arg7[%swap3A_3744, %swap3A_3745, %swap3A_3746] {strides = array<i32>} : memref<2x16x512xf32, #tpu.memory_space<vmem>>, vector<1x1x16xf32>,
        %swap3A_3748 = vector.shape_cast %swap3A_3747 : vector<1x1x16xf32> to vector<16xf32>
        %swap3A_3749 = vector.shape_cast %select_n3A_3741 : vector<16xf32> to vector<1x1x16xf32>
        tpu.vector_store %arg7[%swap3A_3744, %swap3A_3745, %swap3A_3746], %swap3A_3749 {strides = array<i32>} : memref<2x16x512xf32, #tpu.memory_space<vmem>>, vector<1x1x16xf32>,
        %sub3A_3750 = arith.subf %get3A_3685, %get3A_185 : vector<16xf32>
        %sub3A_3751 = arith.subf %get3A_3691, %get3A_221 : vector<16xf32>
        %sub3A_3752 = arith.subf %get3A_3697, %get3A_257 : vector<16xf32>
        %mul3A_3753 = arith.mulf %sub3A_3750, %sub3A_3750 : vector<16xf32>
        %mul3A_3754 = arith.mulf %sub3A_3751, %sub3A_3751 : vector<16xf32>
        %add3A_3755 = arith.addf %mul3A_3753, %mul3A_3754 : vector<16xf32>
        %mul3A_3756 = arith.mulf %sub3A_3752, %sub3A_3752 : vector<16xf32>
        %add3A_3757 = arith.addf %add3A_3755, %mul3A_3756 : vector<16xf32>
        %lt3A_3758 = arith.constant 3.600000e+01 : f32
        %lt3A_3759 = vector.broadcast %lt3A_3758 : f32 to vector<16xf32>
        %lt3A_3760 = arith.cmpf olt, %add3A_3757, %lt3A_3759 : vector<16xf32>
        %gt3A_3761 = arith.constant 9.99999996E-13 : f32
        %gt3A_3762 = vector.broadcast %gt3A_3761 : f32 to vector<16xf32>
        %gt3A_3763 = arith.cmpf ogt, %add3A_3757, %gt3A_3762 : vector<16xf32>
        %and3A_3764 = arith.andi %lt3A_3760, %gt3A_3763 : vector<16xi1>
        %jit3A_3765 = arith.constant 0.000000e+00 : f32
        %broadcast_in_dim3A_3766 = vector.broadcast %jit3A_3765 : f32 to vector<16xf32>
        %select_n3A_3767 = arith.select %and3A_3764, %add3A_3757, %broadcast_in_dim3A_3766 : vector<16xi1>, vector<16xf32>
        %add3A_3768 = arith.constant 2 : i32
        %add3A_3769 = arith.addi %mul3A_159, %add3A_3768 : i32
        %swap3A_3770 = arith.index_cast %select_n3A_109 : i32 to index
        %swap3A_3771 = arith.index_cast %add3A_3769 : i32 to index
        %swap3A_3772 = arith.constant 448 : index
        %swap3A_3773 = tpu.vector_load %arg7[%swap3A_3770, %swap3A_3771, %swap3A_3772] {strides = array<i32>} : memref<2x16x512xf32, #tpu.memory_space<vmem>>, vector<1x1x16xf32>,
        %swap3A_3774 = vector.shape_cast %swap3A_3773 : vector<1x1x16xf32> to vector<16xf32>
        %swap3A_3775 = vector.shape_cast %select_n3A_3767 : vector<16xf32> to vector<1x1x16xf32>
        tpu.vector_store %arg7[%swap3A_3770, %swap3A_3771, %swap3A_3772], %swap3A_3775 {strides = array<i32>} : memref<2x16x512xf32, #tpu.memory_space<vmem>>, vector<1x1x16xf32>,
        %sub3A_3776 = arith.subf %get3A_3685, %get3A_194 : vector<16xf32>
        %sub3A_3777 = arith.subf %get3A_3691, %get3A_230 : vector<16xf32>
        %sub3A_3778 = arith.subf %get3A_3697, %get3A_266 : vector<16xf32>
        %mul3A_3779 = arith.mulf %sub3A_3776, %sub3A_3776 : vector<16xf32>
        %mul3A_3780 = arith.mulf %sub3A_3777, %sub3A_3777 : vector<16xf32>
        %add3A_3781 = arith.addf %mul3A_3779, %mul3A_3780 : vector<16xf32>
        %mul3A_3782 = arith.mulf %sub3A_3778, %sub3A_3778 : vector<16xf32>
        %add3A_3783 = arith.addf %add3A_3781, %mul3A_3782 : vector<16xf32>
        %lt3A_3784 = arith.constant 3.600000e+01 : f32
        %lt3A_3785 = vector.broadcast %lt3A_3784 : f32 to vector<16xf32>
        %lt3A_3786 = arith.cmpf olt, %add3A_3783, %lt3A_3785 : vector<16xf32>
        %gt3A_3787 = arith.constant 9.99999996E-13 : f32
        %gt3A_3788 = vector.broadcast %gt3A_3787 : f32 to vector<16xf32>
        %gt3A_3789 = arith.cmpf ogt, %add3A_3783, %gt3A_3788 : vector<16xf32>
        %and3A_3790 = arith.andi %lt3A_3786, %gt3A_3789 : vector<16xi1>
        %jit3A_3791 = arith.constant 0.000000e+00 : f32
        %broadcast_in_dim3A_3792 = vector.broadcast %jit3A_3791 : f32 to vector<16xf32>
        %select_n3A_3793 = arith.select %and3A_3790, %add3A_3783, %broadcast_in_dim3A_3792 : vector<16xi1>, vector<16xf32>
        %add3A_3794 = arith.constant 3 : i32
        %add3A_3795 = arith.addi %mul3A_159, %add3A_3794 : i32
        %swap3A_3796 = arith.index_cast %select_n3A_109 : i32 to index
        %swap3A_3797 = arith.index_cast %add3A_3795 : i32 to index
        %swap3A_3798 = arith.constant 448 : index
        %swap3A_3799 = tpu.vector_load %arg7[%swap3A_3796, %swap3A_3797, %swap3A_3798] {strides = array<i32>} : memref<2x16x512xf32, #tpu.memory_space<vmem>>, vector<1x1x16xf32>,
        %swap3A_3800 = vector.shape_cast %swap3A_3799 : vector<1x1x16xf32> to vector<16xf32>
        %swap3A_3801 = vector.shape_cast %select_n3A_3793 : vector<16xf32> to vector<1x1x16xf32>
        tpu.vector_store %arg7[%swap3A_3796, %swap3A_3797, %swap3A_3798], %swap3A_3801 {strides = array<i32>} : memref<2x16x512xf32, #tpu.memory_space<vmem>>, vector<1x1x16xf32>,
        %get3A_3802 = arith.constant 0 : i32
        %get3A_3803 = arith.index_cast %select_n3A_109 : i32 to index
        %get3A_3804 = arith.index_cast %get3A_3802 : i32 to index
        %get3A_3805 = arith.constant 464 : index
        %get3A_3806 = tpu.vector_load %arg5[%get3A_3803, %get3A_3804, %get3A_3805] {strides = array<i32>} : memref<2x3x512xf32, #tpu.memory_space<vmem>>, vector<1x1x16xf32>,
        %get3A_3807 = vector.shape_cast %get3A_3806 : vector<1x1x16xf32> to vector<16xf32>
        %get3A_3808 = arith.constant 1 : i32
        %get3A_3809 = arith.index_cast %select_n3A_109 : i32 to index
        %get3A_3810 = arith.index_cast %get3A_3808 : i32 to index
        %get3A_3811 = arith.constant 464 : index
        %get3A_3812 = tpu.vector_load %arg5[%get3A_3809, %get3A_3810, %get3A_3811] {strides = array<i32>} : memref<2x3x512xf32, #tpu.memory_space<vmem>>, vector<1x1x16xf32>,
        %get3A_3813 = vector.shape_cast %get3A_3812 : vector<1x1x16xf32> to vector<16xf32>
        %get3A_3814 = arith.constant 2 : i32
        %get3A_3815 = arith.index_cast %select_n3A_109 : i32 to index
        %get3A_3816 = arith.index_cast %get3A_3814 : i32 to index
        %get3A_3817 = arith.constant 464 : index
        %get3A_3818 = tpu.vector_load %arg5[%get3A_3815, %get3A_3816, %get3A_3817] {strides = array<i32>} : memref<2x3x512xf32, #tpu.memory_space<vmem>>, vector<1x1x16xf32>,
        %get3A_3819 = vector.shape_cast %get3A_3818 : vector<1x1x16xf32> to vector<16xf32>
        %sub3A_3820 = arith.subf %get3A_3807, %get3A_167 : vector<16xf32>
        %sub3A_3821 = arith.subf %get3A_3813, %get3A_203 : vector<16xf32>
        %sub3A_3822 = arith.subf %get3A_3819, %get3A_239 : vector<16xf32>
        %mul3A_3823 = arith.mulf %sub3A_3820, %sub3A_3820 : vector<16xf32>
        %mul3A_3824 = arith.mulf %sub3A_3821, %sub3A_3821 : vector<16xf32>
        %add3A_3825 = arith.addf %mul3A_3823, %mul3A_3824 : vector<16xf32>
        %mul3A_3826 = arith.mulf %sub3A_3822, %sub3A_3822 : vector<16xf32>
        %add3A_3827 = arith.addf %add3A_3825, %mul3A_3826 : vector<16xf32>
        %lt3A_3828 = arith.constant 3.600000e+01 : f32
        %lt3A_3829 = vector.broadcast %lt3A_3828 : f32 to vector<16xf32>
        %lt3A_3830 = arith.cmpf olt, %add3A_3827, %lt3A_3829 : vector<16xf32>
        %gt3A_3831 = arith.constant 9.99999996E-13 : f32
        %gt3A_3832 = vector.broadcast %gt3A_3831 : f32 to vector<16xf32>
        %gt3A_3833 = arith.cmpf ogt, %add3A_3827, %gt3A_3832 : vector<16xf32>
        %and3A_3834 = arith.andi %lt3A_3830, %gt3A_3833 : vector<16xi1>
        %jit3A_3835 = arith.constant 0.000000e+00 : f32
        %broadcast_in_dim3A_3836 = vector.broadcast %jit3A_3835 : f32 to vector<16xf32>
        %select_n3A_3837 = arith.select %and3A_3834, %add3A_3827, %broadcast_in_dim3A_3836 : vector<16xi1>, vector<16xf32>
        %add3A_3838 = arith.constant 0 : i32
        %add3A_3839 = arith.addi %mul3A_159, %add3A_3838 : i32
        %swap3A_3840 = arith.index_cast %select_n3A_109 : i32 to index
        %swap3A_3841 = arith.index_cast %add3A_3839 : i32 to index
        %swap3A_3842 = arith.constant 464 : index
        %swap3A_3843 = tpu.vector_load %arg7[%swap3A_3840, %swap3A_3841, %swap3A_3842] {strides = array<i32>} : memref<2x16x512xf32, #tpu.memory_space<vmem>>, vector<1x1x16xf32>,
        %swap3A_3844 = vector.shape_cast %swap3A_3843 : vector<1x1x16xf32> to vector<16xf32>
        %swap3A_3845 = vector.shape_cast %select_n3A_3837 : vector<16xf32> to vector<1x1x16xf32>
        tpu.vector_store %arg7[%swap3A_3840, %swap3A_3841, %swap3A_3842], %swap3A_3845 {strides = array<i32>} : memref<2x16x512xf32, #tpu.memory_space<vmem>>, vector<1x1x16xf32>,
        %sub3A_3846 = arith.subf %get3A_3807, %get3A_176 : vector<16xf32>
        %sub3A_3847 = arith.subf %get3A_3813, %get3A_212 : vector<16xf32>
        %sub3A_3848 = arith.subf %get3A_3819, %get3A_248 : vector<16xf32>
        %mul3A_3849 = arith.mulf %sub3A_3846, %sub3A_3846 : vector<16xf32>
        %mul3A_3850 = arith.mulf %sub3A_3847, %sub3A_3847 : vector<16xf32>
        %add3A_3851 = arith.addf %mul3A_3849, %mul3A_3850 : vector<16xf32>
        %mul3A_3852 = arith.mulf %sub3A_3848, %sub3A_3848 : vector<16xf32>
        %add3A_3853 = arith.addf %add3A_3851, %mul3A_3852 : vector<16xf32>
        %lt3A_3854 = arith.constant 3.600000e+01 : f32
        %lt3A_3855 = vector.broadcast %lt3A_3854 : f32 to vector<16xf32>
        %lt3A_3856 = arith.cmpf olt, %add3A_3853, %lt3A_3855 : vector<16xf32>
        %gt3A_3857 = arith.constant 9.99999996E-13 : f32
        %gt3A_3858 = vector.broadcast %gt3A_3857 : f32 to vector<16xf32>
        %gt3A_3859 = arith.cmpf ogt, %add3A_3853, %gt3A_3858 : vector<16xf32>
        %and3A_3860 = arith.andi %lt3A_3856, %gt3A_3859 : vector<16xi1>
        %jit3A_3861 = arith.constant 0.000000e+00 : f32
        %broadcast_in_dim3A_3862 = vector.broadcast %jit3A_3861 : f32 to vector<16xf32>
        %select_n3A_3863 = arith.select %and3A_3860, %add3A_3853, %broadcast_in_dim3A_3862 : vector<16xi1>, vector<16xf32>
        %add3A_3864 = arith.constant 1 : i32
        %add3A_3865 = arith.addi %mul3A_159, %add3A_3864 : i32
        %swap3A_3866 = arith.index_cast %select_n3A_109 : i32 to index
        %swap3A_3867 = arith.index_cast %add3A_3865 : i32 to index
        %swap3A_3868 = arith.constant 464 : index
        %swap3A_3869 = tpu.vector_load %arg7[%swap3A_3866, %swap3A_3867, %swap3A_3868] {strides = array<i32>} : memref<2x16x512xf32, #tpu.memory_space<vmem>>, vector<1x1x16xf32>,
        %swap3A_3870 = vector.shape_cast %swap3A_3869 : vector<1x1x16xf32> to vector<16xf32>
        %swap3A_3871 = vector.shape_cast %select_n3A_3863 : vector<16xf32> to vector<1x1x16xf32>
        tpu.vector_store %arg7[%swap3A_3866, %swap3A_3867, %swap3A_3868], %swap3A_3871 {strides = array<i32>} : memref<2x16x512xf32, #tpu.memory_space<vmem>>, vector<1x1x16xf32>,
        %sub3A_3872 = arith.subf %get3A_3807, %get3A_185 : vector<16xf32>
        %sub3A_3873 = arith.subf %get3A_3813, %get3A_221 : vector<16xf32>
        %sub3A_3874 = arith.subf %get3A_3819, %get3A_257 : vector<16xf32>
        %mul3A_3875 = arith.mulf %sub3A_3872, %sub3A_3872 : vector<16xf32>
        %mul3A_3876 = arith.mulf %sub3A_3873, %sub3A_3873 : vector<16xf32>
        %add3A_3877 = arith.addf %mul3A_3875, %mul3A_3876 : vector<16xf32>
        %mul3A_3878 = arith.mulf %sub3A_3874, %sub3A_3874 : vector<16xf32>
        %add3A_3879 = arith.addf %add3A_3877, %mul3A_3878 : vector<16xf32>
        %lt3A_3880 = arith.constant 3.600000e+01 : f32
        %lt3A_3881 = vector.broadcast %lt3A_3880 : f32 to vector<16xf32>
        %lt3A_3882 = arith.cmpf olt, %add3A_3879, %lt3A_3881 : vector<16xf32>
        %gt3A_3883 = arith.constant 9.99999996E-13 : f32
        %gt3A_3884 = vector.broadcast %gt3A_3883 : f32 to vector<16xf32>
        %gt3A_3885 = arith.cmpf ogt, %add3A_3879, %gt3A_3884 : vector<16xf32>
        %and3A_3886 = arith.andi %lt3A_3882, %gt3A_3885 : vector<16xi1>
        %jit3A_3887 = arith.constant 0.000000e+00 : f32
        %broadcast_in_dim3A_3888 = vector.broadcast %jit3A_3887 : f32 to vector<16xf32>
        %select_n3A_3889 = arith.select %and3A_3886, %add3A_3879, %broadcast_in_dim3A_3888 : vector<16xi1>, vector<16xf32>
        %add3A_3890 = arith.constant 2 : i32
        %add3A_3891 = arith.addi %mul3A_159, %add3A_3890 : i32
        %swap3A_3892 = arith.index_cast %select_n3A_109 : i32 to index
        %swap3A_3893 = arith.index_cast %add3A_3891 : i32 to index
        %swap3A_3894 = arith.constant 464 : index
        %swap3A_3895 = tpu.vector_load %arg7[%swap3A_3892, %swap3A_3893, %swap3A_3894] {strides = array<i32>} : memref<2x16x512xf32, #tpu.memory_space<vmem>>, vector<1x1x16xf32>,
        %swap3A_3896 = vector.shape_cast %swap3A_3895 : vector<1x1x16xf32> to vector<16xf32>
        %swap3A_3897 = vector.shape_cast %select_n3A_3889 : vector<16xf32> to vector<1x1x16xf32>
        tpu.vector_store %arg7[%swap3A_3892, %swap3A_3893, %swap3A_3894], %swap3A_3897 {strides = array<i32>} : memref<2x16x512xf32, #tpu.memory_space<vmem>>, vector<1x1x16xf32>,
        %sub3A_3898 = arith.subf %get3A_3807, %get3A_194 : vector<16xf32>
        %sub3A_3899 = arith.subf %get3A_3813, %get3A_230 : vector<16xf32>
        %sub3A_3900 = arith.subf %get3A_3819, %get3A_266 : vector<16xf32>
        %mul3A_3901 = arith.mulf %sub3A_3898, %sub3A_3898 : vector<16xf32>
        %mul3A_3902 = arith.mulf %sub3A_3899, %sub3A_3899 : vector<16xf32>
        %add3A_3903 = arith.addf %mul3A_3901, %mul3A_3902 : vector<16xf32>
        %mul3A_3904 = arith.mulf %sub3A_3900, %sub3A_3900 : vector<16xf32>
        %add3A_3905 = arith.addf %add3A_3903, %mul3A_3904 : vector<16xf32>
        %lt3A_3906 = arith.constant 3.600000e+01 : f32
        %lt3A_3907 = vector.broadcast %lt3A_3906 : f32 to vector<16xf32>
        %lt3A_3908 = arith.cmpf olt, %add3A_3905, %lt3A_3907 : vector<16xf32>
        %gt3A_3909 = arith.constant 9.99999996E-13 : f32
        %gt3A_3910 = vector.broadcast %gt3A_3909 : f32 to vector<16xf32>
        %gt3A_3911 = arith.cmpf ogt, %add3A_3905, %gt3A_3910 : vector<16xf32>
        %and3A_3912 = arith.andi %lt3A_3908, %gt3A_3911 : vector<16xi1>
        %jit3A_3913 = arith.constant 0.000000e+00 : f32
        %broadcast_in_dim3A_3914 = vector.broadcast %jit3A_3913 : f32 to vector<16xf32>
        %select_n3A_3915 = arith.select %and3A_3912, %add3A_3905, %broadcast_in_dim3A_3914 : vector<16xi1>, vector<16xf32>
        %add3A_3916 = arith.constant 3 : i32
        %add3A_3917 = arith.addi %mul3A_159, %add3A_3916 : i32
        %swap3A_3918 = arith.index_cast %select_n3A_109 : i32 to index
        %swap3A_3919 = arith.index_cast %add3A_3917 : i32 to index
        %swap3A_3920 = arith.constant 464 : index
        %swap3A_3921 = tpu.vector_load %arg7[%swap3A_3918, %swap3A_3919, %swap3A_3920] {strides = array<i32>} : memref<2x16x512xf32, #tpu.memory_space<vmem>>, vector<1x1x16xf32>,
        %swap3A_3922 = vector.shape_cast %swap3A_3921 : vector<1x1x16xf32> to vector<16xf32>
        %swap3A_3923 = vector.shape_cast %select_n3A_3915 : vector<16xf32> to vector<1x1x16xf32>
        tpu.vector_store %arg7[%swap3A_3918, %swap3A_3919, %swap3A_3920], %swap3A_3923 {strides = array<i32>} : memref<2x16x512xf32, #tpu.memory_space<vmem>>, vector<1x1x16xf32>,
        %get3A_3924 = arith.constant 0 : i32
        %get3A_3925 = arith.index_cast %select_n3A_109 : i32 to index
        %get3A_3926 = arith.index_cast %get3A_3924 : i32 to index
        %get3A_3927 = arith.constant 480 : index
        %get3A_3928 = tpu.vector_load %arg5[%get3A_3925, %get3A_3926, %get3A_3927] {strides = array<i32>} : memref<2x3x512xf32, #tpu.memory_space<vmem>>, vector<1x1x16xf32>,
        %get3A_3929 = vector.shape_cast %get3A_3928 : vector<1x1x16xf32> to vector<16xf32>
        %get3A_3930 = arith.constant 1 : i32
        %get3A_3931 = arith.index_cast %select_n3A_109 : i32 to index
        %get3A_3932 = arith.index_cast %get3A_3930 : i32 to index
        %get3A_3933 = arith.constant 480 : index
        %get3A_3934 = tpu.vector_load %arg5[%get3A_3931, %get3A_3932, %get3A_3933] {strides = array<i32>} : memref<2x3x512xf32, #tpu.memory_space<vmem>>, vector<1x1x16xf32>,
        %get3A_3935 = vector.shape_cast %get3A_3934 : vector<1x1x16xf32> to vector<16xf32>
        %get3A_3936 = arith.constant 2 : i32
        %get3A_3937 = arith.index_cast %select_n3A_109 : i32 to index
        %get3A_3938 = arith.index_cast %get3A_3936 : i32 to index
        %get3A_3939 = arith.constant 480 : index
        %get3A_3940 = tpu.vector_load %arg5[%get3A_3937, %get3A_3938, %get3A_3939] {strides = array<i32>} : memref<2x3x512xf32, #tpu.memory_space<vmem>>, vector<1x1x16xf32>,
        %get3A_3941 = vector.shape_cast %get3A_3940 : vector<1x1x16xf32> to vector<16xf32>
        %sub3A_3942 = arith.subf %get3A_3929, %get3A_167 : vector<16xf32>
        %sub3A_3943 = arith.subf %get3A_3935, %get3A_203 : vector<16xf32>
        %sub3A_3944 = arith.subf %get3A_3941, %get3A_239 : vector<16xf32>
        %mul3A_3945 = arith.mulf %sub3A_3942, %sub3A_3942 : vector<16xf32>
        %mul3A_3946 = arith.mulf %sub3A_3943, %sub3A_3943 : vector<16xf32>
        %add3A_3947 = arith.addf %mul3A_3945, %mul3A_3946 : vector<16xf32>
        %mul3A_3948 = arith.mulf %sub3A_3944, %sub3A_3944 : vector<16xf32>
        %add3A_3949 = arith.addf %add3A_3947, %mul3A_3948 : vector<16xf32>
        %lt3A_3950 = arith.constant 3.600000e+01 : f32
        %lt3A_3951 = vector.broadcast %lt3A_3950 : f32 to vector<16xf32>
        %lt3A_3952 = arith.cmpf olt, %add3A_3949, %lt3A_3951 : vector<16xf32>
        %gt3A_3953 = arith.constant 9.99999996E-13 : f32
        %gt3A_3954 = vector.broadcast %gt3A_3953 : f32 to vector<16xf32>
        %gt3A_3955 = arith.cmpf ogt, %add3A_3949, %gt3A_3954 : vector<16xf32>
        %and3A_3956 = arith.andi %lt3A_3952, %gt3A_3955 : vector<16xi1>
        %jit3A_3957 = arith.constant 0.000000e+00 : f32
        %broadcast_in_dim3A_3958 = vector.broadcast %jit3A_3957 : f32 to vector<16xf32>
        %select_n3A_3959 = arith.select %and3A_3956, %add3A_3949, %broadcast_in_dim3A_3958 : vector<16xi1>, vector<16xf32>
        %add3A_3960 = arith.constant 0 : i32
        %add3A_3961 = arith.addi %mul3A_159, %add3A_3960 : i32
        %swap3A_3962 = arith.index_cast %select_n3A_109 : i32 to index
        %swap3A_3963 = arith.index_cast %add3A_3961 : i32 to index
        %swap3A_3964 = arith.constant 480 : index
        %swap3A_3965 = tpu.vector_load %arg7[%swap3A_3962, %swap3A_3963, %swap3A_3964] {strides = array<i32>} : memref<2x16x512xf32, #tpu.memory_space<vmem>>, vector<1x1x16xf32>,
        %swap3A_3966 = vector.shape_cast %swap3A_3965 : vector<1x1x16xf32> to vector<16xf32>
        %swap3A_3967 = vector.shape_cast %select_n3A_3959 : vector<16xf32> to vector<1x1x16xf32>
        tpu.vector_store %arg7[%swap3A_3962, %swap3A_3963, %swap3A_3964], %swap3A_3967 {strides = array<i32>} : memref<2x16x512xf32, #tpu.memory_space<vmem>>, vector<1x1x16xf32>,
        %sub3A_3968 = arith.subf %get3A_3929, %get3A_176 : vector<16xf32>
        %sub3A_3969 = arith.subf %get3A_3935, %get3A_212 : vector<16xf32>
        %sub3A_3970 = arith.subf %get3A_3941, %get3A_248 : vector<16xf32>
        %mul3A_3971 = arith.mulf %sub3A_3968, %sub3A_3968 : vector<16xf32>
        %mul3A_3972 = arith.mulf %sub3A_3969, %sub3A_3969 : vector<16xf32>
        %add3A_3973 = arith.addf %mul3A_3971, %mul3A_3972 : vector<16xf32>
        %mul3A_3974 = arith.mulf %sub3A_3970, %sub3A_3970 : vector<16xf32>
        %add3A_3975 = arith.addf %add3A_3973, %mul3A_3974 : vector<16xf32>
        %lt3A_3976 = arith.constant 3.600000e+01 : f32
        %lt3A_3977 = vector.broadcast %lt3A_3976 : f32 to vector<16xf32>
        %lt3A_3978 = arith.cmpf olt, %add3A_3975, %lt3A_3977 : vector<16xf32>
        %gt3A_3979 = arith.constant 9.99999996E-13 : f32
        %gt3A_3980 = vector.broadcast %gt3A_3979 : f32 to vector<16xf32>
        %gt3A_3981 = arith.cmpf ogt, %add3A_3975, %gt3A_3980 : vector<16xf32>
        %and3A_3982 = arith.andi %lt3A_3978, %gt3A_3981 : vector<16xi1>
        %jit3A_3983 = arith.constant 0.000000e+00 : f32
        %broadcast_in_dim3A_3984 = vector.broadcast %jit3A_3983 : f32 to vector<16xf32>
        %select_n3A_3985 = arith.select %and3A_3982, %add3A_3975, %broadcast_in_dim3A_3984 : vector<16xi1>, vector<16xf32>
        %add3A_3986 = arith.constant 1 : i32
        %add3A_3987 = arith.addi %mul3A_159, %add3A_3986 : i32
        %swap3A_3988 = arith.index_cast %select_n3A_109 : i32 to index
        %swap3A_3989 = arith.index_cast %add3A_3987 : i32 to index
        %swap3A_3990 = arith.constant 480 : index
        %swap3A_3991 = tpu.vector_load %arg7[%swap3A_3988, %swap3A_3989, %swap3A_3990] {strides = array<i32>} : memref<2x16x512xf32, #tpu.memory_space<vmem>>, vector<1x1x16xf32>,
        %swap3A_3992 = vector.shape_cast %swap3A_3991 : vector<1x1x16xf32> to vector<16xf32>
        %swap3A_3993 = vector.shape_cast %select_n3A_3985 : vector<16xf32> to vector<1x1x16xf32>
        tpu.vector_store %arg7[%swap3A_3988, %swap3A_3989, %swap3A_3990], %swap3A_3993 {strides = array<i32>} : memref<2x16x512xf32, #tpu.memory_space<vmem>>, vector<1x1x16xf32>,
        %sub3A_3994 = arith.subf %get3A_3929, %get3A_185 : vector<16xf32>
        %sub3A_3995 = arith.subf %get3A_3935, %get3A_221 : vector<16xf32>
        %sub3A_3996 = arith.subf %get3A_3941, %get3A_257 : vector<16xf32>
        %mul3A_3997 = arith.mulf %sub3A_3994, %sub3A_3994 : vector<16xf32>
        %mul3A_3998 = arith.mulf %sub3A_3995, %sub3A_3995 : vector<16xf32>
        %add3A_3999 = arith.addf %mul3A_3997, %mul3A_3998 : vector<16xf32>
        %mul3A_4000 = arith.mulf %sub3A_3996, %sub3A_3996 : vector<16xf32>
        %add3A_4001 = arith.addf %add3A_3999, %mul3A_4000 : vector<16xf32>
        %lt3A_4002 = arith.constant 3.600000e+01 : f32
        %lt3A_4003 = vector.broadcast %lt3A_4002 : f32 to vector<16xf32>
        %lt3A_4004 = arith.cmpf olt, %add3A_4001, %lt3A_4003 : vector<16xf32>
        %gt3A_4005 = arith.constant 9.99999996E-13 : f32
        %gt3A_4006 = vector.broadcast %gt3A_4005 : f32 to vector<16xf32>
        %gt3A_4007 = arith.cmpf ogt, %add3A_4001, %gt3A_4006 : vector<16xf32>
        %and3A_4008 = arith.andi %lt3A_4004, %gt3A_4007 : vector<16xi1>
        %jit3A_4009 = arith.constant 0.000000e+00 : f32
        %broadcast_in_dim3A_4010 = vector.broadcast %jit3A_4009 : f32 to vector<16xf32>
        %select_n3A_4011 = arith.select %and3A_4008, %add3A_4001, %broadcast_in_dim3A_4010 : vector<16xi1>, vector<16xf32>
        %add3A_4012 = arith.constant 2 : i32
        %add3A_4013 = arith.addi %mul3A_159, %add3A_4012 : i32
        %swap3A_4014 = arith.index_cast %select_n3A_109 : i32 to index
        %swap3A_4015 = arith.index_cast %add3A_4013 : i32 to index
        %swap3A_4016 = arith.constant 480 : index
        %swap3A_4017 = tpu.vector_load %arg7[%swap3A_4014, %swap3A_4015, %swap3A_4016] {strides = array<i32>} : memref<2x16x512xf32, #tpu.memory_space<vmem>>, vector<1x1x16xf32>,
        %swap3A_4018 = vector.shape_cast %swap3A_4017 : vector<1x1x16xf32> to vector<16xf32>
        %swap3A_4019 = vector.shape_cast %select_n3A_4011 : vector<16xf32> to vector<1x1x16xf32>
        tpu.vector_store %arg7[%swap3A_4014, %swap3A_4015, %swap3A_4016], %swap3A_4019 {strides = array<i32>} : memref<2x16x512xf32, #tpu.memory_space<vmem>>, vector<1x1x16xf32>,
        %sub3A_4020 = arith.subf %get3A_3929, %get3A_194 : vector<16xf32>
        %sub3A_4021 = arith.subf %get3A_3935, %get3A_230 : vector<16xf32>
        %sub3A_4022 = arith.subf %get3A_3941, %get3A_266 : vector<16xf32>
        %mul3A_4023 = arith.mulf %sub3A_4020, %sub3A_4020 : vector<16xf32>
        %mul3A_4024 = arith.mulf %sub3A_4021, %sub3A_4021 : vector<16xf32>
        %add3A_4025 = arith.addf %mul3A_4023, %mul3A_4024 : vector<16xf32>
        %mul3A_4026 = arith.mulf %sub3A_4022, %sub3A_4022 : vector<16xf32>
        %add3A_4027 = arith.addf %add3A_4025, %mul3A_4026 : vector<16xf32>
        %lt3A_4028 = arith.constant 3.600000e+01 : f32
        %lt3A_4029 = vector.broadcast %lt3A_4028 : f32 to vector<16xf32>
        %lt3A_4030 = arith.cmpf olt, %add3A_4027, %lt3A_4029 : vector<16xf32>
        %gt3A_4031 = arith.constant 9.99999996E-13 : f32
        %gt3A_4032 = vector.broadcast %gt3A_4031 : f32 to vector<16xf32>
        %gt3A_4033 = arith.cmpf ogt, %add3A_4027, %gt3A_4032 : vector<16xf32>
        %and3A_4034 = arith.andi %lt3A_4030, %gt3A_4033 : vector<16xi1>
        %jit3A_4035 = arith.constant 0.000000e+00 : f32
        %broadcast_in_dim3A_4036 = vector.broadcast %jit3A_4035 : f32 to vector<16xf32>
        %select_n3A_4037 = arith.select %and3A_4034, %add3A_4027, %broadcast_in_dim3A_4036 : vector<16xi1>, vector<16xf32>
        %add3A_4038 = arith.constant 3 : i32
        %add3A_4039 = arith.addi %mul3A_159, %add3A_4038 : i32
        %swap3A_4040 = arith.index_cast %select_n3A_109 : i32 to index
        %swap3A_4041 = arith.index_cast %add3A_4039 : i32 to index
        %swap3A_4042 = arith.constant 480 : index
        %swap3A_4043 = tpu.vector_load %arg7[%swap3A_4040, %swap3A_4041, %swap3A_4042] {strides = array<i32>} : memref<2x16x512xf32, #tpu.memory_space<vmem>>, vector<1x1x16xf32>,
        %swap3A_4044 = vector.shape_cast %swap3A_4043 : vector<1x1x16xf32> to vector<16xf32>
        %swap3A_4045 = vector.shape_cast %select_n3A_4037 : vector<16xf32> to vector<1x1x16xf32>
        tpu.vector_store %arg7[%swap3A_4040, %swap3A_4041, %swap3A_4042], %swap3A_4045 {strides = array<i32>} : memref<2x16x512xf32, #tpu.memory_space<vmem>>, vector<1x1x16xf32>,
        %get3A_4046 = arith.constant 0 : i32
        %get3A_4047 = arith.index_cast %select_n3A_109 : i32 to index
        %get3A_4048 = arith.index_cast %get3A_4046 : i32 to index
        %get3A_4049 = arith.constant 496 : index
        %get3A_4050 = tpu.vector_load %arg5[%get3A_4047, %get3A_4048, %get3A_4049] {strides = array<i32>} : memref<2x3x512xf32, #tpu.memory_space<vmem>>, vector<1x1x16xf32>,
        %get3A_4051 = vector.shape_cast %get3A_4050 : vector<1x1x16xf32> to vector<16xf32>
        %get3A_4052 = arith.constant 1 : i32
        %get3A_4053 = arith.index_cast %select_n3A_109 : i32 to index
        %get3A_4054 = arith.index_cast %get3A_4052 : i32 to index
        %get3A_4055 = arith.constant 496 : index
        %get3A_4056 = tpu.vector_load %arg5[%get3A_4053, %get3A_4054, %get3A_4055] {strides = array<i32>} : memref<2x3x512xf32, #tpu.memory_space<vmem>>, vector<1x1x16xf32>,
        %get3A_4057 = vector.shape_cast %get3A_4056 : vector<1x1x16xf32> to vector<16xf32>
        %get3A_4058 = arith.constant 2 : i32
        %get3A_4059 = arith.index_cast %select_n3A_109 : i32 to index
        %get3A_4060 = arith.index_cast %get3A_4058 : i32 to index
        %get3A_4061 = arith.constant 496 : index
        %get3A_4062 = tpu.vector_load %arg5[%get3A_4059, %get3A_4060, %get3A_4061] {strides = array<i32>} : memref<2x3x512xf32, #tpu.memory_space<vmem>>, vector<1x1x16xf32>,
        %get3A_4063 = vector.shape_cast %get3A_4062 : vector<1x1x16xf32> to vector<16xf32>
        %sub3A_4064 = arith.subf %get3A_4051, %get3A_167 : vector<16xf32>
        %sub3A_4065 = arith.subf %get3A_4057, %get3A_203 : vector<16xf32>
        %sub3A_4066 = arith.subf %get3A_4063, %get3A_239 : vector<16xf32>
        %mul3A_4067 = arith.mulf %sub3A_4064, %sub3A_4064 : vector<16xf32>
        %mul3A_4068 = arith.mulf %sub3A_4065, %sub3A_4065 : vector<16xf32>
        %add3A_4069 = arith.addf %mul3A_4067, %mul3A_4068 : vector<16xf32>
        %mul3A_4070 = arith.mulf %sub3A_4066, %sub3A_4066 : vector<16xf32>
        %add3A_4071 = arith.addf %add3A_4069, %mul3A_4070 : vector<16xf32>
        %lt3A_4072 = arith.constant 3.600000e+01 : f32
        %lt3A_4073 = vector.broadcast %lt3A_4072 : f32 to vector<16xf32>
        %lt3A_4074 = arith.cmpf olt, %add3A_4071, %lt3A_4073 : vector<16xf32>
        %gt3A_4075 = arith.constant 9.99999996E-13 : f32
        %gt3A_4076 = vector.broadcast %gt3A_4075 : f32 to vector<16xf32>
        %gt3A_4077 = arith.cmpf ogt, %add3A_4071, %gt3A_4076 : vector<16xf32>
        %and3A_4078 = arith.andi %lt3A_4074, %gt3A_4077 : vector<16xi1>
        %jit3A_4079 = arith.constant 0.000000e+00 : f32
        %broadcast_in_dim3A_4080 = vector.broadcast %jit3A_4079 : f32 to vector<16xf32>
        %select_n3A_4081 = arith.select %and3A_4078, %add3A_4071, %broadcast_in_dim3A_4080 : vector<16xi1>, vector<16xf32>
        %add3A_4082 = arith.constant 0 : i32
        %add3A_4083 = arith.addi %mul3A_159, %add3A_4082 : i32
        %swap3A_4084 = arith.index_cast %select_n3A_109 : i32 to index
        %swap3A_4085 = arith.index_cast %add3A_4083 : i32 to index
        %swap3A_4086 = arith.constant 496 : index
        %swap3A_4087 = tpu.vector_load %arg7[%swap3A_4084, %swap3A_4085, %swap3A_4086] {strides = array<i32>} : memref<2x16x512xf32, #tpu.memory_space<vmem>>, vector<1x1x16xf32>,
        %swap3A_4088 = vector.shape_cast %swap3A_4087 : vector<1x1x16xf32> to vector<16xf32>
        %swap3A_4089 = vector.shape_cast %select_n3A_4081 : vector<16xf32> to vector<1x1x16xf32>
        tpu.vector_store %arg7[%swap3A_4084, %swap3A_4085, %swap3A_4086], %swap3A_4089 {strides = array<i32>} : memref<2x16x512xf32, #tpu.memory_space<vmem>>, vector<1x1x16xf32>,
        %sub3A_4090 = arith.subf %get3A_4051, %get3A_176 : vector<16xf32>
        %sub3A_4091 = arith.subf %get3A_4057, %get3A_212 : vector<16xf32>
        %sub3A_4092 = arith.subf %get3A_4063, %get3A_248 : vector<16xf32>
        %mul3A_4093 = arith.mulf %sub3A_4090, %sub3A_4090 : vector<16xf32>
        %mul3A_4094 = arith.mulf %sub3A_4091, %sub3A_4091 : vector<16xf32>
        %add3A_4095 = arith.addf %mul3A_4093, %mul3A_4094 : vector<16xf32>
        %mul3A_4096 = arith.mulf %sub3A_4092, %sub3A_4092 : vector<16xf32>
        %add3A_4097 = arith.addf %add3A_4095, %mul3A_4096 : vector<16xf32>
        %lt3A_4098 = arith.constant 3.600000e+01 : f32
        %lt3A_4099 = vector.broadcast %lt3A_4098 : f32 to vector<16xf32>
        %lt3A_4100 = arith.cmpf olt, %add3A_4097, %lt3A_4099 : vector<16xf32>
        %gt3A_4101 = arith.constant 9.99999996E-13 : f32
        %gt3A_4102 = vector.broadcast %gt3A_4101 : f32 to vector<16xf32>
        %gt3A_4103 = arith.cmpf ogt, %add3A_4097, %gt3A_4102 : vector<16xf32>
        %and3A_4104 = arith.andi %lt3A_4100, %gt3A_4103 : vector<16xi1>
        %jit3A_4105 = arith.constant 0.000000e+00 : f32
        %broadcast_in_dim3A_4106 = vector.broadcast %jit3A_4105 : f32 to vector<16xf32>
        %select_n3A_4107 = arith.select %and3A_4104, %add3A_4097, %broadcast_in_dim3A_4106 : vector<16xi1>, vector<16xf32>
        %add3A_4108 = arith.constant 1 : i32
        %add3A_4109 = arith.addi %mul3A_159, %add3A_4108 : i32
        %swap3A_4110 = arith.index_cast %select_n3A_109 : i32 to index
        %swap3A_4111 = arith.index_cast %add3A_4109 : i32 to index
        %swap3A_4112 = arith.constant 496 : index
        %swap3A_4113 = tpu.vector_load %arg7[%swap3A_4110, %swap3A_4111, %swap3A_4112] {strides = array<i32>} : memref<2x16x512xf32, #tpu.memory_space<vmem>>, vector<1x1x16xf32>,
        %swap3A_4114 = vector.shape_cast %swap3A_4113 : vector<1x1x16xf32> to vector<16xf32>
        %swap3A_4115 = vector.shape_cast %select_n3A_4107 : vector<16xf32> to vector<1x1x16xf32>
        tpu.vector_store %arg7[%swap3A_4110, %swap3A_4111, %swap3A_4112], %swap3A_4115 {strides = array<i32>} : memref<2x16x512xf32, #tpu.memory_space<vmem>>, vector<1x1x16xf32>,
        %sub3A_4116 = arith.subf %get3A_4051, %get3A_185 : vector<16xf32>
        %sub3A_4117 = arith.subf %get3A_4057, %get3A_221 : vector<16xf32>
        %sub3A_4118 = arith.subf %get3A_4063, %get3A_257 : vector<16xf32>
        %mul3A_4119 = arith.mulf %sub3A_4116, %sub3A_4116 : vector<16xf32>
        %mul3A_4120 = arith.mulf %sub3A_4117, %sub3A_4117 : vector<16xf32>
        %add3A_4121 = arith.addf %mul3A_4119, %mul3A_4120 : vector<16xf32>
        %mul3A_4122 = arith.mulf %sub3A_4118, %sub3A_4118 : vector<16xf32>
        %add3A_4123 = arith.addf %add3A_4121, %mul3A_4122 : vector<16xf32>
        %lt3A_4124 = arith.constant 3.600000e+01 : f32
        %lt3A_4125 = vector.broadcast %lt3A_4124 : f32 to vector<16xf32>
        %lt3A_4126 = arith.cmpf olt, %add3A_4123, %lt3A_4125 : vector<16xf32>
        %gt3A_4127 = arith.constant 9.99999996E-13 : f32
        %gt3A_4128 = vector.broadcast %gt3A_4127 : f32 to vector<16xf32>
        %gt3A_4129 = arith.cmpf ogt, %add3A_4123, %gt3A_4128 : vector<16xf32>
        %and3A_4130 = arith.andi %lt3A_4126, %gt3A_4129 : vector<16xi1>
        %jit3A_4131 = arith.constant 0.000000e+00 : f32
        %broadcast_in_dim3A_4132 = vector.broadcast %jit3A_4131 : f32 to vector<16xf32>
        %select_n3A_4133 = arith.select %and3A_4130, %add3A_4123, %broadcast_in_dim3A_4132 : vector<16xi1>, vector<16xf32>
        %add3A_4134 = arith.constant 2 : i32
        %add3A_4135 = arith.addi %mul3A_159, %add3A_4134 : i32
        %swap3A_4136 = arith.index_cast %select_n3A_109 : i32 to index
        %swap3A_4137 = arith.index_cast %add3A_4135 : i32 to index
        %swap3A_4138 = arith.constant 496 : index
        %swap3A_4139 = tpu.vector_load %arg7[%swap3A_4136, %swap3A_4137, %swap3A_4138] {strides = array<i32>} : memref<2x16x512xf32, #tpu.memory_space<vmem>>, vector<1x1x16xf32>,
        %swap3A_4140 = vector.shape_cast %swap3A_4139 : vector<1x1x16xf32> to vector<16xf32>
        %swap3A_4141 = vector.shape_cast %select_n3A_4133 : vector<16xf32> to vector<1x1x16xf32>
        tpu.vector_store %arg7[%swap3A_4136, %swap3A_4137, %swap3A_4138], %swap3A_4141 {strides = array<i32>} : memref<2x16x512xf32, #tpu.memory_space<vmem>>, vector<1x1x16xf32>,
        %sub3A_4142 = arith.subf %get3A_4051, %get3A_194 : vector<16xf32>
        %sub3A_4143 = arith.subf %get3A_4057, %get3A_230 : vector<16xf32>
        %sub3A_4144 = arith.subf %get3A_4063, %get3A_266 : vector<16xf32>
        %mul3A_4145 = arith.mulf %sub3A_4142, %sub3A_4142 : vector<16xf32>
        %mul3A_4146 = arith.mulf %sub3A_4143, %sub3A_4143 : vector<16xf32>
        %add3A_4147 = arith.addf %mul3A_4145, %mul3A_4146 : vector<16xf32>
        %mul3A_4148 = arith.mulf %sub3A_4144, %sub3A_4144 : vector<16xf32>
        %add3A_4149 = arith.addf %add3A_4147, %mul3A_4148 : vector<16xf32>
        %lt3A_4150 = arith.constant 3.600000e+01 : f32
        %lt3A_4151 = vector.broadcast %lt3A_4150 : f32 to vector<16xf32>
        %lt3A_4152 = arith.cmpf olt, %add3A_4149, %lt3A_4151 : vector<16xf32>
        %gt3A_4153 = arith.constant 9.99999996E-13 : f32
        %gt3A_4154 = vector.broadcast %gt3A_4153 : f32 to vector<16xf32>
        %gt3A_4155 = arith.cmpf ogt, %add3A_4149, %gt3A_4154 : vector<16xf32>
        %and3A_4156 = arith.andi %lt3A_4152, %gt3A_4155 : vector<16xi1>
        %jit3A_4157 = arith.constant 0.000000e+00 : f32
        %broadcast_in_dim3A_4158 = vector.broadcast %jit3A_4157 : f32 to vector<16xf32>
        %select_n3A_4159 = arith.select %and3A_4156, %add3A_4149, %broadcast_in_dim3A_4158 : vector<16xi1>, vector<16xf32>
        %add3A_4160 = arith.constant 3 : i32
        %add3A_4161 = arith.addi %mul3A_159, %add3A_4160 : i32
        %swap3A_4162 = arith.index_cast %select_n3A_109 : i32 to index
        %swap3A_4163 = arith.index_cast %add3A_4161 : i32 to index
        %swap3A_4164 = arith.constant 496 : index
        %swap3A_4165 = tpu.vector_load %arg7[%swap3A_4162, %swap3A_4163, %swap3A_4164] {strides = array<i32>} : memref<2x16x512xf32, #tpu.memory_space<vmem>>, vector<1x1x16xf32>,
        %swap3A_4166 = vector.shape_cast %swap3A_4165 : vector<1x1x16xf32> to vector<16xf32>
        %swap3A_4167 = vector.shape_cast %select_n3A_4159 : vector<16xf32> to vector<1x1x16xf32>
        tpu.vector_store %arg7[%swap3A_4162, %swap3A_4163, %swap3A_4164], %swap3A_4167 {strides = array<i32>} : memref<2x16x512xf32, #tpu.memory_space<vmem>>, vector<1x1x16xf32>,
      }
      %scan3A_142 = arith.constant 4 : i32
      %dma_start3A_143 = arith.constant 0 : i32
      %dma_start3A_144 = arith.constant 0 : i32
      %dma_start3A_145 = tpu.memref_slice %arg7[%select_n3A_109, %dma_start3A_143, %dma_start3A_144] : memref<2x16x512xf32, #tpu.memory_space<vmem>> -> memref<1x16x512xf32, #tpu.memory_space<vmem>>
      %dma_start3A_146 = tpu.memref_squeeze %dma_start3A_145 : memref<1x16x512xf32, #tpu.memory_space<vmem>> -> memref<16x512xf32, #tpu.memory_space<vmem>>
      %dma_start3A_147 = arith.constant 0 : i32
      %dma_start3A_148 = tpu.memref_slice %arg4[%select_n3A, %select_n3A_93, %mul3A_2, %dma_start3A_147] : memref<2x27x512x512xf32, #tpu.memory_space<hbm>> -> memref<1x1x16x512xf32, #tpu.memory_space<hbm>>
      %dma_start3A_149 = tpu.memref_squeeze %dma_start3A_148 : memref<1x1x16x512xf32, #tpu.memory_space<hbm>> -> memref<16x512xf32, #tpu.memory_space<hbm>>
      %dma_start3A_150 = arith.constant 0 : i32
      %dma_start3A_151 = tpu.memref_slice %arg4[%select_n3A, %select_n3A_93, %mul3A_2, %dma_start3A_150] : memref<2x27x512x512xf32, #tpu.memory_space<hbm>> -> memref<1x1x16x512xf32, #tpu.memory_space<hbm>>
      %dma_start3A_152 = tpu.memref_squeeze %dma_start3A_151 : memref<1x1x16x512xf32, #tpu.memory_space<hbm>> -> memref<16x512xf32, #tpu.memory_space<hbm>>
      %dma_start3A_153 = arith.constant 0 : i32
      %dma_start3A_154 = arith.constant 0 : i32
      %dma_start3A_155 = tpu.memref_slice %arg7[%select_n3A_109, %dma_start3A_153, %dma_start3A_154] : memref<2x16x512xf32, #tpu.memory_space<vmem>> -> memref<1x16x512xf32, #tpu.memory_space<vmem>>
      %dma_start3A_156 = tpu.memref_squeeze %dma_start3A_155 : memref<1x16x512xf32, #tpu.memory_space<vmem>> -> memref<16x512xf32, #tpu.memory_space<vmem>>
      tpu.enqueue_dma source(%dma_start3A_156 : memref<16x512xf32, #tpu.memory_space<vmem>>) target(%dma_start3A_152 : memref<16x512xf32, #tpu.memory_space<hbm>>) target_semaphore(%arg8 : memref<!tpu.dma_semaphore, #tpu.memory_space<semaphore_mem>>)
    }
    %scan3A_25 = arith.constant 18 : i32
    %dma_wait3A = arith.constant 0 : i32
    %dma_wait3A_26 = arith.constant 0 : i32
    %dma_wait3A_27 = arith.constant 0 : i32
    %dma_wait3A_28 = arith.constant 0 : i32
    %dma_wait3A_29 = arith.constant 0 : i32
    %dma_wait3A_30 = tpu.memref_slice %arg7[%dma_wait3A_27, %dma_wait3A_28, %dma_wait3A_29] : memref<2x16x512xf32, #tpu.memory_space<vmem>> -> memref<1x16x512xf32, #tpu.memory_space<vmem>>
    %dma_wait3A_31 = tpu.memref_squeeze %dma_wait3A_30 : memref<1x16x512xf32, #tpu.memory_space<vmem>> -> memref<16x512xf32, #tpu.memory_space<vmem>>
    %dma_wait3A_32 = arith.constant 0 : i32
    %dma_wait3A_33 = arith.constant 0 : i32
    %dma_wait3A_34 = tpu.memref_slice %arg4[%dma_wait3A, %dma_wait3A_26, %dma_wait3A_32, %dma_wait3A_33] : memref<2x27x512x512xf32, #tpu.memory_space<hbm>> -> memref<1x1x16x512xf32, #tpu.memory_space<hbm>>
    %dma_wait3A_35 = tpu.memref_squeeze %dma_wait3A_34 : memref<1x1x16x512xf32, #tpu.memory_space<hbm>> -> memref<16x512xf32, #tpu.memory_space<hbm>>
    %dma_wait3A_36 = arith.constant 0 : i32
    %dma_wait3A_37 = arith.constant 0 : i32
    %dma_wait3A_38 = tpu.memref_slice %arg7[%dma_wait3A_27, %dma_wait3A_36, %dma_wait3A_37] : memref<2x16x512xf32, #tpu.memory_space<vmem>> -> memref<1x16x512xf32, #tpu.memory_space<vmem>>
    %dma_wait3A_39 = tpu.memref_squeeze %dma_wait3A_38 : memref<1x16x512xf32, #tpu.memory_space<vmem>> -> memref<16x512xf32, #tpu.memory_space<vmem>>
    %dma_wait3A_40 = arith.constant 0 : i32
    %dma_wait3A_41 = arith.constant 0 : i32
    %dma_wait3A_42 = tpu.memref_slice %arg4[%dma_wait3A, %dma_wait3A_26, %dma_wait3A_40, %dma_wait3A_41] : memref<2x27x512x512xf32, #tpu.memory_space<hbm>> -> memref<1x1x16x512xf32, #tpu.memory_space<hbm>>
    %dma_wait3A_43 = tpu.memref_squeeze %dma_wait3A_42 : memref<1x1x16x512xf32, #tpu.memory_space<hbm>> -> memref<16x512xf32, #tpu.memory_space<hbm>>
    tpu.wait_dma2 semaphore(%arg8 : memref<!tpu.dma_semaphore, #tpu.memory_space<semaphore_mem>>) src(%dma_wait3A_43 : memref<16x512xf32, #tpu.memory_space<hbm>>) dst(%dma_wait3A_39 : memref<16x512xf32, #tpu.memory_space<vmem>>)
    %dma_wait3A_44 = arith.constant 0 : i32
    %dma_wait3A_45 = arith.constant 0 : i32
    %dma_wait3A_46 = arith.constant 0 : i32
    %dma_wait3A_47 = arith.constant 0 : i32
    %dma_wait3A_48 = arith.constant 0 : i32
    %dma_wait3A_49 = tpu.memref_slice %arg7[%dma_wait3A_46, %dma_wait3A_47, %dma_wait3A_48] : memref<2x16x512xf32, #tpu.memory_space<vmem>> -> memref<1x16x512xf32, #tpu.memory_space<vmem>>
    %dma_wait3A_50 = tpu.memref_squeeze %dma_wait3A_49 : memref<1x16x512xf32, #tpu.memory_space<vmem>> -> memref<16x512xf32, #tpu.memory_space<vmem>>
    %dma_wait3A_51 = arith.constant 0 : i32
    %dma_wait3A_52 = arith.constant 0 : i32
    %dma_wait3A_53 = tpu.memref_slice %arg4[%dma_wait3A_44, %dma_wait3A_45, %dma_wait3A_51, %dma_wait3A_52] : memref<2x27x512x512xf32, #tpu.memory_space<hbm>> -> memref<1x1x16x512xf32, #tpu.memory_space<hbm>>
    %dma_wait3A_54 = tpu.memref_squeeze %dma_wait3A_53 : memref<1x1x16x512xf32, #tpu.memory_space<hbm>> -> memref<16x512xf32, #tpu.memory_space<hbm>>
    %dma_wait3A_55 = arith.constant 0 : i32
    %dma_wait3A_56 = arith.constant 0 : i32
    %dma_wait3A_57 = tpu.memref_slice %arg7[%dma_wait3A_46, %dma_wait3A_55, %dma_wait3A_56] : memref<2x16x512xf32, #tpu.memory_space<vmem>> -> memref<1x16x512xf32, #tpu.memory_space<vmem>>
    %dma_wait3A_58 = tpu.memref_squeeze %dma_wait3A_57 : memref<1x16x512xf32, #tpu.memory_space<vmem>> -> memref<16x512xf32, #tpu.memory_space<vmem>>
    %dma_wait3A_59 = arith.constant 0 : i32
    %dma_wait3A_60 = arith.constant 0 : i32
    %dma_wait3A_61 = tpu.memref_slice %arg4[%dma_wait3A_44, %dma_wait3A_45, %dma_wait3A_59, %dma_wait3A_60] : memref<2x27x512x512xf32, #tpu.memory_space<hbm>> -> memref<1x1x16x512xf32, #tpu.memory_space<hbm>>
    %dma_wait3A_62 = tpu.memref_squeeze %dma_wait3A_61 : memref<1x1x16x512xf32, #tpu.memory_space<hbm>> -> memref<16x512xf32, #tpu.memory_space<hbm>>
    tpu.wait_dma2 semaphore(%arg8 : memref<!tpu.dma_semaphore, #tpu.memory_space<semaphore_mem>>) src(%dma_wait3A_62 : memref<16x512xf32, #tpu.memory_space<hbm>>) dst(%dma_wait3A_58 : memref<16x512xf32, #tpu.memory_space<vmem>>)
    return
  }
}

module attributes {stable_mosaic.version = 14 : i64} {
  func.func @_tc_body(%arg0: i32, %arg1: i32, %arg2: memref<1x3x3x512xf32, #tpu.memory_space<vmem>>, %arg3: memref<1x512x3xf32, #tpu.memory_space<vmem>>, %arg4: memref<1x1x512xf32, #tpu.memory_space<vmem>>, %arg5: memref<1x512x1xf32, #tpu.memory_space<vmem>>, %arg6: memref<1x3x3x512x512xf32, #tpu.memory_space<vmem>>, %arg7: memref<1x3x512x512xi32, #tpu.memory_space<vmem>>) attributes {dimension_semantics = [#tpu.dimension_semantics<arbitrary>, #tpu.dimension_semantics<arbitrary>], iteration_bounds = array<i64: 2, 9>, scalar_prefetch = 0 : i64, scratch_operands = 0 : i64, tpu.core_type = #tpu.core_type<tc>, window_params = [{transform_indices = @transform_0, window_bounds = array<i64: 1, 3, 3, 512>}, {transform_indices = @transform_1, window_bounds = array<i64: 1, 512, 3>}, {transform_indices = @transform_2, window_bounds = array<i64: 1, 1, 512>}, {transform_indices = @transform_3, window_bounds = array<i64: 1, 512, 1>}, {transform_indices = @transform_4, window_bounds = array<i64: 1, 3, 3, 512, 512>}, {transform_indices = @transform_5, window_bounds = array<i64: 1, 3, 512, 512>}]} {
    %get3A = arith.constant 0 : index
    %get3A_0 = arith.constant 0 : index
    %get3A_1 = arith.constant 0 : index
    %get3A_2 = vector.load %arg3[%get3A, %get3A_0, %get3A_1] : memref<1x512x3xf32, #tpu.memory_space<vmem>>, vector<1x512x3xf32>
    %get3A_3 = vector.shape_cast %get3A_2 : vector<1x512x3xf32> to vector<512x3xf32>
    %get3A_4 = arith.constant 0 : index
    %get3A_5 = arith.constant 0 : index
    %get3A_6 = arith.constant 0 : index
    %get3A_7 = vector.load %arg4[%get3A_4, %get3A_5, %get3A_6] : memref<1x1x512xf32, #tpu.memory_space<vmem>>, vector<1x1x512xf32>
    %get3A_8 = vector.shape_cast %get3A_7 : vector<1x1x512xf32> to vector<1x512xf32>
    %gt3A = arith.constant 0.000000e+00 : f32
    %gt3A_9 = vector.broadcast %gt3A : f32 to vector<1x512xf32>
    %gt3A_10 = arith.cmpf ogt, %get3A_8, %gt3A_9 : vector<1x512xf32>
    %get3A_11 = arith.constant 0 : index
    %get3A_12 = arith.constant 0 : index
    %get3A_13 = arith.constant 0 : index
    %get3A_14 = vector.load %arg5[%get3A_11, %get3A_12, %get3A_13] : memref<1x512x1xf32, #tpu.memory_space<vmem>>, vector<1x512x1xf32>
    %get3A_15 = vector.shape_cast %get3A_14 : vector<1x512x1xf32> to vector<512x1xf32>
    %gt3A_16 = arith.constant 0.000000e+00 : f32
    %gt3A_17 = vector.broadcast %gt3A_16 : f32 to vector<512x1xf32>
    %gt3A_18 = arith.cmpf ogt, %get3A_15, %gt3A_17 : vector<512x1xf32>
    %get3A_19 = arith.constant 0 : index
    %get3A_20 = arith.constant 0 : index
    %get3A_21 = arith.constant 0 : index
    %get3A_22 = arith.constant 0 : index
    %get3A_23 = vector.load %arg2[%get3A_19, %get3A_20, %get3A_21, %get3A_22] : memref<1x3x3x512xf32, #tpu.memory_space<vmem>>, vector<1x1x3x512xf32>
    %get3A_24 = vector.shape_cast %get3A_23 : vector<1x1x3x512xf32> to vector<3x512xf32>
    %slice3A = vector.extract_strided_slice %get3A_24 {offsets = [0, 0], sizes = [1, 512], strides = [1, 1]} : vector<3x512xf32> to vector<1x512xf32>
    %slice3A_25 = vector.extract_strided_slice %get3A_3 {offsets = [0, 0], sizes = [512, 1], strides = [1, 1]} : vector<512x3xf32> to vector<512x1xf32>
    %sub3A = vector.broadcast %slice3A : vector<1x512xf32> to vector<512x512xf32>
    %sub3A_26 = vector.broadcast %slice3A_25 : vector<512x1xf32> to vector<512x512xf32>
    %sub3A_27 = arith.subf %sub3A, %sub3A_26 : vector<512x512xf32>
    %slice3A_28 = vector.extract_strided_slice %get3A_24 {offsets = [1, 0], sizes = [1, 512], strides = [1, 1]} : vector<3x512xf32> to vector<1x512xf32>
    %slice3A_29 = vector.extract_strided_slice %get3A_3 {offsets = [0, 1], sizes = [512, 1], strides = [1, 1]} : vector<512x3xf32> to vector<512x1xf32>
    %sub3A_30 = vector.broadcast %slice3A_28 : vector<1x512xf32> to vector<512x512xf32>
    %sub3A_31 = vector.broadcast %slice3A_29 : vector<512x1xf32> to vector<512x512xf32>
    %sub3A_32 = arith.subf %sub3A_30, %sub3A_31 : vector<512x512xf32>
    %slice3A_33 = vector.extract_strided_slice %get3A_24 {offsets = [2, 0], sizes = [1, 512], strides = [1, 1]} : vector<3x512xf32> to vector<1x512xf32>
    %slice3A_34 = vector.extract_strided_slice %get3A_3 {offsets = [0, 2], sizes = [512, 1], strides = [1, 1]} : vector<512x3xf32> to vector<512x1xf32>
    %sub3A_35 = vector.broadcast %slice3A_33 : vector<1x512xf32> to vector<512x512xf32>
    %sub3A_36 = vector.broadcast %slice3A_34 : vector<512x1xf32> to vector<512x512xf32>
    %sub3A_37 = arith.subf %sub3A_35, %sub3A_36 : vector<512x512xf32>
    %mul3A = arith.mulf %sub3A_27, %sub3A_27 : vector<512x512xf32>
    %mul3A_38 = arith.mulf %sub3A_32, %sub3A_32 : vector<512x512xf32>
    %add3A = arith.addf %mul3A, %mul3A_38 : vector<512x512xf32>
    %mul3A_39 = arith.mulf %sub3A_37, %sub3A_37 : vector<512x512xf32>
    %add3A_40 = arith.addf %add3A, %mul3A_39 : vector<512x512xf32>
    %lt3A = arith.constant 3.600000e+01 : f32
    %lt3A_41 = vector.broadcast %lt3A : f32 to vector<512x512xf32>
    %lt3A_42 = arith.cmpf olt, %add3A_40, %lt3A_41 : vector<512x512xf32>
    %gt3A_43 = arith.constant 9.99999996E-13 : f32
    %gt3A_44 = vector.broadcast %gt3A_43 : f32 to vector<512x512xf32>
    %gt3A_45 = arith.cmpf ogt, %add3A_40, %gt3A_44 : vector<512x512xf32>
    %and3A = arith.andi %lt3A_42, %gt3A_45 : vector<512x512xi1>
    %and3A_46 = vector.broadcast %gt3A_10 : vector<1x512xi1> to vector<512x512xi1>
    %and3A_47 = arith.andi %and3A, %and3A_46 : vector<512x512xi1>
    %and3A_48 = vector.broadcast %gt3A_18 : vector<512x1xi1> to vector<512x512xi1>
    %and3A_49 = arith.andi %and3A_47, %and3A_48 : vector<512x512xi1>
    %swap3A = arith.constant 0 : index
    %swap3A_50 = arith.constant 0 : index
    %swap3A_51 = arith.constant 0 : index
    %swap3A_52 = arith.constant 0 : index
    %swap3A_53 = vector.load %arg7[%swap3A, %swap3A_50, %swap3A_51, %swap3A_52] : memref<1x3x512x512xi32, #tpu.memory_space<vmem>>, vector<1x1x512x512xi32>
    %swap3A_54 = arith.extui %and3A_49 : vector<512x512xi1> to vector<512x512xi32>
    %swap3A_55 = vector.shape_cast %swap3A_53 : vector<1x1x512x512xi32> to vector<512x512xi32>
    %swap3A_56 = vector.shape_cast %swap3A_54 : vector<512x512xi32> to vector<1x1x512x512xi32>
    %swap3A_57 = arith.constant dense<0> : vector<512x512xi32>
    %swap3A_58 = arith.cmpi ne, %swap3A_55, %swap3A_57 : vector<512x512xi32>
    tpu.vector_store %arg7[%swap3A, %swap3A_50, %swap3A_51, %swap3A_52], %swap3A_56 {strides = array<i32>} : memref<1x3x512x512xi32, #tpu.memory_space<vmem>>, vector<1x1x512x512xi32>,
    %jit3A = arith.constant 0.000000e+00 : f32
    %broadcast_in_dim3A = vector.broadcast %jit3A : f32 to vector<512x512xf32>
    %select_n3A = arith.select %and3A_49, %sub3A_27, %broadcast_in_dim3A : vector<512x512xi1>, vector<512x512xf32>
    %swap3A_59 = arith.constant 0 : index
    %swap3A_60 = arith.constant 0 : index
    %swap3A_61 = arith.constant 0 : index
    %swap3A_62 = arith.constant 0 : index
    %swap3A_63 = arith.constant 0 : index
    %swap3A_64 = vector.load %arg6[%swap3A_59, %swap3A_60, %swap3A_61, %swap3A_62, %swap3A_63] : memref<1x3x3x512x512xf32, #tpu.memory_space<vmem>>, vector<1x1x1x512x512xf32>
    %swap3A_65 = vector.shape_cast %swap3A_64 : vector<1x1x1x512x512xf32> to vector<512x512xf32>
    %swap3A_66 = vector.shape_cast %select_n3A : vector<512x512xf32> to vector<1x1x1x512x512xf32>
    tpu.vector_store %arg6[%swap3A_59, %swap3A_60, %swap3A_61, %swap3A_62, %swap3A_63], %swap3A_66 {strides = array<i32>} : memref<1x3x3x512x512xf32, #tpu.memory_space<vmem>>, vector<1x1x1x512x512xf32>,
    %jit3A_67 = arith.constant 0.000000e+00 : f32
    %broadcast_in_dim3A_68 = vector.broadcast %jit3A_67 : f32 to vector<512x512xf32>
    %select_n3A_69 = arith.select %and3A_49, %sub3A_32, %broadcast_in_dim3A_68 : vector<512x512xi1>, vector<512x512xf32>
    %swap3A_70 = arith.constant 0 : index
    %swap3A_71 = arith.constant 0 : index
    %swap3A_72 = arith.constant 1 : index
    %swap3A_73 = arith.constant 0 : index
    %swap3A_74 = arith.constant 0 : index
    %swap3A_75 = vector.load %arg6[%swap3A_70, %swap3A_71, %swap3A_72, %swap3A_73, %swap3A_74] : memref<1x3x3x512x512xf32, #tpu.memory_space<vmem>>, vector<1x1x1x512x512xf32>
    %swap3A_76 = vector.shape_cast %swap3A_75 : vector<1x1x1x512x512xf32> to vector<512x512xf32>
    %swap3A_77 = vector.shape_cast %select_n3A_69 : vector<512x512xf32> to vector<1x1x1x512x512xf32>
    tpu.vector_store %arg6[%swap3A_70, %swap3A_71, %swap3A_72, %swap3A_73, %swap3A_74], %swap3A_77 {strides = array<i32>} : memref<1x3x3x512x512xf32, #tpu.memory_space<vmem>>, vector<1x1x1x512x512xf32>,
    %jit3A_78 = arith.constant 0.000000e+00 : f32
    %broadcast_in_dim3A_79 = vector.broadcast %jit3A_78 : f32 to vector<512x512xf32>
    %select_n3A_80 = arith.select %and3A_49, %sub3A_37, %broadcast_in_dim3A_79 : vector<512x512xi1>, vector<512x512xf32>
    %swap3A_81 = arith.constant 0 : index
    %swap3A_82 = arith.constant 0 : index
    %swap3A_83 = arith.constant 2 : index
    %swap3A_84 = arith.constant 0 : index
    %swap3A_85 = arith.constant 0 : index
    %swap3A_86 = vector.load %arg6[%swap3A_81, %swap3A_82, %swap3A_83, %swap3A_84, %swap3A_85] : memref<1x3x3x512x512xf32, #tpu.memory_space<vmem>>, vector<1x1x1x512x512xf32>
    %swap3A_87 = vector.shape_cast %swap3A_86 : vector<1x1x1x512x512xf32> to vector<512x512xf32>
    %swap3A_88 = vector.shape_cast %select_n3A_80 : vector<512x512xf32> to vector<1x1x1x512x512xf32>
    tpu.vector_store %arg6[%swap3A_81, %swap3A_82, %swap3A_83, %swap3A_84, %swap3A_85], %swap3A_88 {strides = array<i32>} : memref<1x3x3x512x512xf32, #tpu.memory_space<vmem>>, vector<1x1x1x512x512xf32>,
    %get3A_89 = arith.constant 0 : index
    %get3A_90 = arith.constant 1 : index
    %get3A_91 = arith.constant 0 : index
    %get3A_92 = arith.constant 0 : index
    %get3A_93 = vector.load %arg2[%get3A_89, %get3A_90, %get3A_91, %get3A_92] : memref<1x3x3x512xf32, #tpu.memory_space<vmem>>, vector<1x1x3x512xf32>
    %get3A_94 = vector.shape_cast %get3A_93 : vector<1x1x3x512xf32> to vector<3x512xf32>
    %slice3A_95 = vector.extract_strided_slice %get3A_94 {offsets = [0, 0], sizes = [1, 512], strides = [1, 1]} : vector<3x512xf32> to vector<1x512xf32>
    %slice3A_96 = vector.extract_strided_slice %get3A_3 {offsets = [0, 0], sizes = [512, 1], strides = [1, 1]} : vector<512x3xf32> to vector<512x1xf32>
    %sub3A_97 = vector.broadcast %slice3A_95 : vector<1x512xf32> to vector<512x512xf32>
    %sub3A_98 = vector.broadcast %slice3A_96 : vector<512x1xf32> to vector<512x512xf32>
    %sub3A_99 = arith.subf %sub3A_97, %sub3A_98 : vector<512x512xf32>
    %slice3A_100 = vector.extract_strided_slice %get3A_94 {offsets = [1, 0], sizes = [1, 512], strides = [1, 1]} : vector<3x512xf32> to vector<1x512xf32>
    %slice3A_101 = vector.extract_strided_slice %get3A_3 {offsets = [0, 1], sizes = [512, 1], strides = [1, 1]} : vector<512x3xf32> to vector<512x1xf32>
    %sub3A_102 = vector.broadcast %slice3A_100 : vector<1x512xf32> to vector<512x512xf32>
    %sub3A_103 = vector.broadcast %slice3A_101 : vector<512x1xf32> to vector<512x512xf32>
    %sub3A_104 = arith.subf %sub3A_102, %sub3A_103 : vector<512x512xf32>
    %slice3A_105 = vector.extract_strided_slice %get3A_94 {offsets = [2, 0], sizes = [1, 512], strides = [1, 1]} : vector<3x512xf32> to vector<1x512xf32>
    %slice3A_106 = vector.extract_strided_slice %get3A_3 {offsets = [0, 2], sizes = [512, 1], strides = [1, 1]} : vector<512x3xf32> to vector<512x1xf32>
    %sub3A_107 = vector.broadcast %slice3A_105 : vector<1x512xf32> to vector<512x512xf32>
    %sub3A_108 = vector.broadcast %slice3A_106 : vector<512x1xf32> to vector<512x512xf32>
    %sub3A_109 = arith.subf %sub3A_107, %sub3A_108 : vector<512x512xf32>
    %mul3A_110 = arith.mulf %sub3A_99, %sub3A_99 : vector<512x512xf32>
    %mul3A_111 = arith.mulf %sub3A_104, %sub3A_104 : vector<512x512xf32>
    %add3A_112 = arith.addf %mul3A_110, %mul3A_111 : vector<512x512xf32>
    %mul3A_113 = arith.mulf %sub3A_109, %sub3A_109 : vector<512x512xf32>
    %add3A_114 = arith.addf %add3A_112, %mul3A_113 : vector<512x512xf32>
    %lt3A_115 = arith.constant 3.600000e+01 : f32
    %lt3A_116 = vector.broadcast %lt3A_115 : f32 to vector<512x512xf32>
    %lt3A_117 = arith.cmpf olt, %add3A_114, %lt3A_116 : vector<512x512xf32>
    %gt3A_118 = arith.constant 9.99999996E-13 : f32
    %gt3A_119 = vector.broadcast %gt3A_118 : f32 to vector<512x512xf32>
    %gt3A_120 = arith.cmpf ogt, %add3A_114, %gt3A_119 : vector<512x512xf32>
    %and3A_121 = arith.andi %lt3A_117, %gt3A_120 : vector<512x512xi1>
    %and3A_122 = vector.broadcast %gt3A_10 : vector<1x512xi1> to vector<512x512xi1>
    %and3A_123 = arith.andi %and3A_121, %and3A_122 : vector<512x512xi1>
    %and3A_124 = vector.broadcast %gt3A_18 : vector<512x1xi1> to vector<512x512xi1>
    %and3A_125 = arith.andi %and3A_123, %and3A_124 : vector<512x512xi1>
    %swap3A_126 = arith.constant 0 : index
    %swap3A_127 = arith.constant 1 : index
    %swap3A_128 = arith.constant 0 : index
    %swap3A_129 = arith.constant 0 : index
    %swap3A_130 = vector.load %arg7[%swap3A_126, %swap3A_127, %swap3A_128, %swap3A_129] : memref<1x3x512x512xi32, #tpu.memory_space<vmem>>, vector<1x1x512x512xi32>
    %swap3A_131 = arith.extui %and3A_125 : vector<512x512xi1> to vector<512x512xi32>
    %swap3A_132 = vector.shape_cast %swap3A_130 : vector<1x1x512x512xi32> to vector<512x512xi32>
    %swap3A_133 = vector.shape_cast %swap3A_131 : vector<512x512xi32> to vector<1x1x512x512xi32>
    %swap3A_134 = arith.constant dense<0> : vector<512x512xi32>
    %swap3A_135 = arith.cmpi ne, %swap3A_132, %swap3A_134 : vector<512x512xi32>
    tpu.vector_store %arg7[%swap3A_126, %swap3A_127, %swap3A_128, %swap3A_129], %swap3A_133 {strides = array<i32>} : memref<1x3x512x512xi32, #tpu.memory_space<vmem>>, vector<1x1x512x512xi32>,
    %jit3A_136 = arith.constant 0.000000e+00 : f32
    %broadcast_in_dim3A_137 = vector.broadcast %jit3A_136 : f32 to vector<512x512xf32>
    %select_n3A_138 = arith.select %and3A_125, %sub3A_99, %broadcast_in_dim3A_137 : vector<512x512xi1>, vector<512x512xf32>
    %swap3A_139 = arith.constant 0 : index
    %swap3A_140 = arith.constant 1 : index
    %swap3A_141 = arith.constant 0 : index
    %swap3A_142 = arith.constant 0 : index
    %swap3A_143 = arith.constant 0 : index
    %swap3A_144 = vector.load %arg6[%swap3A_139, %swap3A_140, %swap3A_141, %swap3A_142, %swap3A_143] : memref<1x3x3x512x512xf32, #tpu.memory_space<vmem>>, vector<1x1x1x512x512xf32>
    %swap3A_145 = vector.shape_cast %swap3A_144 : vector<1x1x1x512x512xf32> to vector<512x512xf32>
    %swap3A_146 = vector.shape_cast %select_n3A_138 : vector<512x512xf32> to vector<1x1x1x512x512xf32>
    tpu.vector_store %arg6[%swap3A_139, %swap3A_140, %swap3A_141, %swap3A_142, %swap3A_143], %swap3A_146 {strides = array<i32>} : memref<1x3x3x512x512xf32, #tpu.memory_space<vmem>>, vector<1x1x1x512x512xf32>,
    %jit3A_147 = arith.constant 0.000000e+00 : f32
    %broadcast_in_dim3A_148 = vector.broadcast %jit3A_147 : f32 to vector<512x512xf32>
    %select_n3A_149 = arith.select %and3A_125, %sub3A_104, %broadcast_in_dim3A_148 : vector<512x512xi1>, vector<512x512xf32>
    %swap3A_150 = arith.constant 0 : index
    %swap3A_151 = arith.constant 1 : index
    %swap3A_152 = arith.constant 1 : index
    %swap3A_153 = arith.constant 0 : index
    %swap3A_154 = arith.constant 0 : index
    %swap3A_155 = vector.load %arg6[%swap3A_150, %swap3A_151, %swap3A_152, %swap3A_153, %swap3A_154] : memref<1x3x3x512x512xf32, #tpu.memory_space<vmem>>, vector<1x1x1x512x512xf32>
    %swap3A_156 = vector.shape_cast %swap3A_155 : vector<1x1x1x512x512xf32> to vector<512x512xf32>
    %swap3A_157 = vector.shape_cast %select_n3A_149 : vector<512x512xf32> to vector<1x1x1x512x512xf32>
    tpu.vector_store %arg6[%swap3A_150, %swap3A_151, %swap3A_152, %swap3A_153, %swap3A_154], %swap3A_157 {strides = array<i32>} : memref<1x3x3x512x512xf32, #tpu.memory_space<vmem>>, vector<1x1x1x512x512xf32>,
    %jit3A_158 = arith.constant 0.000000e+00 : f32
    %broadcast_in_dim3A_159 = vector.broadcast %jit3A_158 : f32 to vector<512x512xf32>
    %select_n3A_160 = arith.select %and3A_125, %sub3A_109, %broadcast_in_dim3A_159 : vector<512x512xi1>, vector<512x512xf32>
    %swap3A_161 = arith.constant 0 : index
    %swap3A_162 = arith.constant 1 : index
    %swap3A_163 = arith.constant 2 : index
    %swap3A_164 = arith.constant 0 : index
    %swap3A_165 = arith.constant 0 : index
    %swap3A_166 = vector.load %arg6[%swap3A_161, %swap3A_162, %swap3A_163, %swap3A_164, %swap3A_165] : memref<1x3x3x512x512xf32, #tpu.memory_space<vmem>>, vector<1x1x1x512x512xf32>
    %swap3A_167 = vector.shape_cast %swap3A_166 : vector<1x1x1x512x512xf32> to vector<512x512xf32>
    %swap3A_168 = vector.shape_cast %select_n3A_160 : vector<512x512xf32> to vector<1x1x1x512x512xf32>
    tpu.vector_store %arg6[%swap3A_161, %swap3A_162, %swap3A_163, %swap3A_164, %swap3A_165], %swap3A_168 {strides = array<i32>} : memref<1x3x3x512x512xf32, #tpu.memory_space<vmem>>, vector<1x1x1x512x512xf32>,
    %get3A_169 = arith.constant 0 : index
    %get3A_170 = arith.constant 2 : index
    %get3A_171 = arith.constant 0 : index
    %get3A_172 = arith.constant 0 : index
    %get3A_173 = vector.load %arg2[%get3A_169, %get3A_170, %get3A_171, %get3A_172] : memref<1x3x3x512xf32, #tpu.memory_space<vmem>>, vector<1x1x3x512xf32>
    %get3A_174 = vector.shape_cast %get3A_173 : vector<1x1x3x512xf32> to vector<3x512xf32>
    %slice3A_175 = vector.extract_strided_slice %get3A_174 {offsets = [0, 0], sizes = [1, 512], strides = [1, 1]} : vector<3x512xf32> to vector<1x512xf32>
    %slice3A_176 = vector.extract_strided_slice %get3A_3 {offsets = [0, 0], sizes = [512, 1], strides = [1, 1]} : vector<512x3xf32> to vector<512x1xf32>
    %sub3A_177 = vector.broadcast %slice3A_175 : vector<1x512xf32> to vector<512x512xf32>
    %sub3A_178 = vector.broadcast %slice3A_176 : vector<512x1xf32> to vector<512x512xf32>
    %sub3A_179 = arith.subf %sub3A_177, %sub3A_178 : vector<512x512xf32>
    %slice3A_180 = vector.extract_strided_slice %get3A_174 {offsets = [1, 0], sizes = [1, 512], strides = [1, 1]} : vector<3x512xf32> to vector<1x512xf32>
    %slice3A_181 = vector.extract_strided_slice %get3A_3 {offsets = [0, 1], sizes = [512, 1], strides = [1, 1]} : vector<512x3xf32> to vector<512x1xf32>
    %sub3A_182 = vector.broadcast %slice3A_180 : vector<1x512xf32> to vector<512x512xf32>
    %sub3A_183 = vector.broadcast %slice3A_181 : vector<512x1xf32> to vector<512x512xf32>
    %sub3A_184 = arith.subf %sub3A_182, %sub3A_183 : vector<512x512xf32>
    %slice3A_185 = vector.extract_strided_slice %get3A_174 {offsets = [2, 0], sizes = [1, 512], strides = [1, 1]} : vector<3x512xf32> to vector<1x512xf32>
    %slice3A_186 = vector.extract_strided_slice %get3A_3 {offsets = [0, 2], sizes = [512, 1], strides = [1, 1]} : vector<512x3xf32> to vector<512x1xf32>
    %sub3A_187 = vector.broadcast %slice3A_185 : vector<1x512xf32> to vector<512x512xf32>
    %sub3A_188 = vector.broadcast %slice3A_186 : vector<512x1xf32> to vector<512x512xf32>
    %sub3A_189 = arith.subf %sub3A_187, %sub3A_188 : vector<512x512xf32>
    %mul3A_190 = arith.mulf %sub3A_179, %sub3A_179 : vector<512x512xf32>
    %mul3A_191 = arith.mulf %sub3A_184, %sub3A_184 : vector<512x512xf32>
    %add3A_192 = arith.addf %mul3A_190, %mul3A_191 : vector<512x512xf32>
    %mul3A_193 = arith.mulf %sub3A_189, %sub3A_189 : vector<512x512xf32>
    %add3A_194 = arith.addf %add3A_192, %mul3A_193 : vector<512x512xf32>
    %lt3A_195 = arith.constant 3.600000e+01 : f32
    %lt3A_196 = vector.broadcast %lt3A_195 : f32 to vector<512x512xf32>
    %lt3A_197 = arith.cmpf olt, %add3A_194, %lt3A_196 : vector<512x512xf32>
    %gt3A_198 = arith.constant 9.99999996E-13 : f32
    %gt3A_199 = vector.broadcast %gt3A_198 : f32 to vector<512x512xf32>
    %gt3A_200 = arith.cmpf ogt, %add3A_194, %gt3A_199 : vector<512x512xf32>
    %and3A_201 = arith.andi %lt3A_197, %gt3A_200 : vector<512x512xi1>
    %and3A_202 = vector.broadcast %gt3A_10 : vector<1x512xi1> to vector<512x512xi1>
    %and3A_203 = arith.andi %and3A_201, %and3A_202 : vector<512x512xi1>
    %and3A_204 = vector.broadcast %gt3A_18 : vector<512x1xi1> to vector<512x512xi1>
    %and3A_205 = arith.andi %and3A_203, %and3A_204 : vector<512x512xi1>
    %swap3A_206 = arith.constant 0 : index
    %swap3A_207 = arith.constant 2 : index
    %swap3A_208 = arith.constant 0 : index
    %swap3A_209 = arith.constant 0 : index
    %swap3A_210 = vector.load %arg7[%swap3A_206, %swap3A_207, %swap3A_208, %swap3A_209] : memref<1x3x512x512xi32, #tpu.memory_space<vmem>>, vector<1x1x512x512xi32>
    %swap3A_211 = arith.extui %and3A_205 : vector<512x512xi1> to vector<512x512xi32>
    %swap3A_212 = vector.shape_cast %swap3A_210 : vector<1x1x512x512xi32> to vector<512x512xi32>
    %swap3A_213 = vector.shape_cast %swap3A_211 : vector<512x512xi32> to vector<1x1x512x512xi32>
    %swap3A_214 = arith.constant dense<0> : vector<512x512xi32>
    %swap3A_215 = arith.cmpi ne, %swap3A_212, %swap3A_214 : vector<512x512xi32>
    tpu.vector_store %arg7[%swap3A_206, %swap3A_207, %swap3A_208, %swap3A_209], %swap3A_213 {strides = array<i32>} : memref<1x3x512x512xi32, #tpu.memory_space<vmem>>, vector<1x1x512x512xi32>,
    %jit3A_216 = arith.constant 0.000000e+00 : f32
    %broadcast_in_dim3A_217 = vector.broadcast %jit3A_216 : f32 to vector<512x512xf32>
    %select_n3A_218 = arith.select %and3A_205, %sub3A_179, %broadcast_in_dim3A_217 : vector<512x512xi1>, vector<512x512xf32>
    %swap3A_219 = arith.constant 0 : index
    %swap3A_220 = arith.constant 2 : index
    %swap3A_221 = arith.constant 0 : index
    %swap3A_222 = arith.constant 0 : index
    %swap3A_223 = arith.constant 0 : index
    %swap3A_224 = vector.load %arg6[%swap3A_219, %swap3A_220, %swap3A_221, %swap3A_222, %swap3A_223] : memref<1x3x3x512x512xf32, #tpu.memory_space<vmem>>, vector<1x1x1x512x512xf32>
    %swap3A_225 = vector.shape_cast %swap3A_224 : vector<1x1x1x512x512xf32> to vector<512x512xf32>
    %swap3A_226 = vector.shape_cast %select_n3A_218 : vector<512x512xf32> to vector<1x1x1x512x512xf32>
    tpu.vector_store %arg6[%swap3A_219, %swap3A_220, %swap3A_221, %swap3A_222, %swap3A_223], %swap3A_226 {strides = array<i32>} : memref<1x3x3x512x512xf32, #tpu.memory_space<vmem>>, vector<1x1x1x512x512xf32>,
    %jit3A_227 = arith.constant 0.000000e+00 : f32
    %broadcast_in_dim3A_228 = vector.broadcast %jit3A_227 : f32 to vector<512x512xf32>
    %select_n3A_229 = arith.select %and3A_205, %sub3A_184, %broadcast_in_dim3A_228 : vector<512x512xi1>, vector<512x512xf32>
    %swap3A_230 = arith.constant 0 : index
    %swap3A_231 = arith.constant 2 : index
    %swap3A_232 = arith.constant 1 : index
    %swap3A_233 = arith.constant 0 : index
    %swap3A_234 = arith.constant 0 : index
    %swap3A_235 = vector.load %arg6[%swap3A_230, %swap3A_231, %swap3A_232, %swap3A_233, %swap3A_234] : memref<1x3x3x512x512xf32, #tpu.memory_space<vmem>>, vector<1x1x1x512x512xf32>
    %swap3A_236 = vector.shape_cast %swap3A_235 : vector<1x1x1x512x512xf32> to vector<512x512xf32>
    %swap3A_237 = vector.shape_cast %select_n3A_229 : vector<512x512xf32> to vector<1x1x1x512x512xf32>
    tpu.vector_store %arg6[%swap3A_230, %swap3A_231, %swap3A_232, %swap3A_233, %swap3A_234], %swap3A_237 {strides = array<i32>} : memref<1x3x3x512x512xf32, #tpu.memory_space<vmem>>, vector<1x1x1x512x512xf32>,
    %jit3A_238 = arith.constant 0.000000e+00 : f32
    %broadcast_in_dim3A_239 = vector.broadcast %jit3A_238 : f32 to vector<512x512xf32>
    %select_n3A_240 = arith.select %and3A_205, %sub3A_189, %broadcast_in_dim3A_239 : vector<512x512xi1>, vector<512x512xf32>
    %swap3A_241 = arith.constant 0 : index
    %swap3A_242 = arith.constant 2 : index
    %swap3A_243 = arith.constant 2 : index
    %swap3A_244 = arith.constant 0 : index
    %swap3A_245 = arith.constant 0 : index
    %swap3A_246 = vector.load %arg6[%swap3A_241, %swap3A_242, %swap3A_243, %swap3A_244, %swap3A_245] : memref<1x3x3x512x512xf32, #tpu.memory_space<vmem>>, vector<1x1x1x512x512xf32>
    %swap3A_247 = vector.shape_cast %swap3A_246 : vector<1x1x1x512x512xf32> to vector<512x512xf32>
    %swap3A_248 = vector.shape_cast %select_n3A_240 : vector<512x512xf32> to vector<1x1x1x512x512xf32>
    tpu.vector_store %arg6[%swap3A_241, %swap3A_242, %swap3A_243, %swap3A_244, %swap3A_245], %swap3A_248 {strides = array<i32>} : memref<1x3x3x512x512xf32, #tpu.memory_space<vmem>>, vector<1x1x1x512x512xf32>,
    return
  }
  func.func @transform_0(%arg0: i32, %arg1: i32) -> (i32, i32, i32, i32) {
    %c0_i32 = arith.constant 0 : i32
    %c0_i32_0 = arith.constant 0 : i32
    %c0_i32_1 = arith.constant 0 : i32
    return %arg0, %arg1, %c0_i32, %c0_i32_0 : i32, i32, i32, i32
  }
  func.func @transform_1(%arg0: i32, %arg1: i32) -> (i32, i32, i32) {
    %c0_i32 = arith.constant 0 : i32
    %c0_i32_0 = arith.constant 0 : i32
    %c0_i32_1 = arith.constant 0 : i32
    return %arg0, %c0_i32, %c0_i32_0 : i32, i32, i32
  }
  func.func @transform_2(%arg0: i32, %arg1: i32) -> (i32, i32, i32) {
    %c0_i32 = arith.constant 0 : i32
    %c0_i32_0 = arith.constant 0 : i32
    %c0_i32_1 = arith.constant 0 : i32
    return %arg0, %c0_i32, %c0_i32_0 : i32, i32, i32
  }
  func.func @transform_3(%arg0: i32, %arg1: i32) -> (i32, i32, i32) {
    %c0_i32 = arith.constant 0 : i32
    %c0_i32_0 = arith.constant 0 : i32
    %c0_i32_1 = arith.constant 0 : i32
    return %arg0, %c0_i32, %c0_i32_0 : i32, i32, i32
  }
  func.func @transform_4(%arg0: i32, %arg1: i32) -> (i32, i32, i32, i32, i32) {
    %c0_i32 = arith.constant 0 : i32
    %c0_i32_0 = arith.constant 0 : i32
    %c0_i32_1 = arith.constant 0 : i32
    %c0_i32_2 = arith.constant 0 : i32
    return %arg0, %arg1, %c0_i32, %c0_i32_0, %c0_i32_1 : i32, i32, i32, i32, i32
  }
  func.func @transform_5(%arg0: i32, %arg1: i32) -> (i32, i32, i32, i32) {
    %c0_i32 = arith.constant 0 : i32
    %c0_i32_0 = arith.constant 0 : i32
    %c0_i32_1 = arith.constant 0 : i32
    return %arg0, %arg1, %c0_i32, %c0_i32_0 : i32, i32, i32, i32
  }
}

module attributes {stable_mosaic.version = 14 : i64} {
  func.func @_tc_sod_body(%arg0: i32, %arg1: memref<1x1x3x512xf32, #tpu.memory_space<vmem>>, %arg2: memref<1x512x3xf32, #tpu.memory_space<vmem>>, %arg3: memref<1x1x512xf32, #tpu.memory_space<vmem>>, %arg4: memref<1x512x1xf32, #tpu.memory_space<vmem>>, %arg5: memref<2x27x512x512xf32, #tpu.memory_space<any>>, %arg6: memref<1x1x512x512xf32, #tpu.memory_space<vmem>>) attributes {dimension_semantics = [#tpu.dimension_semantics<arbitrary>], iteration_bounds = array<i64: 36>, scalar_prefetch = 0 : i64, scratch_operands = 0 : i64, tpu.core_type = #tpu.core_type<tc>, window_params = [{transform_indices = @transform_0, window_bounds = array<i64: 1, 1, 3, 512>}, {transform_indices = @transform_1, window_bounds = array<i64: 1, 512, 3>}, {transform_indices = @transform_2, window_bounds = array<i64: 1, 1, 512>}, {transform_indices = @transform_3, window_bounds = array<i64: 1, 512, 1>}, {}, {transform_indices = @transform_5, window_bounds = array<i64: 1, 1, 512, 512>}]} {
    %get3A = arith.constant 0 : index
    %get3A_0 = arith.constant 0 : index
    %get3A_1 = arith.constant 0 : index
    %get3A_2 = arith.constant 0 : index
    %get3A_3 = vector.load %arg1[%get3A, %get3A_0, %get3A_1, %get3A_2] : memref<1x1x3x512xf32, #tpu.memory_space<vmem>>, vector<1x1x3x512xf32>
    %get3A_4 = vector.shape_cast %get3A_3 : vector<1x1x3x512xf32> to vector<3x512xf32>
    %get3A_5 = arith.constant 0 : index
    %get3A_6 = arith.constant 0 : index
    %get3A_7 = arith.constant 0 : index
    %get3A_8 = vector.load %arg2[%get3A_5, %get3A_6, %get3A_7] : memref<1x512x3xf32, #tpu.memory_space<vmem>>, vector<1x512x3xf32>
    %get3A_9 = vector.shape_cast %get3A_8 : vector<1x512x3xf32> to vector<512x3xf32>
    %slice3A = vector.extract_strided_slice %get3A_4 {offsets = [0, 0], sizes = [1, 512], strides = [1, 1]} : vector<3x512xf32> to vector<1x512xf32>
    %slice3A_10 = vector.extract_strided_slice %get3A_9 {offsets = [0, 0], sizes = [512, 1], strides = [1, 1]} : vector<512x3xf32> to vector<512x1xf32>
    %sub3A = vector.broadcast %slice3A : vector<1x512xf32> to vector<512x512xf32>
    %sub3A_11 = vector.broadcast %slice3A_10 : vector<512x1xf32> to vector<512x512xf32>
    %sub3A_12 = arith.subf %sub3A, %sub3A_11 : vector<512x512xf32>
    %slice3A_13 = vector.extract_strided_slice %get3A_4 {offsets = [1, 0], sizes = [1, 512], strides = [1, 1]} : vector<3x512xf32> to vector<1x512xf32>
    %slice3A_14 = vector.extract_strided_slice %get3A_9 {offsets = [0, 1], sizes = [512, 1], strides = [1, 1]} : vector<512x3xf32> to vector<512x1xf32>
    %sub3A_15 = vector.broadcast %slice3A_13 : vector<1x512xf32> to vector<512x512xf32>
    %sub3A_16 = vector.broadcast %slice3A_14 : vector<512x1xf32> to vector<512x512xf32>
    %sub3A_17 = arith.subf %sub3A_15, %sub3A_16 : vector<512x512xf32>
    %slice3A_18 = vector.extract_strided_slice %get3A_4 {offsets = [2, 0], sizes = [1, 512], strides = [1, 1]} : vector<3x512xf32> to vector<1x512xf32>
    %slice3A_19 = vector.extract_strided_slice %get3A_9 {offsets = [0, 2], sizes = [512, 1], strides = [1, 1]} : vector<512x3xf32> to vector<512x1xf32>
    %sub3A_20 = vector.broadcast %slice3A_18 : vector<1x512xf32> to vector<512x512xf32>
    %sub3A_21 = vector.broadcast %slice3A_19 : vector<512x1xf32> to vector<512x512xf32>
    %sub3A_22 = arith.subf %sub3A_20, %sub3A_21 : vector<512x512xf32>
    %mul3A = arith.mulf %sub3A_12, %sub3A_12 : vector<512x512xf32>
    %mul3A_23 = arith.mulf %sub3A_17, %sub3A_17 : vector<512x512xf32>
    %add3A = arith.addf %mul3A, %mul3A_23 : vector<512x512xf32>
    %mul3A_24 = arith.mulf %sub3A_22, %sub3A_22 : vector<512x512xf32>
    %add3A_25 = arith.addf %add3A, %mul3A_24 : vector<512x512xf32>
    %lt3A = arith.constant 3.600000e+01 : f32
    %lt3A_26 = vector.broadcast %lt3A : f32 to vector<512x512xf32>
    %lt3A_27 = arith.cmpf olt, %add3A_25, %lt3A_26 : vector<512x512xf32>
    %gt3A = arith.constant 9.99999996E-13 : f32
    %gt3A_28 = vector.broadcast %gt3A : f32 to vector<512x512xf32>
    %gt3A_29 = arith.cmpf ogt, %add3A_25, %gt3A_28 : vector<512x512xf32>
    %and3A = arith.andi %lt3A_27, %gt3A_29 : vector<512x512xi1>
    %get3A_30 = arith.constant 0 : index
    %get3A_31 = arith.constant 0 : index
    %get3A_32 = arith.constant 0 : index
    %get3A_33 = vector.load %arg3[%get3A_30, %get3A_31, %get3A_32] : memref<1x1x512xf32, #tpu.memory_space<vmem>>, vector<1x1x512xf32>
    %get3A_34 = vector.shape_cast %get3A_33 : vector<1x1x512xf32> to vector<1x512xf32>
    %gt3A_35 = arith.constant 0.000000e+00 : f32
    %gt3A_36 = vector.broadcast %gt3A_35 : f32 to vector<1x512xf32>
    %gt3A_37 = arith.cmpf ogt, %get3A_34, %gt3A_36 : vector<1x512xf32>
    %and3A_38 = vector.broadcast %gt3A_37 : vector<1x512xi1> to vector<512x512xi1>
    %and3A_39 = arith.andi %and3A, %and3A_38 : vector<512x512xi1>
    %get3A_40 = arith.constant 0 : index
    %get3A_41 = arith.constant 0 : index
    %get3A_42 = arith.constant 0 : index
    %get3A_43 = vector.load %arg4[%get3A_40, %get3A_41, %get3A_42] : memref<1x512x1xf32, #tpu.memory_space<vmem>>, vector<1x512x1xf32>
    %get3A_44 = vector.shape_cast %get3A_43 : vector<1x512x1xf32> to vector<512x1xf32>
    %gt3A_45 = arith.constant 0.000000e+00 : f32
    %gt3A_46 = vector.broadcast %gt3A_45 : f32 to vector<512x1xf32>
    %gt3A_47 = arith.cmpf ogt, %get3A_44, %gt3A_46 : vector<512x1xf32>
    %and3A_48 = vector.broadcast %gt3A_47 : vector<512x1xi1> to vector<512x512xi1>
    %and3A_49 = arith.andi %and3A_39, %and3A_48 : vector<512x512xi1>
    %jit3A = arith.constant 0.000000e+00 : f32
    %broadcast_in_dim3A = vector.broadcast %jit3A : f32 to vector<512x512xf32>
    %select_n3A = arith.select %and3A_49, %add3A_25, %broadcast_in_dim3A : vector<512x512xi1>, vector<512x512xf32>
    %swap3A = arith.constant 0 : index
    %swap3A_50 = arith.constant 0 : index
    %swap3A_51 = arith.constant 0 : index
    %swap3A_52 = arith.constant 0 : index
    %swap3A_53 = vector.load %arg6[%swap3A, %swap3A_50, %swap3A_51, %swap3A_52] : memref<1x1x512x512xf32, #tpu.memory_space<vmem>>, vector<1x1x512x512xf32>
    %swap3A_54 = vector.shape_cast %swap3A_53 : vector<1x1x512x512xf32> to vector<512x512xf32>
    %swap3A_55 = vector.shape_cast %select_n3A : vector<512x512xf32> to vector<1x1x512x512xf32>
    tpu.vector_store %arg6[%swap3A, %swap3A_50, %swap3A_51, %swap3A_52], %swap3A_55 {strides = array<i32>} : memref<1x1x512x512xf32, #tpu.memory_space<vmem>>, vector<1x1x512x512xf32>,
    return
  }
  func.func @transform_0(%arg0: i32) -> (i32, i32, i32, i32) {
    %add3A = arith.constant 18 : i32
    %add3A_0 = arith.addi %arg0, %add3A : i32
    %jit3A = arith.constant 27 : i32
    %div3A = arith.divsi %add3A_0, %jit3A : i32
    %sign3A = arith.constant 0 : i32
    %sign3A_1 = arith.cmpi sgt, %add3A_0, %sign3A : i32
    %sign3A_2 = arith.extui %sign3A_1 : i1 to i32
    %sign3A_3 = arith.constant 0 : i32
    %sign3A_4 = arith.cmpi slt, %add3A_0, %sign3A_3 : i32
    %sign3A_5 = arith.extui %sign3A_4 : i1 to i32
    %sign3A_6 = arith.subi %sign3A_2, %sign3A_5 : i32
    %sign3A_7 = arith.constant 0 : i32
    %sign3A_8 = arith.cmpi sgt, %jit3A, %sign3A_7 : i32
    %sign3A_9 = arith.extui %sign3A_8 : i1 to i32
    %sign3A_10 = arith.constant 0 : i32
    %sign3A_11 = arith.cmpi slt, %jit3A, %sign3A_10 : i32
    %sign3A_12 = arith.extui %sign3A_11 : i1 to i32
    %sign3A_13 = arith.subi %sign3A_9, %sign3A_12 : i32
    %ne3A = arith.cmpi ne, %sign3A_6, %sign3A_13 : i32
    %rem3A = arith.remsi %add3A_0, %jit3A : i32
    %ne3A_14 = arith.constant 0 : i32
    %ne3A_15 = arith.cmpi ne, %rem3A, %ne3A_14 : i32
    %and3A = arith.andi %ne3A, %ne3A_15 : i1
    %sub3A = arith.constant 1 : i32
    %sub3A_16 = arith.subi %div3A, %sub3A : i32
    %select_n3A = arith.select %and3A, %sub3A_16, %div3A : i32
    %add3A_17 = arith.constant 18 : i32
    %add3A_18 = arith.addi %arg0, %add3A_17 : i32
    %jit3A_19 = arith.constant 27 : i32
    %eq3A = arith.constant 0 : i32
    %eq3A_20 = arith.cmpi eq, %jit3A_19, %eq3A : i32
    %jit3A_21 = arith.constant 1 : i32
    %select_n3A_22 = arith.select %eq3A_20, %jit3A_21, %jit3A_19 : i32
    %rem3A_23 = arith.remsi %add3A_18, %select_n3A_22 : i32
    %ne3A_24 = arith.constant 0 : i32
    %ne3A_25 = arith.cmpi ne, %rem3A_23, %ne3A_24 : i32
    %lt3A = arith.constant 0 : i32
    %lt3A_26 = arith.cmpi slt, %rem3A_23, %lt3A : i32
    %lt3A_27 = arith.constant 0 : i32
    %lt3A_28 = arith.cmpi slt, %select_n3A_22, %lt3A_27 : i32
    %ne3A_29 = arith.xori %lt3A_26, %lt3A_28 : i1
    %and3A_30 = arith.andi %ne3A_29, %ne3A_25 : i1
    %add3A_31 = arith.addi %rem3A_23, %select_n3A_22 : i32
    %select_n3A_32 = arith.select %and3A_30, %add3A_31, %rem3A_23 : i32
    %c0_i32 = arith.constant 0 : i32
    %c0_i32_33 = arith.constant 0 : i32
    %c0_i32_34 = arith.constant 0 : i32
    return %select_n3A, %select_n3A_32, %c0_i32, %c0_i32_33 : i32, i32, i32, i32
  }
  func.func @transform_1(%arg0: i32) -> (i32, i32, i32) {
    %add3A = arith.constant 18 : i32
    %add3A_0 = arith.addi %arg0, %add3A : i32
    %jit3A = arith.constant 27 : i32
    %div3A = arith.divsi %add3A_0, %jit3A : i32
    %sign3A = arith.constant 0 : i32
    %sign3A_1 = arith.cmpi sgt, %add3A_0, %sign3A : i32
    %sign3A_2 = arith.extui %sign3A_1 : i1 to i32
    %sign3A_3 = arith.constant 0 : i32
    %sign3A_4 = arith.cmpi slt, %add3A_0, %sign3A_3 : i32
    %sign3A_5 = arith.extui %sign3A_4 : i1 to i32
    %sign3A_6 = arith.subi %sign3A_2, %sign3A_5 : i32
    %sign3A_7 = arith.constant 0 : i32
    %sign3A_8 = arith.cmpi sgt, %jit3A, %sign3A_7 : i32
    %sign3A_9 = arith.extui %sign3A_8 : i1 to i32
    %sign3A_10 = arith.constant 0 : i32
    %sign3A_11 = arith.cmpi slt, %jit3A, %sign3A_10 : i32
    %sign3A_12 = arith.extui %sign3A_11 : i1 to i32
    %sign3A_13 = arith.subi %sign3A_9, %sign3A_12 : i32
    %ne3A = arith.cmpi ne, %sign3A_6, %sign3A_13 : i32
    %rem3A = arith.remsi %add3A_0, %jit3A : i32
    %ne3A_14 = arith.constant 0 : i32
    %ne3A_15 = arith.cmpi ne, %rem3A, %ne3A_14 : i32
    %and3A = arith.andi %ne3A, %ne3A_15 : i1
    %sub3A = arith.constant 1 : i32
    %sub3A_16 = arith.subi %div3A, %sub3A : i32
    %select_n3A = arith.select %and3A, %sub3A_16, %div3A : i32
    %c0_i32 = arith.constant 0 : i32
    %c0_i32_17 = arith.constant 0 : i32
    %c0_i32_18 = arith.constant 0 : i32
    return %select_n3A, %c0_i32, %c0_i32_17 : i32, i32, i32
  }
  func.func @transform_2(%arg0: i32) -> (i32, i32, i32) {
    %add3A = arith.constant 18 : i32
    %add3A_0 = arith.addi %arg0, %add3A : i32
    %jit3A = arith.constant 27 : i32
    %div3A = arith.divsi %add3A_0, %jit3A : i32
    %sign3A = arith.constant 0 : i32
    %sign3A_1 = arith.cmpi sgt, %add3A_0, %sign3A : i32
    %sign3A_2 = arith.extui %sign3A_1 : i1 to i32
    %sign3A_3 = arith.constant 0 : i32
    %sign3A_4 = arith.cmpi slt, %add3A_0, %sign3A_3 : i32
    %sign3A_5 = arith.extui %sign3A_4 : i1 to i32
    %sign3A_6 = arith.subi %sign3A_2, %sign3A_5 : i32
    %sign3A_7 = arith.constant 0 : i32
    %sign3A_8 = arith.cmpi sgt, %jit3A, %sign3A_7 : i32
    %sign3A_9 = arith.extui %sign3A_8 : i1 to i32
    %sign3A_10 = arith.constant 0 : i32
    %sign3A_11 = arith.cmpi slt, %jit3A, %sign3A_10 : i32
    %sign3A_12 = arith.extui %sign3A_11 : i1 to i32
    %sign3A_13 = arith.subi %sign3A_9, %sign3A_12 : i32
    %ne3A = arith.cmpi ne, %sign3A_6, %sign3A_13 : i32
    %rem3A = arith.remsi %add3A_0, %jit3A : i32
    %ne3A_14 = arith.constant 0 : i32
    %ne3A_15 = arith.cmpi ne, %rem3A, %ne3A_14 : i32
    %and3A = arith.andi %ne3A, %ne3A_15 : i1
    %sub3A = arith.constant 1 : i32
    %sub3A_16 = arith.subi %div3A, %sub3A : i32
    %select_n3A = arith.select %and3A, %sub3A_16, %div3A : i32
    %c0_i32 = arith.constant 0 : i32
    %c0_i32_17 = arith.constant 0 : i32
    %c0_i32_18 = arith.constant 0 : i32
    return %select_n3A, %c0_i32, %c0_i32_17 : i32, i32, i32
  }
  func.func @transform_3(%arg0: i32) -> (i32, i32, i32) {
    %add3A = arith.constant 18 : i32
    %add3A_0 = arith.addi %arg0, %add3A : i32
    %jit3A = arith.constant 27 : i32
    %div3A = arith.divsi %add3A_0, %jit3A : i32
    %sign3A = arith.constant 0 : i32
    %sign3A_1 = arith.cmpi sgt, %add3A_0, %sign3A : i32
    %sign3A_2 = arith.extui %sign3A_1 : i1 to i32
    %sign3A_3 = arith.constant 0 : i32
    %sign3A_4 = arith.cmpi slt, %add3A_0, %sign3A_3 : i32
    %sign3A_5 = arith.extui %sign3A_4 : i1 to i32
    %sign3A_6 = arith.subi %sign3A_2, %sign3A_5 : i32
    %sign3A_7 = arith.constant 0 : i32
    %sign3A_8 = arith.cmpi sgt, %jit3A, %sign3A_7 : i32
    %sign3A_9 = arith.extui %sign3A_8 : i1 to i32
    %sign3A_10 = arith.constant 0 : i32
    %sign3A_11 = arith.cmpi slt, %jit3A, %sign3A_10 : i32
    %sign3A_12 = arith.extui %sign3A_11 : i1 to i32
    %sign3A_13 = arith.subi %sign3A_9, %sign3A_12 : i32
    %ne3A = arith.cmpi ne, %sign3A_6, %sign3A_13 : i32
    %rem3A = arith.remsi %add3A_0, %jit3A : i32
    %ne3A_14 = arith.constant 0 : i32
    %ne3A_15 = arith.cmpi ne, %rem3A, %ne3A_14 : i32
    %and3A = arith.andi %ne3A, %ne3A_15 : i1
    %sub3A = arith.constant 1 : i32
    %sub3A_16 = arith.subi %div3A, %sub3A : i32
    %select_n3A = arith.select %and3A, %sub3A_16, %div3A : i32
    %c0_i32 = arith.constant 0 : i32
    %c0_i32_17 = arith.constant 0 : i32
    %c0_i32_18 = arith.constant 0 : i32
    return %select_n3A, %c0_i32, %c0_i32_17 : i32, i32, i32
  }
  func.func @transform_5(%arg0: i32) -> (i32, i32, i32, i32) {
    %add3A = arith.constant 18 : i32
    %add3A_0 = arith.addi %arg0, %add3A : i32
    %jit3A = arith.constant 27 : i32
    %div3A = arith.divsi %add3A_0, %jit3A : i32
    %sign3A = arith.constant 0 : i32
    %sign3A_1 = arith.cmpi sgt, %add3A_0, %sign3A : i32
    %sign3A_2 = arith.extui %sign3A_1 : i1 to i32
    %sign3A_3 = arith.constant 0 : i32
    %sign3A_4 = arith.cmpi slt, %add3A_0, %sign3A_3 : i32
    %sign3A_5 = arith.extui %sign3A_4 : i1 to i32
    %sign3A_6 = arith.subi %sign3A_2, %sign3A_5 : i32
    %sign3A_7 = arith.constant 0 : i32
    %sign3A_8 = arith.cmpi sgt, %jit3A, %sign3A_7 : i32
    %sign3A_9 = arith.extui %sign3A_8 : i1 to i32
    %sign3A_10 = arith.constant 0 : i32
    %sign3A_11 = arith.cmpi slt, %jit3A, %sign3A_10 : i32
    %sign3A_12 = arith.extui %sign3A_11 : i1 to i32
    %sign3A_13 = arith.subi %sign3A_9, %sign3A_12 : i32
    %ne3A = arith.cmpi ne, %sign3A_6, %sign3A_13 : i32
    %rem3A = arith.remsi %add3A_0, %jit3A : i32
    %ne3A_14 = arith.constant 0 : i32
    %ne3A_15 = arith.cmpi ne, %rem3A, %ne3A_14 : i32
    %and3A = arith.andi %ne3A, %ne3A_15 : i1
    %sub3A = arith.constant 1 : i32
    %sub3A_16 = arith.subi %div3A, %sub3A : i32
    %select_n3A = arith.select %and3A, %sub3A_16, %div3A : i32
    %add3A_17 = arith.constant 18 : i32
    %add3A_18 = arith.addi %arg0, %add3A_17 : i32
    %jit3A_19 = arith.constant 27 : i32
    %eq3A = arith.constant 0 : i32
    %eq3A_20 = arith.cmpi eq, %jit3A_19, %eq3A : i32
    %jit3A_21 = arith.constant 1 : i32
    %select_n3A_22 = arith.select %eq3A_20, %jit3A_21, %jit3A_19 : i32
    %rem3A_23 = arith.remsi %add3A_18, %select_n3A_22 : i32
    %ne3A_24 = arith.constant 0 : i32
    %ne3A_25 = arith.cmpi ne, %rem3A_23, %ne3A_24 : i32
    %lt3A = arith.constant 0 : i32
    %lt3A_26 = arith.cmpi slt, %rem3A_23, %lt3A : i32
    %lt3A_27 = arith.constant 0 : i32
    %lt3A_28 = arith.cmpi slt, %select_n3A_22, %lt3A_27 : i32
    %ne3A_29 = arith.xori %lt3A_26, %lt3A_28 : i1
    %and3A_30 = arith.andi %ne3A_29, %ne3A_25 : i1
    %add3A_31 = arith.addi %rem3A_23, %select_n3A_22 : i32
    %select_n3A_32 = arith.select %and3A_30, %add3A_31, %rem3A_23 : i32
    %c0_i32 = arith.constant 0 : i32
    %c0_i32_33 = arith.constant 0 : i32
    %c0_i32_34 = arith.constant 0 : i32
    return %select_n3A, %select_n3A_32, %c0_i32, %c0_i32_33 : i32, i32, i32, i32
  }
}

</mosaic_0001>

<sc_bundles>
// kernel: kernel.5.cloned.1.call-start
scs
__scs_entry_jumppad:
0x0: {  	(pc) =	sbr.rel $0x88, $3  }
0x1: {  	(tag) =	ssettag $0x0;
	lr =	simm.s32 $0x1  }
0x2: {  	[smem:$0x3F9D] =	sst lr;
	_ =	strace $0xD0000000  }
0x3: {  	_ = 	snop  }
0x4: {  	_ = 	snop  }
0x5: {  	_ = 	snop  }
0x6: {  	_ = 	snop  }
0x7: {  	_ = 	snop  }
__scs_overlays_trampoline_lowered:
0x8: {  	[smem:$0x3FAC] =	sst s0  }
0x9: {  	[smem:$0x3FAD] =	sst s1  }
0xa: {  	[smem:$0x3FAE] =	sst s2  }
0xb: {  	[smem:$0x3FAF] =	sst s3  }
0xc: {  	[smem:$0x3FB0] =	sst s4  }
0xd: {  	[smem:$0x3FB1] =	sst s5  }
0xe: {  	[smem:$0x3FB2] =	sst s6  }
0xf: {  	[smem:$0x3FB3] =	sst s7  }
0x10: {  	[smem:$0x3FB4] =	sst s8  }
0x11: {  	[smem:$0x3FB5] =	sst s9;
	s0 =	simm.s32 @!p0 $0x0  }
0x12: {  	s1 =	sld [smem:$0x3F9B];
	s0 =	simm.s32 @p0 $0x1  }
0x13: {  	[smem:$0x3FB6] =	sst s0;
	s0 =	simm.s32 @!p1 $0x0  }
0x14: {  	s2 =	sld [smem:$0x3F9A];
	s0 =	simm.s32 @p1 $0x1  }
0x15: {  	[smem:$0x3FB7] =	sst s0;
	s0 =	simm.s32 @!p2 $0x0  }
0x16: {  	s3 =	sld [smem:$0x3FDB];
	s0 =	simm.s32 @p2 $0x1  }
0x17: {  	s4 =	simm.s32 $0x1BF5;
	[smem:$0x3FB9] =	sst s0  }
0x18: {  	s0 =	sld [smem:$0x3F9C];
	_ =	swait.ge [sflag:s4], $0x0  }
0x19: {  	s7 =	sld [smem:$0x3F9D]  }
0x1a: {  	s8 =	sadd.s32 $0xFFFFE003, lr  }
0x1b: {  	s9 =	sadd.s32 $0xFFFFFEF7, lr;
	s5 =	simm.s32 $0xFFFFFFFF;
	p2 =	slt.u32 s8, $0xFFFFF086  }
0x1c: {  	p1 =	slt.u32 s9, $0xF7A;
	s5 =	simm.s32 @!p2 $0x0  }
0x1d: {  	s5 =	simm.s32 @p1 $0x1;
	p0 =	seq.s32 s7, s2  }
0x1e: {  	s7 =	smul.u32 @!p0 $0xF7A, s2;
	p2 =	seq.s32 @!p0 s5, $0x0  }
0x1f: {  	s9 =	smul.u32 $0xF7A, s1;
	s8 =	simm.s32 @!p0 $0x1BF5;
	p2 =	por !p2, p0  }
0x20: {  	[sflag:s8] =	ssyncset.s32 @!p0 $0xFFFFF086;
	s6 =	sadd.s32 @!p0 s3, s7;
	s7 =	simm.s32 @!p0 $0x108  }
0x21: {  	s3 =	sadd.s32 s3, s9;
	s6 =	sadd.s32 @!p0 $0x88, s6;
	s7 =	simm.s32 @p2 $0x1082  }
0x22: {  	[simem:s7], [sflag:s8] =	dma.local @!p0 [hbm:s6], $0xF7A  }
0x23: {  	s9 =	sor.u32 $0xD0000000, s2;
	s6 =	simm.s32 $0x108;
	_ =	swait.ge @!p0 [sflag:s8], $0x0  }
0x24: {  	s3 =	sadd.s32 $0x88, s3;
	s6 =	simm.s32 @!p1 $0x1082;
	[sflag:s4] =	ssyncset.s32 $0xFFFFF086  }
0x25: {  	[simem:s6], [sflag:s4] =	dma.local [hbm:s3], $0xF7A  }
0x26: {  	[smem:$0x3F9D] =	sst s1;
	(tag) =	ssettag s2;
	_ =	strace s9  }
0x27: {  	s1 =	sld [smem:$0x3FAD]  }
0x28: {  	s2 =	sld [smem:$0x3FAE]  }
0x29: {  	s4 =	sld [smem:$0x3FB0]  }
0x2a: {  	p0 =	seq.s32 s5, $0x0;
	s5 =	sld [smem:$0x3FB1]  }
0x2b: {  	s6 =	sld [smem:$0x3FB2]  }
0x2c: {  	s7 =	sld [smem:$0x3FB3]  }
0x2d: {  	s3 =	simm.s32 $0x108;
	s8 =	sld [smem:$0x3FB4]  }
0x2e: {  	s3 =	simm.s32 @!p0 $0x1082;
	s9 =	sld [smem:$0x3FB5]  }
0x2f: {  	lr =	sadd.s32 s0, s3;
	s0 =	sld [smem:$0x3FAC]  }
0x30: {  	s3 =	sld [smem:$0x3FAF]  }
0x31: {  	[smem:$0x3FB8] =	sst s10  }
0x32: {  	s10 =	sld [smem:$0x3FB6];
	_ =	sdelay $0x3  }
0x33: {  	p0 =	seq.s32 s10, $0x1;
	s10 =	sld [smem:$0x3FB8];
	_ =	sdelay $0x3  }
0x34: {  	[smem:$0x3FB8] =	sst s10  }
0x35: {  	s10 =	sld [smem:$0x3FB7];
	_ =	sdelay $0x3  }
0x36: {  	p1 =	seq.s32 s10, $0x1;
	s10 =	sld [smem:$0x3FB8];
	_ =	sdelay $0x3  }
0x37: {  	[smem:$0x3FB8] =	sst s10  }
0x38: {  	s10 =	sld [smem:$0x3FB9]  }
0x39: {  	_ = 	snop;
	(pc) =	sbr.ind lr, $3  }
0x3a: {  	_ = 	snop  }
0x3b: {  	_ = 	snop  }
0x3c: {  	p2 =	seq.s32 s10, $0x1;
	s10 =	sld [smem:$0x3FB8]  }
0x3d: {  	_ =	shalt  }
0x3e: {  	_ =	shalt  }
0x3f: {  	_ =	shalt  }
0x40: {  	_ =	shalt  }
0x41: {  	_ =	shalt  }
0x42: {  	_ =	shalt  }
0x43: {  	_ =	shalt  }
0x44: {  	_ =	shalt  }
0x45: {  	_ =	shalt  }
0x46: {  	_ =	shalt  }
0x47: {  	_ =	shalt  }
0x48: {  	_ =	shalt  }
0x49: {  	_ =	shalt  }
0x4a: {  	_ =	shalt  }
0x4b: {  	_ =	shalt  }
0x4c: {  	_ =	shalt  }
0x4d: {  	_ =	shalt  }
0x4e: {  	_ =	shalt  }
0x4f: {  	_ =	shalt  }
0x50: {  	_ =	shalt  }
0x51: {  	_ =	shalt  }
0x52: {  	_ =	shalt  }
0x53: {  	_ =	shalt  }
0x54: {  	_ =	shalt  }
0x55: {  	_ =	shalt  }
0x56: {  	_ =	shalt  }
0x57: {  	_ =	shalt  }
0x58: {  	_ =	shalt  }
0x59: {  	_ =	shalt  }
0x5a: {  	_ =	shalt  }
0x5b: {  	_ =	shalt  }
0x5c: {  	_ =	shalt  }
0x5d: {  	_ =	shalt  }
0x5e: {  	_ =	shalt  }
0x5f: {  	_ =	shalt  }
0x60: {  	_ =	shalt  }
0x61: {  	_ =	shalt  }
0x62: {  	_ =	shalt  }
0x63: {  	_ =	shalt  }
0x64: {  	_ =	shalt  }
0x65: {  	_ =	shalt  }
0x66: {  	_ =	shalt  }
0x67: {  	_ =	shalt  }
0x68: {  	_ =	shalt  }
0x69: {  	_ =	shalt  }
0x6a: {  	_ =	shalt  }
0x6b: {  	_ =	shalt  }
0x6c: {  	_ =	shalt  }
0x6d: {  	_ =	shalt  }
0x6e: {  	_ =	shalt  }
0x6f: {  	_ =	shalt  }
0x70: {  	_ =	shalt  }
0x71: {  	_ =	shalt  }
0x72: {  	_ =	shalt  }
0x73: {  	_ =	shalt  }
0x74: {  	_ =	shalt  }
0x75: {  	_ =	shalt  }
0x76: {  	_ =	shalt  }
0x77: {  	_ =	shalt  }
0x78: {  	_ =	shalt  }
0x79: {  	_ =	shalt  }
0x7a: {  	_ =	shalt  }
0x7b: {  	_ =	shalt  }
0x7c: {  	_ =	shalt  }
0x7d: {  	_ =	shalt  }
0x7e: {  	_ =	shalt  }
0x7f: {  	_ =	shalt  }
0x80: {  	_ =	shalt  }
0x81: {  	_ =	shalt  }
0x82: {  	_ =	shalt  }
0x83: {  	_ =	shalt  }
0x84: {  	_ =	shalt  }
0x85: {  	_ =	shalt  }
0x86: {  	_ =	shalt  }
0x87: {  	_ =	shalt  }
.Lfunc_end0:
.L_simem_size_0:
called_computation_lowered:
.L_overlay_start_0:
0x88: {  	s2 =	sld [smem:$0x3FD9]  }
0x89: {  	s3 =	sld [smem:$0x3FFE];
	_ =	sdelay $0x1  }
0x8a: {  	s1 =	srdreg.scid  }
0x8b: {  	s0 =	sand.u32 $0x1, s1  }
0x8c: {  	s14 =	sshll.u32 s0, $0xA;
	s2 =	sadd.s32 s3, s2  }
0x8d: {  	s2 =	sadd.s32 s2, s14  }
0x8e: {  	[smem:$0x3FC4] =	sst s2  }
0x8f: {  	_ = 	snop  }
0x90: {  	s2 =	sld [smem:$0x3FD0];
	_ =	sdelay $0x2  }
0x91: {  	s15 =	simm.s32 $0xA;
	s4 =	simm.s32 $0x10  }
0x92: {  	[smem:s4], [sflag:s15] =	dma.local [hbm:s2], $0x1  }
0x93: {  	_ =	swait.eq [sflag:s15], $0x1  }
0x94: {  	[sflag:s15] =	ssyncset.done $0x0  }
0x95: {  	[sflag:s15] =	ssyncadd.s32 $0xFFFFFFFF  }
0x96: {  	s16 =	sld [smem:$0x11];
	(tm) =	ssettm $0x1  }
0x97: {  	s17 =	sld [smem:$0x3FFB];
	_ =	sdelay $0x3  }
0x98: {  	_ =	strace s17  }
0x99: {  	s3 =	sld [smem:$0x3FFC];
	_ =	sdelay $0x3  }
0x9a: {  	_ =	strace s3  }
0x9b: {  	s3 =	sld [smem:$0x3FFD];
	_ =	sdelay $0x3  }
0x9c: {  	_ =	strace s3  }
0x9d: {  	_ =	strace $0x8FFFFFFF  }
0x9e: {  	s18 =	sld [smem:$0x3FDB];
	_ =	sdelay $0x1  }
0x9f: {  	s19 =	simm.s32 $_scs_section_size  }
0xa0: {  	s5 =	simm.s32 $_size__tile_overlayer_lowered;
	s6 =	simm.s32 $_tile_overlayer_lowered  }
0xa1: {  	s22 =	simm.s32 $0x1BFF;
	s21 =	sshll.u32 s6, $0x1;
	s3 =	sadd.s32 s19, s18  }
0xa2: {  	s7 =	simm.s32 $0x0;
	s20 =	sshll.u32 s5, $0x1;
	s5 =	sadd.s32 s21, s3  }
0xa3: {  	[timem:s7], [sflag:s22] =	dma.local [hbm:s5], s20  }
0xa4: {  	_ =	swait.ge [sflag:s22], s20  }
0xa5: {  	s4 =	ssub.s32 $0x0, s20;
	[sflag:s22] =	ssyncset.done $0x0  }
0xa6: {  	[sflag:s22] =	ssyncadd.s32 s4;
	_ =	sdelay $0x1  }
0xa7: {  	s23 =	simm.s32 $0x1B8B  }
0xa8: {  	_ =	swait.ge [sflag:s23], $0x1  }
0xa9: {  	[sflag:s23] =	ssyncset.done $0x0  }
0xaa: {  	s25 =	simm.s32 $0x1B8E;
	s24 =	sld [smem:$0x3FFE];
	[sflag:s23] =	ssyncadd.s32 $0xFFFFFFFF  }
0xab: {  	s26 =	simm.s32 $execute0_lowered;
	[smem:$0x3FD2] =	sst s25  }
0xac: {  	s5 =	sshll.u32 s26, $0x1;
	_ =	strace $0x80000046;
	[dreg:$0x1] =	wrdreg $0xFFFFFFFF  }
0xad: {  	s28 =	simm.s32 $_size_execute0_lowered;
	s3 =	sadd.s32 s3, s5;
	[dreg:$0x0] =	wrdreg $0x0  }
0xae: {  	s5 =	sshll.u32 s28, $0x1;
	[dreg:$0x2] =	wrdreg s3  }
0xaf: {  	[dreg:$0x3] =	wrdreg s5  }
0xb0: {  	[dreg:$0x4] =	wrdreg $0xC0  }
0xb1: {  	_ =	task [dreg:s7], $0x5FFFF  }
0xb2: {  	[dreg:$0x1] =	wrdreg $0xFFFFFFFF  }
0xb3: {  	[dreg:$0x0] =	wrdreg $0x60  }
0xb4: {  	[dreg:$0x2] =	wrdreg s24  }
0xb5: {  	[dreg:$0x3] =	wrdreg s16  }
0xb6: {  	[dreg:$0x4] =	wrdreg $0x9  }
0xb7: {  	_ =	task.clear_ibuf [dreg:s7], $0x5FFFF;
	_ =	strace $0x90000046  }
0xb8: {  	s29 =	simm.s32 $0x9;
	_ =	strace $0x80000048  }
0xb9: {  	_ =	swait.ge [sflag:s29], $0x1  }
0xba: {  	[sflag:s29] =	ssyncadd.s32 $0xFFFFFFFF  }
0xbb: {  	_ =	strace $0x90000048  }
0xbc: {  	_ =	sfence  }
0xbd: {  	s30 =	sld [smem:$0x0];
	_ =	sdelay $0x2  }
0xbe: {  	s31 =	sshll.u32 s1, $0xD;
	s1 =	sshrl.u32 s1, $0x2  }
0xbf: {  	s3 =	sand.u32 $0x4000, s31;
	s1 =	sadd.s32 s1, s30  }
0xc0: {  	s0 =	sor.u32 s3, s0;
	s1 =	sshll.u32 s1, $0x11  }
0xc1: {  	s0 =	sor.u32 s1, s0  }
0xc2: {  	s0 =	sadd.s32 $0x8F2B, s0  }
0xc3: {  	[sflag:s0] =	ssyncadd.remote.s32 $0x1  }
0xc4: {  	_ =	sfence.sel $0xFFFF  }
0xc5: {  	[dreg:$0x0] =	wrdreg $0xFFFFFFFF;
	(pc) =	sbr.abs _section_cstart, $3  }
0xc6: {  	[dreg:$0x1] =	wrdreg $0xFFFFFFFF  }
0xc7: {  	_ =	task.clear_ibuf [dreg:s7], $0x2FFFF;
	_ =	strace $0x9FFFFFFF  }
0xc8: {  	(tm) =	ssettm $0x7FFFFFFF  }
0xc9: {  	_ =	shalt  }
tec
execute0_lowered:
.L_overlay_start_1:
0x0: {  	(tag) =	ssettag $0x1  }
0x1: {  	s3 =	rddreg [dreg:$0x0]  }
0x2: {  	s5 =	rddreg [dreg:$0x1];
	s2 =	srdreg.scid  }
0x3: {  	s0 =	rddreg [dreg:$0x2];
	s1 =	stileid.u32;
	s9 =	simm.s32 $0x1  }
0x4: {  	s10 =	simm.s32 $0x0;
	s4 =	sand.u32 $0x1, s2;
	s2 =	simm.s32 $0x0  }
0x5: {  	s6 =	sshll.u32 s1, $0xB;
	s7 =	sshll.u32 s4, $0xA;
	[smem:$0x7FF] =	sst s2  }
0x6: {  	s4 =	ssub.s32 $0x2, s4;
	s6 =	sor.u32 s7, s6;
	_ =	strace $0x80000047  }
0x7: {  	s8 =	sshrl.u32 s4, $0x1;
	s7 =	sadd.s32 s6, s3;
	s3 =	sadd.s32 $0xC00, s3  }
0x8: {  	s8 =	ssub.s32 s4, s8;
	s5 =	sadd.s32 s5, s6;
	s4 =	sadd.s32 $0x4200, s7  }
0x9: {  	s6 =	smax.u32 s8, $0x1;
	s7 =	simm.s32 $0x3;
	s8 =	simm.s32 $0x2  }
.LBB2_1:
0xa: {  	p0 =	por $0x1, $0x1;
	s11 =	simm.s32 $0x0  }
.LBB2_2:
0xb: {  	s12 =	sshra.s32 s11, $0x2  }
0xc: {  	s11 =	sadd.s32 s11, s4;
	s13 =	sadd.s32 $0x1000, s12  }
0xd: {  	[tilespmem:s13], [sflag:$0x3] =	stream.linear.gather [hbm4b:s11+s2], $0x180, $0x38;
	[tilespmem:$0x9000] =	vst v63  }
0xe: {  	s20 =	sadd.s32 $0x40, s11;
	s14 =	sadd.s32 $0x1200, s12  }
0xf: {  	[tilespmem:s14], [sflag:$0x3] =	stream.linear.gather [hbm4b:s20+s2], $0x180, $0x38;
	[tilespmem:$0x9000] =	vst v63  }
0x10: {  	s21 =	sadd.s32 $0x80, s11;
	s22 =	sadd.s32 $0x1400, s12  }
0x11: {  	[tilespmem:s22], [sflag:$0x3] =	stream.linear.gather [hbm4b:s21+s2], $0x180, $0x38;
	[tilespmem:$0x9000] =	vst v63  }
0x12: {  	s23 =	sadd.s32 $0xC0, s11;
	s24 =	sadd.s32 $0x1600, s12  }
0x13: {  	[tilespmem:s24], [sflag:$0x3] =	stream.linear.gather [hbm4b:s23+s2], $0x180, $0x38;
	[tilespmem:$0x9000] =	vst v63  }
0x14: {  	s25 =	sadd.s32 $0x100, s11;
	s26 =	sadd.s32 $0x1800, s12  }
0x15: {  	[tilespmem:s26], [sflag:$0x3] =	stream.linear.gather [hbm4b:s25+s2], $0x180, $0x38;
	[tilespmem:$0x9000] =	vst v63  }
0x16: {  	s28 =	sadd.s32 $0x140, s11;
	s29 =	sadd.s32 $0x1A00, s12  }
0x17: {  	[tilespmem:s29], [sflag:$0x3] =	stream.linear.gather [hbm4b:s28+s2], $0x180, $0x38;
	[tilespmem:$0x9000] =	vst v63  }
0x18: {  	s30 =	sadd.s32 $0x180, s11;
	s31 =	sadd.s32 $0x1C00, s12  }
0x19: {  	[tilespmem:s31], [sflag:$0x3] =	stream.linear.gather [hbm4b:s30+s2], $0x180, $0x38;
	[tilespmem:$0x9000] =	vst v63  }
0x1a: {  	s15 =	sadd.s32 $0x1C0, s11;
	s16 =	sadd.s32 $0x1E00, s12  }
0x1b: {  	[tilespmem:s16], [sflag:$0x3] =	stream.linear.gather [hbm4b:s15+s2], $0x180, $0x38;
	[tilespmem:$0x9000] =	vst v63  }
0x1c: {  	s17 =	sadd.s32 $0x200, s11;
	s18 =	sadd.s32 $0x2000, s12  }
0x1d: {  	[tilespmem:s18], [sflag:$0x3] =	stream.linear.gather [hbm4b:s17+s2], $0x180, $0x38;
	[tilespmem:$0x9000] =	vst v63  }
0x1e: {  	s19 =	sadd.s32 $0x240, s11;
	s20 =	sadd.s32 $0x2200, s12  }
0x1f: {  	[tilespmem:s20], [sflag:$0x3] =	stream.linear.gather [hbm4b:s19+s2], $0x180, $0x38;
	[tilespmem:$0x9000] =	vst v63  }
0x20: {  	s21 =	sadd.s32 $0x280, s11;
	s22 =	sadd.s32 $0x2400, s12  }
0x21: {  	[tilespmem:s22], [sflag:$0x3] =	stream.linear.gather [hbm4b:s21+s2], $0x180, $0x38;
	[tilespmem:$0x9000] =	vst v63  }
0x22: {  	s23 =	sadd.s32 $0x2C0, s11;
	s24 =	sadd.s32 $0x2600, s12  }
0x23: {  	[tilespmem:s24], [sflag:$0x3] =	stream.linear.gather [hbm4b:s23+s2], $0x180, $0x38;
	[tilespmem:$0x9000] =	vst v63  }
0x24: {  	s25 =	sadd.s32 $0x300, s11;
	s26 =	sadd.s32 $0x2800, s12  }
0x25: {  	[tilespmem:s26], [sflag:$0x3] =	stream.linear.gather [hbm4b:s25+s2], $0x180, $0x38;
	[tilespmem:$0x9000] =	vst v63  }
0x26: {  	p1 =	por p0, p0;
	s28 =	sadd.s32 $0x340, s11;
	s29 =	sadd.s32 $0x2A00, s12  }
0x27: {  	[tilespmem:s29], [sflag:$0x3] =	stream.linear.gather [hbm4b:s28+s2], $0x180, $0x38;
	[tilespmem:$0x9000] =	vst v63  }
.Ltmp0:
0x28: {  	s30 =	sadd.s32 $0x380, s11;
	s31 =	sadd.s32 $0x2C00, s12;
	(pc) =	sbr.rel @p1 .LBB2_2-.Ltmp0, $4  }
0x29: {  	[tilespmem:s31], [sflag:$0x3] =	stream.linear.gather [hbm4b:s30+s2], $0x180, $0x38;
	[tilespmem:$0x9000] =	vst v63  }
0x2a: {  	s11 =	sadd.s32 $0x3C0, s11;
	s12 =	sadd.s32 $0x2E00, s12  }
0x2b: {  	[tilespmem:s12], [sflag:$0x3] =	stream.linear.gather [hbm4b:s11+s2], $0x180, $0x38;
	[tilespmem:$0x9000] =	vst v63  }
0x2c: {  	p0 =	por $0x0, $0x0;
	s11 =	simm.s32 $0x8000  }
0x2d: {  	_ =	swait.ge [sflag:s7], $0x3000  }
0x2e: {  	[sflag:s7] =	ssyncset.done $0x0  }
0x2f: {  	s11 =	simm.s32 $0x0;
	[sflag:s7] =	ssyncadd.s32 $0xFFFFD000  }
0x30: {  	[tilespmem:s11], [sflag:$0x2] =	stream.linear.gather [hbm4b:s3+s11], $0x800, $0x38;
	[tilespmem:$0x9000] =	vst v63  }
.LBB2_4:
0x31: {  	_ =	swait.ge [sflag:s8], $0x800;
	s12 =	sadd.s32 $0x1, s11;
	p0 =	seq.s32 s11, $0x11  }
0x32: {  	[sflag:s8] =	ssyncset.done $0x0;
	s13 =	sshll.u32 @!p0 s12, $0x8  }
0x33: {  	s14 =	sshll.u32 @!p0 s12, $0xB;
	s15 =	simm.s32 @!p0 $0x0;
	p1 =	slt.u32 @!p0 s11, $0x2  }
0x34: {  	[sflag:s8] =	ssyncadd.s32 $0xFFFFF800;
	s14 =	sand.u32 @!p0 $0x800, s14;
	s13 =	sadd.s32 @!p0 s3, s13  }
0x35: {  	[tilespmem:s14], [sflag:$0x2] =	stream.linear.gather @!p0 [hbm4b:s13+s15], $0x800, $0x38;
	[tilespmem:$0x9000] =	vst v63  }
0x36: {  	s31 =	sand.u32 $0x1, s11;
	p0 =	por p0, !p1  }
0x37: {  	s16 =	simm.s32 $0x0;
	s17 =	simm.s32 $0x1400;
	_ =	swait.ge @p0 [sflag:s9], $0x2000  }
0x38: {  	s13 =	sshll.u32 s31, $0xD;
	s15 =	simm.s32 $0x180;
	[sflag:s9] =	ssyncset.done @p0 $0x0  }
0x39: {  	s14 =	sshrl.u32 s13, $0x2;
	s13 =	sor.u32 $0x5000, s13;
	[sflag:s9] =	ssyncadd.s32 @p0 $0xFFFFE000  }
.LBB2_5:
0x3a: {  	v5 =	vld [tilespmem:s17+$0xFFFFFC00]  }
0x3b: {  	v0 =	vld [tilespmem:s17+$0xFFFFFE00]  }
0x3c: {  	v6 =	vld [tilespmem:s17+$0xFFFFFC80]  }
0x3d: {  	v3 =	vld [tilespmem:s17+$0xFFFFFE80]  }
0x3e: {  	v12 =	vld [tilespmem:s14+$0x0]  }
0x3f: {  	v13 =	vld [tilespmem:s14+$0x80]  }
0x40: {  	v9 =	vld [tilespmem:s17+$0xFFFFFD00]  }
0x41: {  	v14 =	vld [tilespmem:s14+$0x100]  }
0x42: {  	v4 =	vld [tilespmem:s17+$0xFFFFFF00]  }
0x43: {  	v1 =	vld [tilespmem:s17+$0x0]  }
0x44: {  	v2 =	vld [tilespmem:s17+$0x200];
	v7 =	vsub.f32 v12, v5;
	v8 =	vsub.f32 v13, v6  }
0x45: {  	v10 =	vsub.f32 v12, v0;
	v11 =	vsub.f32 v13, v3  }
0x46: {  	v16 =	vmul.f32 v7, v7;
	v17 =	vmul.f32 v8, v8;
	v7 =	vld [tilespmem:s17+$0x80]  }
0x47: {  	v15 =	vsub.f32 v14, v9;
	v19 =	vmul.f32 v10, v10;
	v11 =	vmul.f32 v11, v11;
	v8 =	vld [tilespmem:s17+$0x280]  }
0x48: {  	v18 =	vsub.f32 v14, v4;
	v50 =	vsub.f32 v12, v1;
	v10 =	vld [tilespmem:s17+$0x100]  }
0x49: {  	v12 =	vsub.f32 v12, v2;
	v48 =	vadd.f32 v11, v19;
	v11 =	vld [tilespmem:s17+$0x300]  }
0x4a: {  	v15 =	vmul.f32 v15, v15;
	v16 =	vadd.f32 v17, v16  }
0x4b: {  	v18 =	vmul.f32 v18, v18;
	v12 =	vmul.f32 v12, v12;
	v51 =	vsub.f32 v13, v7  }
0x4c: {  	v17 =	vmul.f32 v50, v50;
	v15 =	vadd.f32 v15, v16;
	v13 =	vsub.f32 v13, v8  }
0x4d: {  	v49 =	vadd.f32 v18, v48;
	v52 =	vsub.f32 v14, v10;
	v18 =	vmul.f32 v51, v51  }
0x4e: {  	vm0 =	vlt.f32 v15, $3.600000000e+01;
	v14 =	vsub.f32 v14, v11;
	v13 =	vmul.f32 v13, v13  }
0x4f: {  	vm1 =	vgt.f32 v15, $9.999999960e-13;
	v53 =	vmul.f32 v52, v52;
	v17 =	vadd.f32 v18, v17  }
0x50: {  	vm11 =	vlt.f32 v49, $3.600000000e+01;
	v12 =	vadd.f32 v13, v12;
	v54 =	vmul.f32 v14, v14  }
0x51: {  	s18 =	sand.u32 $0x1000, s16;
	s19 =	sadd.s32 $0xFFFFFE80, s15;
	vm2 =	vgt.f32 v49, $9.999999960e-13;
	vm0 =	vmand vm0, vm1;
	v55 =	vadd.f32 v53, v17  }
0x52: {  	s20 =	sadd.s32 $0xFFFFFF00, s15;
	s19 =	sand.u32 $0x200, s19;
	s21 =	sadd.s32 s18, s13;
	vm12 =	vmand vm11, vm2;
	v15 =	vnsel vm0, $0x0, v15;
	v12 =	vadd.f32 v54, v12  }
0x53: {  	s31 =	sadd.s32 $0xFFFFFF80, s15;
	s30 =	sand.u32 $0x280, s20;
	s18 =	sadd.s32 s19, s21;
	v56 =	vnsel vm12, $0x0, v49;
	vm13 =	vlt.f32 v55, $3.600000000e+01;
	vm14 =	vgt.f32 v55, $9.999999960e-13  }
0x54: {  	s20 =	sand.u32 $0x300, s31;
	s19 =	sadd.s32 s30, s21;
	[tilespmem:s18+$0x0] =	vst v15;
	vm15 =	vlt.f32 v12, $3.600000000e+01;
	vm4 =	vgt.f32 v12, $9.999999960e-13;
	vm0 =	vmand vm13, vm14  }
0x55: {  	s22 =	sand.u32 $0x380, s15;
	s20 =	sadd.s32 s20, s21;
	[tilespmem:s19+$0x0] =	vst v56;
	vm5 =	vmand vm15, vm4;
	v57 =	vnsel vm0, $0x0, v55  }
0x56: {  	s21 =	sadd.s32 s22, s21;
	v12 =	vnsel vm5, $0x0, v12;
	[tilespmem:s20+$0x0] =	vst v57  }
0x57: {  	[tilespmem:s21+$0x0] =	vst v12  }
0x58: {  	v12 =	vld [tilespmem:s14+$0x10]  }
0x59: {  	v13 =	vld [tilespmem:s14+$0x90];
	_ =	sdelay $0x1  }
0x5a: {  	v58 =	vld [tilespmem:s14+$0x110];
	_ =	sdelay $0x2  }
0x5b: {  	v59 =	vsub.f32 v12, v5;
	v60 =	vsub.f32 v13, v6  }
0x5c: {  	v61 =	vsub.f32 v12, v0;
	v62 =	vsub.f32 v13, v3  }
0x5d: {  	v63 =	vsub.f32 v58, v9;
	v20 =	vsub.f32 v58, v4  }
0x5e: {  	v26 =	vsub.f32 v12, v1;
	v27 =	vsub.f32 v13, v7  }
0x5f: {  	v12 =	vsub.f32 v12, v2;
	v13 =	vsub.f32 v13, v8  }
0x60: {  	v28 =	vsub.f32 v58, v10;
	v17 =	vmul.f32 v61, v61;
	v18 =	vmul.f32 v62, v62  }
0x61: {  	v14 =	vsub.f32 v58, v11;
	v15 =	vmul.f32 v59, v59;
	v16 =	vmul.f32 v60, v60  }
0x62: {  	v23 =	vmul.f32 v63, v63;
	v24 =	vmul.f32 v20, v20;
	v17 =	vadd.f32 v18, v17  }
0x63: {  	v12 =	vmul.f32 v12, v12;
	v13 =	vmul.f32 v13, v13;
	v15 =	vadd.f32 v16, v15  }
0x64: {  	v18 =	vmul.f32 v27, v27;
	v25 =	vadd.f32 v24, v17;
	v17 =	vmul.f32 v26, v26  }
0x65: {  	v30 =	vmul.f32 v14, v14;
	v12 =	vadd.f32 v13, v12;
	v15 =	vadd.f32 v23, v15  }
0x66: {  	v29 =	vmul.f32 v28, v28;
	v17 =	vadd.f32 v18, v17  }
0x67: {  	v12 =	vadd.f32 v30, v12;
	vm6 =	vlt.f32 v15, $3.600000000e+01;
	vm7 =	vgt.f32 v15, $9.999999960e-13  }
0x68: {  	vm8 =	vlt.f32 v25, $3.600000000e+01;
	vm9 =	vgt.f32 v25, $9.999999960e-13;
	v31 =	vadd.f32 v29, v17  }
0x69: {  	vm13 =	vlt.f32 v12, $3.600000000e+01;
	vm0 =	vmand vm6, vm7;
	vm10 =	vmand vm8, vm9  }
0x6a: {  	v15 =	vnsel vm0, $0x0, v15;
	vm11 =	vlt.f32 v31, $3.600000000e+01;
	vm12 =	vgt.f32 v31, $9.999999960e-13  }
0x6b: {  	vm14 =	vgt.f32 v12, $9.999999960e-13;
	v32 =	vnsel vm10, $0x0, v25;
	[tilespmem:s18+$0x10] =	vst v15;
	vm0 =	vmand vm11, vm12  }
0x6c: {  	vm15 =	vmand vm13, vm14;
	[tilespmem:s19+$0x10] =	vst v32;
	v33 =	vnsel vm0, $0x0, v31  }
0x6d: {  	v12 =	vnsel vm15, $0x0, v12;
	[tilespmem:s20+$0x10] =	vst v33  }
0x6e: {  	[tilespmem:s21+$0x10] =	vst v12  }
0x6f: {  	v12 =	vld [tilespmem:s14+$0x20]  }
0x70: {  	v13 =	vld [tilespmem:s14+$0xA0];
	_ =	sdelay $0x1  }
0x71: {  	v34 =	vld [tilespmem:s14+$0x120];
	_ =	sdelay $0x2  }
0x72: {  	v35 =	vsub.f32 v12, v5;
	v36 =	vsub.f32 v13, v6  }
0x73: {  	v37 =	vsub.f32 v12, v0;
	v38 =	vsub.f32 v13, v3  }
0x74: {  	v39 =	vsub.f32 v34, v9;
	v40 =	vsub.f32 v34, v4  }
0x75: {  	v44 =	vsub.f32 v12, v1;
	v45 =	vsub.f32 v13, v7  }
0x76: {  	v12 =	vsub.f32 v12, v2;
	v13 =	vsub.f32 v13, v8  }
0x77: {  	v46 =	vsub.f32 v34, v10;
	v17 =	vmul.f32 v37, v37;
	v18 =	vmul.f32 v38, v38  }
0x78: {  	v14 =	vsub.f32 v34, v11;
	v15 =	vmul.f32 v35, v35;
	v16 =	vmul.f32 v36, v36  }
0x79: {  	v41 =	vmul.f32 v39, v39;
	v42 =	vmul.f32 v40, v40;
	v17 =	vadd.f32 v18, v17  }
0x7a: {  	v12 =	vmul.f32 v12, v12;
	v13 =	vmul.f32 v13, v13;
	v15 =	vadd.f32 v16, v15  }
0x7b: {  	v18 =	vmul.f32 v45, v45;
	v43 =	vadd.f32 v42, v17;
	v17 =	vmul.f32 v44, v44  }
0x7c: {  	v48 =	vmul.f32 v14, v14;
	v12 =	vadd.f32 v13, v12;
	v15 =	vadd.f32 v41, v15  }
0x7d: {  	v47 =	vmul.f32 v46, v46;
	v17 =	vadd.f32 v18, v17  }
0x7e: {  	v12 =	vadd.f32 v48, v12;
	vm4 =	vlt.f32 v15, $3.600000000e+01;
	vm5 =	vgt.f32 v15, $9.999999960e-13  }
0x7f: {  	vm6 =	vlt.f32 v43, $3.600000000e+01;
	vm7 =	vgt.f32 v43, $9.999999960e-13;
	v49 =	vadd.f32 v47, v17  }
0x80: {  	vm11 =	vlt.f32 v12, $3.600000000e+01;
	vm0 =	vmand vm4, vm5;
	vm8 =	vmand vm6, vm7  }
0x81: {  	v15 =	vnsel vm0, $0x0, v15;
	vm9 =	vlt.f32 v49, $3.600000000e+01;
	vm10 =	vgt.f32 v49, $9.999999960e-13  }
0x82: {  	vm12 =	vgt.f32 v12, $9.999999960e-13;
	v50 =	vnsel vm8, $0x0, v43;
	[tilespmem:s18+$0x20] =	vst v15;
	vm0 =	vmand vm9, vm10  }
0x83: {  	vm13 =	vmand vm11, vm12;
	[tilespmem:s19+$0x20] =	vst v50;
	v51 =	vnsel vm0, $0x0, v49  }
0x84: {  	v12 =	vnsel vm13, $0x0, v12;
	[tilespmem:s20+$0x20] =	vst v51  }
0x85: {  	[tilespmem:s21+$0x20] =	vst v12  }
0x86: {  	v12 =	vld [tilespmem:s14+$0x30]  }
0x87: {  	v13 =	vld [tilespmem:s14+$0xB0];
	_ =	sdelay $0x1  }
0x88: {  	v52 =	vld [tilespmem:s14+$0x130];
	_ =	sdelay $0x2  }
0x89: {  	v53 =	vsub.f32 v12, v5;
	v54 =	vsub.f32 v13, v6  }
0x8a: {  	v55 =	vsub.f32 v12, v0;
	v56 =	vsub.f32 v13, v3  }
0x8b: {  	v57 =	vsub.f32 v52, v9;
	v58 =	vsub.f32 v52, v4  }
0x8c: {  	v62 =	vsub.f32 v12, v1;
	v63 =	vsub.f32 v13, v7  }
0x8d: {  	v12 =	vsub.f32 v12, v2;
	v13 =	vsub.f32 v13, v8  }
0x8e: {  	v21 =	vsub.f32 v52, v10;
	v17 =	vmul.f32 v55, v55;
	v18 =	vmul.f32 v56, v56  }
0x8f: {  	v14 =	vsub.f32 v52, v11;
	v15 =	vmul.f32 v53, v53;
	v16 =	vmul.f32 v54, v54  }
0x90: {  	v59 =	vmul.f32 v57, v57;
	v60 =	vmul.f32 v58, v58;
	v17 =	vadd.f32 v18, v17  }
0x91: {  	v12 =	vmul.f32 v12, v12;
	v13 =	vmul.f32 v13, v13;
	v15 =	vadd.f32 v16, v15  }
0x92: {  	v18 =	vmul.f32 v63, v63;
	v61 =	vadd.f32 v60, v17;
	v17 =	vmul.f32 v62, v62  }
0x93: {  	v23 =	vmul.f32 v14, v14;
	v12 =	vadd.f32 v13, v12;
	v15 =	vadd.f32 v59, v15  }
0x94: {  	v22 =	vmul.f32 v21, v21;
	v17 =	vadd.f32 v18, v17  }
0x95: {  	v12 =	vadd.f32 v23, v12;
	vm14 =	vlt.f32 v15, $3.600000000e+01;
	vm15 =	vgt.f32 v15, $9.999999960e-13  }
0x96: {  	vm4 =	vlt.f32 v61, $3.600000000e+01;
	vm5 =	vgt.f32 v61, $9.999999960e-13;
	v24 =	vadd.f32 v22, v17  }
0x97: {  	vm9 =	vlt.f32 v12, $3.600000000e+01;
	vm0 =	vmand vm14, vm15;
	vm6 =	vmand vm4, vm5  }
0x98: {  	v15 =	vnsel vm0, $0x0, v15;
	vm7 =	vlt.f32 v24, $3.600000000e+01;
	vm8 =	vgt.f32 v24, $9.999999960e-13  }
0x99: {  	vm10 =	vgt.f32 v12, $9.999999960e-13;
	v25 =	vnsel vm6, $0x0, v61;
	[tilespmem:s18+$0x30] =	vst v15;
	vm0 =	vmand vm7, vm8  }
0x9a: {  	vm11 =	vmand vm9, vm10;
	[tilespmem:s19+$0x30] =	vst v25;
	v26 =	vnsel vm0, $0x0, v24  }
0x9b: {  	v12 =	vnsel vm11, $0x0, v12;
	[tilespmem:s20+$0x30] =	vst v26  }
0x9c: {  	[tilespmem:s21+$0x30] =	vst v12  }
0x9d: {  	v12 =	vld [tilespmem:s14+$0x40]  }
0x9e: {  	v13 =	vld [tilespmem:s14+$0xC0];
	_ =	sdelay $0x1  }
0x9f: {  	v27 =	vld [tilespmem:s14+$0x140];
	_ =	sdelay $0x2  }
0xa0: {  	v28 =	vsub.f32 v12, v5;
	v29 =	vsub.f32 v13, v6  }
0xa1: {  	v30 =	vsub.f32 v12, v0;
	v31 =	vsub.f32 v13, v3  }
0xa2: {  	v32 =	vsub.f32 v27, v9;
	v33 =	vsub.f32 v27, v4  }
0xa3: {  	v37 =	vsub.f32 v12, v1;
	v38 =	vsub.f32 v13, v7  }
0xa4: {  	v12 =	vsub.f32 v12, v2;
	v13 =	vsub.f32 v13, v8  }
0xa5: {  	v39 =	vsub.f32 v27, v10;
	v17 =	vmul.f32 v30, v30;
	v18 =	vmul.f32 v31, v31  }
0xa6: {  	v14 =	vsub.f32 v27, v11;
	v15 =	vmul.f32 v28, v28;
	v16 =	vmul.f32 v29, v29  }
0xa7: {  	v34 =	vmul.f32 v32, v32;
	v35 =	vmul.f32 v33, v33;
	v17 =	vadd.f32 v18, v17  }
0xa8: {  	v12 =	vmul.f32 v12, v12;
	v13 =	vmul.f32 v13, v13;
	v15 =	vadd.f32 v16, v15  }
0xa9: {  	v18 =	vmul.f32 v38, v38;
	v36 =	vadd.f32 v35, v17;
	v17 =	vmul.f32 v37, v37  }
0xaa: {  	v41 =	vmul.f32 v14, v14;
	v12 =	vadd.f32 v13, v12;
	v15 =	vadd.f32 v34, v15  }
0xab: {  	v40 =	vmul.f32 v39, v39;
	v17 =	vadd.f32 v18, v17  }
0xac: {  	v12 =	vadd.f32 v41, v12;
	vm12 =	vlt.f32 v15, $3.600000000e+01;
	vm13 =	vgt.f32 v15, $9.999999960e-13  }
0xad: {  	vm14 =	vlt.f32 v36, $3.600000000e+01;
	vm15 =	vgt.f32 v36, $9.999999960e-13;
	v42 =	vadd.f32 v40, v17  }
0xae: {  	vm7 =	vlt.f32 v12, $3.600000000e+01;
	vm0 =	vmand vm12, vm13;
	vm4 =	vmand vm14, vm15  }
0xaf: {  	v15 =	vnsel vm0, $0x0, v15;
	vm5 =	vlt.f32 v42, $3.600000000e+01;
	vm6 =	vgt.f32 v42, $9.999999960e-13  }
0xb0: {  	vm8 =	vgt.f32 v12, $9.999999960e-13;
	v43 =	vnsel vm4, $0x0, v36;
	[tilespmem:s18+$0x40] =	vst v15;
	vm0 =	vmand vm5, vm6  }
0xb1: {  	vm9 =	vmand vm7, vm8;
	[tilespmem:s19+$0x40] =	vst v43;
	v44 =	vnsel vm0, $0x0, v42  }
0xb2: {  	v12 =	vnsel vm9, $0x0, v12;
	[tilespmem:s20+$0x40] =	vst v44  }
0xb3: {  	[tilespmem:s21+$0x40] =	vst v12  }
0xb4: {  	v12 =	vld [tilespmem:s14+$0x50]  }
0xb5: {  	v13 =	vld [tilespmem:s14+$0xD0];
	_ =	sdelay $0x1  }
0xb6: {  	v45 =	vld [tilespmem:s14+$0x150];
	_ =	sdelay $0x2  }
0xb7: {  	v46 =	vsub.f32 v12, v5;
	v47 =	vsub.f32 v13, v6  }
0xb8: {  	v48 =	vsub.f32 v12, v0;
	v49 =	vsub.f32 v13, v3  }
0xb9: {  	v50 =	vsub.f32 v45, v9;
	v51 =	vsub.f32 v45, v4  }
0xba: {  	v55 =	vsub.f32 v12, v1;
	v56 =	vsub.f32 v13, v7  }
0xbb: {  	v12 =	vsub.f32 v12, v2;
	v13 =	vsub.f32 v13, v8  }
0xbc: {  	v57 =	vsub.f32 v45, v10;
	v17 =	vmul.f32 v48, v48;
	v18 =	vmul.f32 v49, v49  }
0xbd: {  	v14 =	vsub.f32 v45, v11;
	v15 =	vmul.f32 v46, v46;
	v16 =	vmul.f32 v47, v47  }
0xbe: {  	v52 =	vmul.f32 v50, v50;
	v53 =	vmul.f32 v51, v51;
	v17 =	vadd.f32 v18, v17  }
0xbf: {  	v12 =	vmul.f32 v12, v12;
	v13 =	vmul.f32 v13, v13;
	v15 =	vadd.f32 v16, v15  }
0xc0: {  	v18 =	vmul.f32 v56, v56;
	v54 =	vadd.f32 v53, v17;
	v17 =	vmul.f32 v55, v55  }
0xc1: {  	v59 =	vmul.f32 v14, v14;
	v12 =	vadd.f32 v13, v12;
	v15 =	vadd.f32 v52, v15  }
0xc2: {  	v58 =	vmul.f32 v57, v57;
	v17 =	vadd.f32 v18, v17  }
0xc3: {  	v12 =	vadd.f32 v59, v12;
	vm10 =	vlt.f32 v15, $3.600000000e+01;
	vm11 =	vgt.f32 v15, $9.999999960e-13  }
0xc4: {  	vm12 =	vlt.f32 v54, $3.600000000e+01;
	vm13 =	vgt.f32 v54, $9.999999960e-13;
	v60 =	vadd.f32 v58, v17  }
0xc5: {  	vm5 =	vlt.f32 v12, $3.600000000e+01;
	vm0 =	vmand vm10, vm11;
	vm14 =	vmand vm12, vm13  }
0xc6: {  	v15 =	vnsel vm0, $0x0, v15;
	vm15 =	vlt.f32 v60, $3.600000000e+01;
	vm4 =	vgt.f32 v60, $9.999999960e-13  }
0xc7: {  	vm6 =	vgt.f32 v12, $9.999999960e-13;
	v61 =	vnsel vm14, $0x0, v54;
	[tilespmem:s18+$0x50] =	vst v15;
	vm0 =	vmand vm15, vm4  }
0xc8: {  	vm7 =	vmand vm5, vm6;
	[tilespmem:s19+$0x50] =	vst v61;
	v62 =	vnsel vm0, $0x0, v60  }
0xc9: {  	v12 =	vnsel vm7, $0x0, v12;
	[tilespmem:s20+$0x50] =	vst v62  }
0xca: {  	[tilespmem:s21+$0x50] =	vst v12  }
0xcb: {  	v12 =	vld [tilespmem:s14+$0x60]  }
0xcc: {  	v13 =	vld [tilespmem:s14+$0xE0];
	_ =	sdelay $0x1  }
0xcd: {  	v63 =	vld [tilespmem:s14+$0x160];
	_ =	sdelay $0x2  }
0xce: {  	v22 =	vsub.f32 v12, v5;
	v23 =	vsub.f32 v13, v6  }
0xcf: {  	v24 =	vsub.f32 v12, v0;
	v25 =	vsub.f32 v13, v3  }
0xd0: {  	v26 =	vsub.f32 v63, v9;
	v27 =	vsub.f32 v63, v4  }
0xd1: {  	v31 =	vsub.f32 v12, v1;
	v32 =	vsub.f32 v13, v7  }
0xd2: {  	v12 =	vsub.f32 v12, v2;
	v13 =	vsub.f32 v13, v8  }
0xd3: {  	v33 =	vsub.f32 v63, v10;
	v17 =	vmul.f32 v24, v24;
	v18 =	vmul.f32 v25, v25  }
0xd4: {  	v14 =	vsub.f32 v63, v11;
	v15 =	vmul.f32 v22, v22;
	v16 =	vmul.f32 v23, v23  }
0xd5: {  	v28 =	vmul.f32 v26, v26;
	v29 =	vmul.f32 v27, v27;
	v17 =	vadd.f32 v18, v17  }
0xd6: {  	v12 =	vmul.f32 v12, v12;
	v13 =	vmul.f32 v13, v13;
	v15 =	vadd.f32 v16, v15  }
0xd7: {  	v18 =	vmul.f32 v32, v32;
	v30 =	vadd.f32 v29, v17;
	v17 =	vmul.f32 v31, v31  }
0xd8: {  	v35 =	vmul.f32 v14, v14;
	v12 =	vadd.f32 v13, v12;
	v15 =	vadd.f32 v28, v15  }
0xd9: {  	v34 =	vmul.f32 v33, v33;
	v17 =	vadd.f32 v18, v17  }
0xda: {  	v12 =	vadd.f32 v35, v12;
	vm8 =	vlt.f32 v15, $3.600000000e+01;
	vm9 =	vgt.f32 v15, $9.999999960e-13  }
0xdb: {  	vm10 =	vlt.f32 v30, $3.600000000e+01;
	vm11 =	vgt.f32 v30, $9.999999960e-13;
	v36 =	vadd.f32 v34, v17  }
0xdc: {  	vm15 =	vlt.f32 v12, $3.600000000e+01;
	vm0 =	vmand vm8, vm9;
	vm12 =	vmand vm10, vm11  }
0xdd: {  	v15 =	vnsel vm0, $0x0, v15;
	vm13 =	vlt.f32 v36, $3.600000000e+01;
	vm14 =	vgt.f32 v36, $9.999999960e-13  }
0xde: {  	vm4 =	vgt.f32 v12, $9.999999960e-13;
	v37 =	vnsel vm12, $0x0, v30;
	[tilespmem:s18+$0x60] =	vst v15;
	vm0 =	vmand vm13, vm14  }
0xdf: {  	vm5 =	vmand vm15, vm4;
	[tilespmem:s19+$0x60] =	vst v37;
	v38 =	vnsel vm0, $0x0, v36  }
0xe0: {  	v12 =	vnsel vm5, $0x0, v12;
	[tilespmem:s20+$0x60] =	vst v38  }
0xe1: {  	[tilespmem:s21+$0x60] =	vst v12  }
0xe2: {  	v12 =	vld [tilespmem:s14+$0x70]  }
0xe3: {  	v13 =	vld [tilespmem:s14+$0xF0];
	_ =	sdelay $0x1  }
0xe4: {  	v39 =	vld [tilespmem:s14+$0x170];
	_ =	sdelay $0x2  }
0xe5: {  	v40 =	vsub.f32 v12, v5;
	v41 =	vsub.f32 v13, v6  }
0xe6: {  	v42 =	vsub.f32 v12, v0;
	v43 =	vsub.f32 v13, v3  }
0xe7: {  	v44 =	vsub.f32 v39, v9;
	v45 =	vsub.f32 v39, v4  }
0xe8: {  	v49 =	vsub.f32 v12, v1;
	v50 =	vsub.f32 v13, v7  }
0xe9: {  	v12 =	vsub.f32 v12, v2;
	v13 =	vsub.f32 v13, v8  }
0xea: {  	v51 =	vsub.f32 v39, v10;
	v17 =	vmul.f32 v42, v42;
	v18 =	vmul.f32 v43, v43  }
0xeb: {  	v14 =	vsub.f32 v39, v11;
	v15 =	vmul.f32 v40, v40;
	v16 =	vmul.f32 v41, v41  }
0xec: {  	v46 =	vmul.f32 v44, v44;
	v47 =	vmul.f32 v45, v45;
	v17 =	vadd.f32 v18, v17  }
0xed: {  	v12 =	vmul.f32 v12, v12;
	v13 =	vmul.f32 v13, v13;
	v15 =	vadd.f32 v16, v15  }
0xee: {  	v18 =	vmul.f32 v50, v50;
	v48 =	vadd.f32 v47, v17;
	v17 =	vmul.f32 v49, v49  }
0xef: {  	v53 =	vmul.f32 v14, v14;
	v12 =	vadd.f32 v13, v12;
	v15 =	vadd.f32 v46, v15  }
0xf0: {  	v52 =	vmul.f32 v51, v51;
	v17 =	vadd.f32 v18, v17  }
0xf1: {  	v12 =	vadd.f32 v53, v12;
	vm6 =	vlt.f32 v15, $3.600000000e+01;
	vm7 =	vgt.f32 v15, $9.999999960e-13  }
0xf2: {  	vm8 =	vlt.f32 v48, $3.600000000e+01;
	vm9 =	vgt.f32 v48, $9.999999960e-13;
	v54 =	vadd.f32 v52, v17  }
0xf3: {  	vm13 =	vlt.f32 v12, $3.600000000e+01;
	vm0 =	vmand vm6, vm7;
	vm10 =	vmand vm8, vm9  }
0xf4: {  	v15 =	vnsel vm0, $0x0, v15;
	vm11 =	vlt.f32 v54, $3.600000000e+01;
	vm12 =	vgt.f32 v54, $9.999999960e-13  }
0xf5: {  	vm14 =	vgt.f32 v12, $9.999999960e-13;
	v55 =	vnsel vm10, $0x0, v48;
	[tilespmem:s18+$0x70] =	vst v15;
	vm0 =	vmand vm11, vm12  }
0xf6: {  	vm15 =	vmand vm13, vm14;
	[tilespmem:s19+$0x70] =	vst v55;
	v56 =	vnsel vm0, $0x0, v54  }
0xf7: {  	v12 =	vnsel vm15, $0x0, v12;
	[tilespmem:s20+$0x70] =	vst v56  }
0xf8: {  	[tilespmem:s21+$0x70] =	vst v12  }
0xf9: {  	v12 =	vld [tilespmem:s14+$0x200]  }
0xfa: {  	v13 =	vld [tilespmem:s14+$0x280];
	_ =	sdelay $0x1  }
0xfb: {  	v57 =	vld [tilespmem:s14+$0x300];
	_ =	sdelay $0x2  }
0xfc: {  	v58 =	vsub.f32 v12, v5;
	v59 =	vsub.f32 v13, v6  }
0xfd: {  	v60 =	vsub.f32 v12, v0;
	v61 =	vsub.f32 v13, v3  }
0xfe: {  	v62 =	vsub.f32 v57, v9;
	v63 =	vsub.f32 v57, v4  }
0xff: {  	v26 =	vsub.f32 v12, v1;
	v27 =	vsub.f32 v13, v7  }
0x100: {  	v12 =	vsub.f32 v12, v2;
	v13 =	vsub.f32 v13, v8  }
0x101: {  	v28 =	vsub.f32 v57, v10;
	v17 =	vmul.f32 v60, v60;
	v18 =	vmul.f32 v61, v61  }
0x102: {  	v14 =	vsub.f32 v57, v11;
	v15 =	vmul.f32 v58, v58;
	v16 =	vmul.f32 v59, v59  }
0x103: {  	v23 =	vmul.f32 v62, v62;
	v24 =	vmul.f32 v63, v63;
	v17 =	vadd.f32 v18, v17  }
0x104: {  	v12 =	vmul.f32 v12, v12;
	v13 =	vmul.f32 v13, v13;
	v15 =	vadd.f32 v16, v15  }
0x105: {  	v18 =	vmul.f32 v27, v27;
	v25 =	vadd.f32 v24, v17;
	v17 =	vmul.f32 v26, v26  }
0x106: {  	v30 =	vmul.f32 v14, v14;
	v12 =	vadd.f32 v13, v12;
	v15 =	vadd.f32 v23, v15  }
0x107: {  	v29 =	vmul.f32 v28, v28;
	v17 =	vadd.f32 v18, v17  }
0x108: {  	v12 =	vadd.f32 v30, v12;
	vm4 =	vlt.f32 v15, $3.600000000e+01;
	vm5 =	vgt.f32 v15, $9.999999960e-13  }
0x109: {  	vm6 =	vlt.f32 v25, $3.600000000e+01;
	vm7 =	vgt.f32 v25, $9.999999960e-13;
	v31 =	vadd.f32 v29, v17  }
0x10a: {  	vm11 =	vlt.f32 v12, $3.600000000e+01;
	vm0 =	vmand vm4, vm5;
	vm8 =	vmand vm6, vm7  }
0x10b: {  	v15 =	vnsel vm0, $0x0, v15;
	vm9 =	vlt.f32 v31, $3.600000000e+01;
	vm10 =	vgt.f32 v31, $9.999999960e-13  }
0x10c: {  	vm12 =	vgt.f32 v12, $9.999999960e-13;
	v32 =	vnsel vm8, $0x0, v25;
	[tilespmem:s18+$0x400] =	vst v15;
	vm0 =	vmand vm9, vm10  }
0x10d: {  	vm13 =	vmand vm11, vm12;
	[tilespmem:s19+$0x400] =	vst v32;
	v33 =	vnsel vm0, $0x0, v31  }
0x10e: {  	v12 =	vnsel vm13, $0x0, v12;
	[tilespmem:s20+$0x400] =	vst v33  }
0x10f: {  	[tilespmem:s21+$0x400] =	vst v12  }
0x110: {  	v12 =	vld [tilespmem:s14+$0x210]  }
0x111: {  	v13 =	vld [tilespmem:s14+$0x290];
	_ =	sdelay $0x1  }
0x112: {  	v34 =	vld [tilespmem:s14+$0x310];
	_ =	sdelay $0x2  }
0x113: {  	v35 =	vsub.f32 v12, v5;
	v36 =	vsub.f32 v13, v6  }
0x114: {  	v37 =	vsub.f32 v12, v0;
	v38 =	vsub.f32 v13, v3  }
0x115: {  	v39 =	vsub.f32 v34, v9;
	v40 =	vsub.f32 v34, v4  }
0x116: {  	v44 =	vsub.f32 v12, v1;
	v45 =	vsub.f32 v13, v7  }
0x117: {  	v12 =	vsub.f32 v12, v2;
	v13 =	vsub.f32 v13, v8  }
0x118: {  	v46 =	vsub.f32 v34, v10;
	v17 =	vmul.f32 v37, v37;
	v18 =	vmul.f32 v38, v38  }
0x119: {  	v14 =	vsub.f32 v34, v11;
	v15 =	vmul.f32 v35, v35;
	v16 =	vmul.f32 v36, v36  }
0x11a: {  	v41 =	vmul.f32 v39, v39;
	v42 =	vmul.f32 v40, v40;
	v17 =	vadd.f32 v18, v17  }
0x11b: {  	v12 =	vmul.f32 v12, v12;
	v13 =	vmul.f32 v13, v13;
	v15 =	vadd.f32 v16, v15  }
0x11c: {  	v18 =	vmul.f32 v45, v45;
	v43 =	vadd.f32 v42, v17;
	v17 =	vmul.f32 v44, v44  }
0x11d: {  	v48 =	vmul.f32 v14, v14;
	v12 =	vadd.f32 v13, v12;
	v15 =	vadd.f32 v41, v15  }
0x11e: {  	v47 =	vmul.f32 v46, v46;
	v17 =	vadd.f32 v18, v17  }
0x11f: {  	v12 =	vadd.f32 v48, v12;
	vm14 =	vlt.f32 v15, $3.600000000e+01;
	vm15 =	vgt.f32 v15, $9.999999960e-13  }
0x120: {  	vm4 =	vlt.f32 v43, $3.600000000e+01;
	vm5 =	vgt.f32 v43, $9.999999960e-13;
	v49 =	vadd.f32 v47, v17  }
0x121: {  	vm9 =	vlt.f32 v12, $3.600000000e+01;
	vm0 =	vmand vm14, vm15;
	vm6 =	vmand vm4, vm5  }
0x122: {  	v15 =	vnsel vm0, $0x0, v15;
	vm7 =	vlt.f32 v49, $3.600000000e+01;
	vm8 =	vgt.f32 v49, $9.999999960e-13  }
0x123: {  	vm10 =	vgt.f32 v12, $9.999999960e-13;
	v50 =	vnsel vm6, $0x0, v43;
	[tilespmem:s18+$0x410] =	vst v15;
	vm0 =	vmand vm7, vm8  }
0x124: {  	vm11 =	vmand vm9, vm10;
	[tilespmem:s19+$0x410] =	vst v50;
	v51 =	vnsel vm0, $0x0, v49  }
0x125: {  	v12 =	vnsel vm11, $0x0, v12;
	[tilespmem:s20+$0x410] =	vst v51  }
0x126: {  	[tilespmem:s21+$0x410] =	vst v12  }
0x127: {  	v12 =	vld [tilespmem:s14+$0x220]  }
0x128: {  	v13 =	vld [tilespmem:s14+$0x2A0];
	_ =	sdelay $0x1  }
0x129: {  	v52 =	vld [tilespmem:s14+$0x320];
	_ =	sdelay $0x2  }
0x12a: {  	v53 =	vsub.f32 v12, v5;
	v54 =	vsub.f32 v13, v6  }
0x12b: {  	v55 =	vsub.f32 v12, v0;
	v56 =	vsub.f32 v13, v3  }
0x12c: {  	v57 =	vsub.f32 v52, v9;
	v58 =	vsub.f32 v52, v4  }
0x12d: {  	v62 =	vsub.f32 v12, v1;
	v63 =	vsub.f32 v13, v7  }
0x12e: {  	v12 =	vsub.f32 v12, v2;
	v13 =	vsub.f32 v13, v8  }
0x12f: {  	v21 =	vsub.f32 v52, v10;
	v17 =	vmul.f32 v55, v55;
	v18 =	vmul.f32 v56, v56  }
0x130: {  	v14 =	vsub.f32 v52, v11;
	v15 =	vmul.f32 v53, v53;
	v16 =	vmul.f32 v54, v54  }
0x131: {  	v59 =	vmul.f32 v57, v57;
	v60 =	vmul.f32 v58, v58;
	v17 =	vadd.f32 v18, v17  }
0x132: {  	v12 =	vmul.f32 v12, v12;
	v13 =	vmul.f32 v13, v13;
	v15 =	vadd.f32 v16, v15  }
0x133: {  	v18 =	vmul.f32 v63, v63;
	v61 =	vadd.f32 v60, v17;
	v17 =	vmul.f32 v62, v62  }
0x134: {  	v23 =	vmul.f32 v14, v14;
	v12 =	vadd.f32 v13, v12;
	v15 =	vadd.f32 v59, v15  }
0x135: {  	v22 =	vmul.f32 v21, v21;
	v17 =	vadd.f32 v18, v17  }
0x136: {  	v12 =	vadd.f32 v23, v12;
	vm12 =	vlt.f32 v15, $3.600000000e+01;
	vm13 =	vgt.f32 v15, $9.999999960e-13  }
0x137: {  	vm14 =	vlt.f32 v61, $3.600000000e+01;
	vm15 =	vgt.f32 v61, $9.999999960e-13;
	v24 =	vadd.f32 v22, v17  }
0x138: {  	vm7 =	vlt.f32 v12, $3.600000000e+01;
	vm0 =	vmand vm12, vm13;
	vm4 =	vmand vm14, vm15  }
0x139: {  	v15 =	vnsel vm0, $0x0, v15;
	vm5 =	vlt.f32 v24, $3.600000000e+01;
	vm6 =	vgt.f32 v24, $9.999999960e-13  }
0x13a: {  	vm8 =	vgt.f32 v12, $9.999999960e-13;
	v25 =	vnsel vm4, $0x0, v61;
	[tilespmem:s18+$0x420] =	vst v15;
	vm0 =	vmand vm5, vm6  }
0x13b: {  	vm9 =	vmand vm7, vm8;
	[tilespmem:s19+$0x420] =	vst v25;
	v26 =	vnsel vm0, $0x0, v24  }
0x13c: {  	v12 =	vnsel vm9, $0x0, v12;
	[tilespmem:s20+$0x420] =	vst v26  }
0x13d: {  	[tilespmem:s21+$0x420] =	vst v12  }
0x13e: {  	v12 =	vld [tilespmem:s14+$0x230]  }
0x13f: {  	v13 =	vld [tilespmem:s14+$0x2B0];
	_ =	sdelay $0x1  }
0x140: {  	v27 =	vld [tilespmem:s14+$0x330];
	_ =	sdelay $0x2  }
0x141: {  	v28 =	vsub.f32 v12, v5;
	v29 =	vsub.f32 v13, v6  }
0x142: {  	v30 =	vsub.f32 v12, v0;
	v31 =	vsub.f32 v13, v3  }
0x143: {  	v32 =	vsub.f32 v27, v9;
	v33 =	vsub.f32 v27, v4  }
0x144: {  	v37 =	vsub.f32 v12, v1;
	v38 =	vsub.f32 v13, v7  }
0x145: {  	v12 =	vsub.f32 v12, v2;
	v13 =	vsub.f32 v13, v8  }
0x146: {  	v39 =	vsub.f32 v27, v10;
	v17 =	vmul.f32 v30, v30;
	v18 =	vmul.f32 v31, v31  }
0x147: {  	v14 =	vsub.f32 v27, v11;
	v15 =	vmul.f32 v28, v28;
	v16 =	vmul.f32 v29, v29  }
0x148: {  	v34 =	vmul.f32 v32, v32;
	v35 =	vmul.f32 v33, v33;
	v17 =	vadd.f32 v18, v17  }
0x149: {  	v12 =	vmul.f32 v12, v12;
	v13 =	vmul.f32 v13, v13;
	v15 =	vadd.f32 v16, v15  }
0x14a: {  	v18 =	vmul.f32 v38, v38;
	v36 =	vadd.f32 v35, v17;
	v17 =	vmul.f32 v37, v37  }
0x14b: {  	v41 =	vmul.f32 v14, v14;
	v12 =	vadd.f32 v13, v12;
	v15 =	vadd.f32 v34, v15  }
0x14c: {  	v40 =	vmul.f32 v39, v39;
	v17 =	vadd.f32 v18, v17  }
0x14d: {  	v12 =	vadd.f32 v41, v12;
	vm10 =	vlt.f32 v15, $3.600000000e+01;
	vm11 =	vgt.f32 v15, $9.999999960e-13  }
0x14e: {  	vm12 =	vlt.f32 v36, $3.600000000e+01;
	vm13 =	vgt.f32 v36, $9.999999960e-13;
	v42 =	vadd.f32 v40, v17  }
0x14f: {  	vm5 =	vlt.f32 v12, $3.600000000e+01;
	vm0 =	vmand vm10, vm11;
	vm14 =	vmand vm12, vm13  }
0x150: {  	v15 =	vnsel vm0, $0x0, v15;
	vm15 =	vlt.f32 v42, $3.600000000e+01;
	vm4 =	vgt.f32 v42, $9.999999960e-13  }
0x151: {  	vm6 =	vgt.f32 v12, $9.999999960e-13;
	v43 =	vnsel vm14, $0x0, v36;
	[tilespmem:s18+$0x430] =	vst v15;
	vm0 =	vmand vm15, vm4  }
0x152: {  	vm7 =	vmand vm5, vm6;
	[tilespmem:s19+$0x430] =	vst v43;
	v44 =	vnsel vm0, $0x0, v42  }
0x153: {  	v12 =	vnsel vm7, $0x0, v12;
	[tilespmem:s20+$0x430] =	vst v44  }
0x154: {  	[tilespmem:s21+$0x430] =	vst v12  }
0x155: {  	v12 =	vld [tilespmem:s14+$0x240]  }
0x156: {  	v13 =	vld [tilespmem:s14+$0x2C0];
	_ =	sdelay $0x1  }
0x157: {  	v45 =	vld [tilespmem:s14+$0x340];
	_ =	sdelay $0x2  }
0x158: {  	v46 =	vsub.f32 v12, v5;
	v47 =	vsub.f32 v13, v6  }
0x159: {  	v48 =	vsub.f32 v12, v0;
	v49 =	vsub.f32 v13, v3  }
0x15a: {  	v50 =	vsub.f32 v45, v9;
	v51 =	vsub.f32 v45, v4  }
0x15b: {  	v55 =	vsub.f32 v12, v1;
	v56 =	vsub.f32 v13, v7  }
0x15c: {  	v12 =	vsub.f32 v12, v2;
	v13 =	vsub.f32 v13, v8  }
0x15d: {  	v57 =	vsub.f32 v45, v10;
	v17 =	vmul.f32 v48, v48;
	v18 =	vmul.f32 v49, v49  }
0x15e: {  	v14 =	vsub.f32 v45, v11;
	v15 =	vmul.f32 v46, v46;
	v16 =	vmul.f32 v47, v47  }
0x15f: {  	v52 =	vmul.f32 v50, v50;
	v53 =	vmul.f32 v51, v51;
	v17 =	vadd.f32 v18, v17  }
0x160: {  	v12 =	vmul.f32 v12, v12;
	v13 =	vmul.f32 v13, v13;
	v15 =	vadd.f32 v16, v15  }
0x161: {  	v18 =	vmul.f32 v56, v56;
	v54 =	vadd.f32 v53, v17;
	v17 =	vmul.f32 v55, v55  }
0x162: {  	v59 =	vmul.f32 v14, v14;
	v12 =	vadd.f32 v13, v12;
	v15 =	vadd.f32 v52, v15  }
0x163: {  	v58 =	vmul.f32 v57, v57;
	v17 =	vadd.f32 v18, v17  }
0x164: {  	v12 =	vadd.f32 v59, v12;
	vm8 =	vlt.f32 v15, $3.600000000e+01;
	vm9 =	vgt.f32 v15, $9.999999960e-13  }
0x165: {  	vm10 =	vlt.f32 v54, $3.600000000e+01;
	vm11 =	vgt.f32 v54, $9.999999960e-13;
	v60 =	vadd.f32 v58, v17  }
0x166: {  	vm15 =	vlt.f32 v12, $3.600000000e+01;
	vm0 =	vmand vm8, vm9;
	vm12 =	vmand vm10, vm11  }
0x167: {  	v15 =	vnsel vm0, $0x0, v15;
	vm13 =	vlt.f32 v60, $3.600000000e+01;
	vm14 =	vgt.f32 v60, $9.999999960e-13  }
0x168: {  	vm4 =	vgt.f32 v12, $9.999999960e-13;
	v61 =	vnsel vm12, $0x0, v54;
	[tilespmem:s18+$0x440] =	vst v15;
	vm0 =	vmand vm13, vm14  }
0x169: {  	vm5 =	vmand vm15, vm4;
	[tilespmem:s19+$0x440] =	vst v61;
	v62 =	vnsel vm0, $0x0, v60  }
0x16a: {  	v12 =	vnsel vm5, $0x0, v12;
	[tilespmem:s20+$0x440] =	vst v62  }
0x16b: {  	[tilespmem:s21+$0x440] =	vst v12  }
0x16c: {  	v12 =	vld [tilespmem:s14+$0x250]  }
0x16d: {  	v13 =	vld [tilespmem:s14+$0x2D0];
	_ =	sdelay $0x1  }
0x16e: {  	v63 =	vld [tilespmem:s14+$0x350];
	_ =	sdelay $0x2  }
0x16f: {  	v22 =	vsub.f32 v12, v5;
	v23 =	vsub.f32 v13, v6  }
0x170: {  	v24 =	vsub.f32 v12, v0;
	v25 =	vsub.f32 v13, v3  }
0x171: {  	v26 =	vsub.f32 v63, v9;
	v27 =	vsub.f32 v63, v4  }
0x172: {  	v31 =	vsub.f32 v12, v1;
	v32 =	vsub.f32 v13, v7  }
0x173: {  	v12 =	vsub.f32 v12, v2;
	v13 =	vsub.f32 v13, v8  }
0x174: {  	v33 =	vsub.f32 v63, v10;
	v17 =	vmul.f32 v24, v24;
	v18 =	vmul.f32 v25, v25  }
0x175: {  	v14 =	vsub.f32 v63, v11;
	v15 =	vmul.f32 v22, v22;
	v16 =	vmul.f32 v23, v23  }
0x176: {  	v28 =	vmul.f32 v26, v26;
	v29 =	vmul.f32 v27, v27;
	v17 =	vadd.f32 v18, v17  }
0x177: {  	v12 =	vmul.f32 v12, v12;
	v13 =	vmul.f32 v13, v13;
	v15 =	vadd.f32 v16, v15  }
0x178: {  	v18 =	vmul.f32 v32, v32;
	v30 =	vadd.f32 v29, v17;
	v17 =	vmul.f32 v31, v31  }
0x179: {  	v35 =	vmul.f32 v14, v14;
	v12 =	vadd.f32 v13, v12;
	v15 =	vadd.f32 v28, v15  }
0x17a: {  	v34 =	vmul.f32 v33, v33;
	v17 =	vadd.f32 v18, v17  }
0x17b: {  	v12 =	vadd.f32 v35, v12;
	vm6 =	vlt.f32 v15, $3.600000000e+01;
	vm7 =	vgt.f32 v15, $9.999999960e-13  }
0x17c: {  	vm8 =	vlt.f32 v30, $3.600000000e+01;
	vm9 =	vgt.f32 v30, $9.999999960e-13;
	v36 =	vadd.f32 v34, v17  }
0x17d: {  	vm13 =	vlt.f32 v12, $3.600000000e+01;
	vm0 =	vmand vm6, vm7;
	vm10 =	vmand vm8, vm9  }
0x17e: {  	v15 =	vnsel vm0, $0x0, v15;
	vm11 =	vlt.f32 v36, $3.600000000e+01;
	vm12 =	vgt.f32 v36, $9.999999960e-13  }
0x17f: {  	vm14 =	vgt.f32 v12, $9.999999960e-13;
	v37 =	vnsel vm10, $0x0, v30;
	[tilespmem:s18+$0x450] =	vst v15;
	vm0 =	vmand vm11, vm12  }
0x180: {  	vm15 =	vmand vm13, vm14;
	[tilespmem:s19+$0x450] =	vst v37;
	v38 =	vnsel vm0, $0x0, v36  }
0x181: {  	v12 =	vnsel vm15, $0x0, v12;
	[tilespmem:s20+$0x450] =	vst v38  }
0x182: {  	[tilespmem:s21+$0x450] =	vst v12  }
0x183: {  	v12 =	vld [tilespmem:s14+$0x260]  }
0x184: {  	v13 =	vld [tilespmem:s14+$0x2E0];
	_ =	sdelay $0x1  }
0x185: {  	v39 =	vld [tilespmem:s14+$0x360];
	_ =	sdelay $0x2  }
0x186: {  	v40 =	vsub.f32 v12, v5;
	v41 =	vsub.f32 v13, v6  }
0x187: {  	v42 =	vsub.f32 v12, v0;
	v43 =	vsub.f32 v13, v3  }
0x188: {  	v44 =	vsub.f32 v39, v9;
	v45 =	vsub.f32 v39, v4  }
0x189: {  	v49 =	vsub.f32 v12, v1;
	v50 =	vsub.f32 v13, v7  }
0x18a: {  	v12 =	vsub.f32 v12, v2;
	v13 =	vsub.f32 v13, v8  }
0x18b: {  	v51 =	vsub.f32 v39, v10;
	v17 =	vmul.f32 v42, v42;
	v18 =	vmul.f32 v43, v43  }
0x18c: {  	v14 =	vsub.f32 v39, v11;
	v15 =	vmul.f32 v40, v40;
	v16 =	vmul.f32 v41, v41  }
0x18d: {  	v46 =	vmul.f32 v44, v44;
	v47 =	vmul.f32 v45, v45;
	v17 =	vadd.f32 v18, v17  }
0x18e: {  	v12 =	vmul.f32 v12, v12;
	v13 =	vmul.f32 v13, v13;
	v15 =	vadd.f32 v16, v15  }
0x18f: {  	v18 =	vmul.f32 v50, v50;
	v48 =	vadd.f32 v47, v17;
	v17 =	vmul.f32 v49, v49  }
0x190: {  	v53 =	vmul.f32 v14, v14;
	v12 =	vadd.f32 v13, v12;
	v15 =	vadd.f32 v46, v15  }
0x191: {  	v52 =	vmul.f32 v51, v51;
	v17 =	vadd.f32 v18, v17  }
0x192: {  	v12 =	vadd.f32 v53, v12;
	vm4 =	vlt.f32 v15, $3.600000000e+01;
	vm5 =	vgt.f32 v15, $9.999999960e-13  }
0x193: {  	vm6 =	vlt.f32 v48, $3.600000000e+01;
	vm7 =	vgt.f32 v48, $9.999999960e-13;
	v54 =	vadd.f32 v52, v17  }
0x194: {  	vm11 =	vlt.f32 v12, $3.600000000e+01;
	vm0 =	vmand vm4, vm5;
	vm8 =	vmand vm6, vm7  }
0x195: {  	v15 =	vnsel vm0, $0x0, v15;
	vm9 =	vlt.f32 v54, $3.600000000e+01;
	vm10 =	vgt.f32 v54, $9.999999960e-13  }
0x196: {  	vm12 =	vgt.f32 v12, $9.999999960e-13;
	v55 =	vnsel vm8, $0x0, v48;
	[tilespmem:s18+$0x460] =	vst v15;
	vm0 =	vmand vm9, vm10  }
0x197: {  	vm13 =	vmand vm11, vm12;
	[tilespmem:s19+$0x460] =	vst v55;
	v56 =	vnsel vm0, $0x0, v54  }
0x198: {  	v12 =	vnsel vm13, $0x0, v12;
	[tilespmem:s20+$0x460] =	vst v56  }
0x199: {  	[tilespmem:s21+$0x460] =	vst v12  }
0x19a: {  	v12 =	vld [tilespmem:s14+$0x270]  }
0x19b: {  	v13 =	vld [tilespmem:s14+$0x2F0];
	_ =	sdelay $0x1  }
0x19c: {  	v57 =	vld [tilespmem:s14+$0x370];
	_ =	sdelay $0x2  }
0x19d: {  	v58 =	vsub.f32 v12, v5;
	v59 =	vsub.f32 v13, v6  }
0x19e: {  	v60 =	vsub.f32 v12, v0;
	v61 =	vsub.f32 v13, v3  }
0x19f: {  	v62 =	vsub.f32 v57, v9;
	v63 =	vsub.f32 v57, v4  }
0x1a0: {  	v26 =	vsub.f32 v12, v1;
	v27 =	vsub.f32 v13, v7  }
0x1a1: {  	v12 =	vsub.f32 v12, v2;
	v13 =	vsub.f32 v13, v8  }
0x1a2: {  	v28 =	vsub.f32 v57, v10;
	v17 =	vmul.f32 v60, v60;
	v18 =	vmul.f32 v61, v61  }
0x1a3: {  	v14 =	vsub.f32 v57, v11;
	v15 =	vmul.f32 v58, v58;
	v16 =	vmul.f32 v59, v59  }
0x1a4: {  	v23 =	vmul.f32 v62, v62;
	v24 =	vmul.f32 v63, v63;
	v17 =	vadd.f32 v18, v17  }
0x1a5: {  	v12 =	vmul.f32 v12, v12;
	v13 =	vmul.f32 v13, v13;
	v15 =	vadd.f32 v16, v15  }
0x1a6: {  	v18 =	vmul.f32 v27, v27;
	v25 =	vadd.f32 v24, v17;
	v17 =	vmul.f32 v26, v26  }
0x1a7: {  	v30 =	vmul.f32 v14, v14;
	v12 =	vadd.f32 v13, v12;
	v15 =	vadd.f32 v23, v15  }
0x1a8: {  	v29 =	vmul.f32 v28, v28;
	v17 =	vadd.f32 v18, v17  }
0x1a9: {  	v12 =	vadd.f32 v30, v12;
	vm14 =	vlt.f32 v15, $3.600000000e+01;
	vm15 =	vgt.f32 v15, $9.999999960e-13  }
0x1aa: {  	vm4 =	vlt.f32 v25, $3.600000000e+01;
	vm5 =	vgt.f32 v25, $9.999999960e-13;
	v31 =	vadd.f32 v29, v17  }
0x1ab: {  	vm9 =	vlt.f32 v12, $3.600000000e+01;
	vm0 =	vmand vm14, vm15;
	vm6 =	vmand vm4, vm5  }
0x1ac: {  	v15 =	vnsel vm0, $0x0, v15;
	vm7 =	vlt.f32 v31, $3.600000000e+01;
	vm8 =	vgt.f32 v31, $9.999999960e-13  }
0x1ad: {  	vm10 =	vgt.f32 v12, $9.999999960e-13;
	v32 =	vnsel vm6, $0x0, v25;
	[tilespmem:s18+$0x470] =	vst v15;
	vm0 =	vmand vm7, vm8  }
0x1ae: {  	vm11 =	vmand vm9, vm10;
	[tilespmem:s19+$0x470] =	vst v32;
	v33 =	vnsel vm0, $0x0, v31  }
0x1af: {  	v12 =	vnsel vm11, $0x0, v12;
	[tilespmem:s20+$0x470] =	vst v33  }
0x1b0: {  	[tilespmem:s21+$0x470] =	vst v12  }
0x1b1: {  	v12 =	vld [tilespmem:s14+$0x400]  }
0x1b2: {  	v13 =	vld [tilespmem:s14+$0x480];
	_ =	sdelay $0x1  }
0x1b3: {  	v34 =	vld [tilespmem:s14+$0x500];
	_ =	sdelay $0x2  }
0x1b4: {  	v35 =	vsub.f32 v12, v5;
	v36 =	vsub.f32 v13, v6  }
0x1b5: {  	v37 =	vsub.f32 v12, v0;
	v38 =	vsub.f32 v13, v3  }
0x1b6: {  	v39 =	vsub.f32 v34, v9;
	v40 =	vsub.f32 v34, v4  }
0x1b7: {  	v44 =	vsub.f32 v12, v1;
	v45 =	vsub.f32 v13, v7  }
0x1b8: {  	v12 =	vsub.f32 v12, v2;
	v13 =	vsub.f32 v13, v8  }
0x1b9: {  	v46 =	vsub.f32 v34, v10;
	v17 =	vmul.f32 v37, v37;
	v18 =	vmul.f32 v38, v38  }
0x1ba: {  	v14 =	vsub.f32 v34, v11;
	v15 =	vmul.f32 v35, v35;
	v16 =	vmul.f32 v36, v36  }
0x1bb: {  	v41 =	vmul.f32 v39, v39;
	v42 =	vmul.f32 v40, v40;
	v17 =	vadd.f32 v18, v17  }
0x1bc: {  	v12 =	vmul.f32 v12, v12;
	v13 =	vmul.f32 v13, v13;
	v15 =	vadd.f32 v16, v15  }
0x1bd: {  	v18 =	vmul.f32 v45, v45;
	v43 =	vadd.f32 v42, v17;
	v17 =	vmul.f32 v44, v44  }
0x1be: {  	v48 =	vmul.f32 v14, v14;
	v12 =	vadd.f32 v13, v12;
	v15 =	vadd.f32 v41, v15  }
0x1bf: {  	v47 =	vmul.f32 v46, v46;
	v17 =	vadd.f32 v18, v17  }
0x1c0: {  	v12 =	vadd.f32 v48, v12;
	vm12 =	vlt.f32 v15, $3.600000000e+01;
	vm13 =	vgt.f32 v15, $9.999999960e-13  }
0x1c1: {  	vm14 =	vlt.f32 v43, $3.600000000e+01;
	vm15 =	vgt.f32 v43, $9.999999960e-13;
	v49 =	vadd.f32 v47, v17  }
0x1c2: {  	vm7 =	vlt.f32 v12, $3.600000000e+01;
	vm0 =	vmand vm12, vm13;
	vm4 =	vmand vm14, vm15  }
0x1c3: {  	v15 =	vnsel vm0, $0x0, v15;
	vm5 =	vlt.f32 v49, $3.600000000e+01;
	vm6 =	vgt.f32 v49, $9.999999960e-13  }
0x1c4: {  	vm8 =	vgt.f32 v12, $9.999999960e-13;
	v50 =	vnsel vm4, $0x0, v43;
	[tilespmem:s18+$0x800] =	vst v15;
	vm0 =	vmand vm5, vm6  }
0x1c5: {  	vm9 =	vmand vm7, vm8;
	[tilespmem:s19+$0x800] =	vst v50;
	v51 =	vnsel vm0, $0x0, v49  }
0x1c6: {  	v12 =	vnsel vm9, $0x0, v12;
	[tilespmem:s20+$0x800] =	vst v51  }
0x1c7: {  	[tilespmem:s21+$0x800] =	vst v12  }
0x1c8: {  	v12 =	vld [tilespmem:s14+$0x410]  }
0x1c9: {  	v13 =	vld [tilespmem:s14+$0x490];
	_ =	sdelay $0x1  }
0x1ca: {  	v52 =	vld [tilespmem:s14+$0x510];
	_ =	sdelay $0x2  }
0x1cb: {  	v53 =	vsub.f32 v12, v5;
	v54 =	vsub.f32 v13, v6  }
0x1cc: {  	v55 =	vsub.f32 v12, v0;
	v56 =	vsub.f32 v13, v3  }
0x1cd: {  	v57 =	vsub.f32 v52, v9;
	v58 =	vsub.f32 v52, v4  }
0x1ce: {  	v62 =	vsub.f32 v12, v1;
	v63 =	vsub.f32 v13, v7  }
0x1cf: {  	v12 =	vsub.f32 v12, v2;
	v13 =	vsub.f32 v13, v8  }
0x1d0: {  	v21 =	vsub.f32 v52, v10;
	v17 =	vmul.f32 v55, v55;
	v18 =	vmul.f32 v56, v56  }
0x1d1: {  	v14 =	vsub.f32 v52, v11;
	v15 =	vmul.f32 v53, v53;
	v16 =	vmul.f32 v54, v54  }
0x1d2: {  	v59 =	vmul.f32 v57, v57;
	v60 =	vmul.f32 v58, v58;
	v17 =	vadd.f32 v18, v17  }
0x1d3: {  	v12 =	vmul.f32 v12, v12;
	v13 =	vmul.f32 v13, v13;
	v15 =	vadd.f32 v16, v15  }
0x1d4: {  	v18 =	vmul.f32 v63, v63;
	v61 =	vadd.f32 v60, v17;
	v17 =	vmul.f32 v62, v62  }
0x1d5: {  	v23 =	vmul.f32 v14, v14;
	v12 =	vadd.f32 v13, v12;
	v15 =	vadd.f32 v59, v15  }
0x1d6: {  	v22 =	vmul.f32 v21, v21;
	v17 =	vadd.f32 v18, v17  }
0x1d7: {  	v12 =	vadd.f32 v23, v12;
	vm10 =	vlt.f32 v15, $3.600000000e+01;
	vm11 =	vgt.f32 v15, $9.999999960e-13  }
0x1d8: {  	vm12 =	vlt.f32 v61, $3.600000000e+01;
	vm13 =	vgt.f32 v61, $9.999999960e-13;
	v24 =	vadd.f32 v22, v17  }
0x1d9: {  	vm5 =	vlt.f32 v12, $3.600000000e+01;
	vm0 =	vmand vm10, vm11;
	vm14 =	vmand vm12, vm13  }
0x1da: {  	v15 =	vnsel vm0, $0x0, v15;
	vm15 =	vlt.f32 v24, $3.600000000e+01;
	vm4 =	vgt.f32 v24, $9.999999960e-13  }
0x1db: {  	vm6 =	vgt.f32 v12, $9.999999960e-13;
	v25 =	vnsel vm14, $0x0, v61;
	[tilespmem:s18+$0x810] =	vst v15;
	vm0 =	vmand vm15, vm4  }
0x1dc: {  	vm7 =	vmand vm5, vm6;
	[tilespmem:s19+$0x810] =	vst v25;
	v26 =	vnsel vm0, $0x0, v24  }
0x1dd: {  	v12 =	vnsel vm7, $0x0, v12;
	[tilespmem:s20+$0x810] =	vst v26  }
0x1de: {  	[tilespmem:s21+$0x810] =	vst v12  }
0x1df: {  	v12 =	vld [tilespmem:s14+$0x420]  }
0x1e0: {  	v13 =	vld [tilespmem:s14+$0x4A0];
	_ =	sdelay $0x1  }
0x1e1: {  	v27 =	vld [tilespmem:s14+$0x520];
	_ =	sdelay $0x2  }
0x1e2: {  	v28 =	vsub.f32 v12, v5;
	v29 =	vsub.f32 v13, v6  }
0x1e3: {  	v30 =	vsub.f32 v12, v0;
	v31 =	vsub.f32 v13, v3  }
0x1e4: {  	v32 =	vsub.f32 v27, v9;
	v33 =	vsub.f32 v27, v4  }
0x1e5: {  	v37 =	vsub.f32 v12, v1;
	v38 =	vsub.f32 v13, v7  }
0x1e6: {  	v12 =	vsub.f32 v12, v2;
	v13 =	vsub.f32 v13, v8  }
0x1e7: {  	v39 =	vsub.f32 v27, v10;
	v17 =	vmul.f32 v30, v30;
	v18 =	vmul.f32 v31, v31  }
0x1e8: {  	v14 =	vsub.f32 v27, v11;
	v15 =	vmul.f32 v28, v28;
	v16 =	vmul.f32 v29, v29  }
0x1e9: {  	v34 =	vmul.f32 v32, v32;
	v35 =	vmul.f32 v33, v33;
	v17 =	vadd.f32 v18, v17  }
0x1ea: {  	v12 =	vmul.f32 v12, v12;
	v13 =	vmul.f32 v13, v13;
	v15 =	vadd.f32 v16, v15  }
0x1eb: {  	v18 =	vmul.f32 v38, v38;
	v36 =	vadd.f32 v35, v17;
	v17 =	vmul.f32 v37, v37  }
0x1ec: {  	v41 =	vmul.f32 v14, v14;
	v12 =	vadd.f32 v13, v12;
	v15 =	vadd.f32 v34, v15  }
0x1ed: {  	v40 =	vmul.f32 v39, v39;
	v17 =	vadd.f32 v18, v17  }
0x1ee: {  	v12 =	vadd.f32 v41, v12;
	vm8 =	vlt.f32 v15, $3.600000000e+01;
	vm9 =	vgt.f32 v15, $9.999999960e-13  }
0x1ef: {  	vm10 =	vlt.f32 v36, $3.600000000e+01;
	vm11 =	vgt.f32 v36, $9.999999960e-13;
	v42 =	vadd.f32 v40, v17  }
0x1f0: {  	vm15 =	vlt.f32 v12, $3.600000000e+01;
	vm0 =	vmand vm8, vm9;
	vm12 =	vmand vm10, vm11  }
0x1f1: {  	v15 =	vnsel vm0, $0x0, v15;
	vm13 =	vlt.f32 v42, $3.600000000e+01;
	vm14 =	vgt.f32 v42, $9.999999960e-13  }
0x1f2: {  	vm4 =	vgt.f32 v12, $9.999999960e-13;
	v43 =	vnsel vm12, $0x0, v36;
	[tilespmem:s18+$0x820] =	vst v15;
	vm0 =	vmand vm13, vm14  }
0x1f3: {  	vm5 =	vmand vm15, vm4;
	[tilespmem:s19+$0x820] =	vst v43;
	v44 =	vnsel vm0, $0x0, v42  }
0x1f4: {  	v12 =	vnsel vm5, $0x0, v12;
	[tilespmem:s20+$0x820] =	vst v44  }
0x1f5: {  	[tilespmem:s21+$0x820] =	vst v12  }
0x1f6: {  	v12 =	vld [tilespmem:s14+$0x430]  }
0x1f7: {  	v13 =	vld [tilespmem:s14+$0x4B0];
	_ =	sdelay $0x1  }
0x1f8: {  	v45 =	vld [tilespmem:s14+$0x530];
	_ =	sdelay $0x2  }
0x1f9: {  	v46 =	vsub.f32 v12, v5;
	v47 =	vsub.f32 v13, v6  }
0x1fa: {  	v48 =	vsub.f32 v12, v0;
	v49 =	vsub.f32 v13, v3  }
0x1fb: {  	v50 =	vsub.f32 v45, v9;
	v51 =	vsub.f32 v45, v4  }
0x1fc: {  	v55 =	vsub.f32 v12, v1;
	v56 =	vsub.f32 v13, v7  }
0x1fd: {  	v12 =	vsub.f32 v12, v2;
	v13 =	vsub.f32 v13, v8  }
0x1fe: {  	v57 =	vsub.f32 v45, v10;
	v17 =	vmul.f32 v48, v48;
	v18 =	vmul.f32 v49, v49  }
0x1ff: {  	v14 =	vsub.f32 v45, v11;
	v15 =	vmul.f32 v46, v46;
	v16 =	vmul.f32 v47, v47  }
0x200: {  	v52 =	vmul.f32 v50, v50;
	v53 =	vmul.f32 v51, v51;
	v17 =	vadd.f32 v18, v17  }
0x201: {  	v12 =	vmul.f32 v12, v12;
	v13 =	vmul.f32 v13, v13;
	v15 =	vadd.f32 v16, v15  }
0x202: {  	v18 =	vmul.f32 v56, v56;
	v54 =	vadd.f32 v53, v17;
	v17 =	vmul.f32 v55, v55  }
0x203: {  	v59 =	vmul.f32 v14, v14;
	v12 =	vadd.f32 v13, v12;
	v15 =	vadd.f32 v52, v15  }
0x204: {  	v58 =	vmul.f32 v57, v57;
	v17 =	vadd.f32 v18, v17  }
0x205: {  	v12 =	vadd.f32 v59, v12;
	vm6 =	vlt.f32 v15, $3.600000000e+01;
	vm7 =	vgt.f32 v15, $9.999999960e-13  }
0x206: {  	vm8 =	vlt.f32 v54, $3.600000000e+01;
	vm9 =	vgt.f32 v54, $9.999999960e-13;
	v60 =	vadd.f32 v58, v17  }
0x207: {  	vm13 =	vlt.f32 v12, $3.600000000e+01;
	vm0 =	vmand vm6, vm7;
	vm10 =	vmand vm8, vm9  }
0x208: {  	v15 =	vnsel vm0, $0x0, v15;
	vm11 =	vlt.f32 v60, $3.600000000e+01;
	vm12 =	vgt.f32 v60, $9.999999960e-13  }
0x209: {  	vm14 =	vgt.f32 v12, $9.999999960e-13;
	v61 =	vnsel vm10, $0x0, v54;
	[tilespmem:s18+$0x830] =	vst v15;
	vm0 =	vmand vm11, vm12  }
0x20a: {  	vm15 =	vmand vm13, vm14;
	[tilespmem:s19+$0x830] =	vst v61;
	v62 =	vnsel vm0, $0x0, v60  }
0x20b: {  	v12 =	vnsel vm15, $0x0, v12;
	[tilespmem:s20+$0x830] =	vst v62  }
0x20c: {  	[tilespmem:s21+$0x830] =	vst v12  }
0x20d: {  	v12 =	vld [tilespmem:s14+$0x440]  }
0x20e: {  	v13 =	vld [tilespmem:s14+$0x4C0];
	_ =	sdelay $0x1  }
0x20f: {  	v63 =	vld [tilespmem:s14+$0x540];
	_ =	sdelay $0x2  }
0x210: {  	v22 =	vsub.f32 v12, v5;
	v23 =	vsub.f32 v13, v6  }
0x211: {  	v24 =	vsub.f32 v12, v0;
	v25 =	vsub.f32 v13, v3  }
0x212: {  	v26 =	vsub.f32 v63, v9;
	v27 =	vsub.f32 v63, v4  }
0x213: {  	v31 =	vsub.f32 v12, v1;
	v32 =	vsub.f32 v13, v7  }
0x214: {  	v12 =	vsub.f32 v12, v2;
	v13 =	vsub.f32 v13, v8  }
0x215: {  	v33 =	vsub.f32 v63, v10;
	v17 =	vmul.f32 v24, v24;
	v18 =	vmul.f32 v25, v25  }
0x216: {  	v14 =	vsub.f32 v63, v11;
	v15 =	vmul.f32 v22, v22;
	v16 =	vmul.f32 v23, v23  }
0x217: {  	v28 =	vmul.f32 v26, v26;
	v29 =	vmul.f32 v27, v27;
	v17 =	vadd.f32 v18, v17  }
0x218: {  	v12 =	vmul.f32 v12, v12;
	v13 =	vmul.f32 v13, v13;
	v15 =	vadd.f32 v16, v15  }
0x219: {  	v18 =	vmul.f32 v32, v32;
	v30 =	vadd.f32 v29, v17;
	v17 =	vmul.f32 v31, v31  }
0x21a: {  	v35 =	vmul.f32 v14, v14;
	v12 =	vadd.f32 v13, v12;
	v15 =	vadd.f32 v28, v15  }
0x21b: {  	v34 =	vmul.f32 v33, v33;
	v17 =	vadd.f32 v18, v17  }
0x21c: {  	v12 =	vadd.f32 v35, v12;
	vm4 =	vlt.f32 v15, $3.600000000e+01;
	vm5 =	vgt.f32 v15, $9.999999960e-13  }
0x21d: {  	vm6 =	vlt.f32 v30, $3.600000000e+01;
	vm7 =	vgt.f32 v30, $9.999999960e-13;
	v36 =	vadd.f32 v34, v17  }
0x21e: {  	vm11 =	vlt.f32 v12, $3.600000000e+01;
	vm0 =	vmand vm4, vm5;
	vm8 =	vmand vm6, vm7  }
0x21f: {  	v15 =	vnsel vm0, $0x0, v15;
	vm9 =	vlt.f32 v36, $3.600000000e+01;
	vm10 =	vgt.f32 v36, $9.999999960e-13  }
0x220: {  	vm12 =	vgt.f32 v12, $9.999999960e-13;
	v37 =	vnsel vm8, $0x0, v30;
	[tilespmem:s18+$0x840] =	vst v15;
	vm0 =	vmand vm9, vm10  }
0x221: {  	vm13 =	vmand vm11, vm12;
	[tilespmem:s19+$0x840] =	vst v37;
	v38 =	vnsel vm0, $0x0, v36  }
0x222: {  	v12 =	vnsel vm13, $0x0, v12;
	[tilespmem:s20+$0x840] =	vst v38  }
0x223: {  	[tilespmem:s21+$0x840] =	vst v12  }
0x224: {  	v12 =	vld [tilespmem:s14+$0x450]  }
0x225: {  	v13 =	vld [tilespmem:s14+$0x4D0];
	_ =	sdelay $0x1  }
0x226: {  	v39 =	vld [tilespmem:s14+$0x550];
	_ =	sdelay $0x2  }
0x227: {  	v40 =	vsub.f32 v12, v5;
	v41 =	vsub.f32 v13, v6  }
0x228: {  	v42 =	vsub.f32 v12, v0;
	v43 =	vsub.f32 v13, v3  }
0x229: {  	v44 =	vsub.f32 v39, v9;
	v45 =	vsub.f32 v39, v4  }
0x22a: {  	v49 =	vsub.f32 v12, v1;
	v50 =	vsub.f32 v13, v7  }
0x22b: {  	v12 =	vsub.f32 v12, v2;
	v13 =	vsub.f32 v13, v8  }
0x22c: {  	v51 =	vsub.f32 v39, v10;
	v17 =	vmul.f32 v42, v42;
	v18 =	vmul.f32 v43, v43  }
0x22d: {  	v14 =	vsub.f32 v39, v11;
	v15 =	vmul.f32 v40, v40;
	v16 =	vmul.f32 v41, v41  }
0x22e: {  	v46 =	vmul.f32 v44, v44;
	v47 =	vmul.f32 v45, v45;
	v17 =	vadd.f32 v18, v17  }
0x22f: {  	v12 =	vmul.f32 v12, v12;
	v13 =	vmul.f32 v13, v13;
	v15 =	vadd.f32 v16, v15  }
0x230: {  	v18 =	vmul.f32 v50, v50;
	v48 =	vadd.f32 v47, v17;
	v17 =	vmul.f32 v49, v49  }
0x231: {  	v53 =	vmul.f32 v14, v14;
	v12 =	vadd.f32 v13, v12;
	v15 =	vadd.f32 v46, v15  }
0x232: {  	v52 =	vmul.f32 v51, v51;
	v17 =	vadd.f32 v18, v17  }
0x233: {  	v12 =	vadd.f32 v53, v12;
	vm14 =	vlt.f32 v15, $3.600000000e+01;
	vm15 =	vgt.f32 v15, $9.999999960e-13  }
0x234: {  	vm4 =	vlt.f32 v48, $3.600000000e+01;
	vm5 =	vgt.f32 v48, $9.999999960e-13;
	v54 =	vadd.f32 v52, v17  }
0x235: {  	vm9 =	vlt.f32 v12, $3.600000000e+01;
	vm0 =	vmand vm14, vm15;
	vm6 =	vmand vm4, vm5  }
0x236: {  	v15 =	vnsel vm0, $0x0, v15;
	vm7 =	vlt.f32 v54, $3.600000000e+01;
	vm8 =	vgt.f32 v54, $9.999999960e-13  }
0x237: {  	vm10 =	vgt.f32 v12, $9.999999960e-13;
	v55 =	vnsel vm6, $0x0, v48;
	[tilespmem:s18+$0x850] =	vst v15;
	vm0 =	vmand vm7, vm8  }
0x238: {  	vm11 =	vmand vm9, vm10;
	[tilespmem:s19+$0x850] =	vst v55;
	v56 =	vnsel vm0, $0x0, v54  }
0x239: {  	v12 =	vnsel vm11, $0x0, v12;
	[tilespmem:s20+$0x850] =	vst v56  }
0x23a: {  	[tilespmem:s21+$0x850] =	vst v12  }
0x23b: {  	v12 =	vld [tilespmem:s14+$0x460]  }
0x23c: {  	v13 =	vld [tilespmem:s14+$0x4E0];
	_ =	sdelay $0x1  }
0x23d: {  	v57 =	vld [tilespmem:s14+$0x560];
	_ =	sdelay $0x2  }
0x23e: {  	v58 =	vsub.f32 v12, v5;
	v59 =	vsub.f32 v13, v6  }
0x23f: {  	v60 =	vsub.f32 v12, v0;
	v61 =	vsub.f32 v13, v3  }
0x240: {  	v62 =	vsub.f32 v57, v9;
	v63 =	vsub.f32 v57, v4  }
0x241: {  	v26 =	vsub.f32 v12, v1;
	v27 =	vsub.f32 v13, v7  }
0x242: {  	v12 =	vsub.f32 v12, v2;
	v13 =	vsub.f32 v13, v8  }
0x243: {  	v28 =	vsub.f32 v57, v10;
	v17 =	vmul.f32 v60, v60;
	v18 =	vmul.f32 v61, v61  }
0x244: {  	v14 =	vsub.f32 v57, v11;
	v15 =	vmul.f32 v58, v58;
	v16 =	vmul.f32 v59, v59  }
0x245: {  	v23 =	vmul.f32 v62, v62;
	v24 =	vmul.f32 v63, v63;
	v17 =	vadd.f32 v18, v17  }
0x246: {  	v12 =	vmul.f32 v12, v12;
	v13 =	vmul.f32 v13, v13;
	v15 =	vadd.f32 v16, v15  }
0x247: {  	v18 =	vmul.f32 v27, v27;
	v25 =	vadd.f32 v24, v17;
	v17 =	vmul.f32 v26, v26  }
0x248: {  	v30 =	vmul.f32 v14, v14;
	v12 =	vadd.f32 v13, v12;
	v15 =	vadd.f32 v23, v15  }
0x249: {  	v29 =	vmul.f32 v28, v28;
	v17 =	vadd.f32 v18, v17  }
0x24a: {  	v12 =	vadd.f32 v30, v12;
	vm12 =	vlt.f32 v15, $3.600000000e+01;
	vm13 =	vgt.f32 v15, $9.999999960e-13  }
0x24b: {  	vm14 =	vlt.f32 v25, $3.600000000e+01;
	vm15 =	vgt.f32 v25, $9.999999960e-13;
	v31 =	vadd.f32 v29, v17  }
0x24c: {  	vm7 =	vlt.f32 v12, $3.600000000e+01;
	vm0 =	vmand vm12, vm13;
	vm4 =	vmand vm14, vm15  }
0x24d: {  	v15 =	vnsel vm0, $0x0, v15;
	vm5 =	vlt.f32 v31, $3.600000000e+01;
	vm6 =	vgt.f32 v31, $9.999999960e-13  }
0x24e: {  	vm8 =	vgt.f32 v12, $9.999999960e-13;
	v32 =	vnsel vm4, $0x0, v25;
	[tilespmem:s18+$0x860] =	vst v15;
	vm0 =	vmand vm5, vm6  }
0x24f: {  	vm9 =	vmand vm7, vm8;
	[tilespmem:s19+$0x860] =	vst v32;
	v33 =	vnsel vm0, $0x0, v31  }
0x250: {  	v12 =	vnsel vm9, $0x0, v12;
	[tilespmem:s20+$0x860] =	vst v33  }
0x251: {  	[tilespmem:s21+$0x860] =	vst v12  }
0x252: {  	v12 =	vld [tilespmem:s14+$0x470]  }
0x253: {  	v13 =	vld [tilespmem:s14+$0x4F0];
	_ =	sdelay $0x1  }
0x254: {  	v34 =	vld [tilespmem:s14+$0x570];
	_ =	sdelay $0x2  }
0x255: {  	v35 =	vsub.f32 v12, v5;
	v36 =	vsub.f32 v13, v6  }
0x256: {  	v37 =	vsub.f32 v12, v0;
	v38 =	vsub.f32 v13, v3  }
0x257: {  	v39 =	vsub.f32 v34, v9;
	v40 =	vsub.f32 v34, v4  }
0x258: {  	v44 =	vsub.f32 v12, v1;
	v45 =	vsub.f32 v13, v7  }
0x259: {  	v12 =	vsub.f32 v12, v2;
	v13 =	vsub.f32 v13, v8  }
0x25a: {  	v46 =	vsub.f32 v34, v10;
	v17 =	vmul.f32 v37, v37;
	v18 =	vmul.f32 v38, v38  }
0x25b: {  	v14 =	vsub.f32 v34, v11;
	v15 =	vmul.f32 v35, v35;
	v16 =	vmul.f32 v36, v36  }
0x25c: {  	v41 =	vmul.f32 v39, v39;
	v42 =	vmul.f32 v40, v40;
	v17 =	vadd.f32 v18, v17  }
0x25d: {  	v12 =	vmul.f32 v12, v12;
	v13 =	vmul.f32 v13, v13;
	v15 =	vadd.f32 v16, v15  }
0x25e: {  	v18 =	vmul.f32 v45, v45;
	v43 =	vadd.f32 v42, v17;
	v17 =	vmul.f32 v44, v44  }
0x25f: {  	v48 =	vmul.f32 v14, v14;
	v12 =	vadd.f32 v13, v12;
	v15 =	vadd.f32 v41, v15  }
0x260: {  	v47 =	vmul.f32 v46, v46;
	v17 =	vadd.f32 v18, v17  }
0x261: {  	v12 =	vadd.f32 v48, v12;
	vm10 =	vlt.f32 v15, $3.600000000e+01;
	vm11 =	vgt.f32 v15, $9.999999960e-13  }
0x262: {  	vm12 =	vlt.f32 v43, $3.600000000e+01;
	vm13 =	vgt.f32 v43, $9.999999960e-13;
	v49 =	vadd.f32 v47, v17  }
0x263: {  	vm5 =	vlt.f32 v12, $3.600000000e+01;
	vm0 =	vmand vm10, vm11;
	vm14 =	vmand vm12, vm13  }
0x264: {  	v15 =	vnsel vm0, $0x0, v15;
	vm15 =	vlt.f32 v49, $3.600000000e+01;
	vm4 =	vgt.f32 v49, $9.999999960e-13  }
0x265: {  	vm6 =	vgt.f32 v12, $9.999999960e-13;
	v50 =	vnsel vm14, $0x0, v43;
	[tilespmem:s18+$0x870] =	vst v15;
	vm0 =	vmand vm15, vm4  }
0x266: {  	vm7 =	vmand vm5, vm6;
	[tilespmem:s19+$0x870] =	vst v50;
	v51 =	vnsel vm0, $0x0, v49  }
0x267: {  	v12 =	vnsel vm7, $0x0, v12;
	[tilespmem:s20+$0x870] =	vst v51  }
0x268: {  	[tilespmem:s21+$0x870] =	vst v12  }
0x269: {  	v12 =	vld [tilespmem:s14+$0x600]  }
0x26a: {  	v13 =	vld [tilespmem:s14+$0x680];
	_ =	sdelay $0x1  }
0x26b: {  	v52 =	vld [tilespmem:s14+$0x700];
	_ =	sdelay $0x2  }
0x26c: {  	v53 =	vsub.f32 v12, v5;
	v54 =	vsub.f32 v13, v6  }
0x26d: {  	v55 =	vsub.f32 v12, v0;
	v56 =	vsub.f32 v13, v3  }
0x26e: {  	v57 =	vsub.f32 v52, v9;
	v58 =	vsub.f32 v52, v4  }
0x26f: {  	v62 =	vsub.f32 v12, v1;
	v63 =	vsub.f32 v13, v7  }
0x270: {  	v12 =	vsub.f32 v12, v2;
	v13 =	vsub.f32 v13, v8  }
0x271: {  	v21 =	vsub.f32 v52, v10;
	v17 =	vmul.f32 v55, v55;
	v18 =	vmul.f32 v56, v56  }
0x272: {  	v14 =	vsub.f32 v52, v11;
	v15 =	vmul.f32 v53, v53;
	v16 =	vmul.f32 v54, v54  }
0x273: {  	v59 =	vmul.f32 v57, v57;
	v60 =	vmul.f32 v58, v58;
	v17 =	vadd.f32 v18, v17  }
0x274: {  	v12 =	vmul.f32 v12, v12;
	v13 =	vmul.f32 v13, v13;
	v15 =	vadd.f32 v16, v15  }
0x275: {  	v18 =	vmul.f32 v63, v63;
	v61 =	vadd.f32 v60, v17;
	v17 =	vmul.f32 v62, v62  }
0x276: {  	v23 =	vmul.f32 v14, v14;
	v12 =	vadd.f32 v13, v12;
	v15 =	vadd.f32 v59, v15  }
0x277: {  	v22 =	vmul.f32 v21, v21;
	v17 =	vadd.f32 v18, v17  }
0x278: {  	v12 =	vadd.f32 v23, v12;
	vm8 =	vlt.f32 v15, $3.600000000e+01;
	vm9 =	vgt.f32 v15, $9.999999960e-13  }
0x279: {  	vm10 =	vlt.f32 v61, $3.600000000e+01;
	vm11 =	vgt.f32 v61, $9.999999960e-13;
	v24 =	vadd.f32 v22, v17  }
0x27a: {  	vm15 =	vlt.f32 v12, $3.600000000e+01;
	vm0 =	vmand vm8, vm9;
	vm12 =	vmand vm10, vm11  }
0x27b: {  	v15 =	vnsel vm0, $0x0, v15;
	vm13 =	vlt.f32 v24, $3.600000000e+01;
	vm14 =	vgt.f32 v24, $9.999999960e-13  }
0x27c: {  	vm4 =	vgt.f32 v12, $9.999999960e-13;
	v25 =	vnsel vm12, $0x0, v61;
	[tilespmem:s18+$0xC00] =	vst v15;
	vm0 =	vmand vm13, vm14  }
0x27d: {  	vm5 =	vmand vm15, vm4;
	[tilespmem:s19+$0xC00] =	vst v25;
	v26 =	vnsel vm0, $0x0, v24  }
0x27e: {  	v12 =	vnsel vm5, $0x0, v12;
	[tilespmem:s20+$0xC00] =	vst v26  }
0x27f: {  	[tilespmem:s21+$0xC00] =	vst v12  }
0x280: {  	v12 =	vld [tilespmem:s14+$0x610]  }
0x281: {  	v13 =	vld [tilespmem:s14+$0x690];
	_ =	sdelay $0x1  }
0x282: {  	v27 =	vld [tilespmem:s14+$0x710];
	_ =	sdelay $0x2  }
0x283: {  	v28 =	vsub.f32 v12, v5;
	v29 =	vsub.f32 v13, v6  }
0x284: {  	v30 =	vsub.f32 v12, v0;
	v31 =	vsub.f32 v13, v3  }
0x285: {  	v32 =	vsub.f32 v27, v9;
	v33 =	vsub.f32 v27, v4  }
0x286: {  	v37 =	vsub.f32 v12, v1;
	v38 =	vsub.f32 v13, v7  }
0x287: {  	v12 =	vsub.f32 v12, v2;
	v13 =	vsub.f32 v13, v8  }
0x288: {  	v39 =	vsub.f32 v27, v10;
	v17 =	vmul.f32 v30, v30;
	v18 =	vmul.f32 v31, v31  }
0x289: {  	v14 =	vsub.f32 v27, v11;
	v15 =	vmul.f32 v28, v28;
	v16 =	vmul.f32 v29, v29  }
0x28a: {  	v34 =	vmul.f32 v32, v32;
	v35 =	vmul.f32 v33, v33;
	v17 =	vadd.f32 v18, v17  }
0x28b: {  	v12 =	vmul.f32 v12, v12;
	v13 =	vmul.f32 v13, v13;
	v15 =	vadd.f32 v16, v15  }
0x28c: {  	v18 =	vmul.f32 v38, v38;
	v36 =	vadd.f32 v35, v17;
	v17 =	vmul.f32 v37, v37  }
0x28d: {  	v41 =	vmul.f32 v14, v14;
	v12 =	vadd.f32 v13, v12;
	v15 =	vadd.f32 v34, v15  }
0x28e: {  	v40 =	vmul.f32 v39, v39;
	v17 =	vadd.f32 v18, v17  }
0x28f: {  	v12 =	vadd.f32 v41, v12;
	vm6 =	vlt.f32 v15, $3.600000000e+01;
	vm7 =	vgt.f32 v15, $9.999999960e-13  }
0x290: {  	vm8 =	vlt.f32 v36, $3.600000000e+01;
	vm9 =	vgt.f32 v36, $9.999999960e-13;
	v42 =	vadd.f32 v40, v17  }
0x291: {  	vm13 =	vlt.f32 v12, $3.600000000e+01;
	vm0 =	vmand vm6, vm7;
	vm10 =	vmand vm8, vm9  }
0x292: {  	v15 =	vnsel vm0, $0x0, v15;
	vm11 =	vlt.f32 v42, $3.600000000e+01;
	vm12 =	vgt.f32 v42, $9.999999960e-13  }
0x293: {  	vm14 =	vgt.f32 v12, $9.999999960e-13;
	v43 =	vnsel vm10, $0x0, v36;
	[tilespmem:s18+$0xC10] =	vst v15;
	vm0 =	vmand vm11, vm12  }
0x294: {  	vm15 =	vmand vm13, vm14;
	[tilespmem:s19+$0xC10] =	vst v43;
	v44 =	vnsel vm0, $0x0, v42  }
0x295: {  	v12 =	vnsel vm15, $0x0, v12;
	[tilespmem:s20+$0xC10] =	vst v44  }
0x296: {  	[tilespmem:s21+$0xC10] =	vst v12  }
0x297: {  	v12 =	vld [tilespmem:s14+$0x620]  }
0x298: {  	v13 =	vld [tilespmem:s14+$0x6A0];
	_ =	sdelay $0x1  }
0x299: {  	v45 =	vld [tilespmem:s14+$0x720];
	_ =	sdelay $0x2  }
0x29a: {  	v46 =	vsub.f32 v12, v5;
	v47 =	vsub.f32 v13, v6  }
0x29b: {  	v48 =	vsub.f32 v12, v0;
	v49 =	vsub.f32 v13, v3  }
0x29c: {  	v50 =	vsub.f32 v45, v9;
	v51 =	vsub.f32 v45, v4  }
0x29d: {  	v55 =	vsub.f32 v12, v1;
	v56 =	vsub.f32 v13, v7  }
0x29e: {  	v12 =	vsub.f32 v12, v2;
	v13 =	vsub.f32 v13, v8  }
0x29f: {  	v57 =	vsub.f32 v45, v10;
	v17 =	vmul.f32 v48, v48;
	v18 =	vmul.f32 v49, v49  }
0x2a0: {  	v14 =	vsub.f32 v45, v11;
	v15 =	vmul.f32 v46, v46;
	v16 =	vmul.f32 v47, v47  }
0x2a1: {  	v52 =	vmul.f32 v50, v50;
	v53 =	vmul.f32 v51, v51;
	v17 =	vadd.f32 v18, v17  }
0x2a2: {  	v12 =	vmul.f32 v12, v12;
	v13 =	vmul.f32 v13, v13;
	v15 =	vadd.f32 v16, v15  }
0x2a3: {  	v18 =	vmul.f32 v56, v56;
	v54 =	vadd.f32 v53, v17;
	v17 =	vmul.f32 v55, v55  }
0x2a4: {  	v59 =	vmul.f32 v14, v14;
	v12 =	vadd.f32 v13, v12;
	v15 =	vadd.f32 v52, v15  }
0x2a5: {  	v58 =	vmul.f32 v57, v57;
	v17 =	vadd.f32 v18, v17  }
0x2a6: {  	v12 =	vadd.f32 v59, v12;
	vm4 =	vlt.f32 v15, $3.600000000e+01;
	vm5 =	vgt.f32 v15, $9.999999960e-13  }
0x2a7: {  	vm6 =	vlt.f32 v54, $3.600000000e+01;
	vm7 =	vgt.f32 v54, $9.999999960e-13;
	v60 =	vadd.f32 v58, v17  }
0x2a8: {  	vm11 =	vlt.f32 v12, $3.600000000e+01;
	vm0 =	vmand vm4, vm5;
	vm8 =	vmand vm6, vm7  }
0x2a9: {  	v15 =	vnsel vm0, $0x0, v15;
	vm9 =	vlt.f32 v60, $3.600000000e+01;
	vm10 =	vgt.f32 v60, $9.999999960e-13  }
0x2aa: {  	vm12 =	vgt.f32 v12, $9.999999960e-13;
	v61 =	vnsel vm8, $0x0, v54;
	[tilespmem:s18+$0xC20] =	vst v15;
	vm0 =	vmand vm9, vm10  }
0x2ab: {  	vm13 =	vmand vm11, vm12;
	[tilespmem:s19+$0xC20] =	vst v61;
	v62 =	vnsel vm0, $0x0, v60  }
0x2ac: {  	v12 =	vnsel vm13, $0x0, v12;
	[tilespmem:s20+$0xC20] =	vst v62  }
0x2ad: {  	[tilespmem:s21+$0xC20] =	vst v12  }
0x2ae: {  	v12 =	vld [tilespmem:s14+$0x630]  }
0x2af: {  	v13 =	vld [tilespmem:s14+$0x6B0];
	_ =	sdelay $0x1  }
0x2b0: {  	v63 =	vld [tilespmem:s14+$0x730];
	_ =	sdelay $0x2  }
0x2b1: {  	v22 =	vsub.f32 v12, v5;
	v23 =	vsub.f32 v13, v6  }
0x2b2: {  	v24 =	vsub.f32 v12, v0;
	v25 =	vsub.f32 v13, v3  }
0x2b3: {  	v26 =	vsub.f32 v63, v9;
	v27 =	vsub.f32 v63, v4  }
0x2b4: {  	v31 =	vsub.f32 v12, v1;
	v32 =	vsub.f32 v13, v7  }
0x2b5: {  	v12 =	vsub.f32 v12, v2;
	v13 =	vsub.f32 v13, v8  }
0x2b6: {  	v33 =	vsub.f32 v63, v10;
	v17 =	vmul.f32 v24, v24;
	v18 =	vmul.f32 v25, v25  }
0x2b7: {  	v14 =	vsub.f32 v63, v11;
	v15 =	vmul.f32 v22, v22;
	v16 =	vmul.f32 v23, v23  }
0x2b8: {  	v28 =	vmul.f32 v26, v26;
	v29 =	vmul.f32 v27, v27;
	v17 =	vadd.f32 v18, v17  }
0x2b9: {  	v12 =	vmul.f32 v12, v12;
	v13 =	vmul.f32 v13, v13;
	v15 =	vadd.f32 v16, v15  }
0x2ba: {  	v18 =	vmul.f32 v32, v32;
	v30 =	vadd.f32 v29, v17;
	v17 =	vmul.f32 v31, v31  }
0x2bb: {  	v35 =	vmul.f32 v14, v14;
	v12 =	vadd.f32 v13, v12;
	v15 =	vadd.f32 v28, v15  }
0x2bc: {  	v34 =	vmul.f32 v33, v33;
	v17 =	vadd.f32 v18, v17  }
0x2bd: {  	v12 =	vadd.f32 v35, v12;
	vm14 =	vlt.f32 v15, $3.600000000e+01;
	vm15 =	vgt.f32 v15, $9.999999960e-13  }
0x2be: {  	vm4 =	vlt.f32 v30, $3.600000000e+01;
	vm5 =	vgt.f32 v30, $9.999999960e-13;
	v36 =	vadd.f32 v34, v17  }
0x2bf: {  	vm9 =	vlt.f32 v12, $3.600000000e+01;
	vm0 =	vmand vm14, vm15;
	vm6 =	vmand vm4, vm5  }
0x2c0: {  	v15 =	vnsel vm0, $0x0, v15;
	vm7 =	vlt.f32 v36, $3.600000000e+01;
	vm8 =	vgt.f32 v36, $9.999999960e-13  }
0x2c1: {  	vm10 =	vgt.f32 v12, $9.999999960e-13;
	v37 =	vnsel vm6, $0x0, v30;
	[tilespmem:s18+$0xC30] =	vst v15;
	vm0 =	vmand vm7, vm8  }
0x2c2: {  	vm11 =	vmand vm9, vm10;
	[tilespmem:s19+$0xC30] =	vst v37;
	v38 =	vnsel vm0, $0x0, v36  }
0x2c3: {  	v12 =	vnsel vm11, $0x0, v12;
	[tilespmem:s20+$0xC30] =	vst v38  }
0x2c4: {  	[tilespmem:s21+$0xC30] =	vst v12  }
0x2c5: {  	v12 =	vld [tilespmem:s14+$0x640]  }
0x2c6: {  	v13 =	vld [tilespmem:s14+$0x6C0];
	_ =	sdelay $0x1  }
0x2c7: {  	v39 =	vld [tilespmem:s14+$0x740];
	_ =	sdelay $0x2  }
0x2c8: {  	v40 =	vsub.f32 v12, v5;
	v41 =	vsub.f32 v13, v6  }
0x2c9: {  	v42 =	vsub.f32 v12, v0;
	v43 =	vsub.f32 v13, v3  }
0x2ca: {  	v44 =	vsub.f32 v39, v9;
	v45 =	vsub.f32 v39, v4  }
0x2cb: {  	v49 =	vsub.f32 v12, v1;
	v50 =	vsub.f32 v13, v7  }
0x2cc: {  	v12 =	vsub.f32 v12, v2;
	v13 =	vsub.f32 v13, v8  }
0x2cd: {  	v51 =	vsub.f32 v39, v10;
	v17 =	vmul.f32 v42, v42;
	v18 =	vmul.f32 v43, v43  }
0x2ce: {  	v14 =	vsub.f32 v39, v11;
	v15 =	vmul.f32 v40, v40;
	v16 =	vmul.f32 v41, v41  }
0x2cf: {  	v46 =	vmul.f32 v44, v44;
	v47 =	vmul.f32 v45, v45;
	v17 =	vadd.f32 v18, v17  }
0x2d0: {  	v12 =	vmul.f32 v12, v12;
	v13 =	vmul.f32 v13, v13;
	v15 =	vadd.f32 v16, v15  }
0x2d1: {  	v18 =	vmul.f32 v50, v50;
	v48 =	vadd.f32 v47, v17;
	v17 =	vmul.f32 v49, v49  }
0x2d2: {  	v53 =	vmul.f32 v14, v14;
	v12 =	vadd.f32 v13, v12;
	v15 =	vadd.f32 v46, v15  }
0x2d3: {  	v52 =	vmul.f32 v51, v51;
	v17 =	vadd.f32 v18, v17  }
0x2d4: {  	v12 =	vadd.f32 v53, v12;
	vm12 =	vlt.f32 v15, $3.600000000e+01;
	vm13 =	vgt.f32 v15, $9.999999960e-13  }
0x2d5: {  	vm14 =	vlt.f32 v48, $3.600000000e+01;
	vm15 =	vgt.f32 v48, $9.999999960e-13;
	v54 =	vadd.f32 v52, v17  }
0x2d6: {  	vm7 =	vlt.f32 v12, $3.600000000e+01;
	vm0 =	vmand vm12, vm13;
	vm4 =	vmand vm14, vm15  }
0x2d7: {  	v15 =	vnsel vm0, $0x0, v15;
	vm5 =	vlt.f32 v54, $3.600000000e+01;
	vm6 =	vgt.f32 v54, $9.999999960e-13  }
0x2d8: {  	vm8 =	vgt.f32 v12, $9.999999960e-13;
	v55 =	vnsel vm4, $0x0, v48;
	[tilespmem:s18+$0xC40] =	vst v15;
	vm0 =	vmand vm5, vm6  }
0x2d9: {  	vm9 =	vmand vm7, vm8;
	[tilespmem:s19+$0xC40] =	vst v55;
	v56 =	vnsel vm0, $0x0, v54  }
0x2da: {  	v12 =	vnsel vm9, $0x0, v12;
	[tilespmem:s20+$0xC40] =	vst v56  }
0x2db: {  	[tilespmem:s21+$0xC40] =	vst v12  }
0x2dc: {  	v12 =	vld [tilespmem:s14+$0x650]  }
0x2dd: {  	v13 =	vld [tilespmem:s14+$0x6D0];
	_ =	sdelay $0x1  }
0x2de: {  	v57 =	vld [tilespmem:s14+$0x750];
	_ =	sdelay $0x2  }
0x2df: {  	v58 =	vsub.f32 v12, v5;
	v59 =	vsub.f32 v13, v6  }
0x2e0: {  	v60 =	vsub.f32 v12, v0;
	v61 =	vsub.f32 v13, v3  }
0x2e1: {  	v62 =	vsub.f32 v57, v9;
	v63 =	vsub.f32 v57, v4  }
0x2e2: {  	v27 =	vsub.f32 v12, v1;
	v28 =	vsub.f32 v13, v7  }
0x2e3: {  	v12 =	vsub.f32 v12, v2;
	v13 =	vsub.f32 v13, v8  }
0x2e4: {  	v29 =	vsub.f32 v57, v10;
	v17 =	vmul.f32 v60, v60;
	v18 =	vmul.f32 v61, v61  }
0x2e5: {  	v14 =	vsub.f32 v57, v11;
	v15 =	vmul.f32 v58, v58;
	v16 =	vmul.f32 v59, v59  }
0x2e6: {  	v24 =	vmul.f32 v62, v62;
	v25 =	vmul.f32 v63, v63;
	v17 =	vadd.f32 v18, v17  }
0x2e7: {  	v12 =	vmul.f32 v12, v12;
	v13 =	vmul.f32 v13, v13;
	v15 =	vadd.f32 v16, v15  }
0x2e8: {  	v18 =	vmul.f32 v28, v28;
	v26 =	vadd.f32 v25, v17;
	v17 =	vmul.f32 v27, v27  }
0x2e9: {  	v31 =	vmul.f32 v14, v14;
	v12 =	vadd.f32 v13, v12;
	v15 =	vadd.f32 v24, v15  }
0x2ea: {  	v30 =	vmul.f32 v29, v29;
	v17 =	vadd.f32 v18, v17  }
0x2eb: {  	v12 =	vadd.f32 v31, v12;
	vm10 =	vlt.f32 v15, $3.600000000e+01;
	vm11 =	vgt.f32 v15, $9.999999960e-13  }
0x2ec: {  	vm12 =	vlt.f32 v26, $3.600000000e+01;
	vm13 =	vgt.f32 v26, $9.999999960e-13;
	v32 =	vadd.f32 v30, v17  }
0x2ed: {  	vm5 =	vlt.f32 v12, $3.600000000e+01;
	vm0 =	vmand vm10, vm11;
	vm14 =	vmand vm12, vm13  }
0x2ee: {  	v15 =	vnsel vm0, $0x0, v15;
	vm15 =	vlt.f32 v32, $3.600000000e+01;
	vm4 =	vgt.f32 v32, $9.999999960e-13  }
0x2ef: {  	vm6 =	vgt.f32 v12, $9.999999960e-13;
	v33 =	vnsel vm14, $0x0, v26;
	[tilespmem:s18+$0xC50] =	vst v15;
	vm0 =	vmand vm15, vm4  }
0x2f0: {  	vm7 =	vmand vm5, vm6;
	[tilespmem:s19+$0xC50] =	vst v33;
	v34 =	vnsel vm0, $0x0, v32  }
0x2f1: {  	v12 =	vnsel vm7, $0x0, v12;
	[tilespmem:s20+$0xC50] =	vst v34  }
0x2f2: {  	[tilespmem:s21+$0xC50] =	vst v12  }
0x2f3: {  	v12 =	vld [tilespmem:s14+$0x660]  }
0x2f4: {  	v13 =	vld [tilespmem:s14+$0x6E0]  }
0x2f5: {  	v35 =	vld [tilespmem:s14+$0x760];
	_ =	sdelay $0x2  }
0x2f6: {  	v36 =	vsub.f32 v12, v5  }
0x2f7: {  	v37 =	vsub.f32 v13, v6;
	v38 =	vsub.f32 v12, v0  }
0x2f8: {  	v39 =	vsub.f32 v13, v3;
	v40 =	vsub.f32 v35, v9  }
0x2f9: {  	v41 =	vsub.f32 v35, v4;
	v44 =	vsub.f32 v12, v1  }
0x2fa: {  	v45 =	vsub.f32 v13, v7;
	v12 =	vsub.f32 v12, v2  }
0x2fb: {  	v13 =	vsub.f32 v13, v8;
	v15 =	vmul.f32 v36, v36;
	v16 =	vmul.f32 v37, v37  }
0x2fc: {  	v49 =	vsub.f32 v35, v10;
	v17 =	vmul.f32 v38, v38;
	v18 =	vmul.f32 v39, v39  }
0x2fd: {  	v14 =	vsub.f32 v35, v11;
	v42 =	vmul.f32 v40, v40;
	v43 =	vmul.f32 v41, v41  }
0x2fe: {  	v12 =	vmul.f32 v12, v12;
	v13 =	vmul.f32 v13, v13;
	v15 =	vadd.f32 v16, v15  }
0x2ff: {  	v47 =	vmul.f32 v44, v44;
	v48 =	vmul.f32 v45, v45;
	v17 =	vadd.f32 v18, v17  }
0x300: {  	v50 =	vmul.f32 v14, v14;
	v12 =	vadd.f32 v13, v12;
	v15 =	vadd.f32 v42, v15  }
0x301: {  	v18 =	vmul.f32 v49, v49;
	v46 =	vadd.f32 v43, v17;
	v17 =	vadd.f32 v48, v47  }
0x302: {  	v12 =	vadd.f32 v50, v12;
	vm8 =	vlt.f32 v15, $3.600000000e+01;
	vm9 =	vgt.f32 v15, $9.999999960e-13  }
0x303: {  	vm10 =	vlt.f32 v46, $3.600000000e+01;
	v51 =	vadd.f32 v18, v17;
	vm11 =	vgt.f32 v46, $9.999999960e-13  }
0x304: {  	vm15 =	vlt.f32 v12, $3.600000000e+01;
	vm0 =	vmand vm8, vm9;
	vm12 =	vmand vm10, vm11  }
0x305: {  	v15 =	vnsel vm0, $0x0, v15;
	vm13 =	vlt.f32 v51, $3.600000000e+01;
	vm14 =	vgt.f32 v51, $9.999999960e-13  }
0x306: {  	vm4 =	vgt.f32 v12, $9.999999960e-13;
	v52 =	vnsel vm12, $0x0, v46;
	[tilespmem:s18+$0xC60] =	vst v15;
	vm0 =	vmand vm13, vm14  }
0x307: {  	vm5 =	vmand vm15, vm4;
	[tilespmem:s19+$0xC60] =	vst v52;
	v53 =	vnsel vm0, $0x0, v51  }
0x308: {  	v12 =	vnsel vm5, $0x0, v12;
	[tilespmem:s20+$0xC60] =	vst v53  }
0x309: {  	[tilespmem:s21+$0xC60] =	vst v12  }
0x30a: {  	v12 =	vld [tilespmem:s14+$0x670]  }
0x30b: {  	v13 =	vld [tilespmem:s14+$0x6F0]  }
0x30c: {  	v54 =	vld [tilespmem:s14+$0x770];
	_ =	sdelay $0x3  }
0x30d: {  	v5 =	vsub.f32 v12, v5;
	v6 =	vsub.f32 v13, v6  }
0x30e: {  	v9 =	vsub.f32 v54, v9;
	v0 =	vsub.f32 v12, v0  }
0x30f: {  	v3 =	vsub.f32 v13, v3;
	v4 =	vsub.f32 v54, v4  }
0x310: {  	v1 =	vsub.f32 v12, v1;
	v56 =	vsub.f32 v13, v7;
	v5 =	vmul.f32 v5, v5  }
0x311: {  	v2 =	vsub.f32 v12, v2;
	v6 =	vmul.f32 v6, v6;
	v55 =	vmul.f32 v9, v9  }
0x312: {  	v57 =	vsub.f32 v13, v8;
	v0 =	vmul.f32 v0, v0;
	v3 =	vmul.f32 v3, v3  }
0x313: {  	v58 =	vsub.f32 v54, v10;
	v4 =	vmul.f32 v4, v4;
	v1 =	vmul.f32 v1, v1  }
0x314: {  	v2 =	vmul.f32 v2, v2;
	v5 =	vadd.f32 v6, v5;
	v0 =	vadd.f32 v3, v0  }
0x315: {  	v59 =	vsub.f32 v54, v11;
	v3 =	vmul.f32 v56, v56;
	v6 =	vmul.f32 v57, v57  }
0x316: {  	v60 =	vmul.f32 v58, v58;
	v5 =	vadd.f32 v55, v5;
	v0 =	vadd.f32 v4, v0  }
0x317: {  	v61 =	vmul.f32 v59, v59;
	v1 =	vadd.f32 v3, v1;
	v2 =	vadd.f32 v6, v2  }
0x318: {  	vm6 =	vlt.f32 v5, $3.600000000e+01;
	vm7 =	vgt.f32 v5, $9.999999960e-13;
	vm8 =	vlt.f32 v0, $3.600000000e+01  }
0x319: {  	vm9 =	vgt.f32 v0, $9.999999960e-13;
	v1 =	vadd.f32 v60, v1;
	vm0 =	vmand vm6, vm7  }
0x31a: {  	p0 =	sne.s32 s15, $0x780;
	v2 =	vadd.f32 v61, v2;
	vm10 =	vmand vm8, vm9;
	v62 =	vnsel vm0, $0x0, v5  }
.Ltmp1:
0x31b: {  	v0 =	vnsel vm10, $0x0, v0;
	vm11 =	vlt.f32 v1, $3.600000000e+01;
	vm12 =	vgt.f32 v1, $9.999999960e-13;
	(pc) =	sbr.rel @p0 .LBB2_5-.Ltmp1, $4  }
0x31c: {  	vm13 =	vlt.f32 v2, $3.600000000e+01;
	vm14 =	vgt.f32 v2, $9.999999960e-13;
	[tilespmem:s18+$0xC70] =	vst v62;
	vm0 =	vmand vm11, vm12  }
0x31d: {  	vm15 =	vmand vm13, vm14;
	v1 =	vnsel vm0, $0x0, v1;
	[tilespmem:s19+$0xC70] =	vst v0  }
0x31e: {  	v63 =	vnsel vm15, $0x0, v2;
	[tilespmem:s20+$0xC70] =	vst v1  }
0x31f: {  	s16 =	sadd.s32 $0x800, s16;
	s15 =	sadd.s32 $0x200, s15;
	s17 =	sadd.s32 $0x800, s17;
	[tilespmem:s21+$0xC70] =	vst v63  }
0x320: {  	p0 =	sne.s32 s12, $0x12  }
.Ltmp2:
0x321: {  	_ = 	snop;
	(pc) =	sbr.rel @p0 .LBB2_4-.Ltmp2, $4  }
0x322: {  	s11 =	sshll.u32 s11, $0xF  }
0x323: {  	s11 =	sadd.s32 s11, s5  }
0x324: {  	[hbm4b:s11+s2] =	stream.linear.scatter [tilespmem:s13], [sflag:$0x1], $0x2000, $0x38;
	[tilespmem:$0x9000] =	vst v63  }
0x325: {  	s11 =	smov.u32 s12  }
0x326: {  	s10 =	sadd.s32 $0x1, s10  }
0x327: {  	_ =	swait.ge [sflag:s9], $0x2000;
	p0 =	sne.s32 s10, s6  }
.Ltmp3:
0x328: {  	[sflag:s9] =	ssyncset.done $0x0;
	(pc) =	sbr.rel @p0 .LBB2_1-.Ltmp3, $4  }
0x329: {  	[sflag:s9] =	ssyncadd.s32 $0xFFFFE000  }
0x32a: {  	_ =	swait.ge [sflag:s9], $0x2000  }
0x32b: {  	[sflag:s9] =	ssyncset.done $0x0  }
0x32c: {  	[sflag:s9] =	ssyncadd.s32 $0xFFFFE000  }
0x32d: {  	_ =	sfence.sel $0x180000  }
0x32e: {  	[bflag:$0x0] =	sbarrier.arrive $0xFFFF  }
0x32f: {  	p0 =	sne.s32 s1, $0x0;
	_ =	strace $0x90000047  }
0x330: {  	s0 =	sadd.s32 @!p0 $0x100000, s0;
	[bflag:$0x2] =	sbarrier.arrive $0xFFFF  }
0x331: {  	[sflag:s0] =	ssyncadd.tile.s32 @!p0 $0x1;
	_ =	shalt  }
.Lfunc_end2:
_tile_overlayer_lowered:
.L_overlay_start_2:
0x332: {  	(tag) =	ssettag $0x2  }
0x333: {  	s0 =	rddreg [dreg:$0x0];
	s2 =	stileid.u32  }
0x334: {  	s1 =	rddreg [dreg:$0x1];
	p0 =	sne.s32 s2, $0x0  }
0x335: {  	s3 =	rddreg [dreg:$0x2];
	[bflag:$0x3] =	sbarrier.arrive $0xFFFF;
	s2 =	simm.s32 @!p0 $0x1C03  }
0x336: {  	[timem:s3], [sflag:s2] =	dma.local @!p0 [hbm:s0], s1  }
0x337: {  	s0 =	simm.s32 @!p0 $0x3  }
0x338: {  	_ =	swait.ge @!p0 [sflag:s0], s1  }
0x339: {  	s1 =	ssub.s32 @!p0 $0x0, s1;
	[sflag:s0] =	ssyncset.done @!p0 $0x0  }
0x33a: {  	[sflag:s0] =	ssyncadd.s32 @!p0 s1  }
0x33b: {  	[bflag:$0x3] =	sbarrier.arrive $0xFFFF  }
0x33c: {  	_ =	shalt  }

</sc_bundles>
